<compile_context>
chip_gen: v7x
topology: tpu7x:2x2x1
jax: 0.10.2.dev20260603
libtpu: 0.0.44.dev20260713+nightly
codegen_flags: <defaults>
</compile_context>

<pallas_src>
import jax
import jax.numpy as jnp
from jax import lax
from jax.experimental import pallas as pl
from jax.experimental.pallas import tpu as pltpu
from jax.experimental.pallas import tpu_sc as plsc

_N = 10000
_E = 320000
_D = 128

_NC = 2
_NS = 16
_NW = _NC * _NS
_MC = 2
_K = 128
_EP = 327680
_CHUNKS = _EP // _K
_NT = _MC * _NS
_CPT = _CHUNKS // _NT
_NP = 10112
_SRPT = _NP // _NS
_ZR = 40
_CPH = 40
_NB = 2
_PAD_DST = _NP - 1


def _sc_aggregate(hp, edge_r, compute_deg):
    mesh = plsc.VectorSubcoreMesh(
        core_axis_name="c", subcore_axis_name="s",
        num_cores=_MC, num_subcores=_NS)

    out_type = [jax.ShapeDtypeStruct((_MC, _NP, _D), jnp.float32)]
    if compute_deg:
        out_type.append(jax.ShapeDtypeStruct((_MC, 1, _NP), jnp.float32))

    scratch = [
        pltpu.VMEM((_CPH, _K), jnp.int32),
        pltpu.VMEM((_CPH, _K), jnp.int32),
        pltpu.VMEM((_NB, _K, _D // 2), jnp.int32),
        pltpu.VMEM((_K, _D), jnp.float32),
        pltpu.VMEM((_ZR, _D), jnp.float32),
        pltpu.VMEM_SHARED((_NP, _D), jnp.float32),
        pltpu.SemaphoreType.DMA,
        pltpu.SemaphoreType.DMA,
    ]
    if compute_deg:
        scratch += [
            pltpu.VMEM((_K,), jnp.float32),
            pltpu.VMEM((640,), jnp.float32),
            pltpu.VMEM_SHARED((_NP,), jnp.float32),
            pltpu.SemaphoreType.DMA,
        ]

    def body(h_hbm, edge_hbm, *rest):
        if compute_deg:
            (agg_out, deg_out, src_v, dst_v, rows_v, rowsf_v, zrow_v,
             agg_sh, gsem, ssem, ones_v, zflat_v, deg_sh, dsem) = rest
        else:
            (agg_out, src_v, dst_v, rows_v, rowsf_v, zrow_v, agg_sh,
             gsem, ssem) = rest
        cid = lax.axis_index("c")
        sid = lax.axis_index("s")
        wid = cid * _NS + sid

        zero16 = jnp.zeros((16,), jnp.float32)

        def fill_zrow(i, _):
            for j2 in range(_D // 16):
                zrow_v[i, pl.ds(j2 * 16, 16)] = zero16
            return 0
        lax.fori_loop(0, _ZR, fill_zrow, 0)

        def clear_agg(t, _):
            pltpu.sync_copy(zrow_v,
                            agg_sh.at[pl.ds(sid * _SRPT + t * _ZR, _ZR)])
            return 0
        lax.fori_loop(0, _SRPT // _ZR, clear_agg, 0)
        pltpu.sync_copy(
            zrow_v.at[pl.ds(0, _SRPT - (_SRPT // _ZR) * _ZR)],
            agg_sh.at[pl.ds(sid * _SRPT + (_SRPT // _ZR) * _ZR,
                            _SRPT - (_SRPT // _ZR) * _ZR)])

        if compute_deg:
            one16 = jnp.full((16,), 1.0, jnp.float32)

            def fill_ones(i, _):
                ones_v[pl.ds(i * 16, 16)] = one16
                return 0
            lax.fori_loop(0, _K // 16, fill_ones, 0)

            def fill_zflat(i, _):
                zflat_v[pl.ds(i * 16, 16)] = zero16
                return 0
            lax.fori_loop(0, 640 // 16, fill_zflat, 0)

            pltpu.sync_copy(zflat_v.at[pl.ds(0, _SRPT)],
                            deg_sh.at[pl.ds(sid * _SRPT, _SRPT)])

        plsc.subcore_barrier()

        def convert(b):
            def conv_rows(r2, _):
                for rr in range(2):
                    r = r2 * 2 + rr
                    for g in range(_D // 32):
                        u = rows_v[b, r, pl.ds(g * 16, 16)]
                        lo = ((u << 16) >> 16).astype(jnp.float32)
                        hi = (u >> 16).astype(jnp.float32)
                        rowsf_v[r, pl.ds(g * 16, 16)] = lo
                        rowsf_v[r, pl.ds(_D // 2 + g * 16, 16)] = hi
                return 0
            lax.fori_loop(0, _K // 2, conv_rows, 0)

        for p in range(_CPT // _CPH):
            base = wid * _CPT + p * _CPH
            pltpu.sync_copy(edge_hbm.at[0, pl.ds(base, _CPH)], src_v)
            pltpu.sync_copy(edge_hbm.at[1, pl.ds(base, _CPH)], dst_v)

            pltpu.async_copy(h_hbm.at[src_v.at[0]], rows_v.at[0], gsem)

            def group(g, _):
                for b in range(_NB):
                    j = g * _NB + b
                    nb = (b + 1) % _NB
                    pltpu.make_async_copy(
                        h_hbm.at[src_v.at[j]], rows_v.at[b], gsem).wait()

                    @pl.when(j + 1 < _CPH)
                    def _():
                        pltpu.async_copy(
                            h_hbm.at[src_v.at[j + 1]], rows_v.at[nb], gsem)
                    @pl.when(j >= 1)
                    def _():
                        pltpu.make_async_copy(
                            rowsf_v, agg_sh.at[dst_v.at[j - 1]],
                            ssem).wait()
                        if compute_deg:
                            pltpu.make_async_copy(
                                ones_v, deg_sh.at[dst_v.at[j - 1]],
                                dsem).wait()
                    convert(b)
                    pltpu.async_copy(
                        rowsf_v, agg_sh.at[dst_v.at[j]], ssem, add=True)
                    if compute_deg:
                        pltpu.async_copy(
                            ones_v, deg_sh.at[dst_v.at[j]], dsem, add=True)
                return 0
            lax.fori_loop(0, _CPH // _NB, group, 0)
            pltpu.make_async_copy(
                rowsf_v, agg_sh.at[dst_v.at[_CPH - 1]], ssem).wait()
            if compute_deg:
                pltpu.make_async_copy(
                    ones_v, deg_sh.at[dst_v.at[_CPH - 1]], dsem).wait()

        plsc.subcore_barrier()

        pltpu.sync_copy(agg_sh.at[pl.ds(sid * _SRPT, _SRPT)],
                        agg_out.at[cid, pl.ds(sid * _SRPT, _SRPT)])
        if compute_deg:
            @pl.when(sid == 0)
            def _():
                pltpu.sync_copy(deg_sh, deg_out.at[cid, 0])

    fn = pl.kernel(body, out_type=tuple(out_type), mesh=mesh,
                   scratch_types=tuple(scratch),
                   compiler_params=pltpu.CompilerParams(
                       use_tc_tiling_on_sc=False))
    return fn(hp, edge_r)


_RB = 1000


_QS = 1024.0


def _pack_rows(acc):
    q = jnp.clip(jnp.round(acc * _QS), -32767.0, 32767.0).astype(jnp.int32)
    lo = q[:, : _D // 2] & jnp.int32(0xFFFF)
    hi = q[:, _D // 2:] << 16
    return hi | lo


def _tc_dense(x, W, b, relu, packed=False):
    def body(x_ref, w_ref, b_ref, *outs):
        acc = jnp.dot(x_ref[...], w_ref[...],
                      preferred_element_type=jnp.float32) + b_ref[...]
        if relu:
            acc = jnp.maximum(acc, 0.0)
        outs[0][...] = acc
        if packed:
            outs[1][...] = _pack_rows(acc)

    n = x.shape[0]
    out_shape = [jax.ShapeDtypeStruct((n, _D), jnp.float32)]
    out_specs = [pl.BlockSpec((_RB, _D), lambda i: (i, 0))]
    if packed:
        out_shape.append(jax.ShapeDtypeStruct((n, _D // 2), jnp.int32))
        out_specs.append(pl.BlockSpec((_RB, _D // 2), lambda i: (i, 0)))
    return pl.pallas_call(
        body,
        grid=(n // _RB,),
        in_specs=[pl.BlockSpec((_RB, _D), lambda i: (i, 0)),
                  pl.BlockSpec((_D, _D), lambda i: (0, 0)),
                  pl.BlockSpec((1, _D), lambda i: (0, 0))],
        out_specs=out_specs,
        out_shape=out_shape,
    )(x, W, b.reshape(1, _D))


def _tc_combine(h, agg_p, deg_p, Ws, bs, Wn, bn, Wgh, bgh, Wgm, bgm,
                packed=False):
    def body(h_ref, p_ref, d_ref, ws, bs_, wn, bn_, wgh, bgh_, wgm, bgm_,
             *outs):
        hh = h_ref[...]
        agg = p_ref[0]
        for c in range(1, _MC):
            agg = agg + p_ref[c]
        deg = jnp.sum(d_ref[...], axis=1, keepdims=True)
        agg = agg * (1.0 / jnp.maximum(deg, 1.0))
        m = (jnp.dot(hh, ws[...], preferred_element_type=jnp.float32)
             + bs_[...]
             + jnp.dot(agg, wn[...], preferred_element_type=jnp.float32)
             + bn_[...])
        g_h = jax.nn.sigmoid(
            jnp.dot(m, wgh[...], preferred_element_type=jnp.float32)
            + bgh_[...])
        g_m = jax.nn.sigmoid(
            jnp.dot(hh, wgm[...], preferred_element_type=jnp.float32)
            + bgm_[...])
        out = g_h * hh + g_m * m
        outs[0][...] = out
        if packed:
            outs[1][...] = _pack_rows(out)

    n = h.shape[0]
    wspec = pl.BlockSpec((_D, _D), lambda i: (0, 0))
    bspec = pl.BlockSpec((1, _D), lambda i: (0, 0))
    return pl.pallas_call(
        body,
        grid=(n // _RB,),
        in_specs=[pl.BlockSpec((_RB, _D), lambda i: (i, 0)),
                  pl.BlockSpec((_MC, _RB, _D), lambda i: (0, i, 0)),
                  pl.BlockSpec((_RB, _MC), lambda i: (i, 0)),
                  wspec, bspec, wspec, bspec, wspec, bspec, wspec, bspec],
        out_specs=[pl.BlockSpec((_RB, _D), lambda i: (i, 0))] + (
            [pl.BlockSpec((_RB, _D // 2), lambda i: (i, 0))] if packed
            else []),
        out_shape=[jax.ShapeDtypeStruct((n, _D), jnp.float32)] + (
            [jax.ShapeDtypeStruct((n, _D // 2), jnp.int32)] if packed
            else []),
    )(h, agg_p, deg_p, Ws, bs.reshape(1, _D), Wn, bn.reshape(1, _D),
      Wgh, bgh.reshape(1, _D), Wgm, bgm.reshape(1, _D))


def kernel(x, edge_index, W_enc, b_enc, Ws0, bs0, Wn0, bn0, Ws1, bs1,
           Wn1, bn1, Wgh, bgh, Wgm, bgm, W_dec, b_dec):
    npad = _EP - _E
    pad = jnp.stack([jnp.zeros((npad,), jnp.int32),
                     jnp.full((npad,), _PAD_DST, jnp.int32)])
    edge_r = jnp.concatenate([edge_index, pad], axis=1).reshape(
        2, _CHUNKS, _K)
    Wn0s = Wn0 * jnp.float32(1.0 / _QS)
    Wn1s = Wn1 * jnp.float32(1.0 / _QS)
    h, hp = _tc_dense(x, W_enc, b_enc, relu=True, packed=True)
    agg_p, deg_p = _sc_aggregate(hp, edge_r, compute_deg=True)
    deg_pt = deg_p.reshape(_MC, _NP).T
    h, hp = _tc_combine(h, agg_p, deg_pt, Ws0, bs0, Wn0s, bn0,
                        Wgh, bgh, Wgm, bgm, packed=True)
    (agg_p2,) = _sc_aggregate(hp, edge_r, compute_deg=False)
    (h,) = _tc_combine(h, agg_p2, deg_pt, Ws1, bs1, Wn1s, bn1,
                       Wgh, bgh, Wgm, bgm)
    (out,) = _tc_dense(h, W_dec, b_dec, relu=False)
    return out

# --- scband reference (transcript-rebuilt; emitter-appended) ---
"""Pipeline reference for scband-method-8486855377176 (READ-ONLY COPY).

The authoritative reference and input builder live on the scoring server;
editing this copy changes nothing except your own understanding.
"""

import jax, jax.numpy as jnp
import numpy as np

N = 10000
E = 320000
D = 128


def setup_inputs(seed: int = 0) -> dict:
    key = jax.random.key(seed)
    ks = jax.random.split(key, 20)
    def w(k, shape):
        return jax.random.normal(k, shape, dtype=jnp.float32) * 0.05
    inp = {}
    inp["x"] = jax.random.normal(ks[0], (N, D), dtype=jnp.float32)
    inp["edge_index"] = jax.random.randint(ks[1], (2, E), 0, N, dtype=jnp.int32)
    inp["W_enc"] = w(ks[2], (D, D)); inp["b_enc"] = jnp.zeros((D,), jnp.float32)
    inp["Ws0"] = w(ks[3], (D, D)); inp["bs0"] = jnp.zeros((D,), jnp.float32)
    inp["Wn0"] = w(ks[4], (D, D)); inp["bn0"] = jnp.zeros((D,), jnp.float32)
    inp["Ws1"] = w(ks[5], (D, D)); inp["bs1"] = jnp.zeros((D,), jnp.float32)
    inp["Wn1"] = w(ks[6], (D, D)); inp["bn1"] = jnp.zeros((D,), jnp.float32)
    inp["Wgh"] = w(ks[7], (D, D)); inp["bgh"] = jnp.zeros((D,), jnp.float32)
    inp["Wgm"] = w(ks[8], (D, D)); inp["bgm"] = jnp.zeros((D,), jnp.float32)
    inp["W_dec"] = w(ks[9], (D, D)); inp["b_dec"] = jnp.zeros((D,), jnp.float32)
    return inp


def _rsam_conv(h, src, dst, Ws, bs, Wn, bn, n_nodes):
    # rsam conv: SAGE-style mean aggregation of neighbor messages (gather + scatter-add),
    # combined with a self transform.
    msg = h[src]  # gather [E, D]
    agg = jax.ops.segment_sum(msg, dst, num_segments=n_nodes)
    deg = jax.ops.segment_sum(jnp.ones((src.shape[0],), h.dtype), dst, num_segments=n_nodes)
    agg = agg / jnp.maximum(deg, 1.0)[:, None]
    return h @ Ws + bs + agg @ Wn + bn


def reference(x, edge_index, W_enc, b_enc, Ws0, bs0, Wn0, bn0, Ws1, bs1, Wn1, bn1,
              Wgh, bgh, Wgm, bgm, W_dec, b_dec):
    n_nodes = x.shape[0]
    src = edge_index[0]
    dst = edge_index[1]
    # encoder (dropout = identity at inference) + relu; norm_type=None -> Identity norms
    h = jax.nn.relu(x @ W_enc + b_enc)
    layers = [(Ws0, bs0, Wn0, bn0), (Ws1, bs1, Wn1, bn1)]
    for (Ws, bs, Wn, bn) in layers:
        m = _rsam_conv(h, src, dst, Ws, bs, Wn, bn, n_nodes)
        # BidirectionalCrossAttentionGate: each stream gates the other
        g_h = jax.nn.sigmoid(m @ Wgh + bgh)
        g_m = jax.nn.sigmoid(h @ Wgm + bgm)
        h = g_h * h + g_m * m
    out = h @ W_dec + b_dec
    return out

if __name__ == "__main__":
    import jax
    _d = setup_inputs()
    print(jax.jit(kernel)(*tuple(_d.values())))

</pallas_src>

<mosaic_0001>
#map = affine_map<(d0, d1) -> (0, 0)>
#map1 = affine_map<(d0, d1) -> (0, 0, 0)>
module attributes {stable_mosaic.version = 14 : i64} {
  func.func @body(%arg0: i32, %arg1: i32, %arg2: memref<10000x64xi32, #tpu.memory_space<hbm>>, %arg3: memref<2x2560x128xi32, #tpu.memory_space<hbm>>, %arg4: memref<2x10112x128xf32, #tpu.memory_space<hbm>>, %arg5: memref<2x1x10112xf32, #tpu.memory_space<hbm>>, %arg6: memref<40x128xi32, #tpu.memory_space<vmem>>, %arg7: memref<40x128xi32, #tpu.memory_space<vmem>>, %arg8: memref<2x128x64xi32, #tpu.memory_space<vmem>>, %arg9: memref<128x128xf32, #tpu.memory_space<vmem>>, %arg10: memref<40x128xf32, #tpu.memory_space<vmem>>, %arg11: memref<10112x128xf32, #tpu.memory_space<vmem_shared>>, %arg12: memref<!tpu.dma_semaphore, #tpu.memory_space<semaphore_mem>>, %arg13: memref<!tpu.dma_semaphore, #tpu.memory_space<semaphore_mem>>, %arg14: memref<128xf32, #tpu.memory_space<vmem>>, %arg15: memref<640xf32, #tpu.memory_space<vmem>>, %arg16: memref<10112xf32, #tpu.memory_space<vmem_shared>>, %arg17: memref<!tpu.dma_semaphore, #tpu.memory_space<semaphore_mem>>) attributes {dimension_semantics = [#tpu.dimension_semantics<core_parallel>, #tpu.dimension_semantics<subcore_parallel>], iteration_bounds = array<i64: 2, 16>, scalar_prefetch = 0 : i64, scratch_operands = 12 : i64, tpu.core_type = #tpu.core_type<sc_vector_subcore>, window_params = [{transform_indices = #map}, {transform_indices = #map1}, {transform_indices = #map1}, {transform_indices = #map1}]} {
    %mul3A = arith.constant 16 : i32
    %mul3A_0 = arith.muli %arg0, %mul3A : i32
    %add3A = arith.addi %mul3A_0, %arg1 : i32
    %broadcast_in_dim3A = arith.constant 0.000000e+00 : f32
    %broadcast_in_dim3A_1 = vector.broadcast %broadcast_in_dim3A : f32 to vector<16xf32>
    %scan3A = arith.constant 0 : i32
    %scan3A_2 = arith.constant 0 : i32
    %scan3A_3 = arith.constant 40 : i32
    %scan3A_4 = arith.addi %scan3A_2, %scan3A_3 : i32
    %scan3A_5 = arith.constant 1 : i32
    %scan3A_6 = scf.for %scan3A_117 = %scan3A_2 to %scan3A_4 step %scan3A_5 iter_args(%scan3A_118 = %scan3A) -> (i32)  : i32 {
      %swap3A = arith.index_cast %scan3A_117 : i32 to index
      %swap3A_119 = arith.constant 0 : index
      %swap3A_120 = tpu.vector_load %arg10[%swap3A, %swap3A_119] {strides = array<i32>} : memref<40x128xf32, #tpu.memory_space<vmem>>, vector<1x16xf32>,
      %swap3A_121 = vector.shape_cast %swap3A_120 : vector<1x16xf32> to vector<16xf32>
      %swap3A_122 = vector.shape_cast %broadcast_in_dim3A_1 : vector<16xf32> to vector<1x16xf32>
      tpu.vector_store %arg10[%swap3A, %swap3A_119], %swap3A_122 {strides = array<i32>} : memref<40x128xf32, #tpu.memory_space<vmem>>, vector<1x16xf32>,
      %swap3A_123 = arith.index_cast %scan3A_117 : i32 to index
      %swap3A_124 = arith.constant 16 : index
      %swap3A_125 = tpu.vector_load %arg10[%swap3A_123, %swap3A_124] {strides = array<i32>} : memref<40x128xf32, #tpu.memory_space<vmem>>, vector<1x16xf32>,
      %swap3A_126 = vector.shape_cast %swap3A_125 : vector<1x16xf32> to vector<16xf32>
      %swap3A_127 = vector.shape_cast %broadcast_in_dim3A_1 : vector<16xf32> to vector<1x16xf32>
      tpu.vector_store %arg10[%swap3A_123, %swap3A_124], %swap3A_127 {strides = array<i32>} : memref<40x128xf32, #tpu.memory_space<vmem>>, vector<1x16xf32>,
      %swap3A_128 = arith.index_cast %scan3A_117 : i32 to index
      %swap3A_129 = arith.constant 32 : index
      %swap3A_130 = tpu.vector_load %arg10[%swap3A_128, %swap3A_129] {strides = array<i32>} : memref<40x128xf32, #tpu.memory_space<vmem>>, vector<1x16xf32>,
      %swap3A_131 = vector.shape_cast %swap3A_130 : vector<1x16xf32> to vector<16xf32>
      %swap3A_132 = vector.shape_cast %broadcast_in_dim3A_1 : vector<16xf32> to vector<1x16xf32>
      tpu.vector_store %arg10[%swap3A_128, %swap3A_129], %swap3A_132 {strides = array<i32>} : memref<40x128xf32, #tpu.memory_space<vmem>>, vector<1x16xf32>,
      %swap3A_133 = arith.index_cast %scan3A_117 : i32 to index
      %swap3A_134 = arith.constant 48 : index
      %swap3A_135 = tpu.vector_load %arg10[%swap3A_133, %swap3A_134] {strides = array<i32>} : memref<40x128xf32, #tpu.memory_space<vmem>>, vector<1x16xf32>,
      %swap3A_136 = vector.shape_cast %swap3A_135 : vector<1x16xf32> to vector<16xf32>
      %swap3A_137 = vector.shape_cast %broadcast_in_dim3A_1 : vector<16xf32> to vector<1x16xf32>
      tpu.vector_store %arg10[%swap3A_133, %swap3A_134], %swap3A_137 {strides = array<i32>} : memref<40x128xf32, #tpu.memory_space<vmem>>, vector<1x16xf32>,
      %swap3A_138 = arith.index_cast %scan3A_117 : i32 to index
      %swap3A_139 = arith.constant 64 : index
      %swap3A_140 = tpu.vector_load %arg10[%swap3A_138, %swap3A_139] {strides = array<i32>} : memref<40x128xf32, #tpu.memory_space<vmem>>, vector<1x16xf32>,
      %swap3A_141 = vector.shape_cast %swap3A_140 : vector<1x16xf32> to vector<16xf32>
      %swap3A_142 = vector.shape_cast %broadcast_in_dim3A_1 : vector<16xf32> to vector<1x16xf32>
      tpu.vector_store %arg10[%swap3A_138, %swap3A_139], %swap3A_142 {strides = array<i32>} : memref<40x128xf32, #tpu.memory_space<vmem>>, vector<1x16xf32>,
      %swap3A_143 = arith.index_cast %scan3A_117 : i32 to index
      %swap3A_144 = arith.constant 80 : index
      %swap3A_145 = tpu.vector_load %arg10[%swap3A_143, %swap3A_144] {strides = array<i32>} : memref<40x128xf32, #tpu.memory_space<vmem>>, vector<1x16xf32>,
      %swap3A_146 = vector.shape_cast %swap3A_145 : vector<1x16xf32> to vector<16xf32>
      %swap3A_147 = vector.shape_cast %broadcast_in_dim3A_1 : vector<16xf32> to vector<1x16xf32>
      tpu.vector_store %arg10[%swap3A_143, %swap3A_144], %swap3A_147 {strides = array<i32>} : memref<40x128xf32, #tpu.memory_space<vmem>>, vector<1x16xf32>,
      %swap3A_148 = arith.index_cast %scan3A_117 : i32 to index
      %swap3A_149 = arith.constant 96 : index
      %swap3A_150 = tpu.vector_load %arg10[%swap3A_148, %swap3A_149] {strides = array<i32>} : memref<40x128xf32, #tpu.memory_space<vmem>>, vector<1x16xf32>,
      %swap3A_151 = vector.shape_cast %swap3A_150 : vector<1x16xf32> to vector<16xf32>
      %swap3A_152 = vector.shape_cast %broadcast_in_dim3A_1 : vector<16xf32> to vector<1x16xf32>
      tpu.vector_store %arg10[%swap3A_148, %swap3A_149], %swap3A_152 {strides = array<i32>} : memref<40x128xf32, #tpu.memory_space<vmem>>, vector<1x16xf32>,
      %swap3A_153 = arith.index_cast %scan3A_117 : i32 to index
      %swap3A_154 = arith.constant 112 : index
      %swap3A_155 = tpu.vector_load %arg10[%swap3A_153, %swap3A_154] {strides = array<i32>} : memref<40x128xf32, #tpu.memory_space<vmem>>, vector<1x16xf32>,
      %swap3A_156 = vector.shape_cast %swap3A_155 : vector<1x16xf32> to vector<16xf32>
      %swap3A_157 = vector.shape_cast %broadcast_in_dim3A_1 : vector<16xf32> to vector<1x16xf32>
      tpu.vector_store %arg10[%swap3A_153, %swap3A_154], %swap3A_157 {strides = array<i32>} : memref<40x128xf32, #tpu.memory_space<vmem>>, vector<1x16xf32>,
      %scan3A_158 = arith.constant 0 : i32
      scf.yield %scan3A_158 : i32
    }
    %scan3A_7 = arith.constant 40 : i32
    %scan3A_8 = arith.constant 0 : i32
    %scan3A_9 = arith.constant 0 : i32
    %scan3A_10 = arith.constant 15 : i32
    %scan3A_11 = arith.addi %scan3A_9, %scan3A_10 : i32
    %scan3A_12 = arith.constant 1 : i32
    %scan3A_13 = scf.for %scan3A_117 = %scan3A_9 to %scan3A_11 step %scan3A_12 iter_args(%scan3A_118 = %scan3A_8) -> (i32)  : i32 {
      %mul3A_119 = arith.constant 632 : i32
      %mul3A_120 = arith.muli %arg1, %mul3A_119 : i32
      %mul3A_121 = arith.constant 40 : i32
      %mul3A_122 = arith.muli %scan3A_117, %mul3A_121 : i32
      %add3A_123 = arith.addi %mul3A_120, %mul3A_122 : i32
      "tpu.region"() ({
        %run_scoped3A_125 = tpu.sem_alloc : memref<!tpu.dma_semaphore, #tpu.memory_space<semaphore_mem>>
        %dma_start3A_126 = arith.constant 0 : i32
        %dma_start3A_127 = tpu.memref_slice %arg11[%add3A_123, %dma_start3A_126] : memref<10112x128xf32, #tpu.memory_space<vmem_shared>> -> memref<40x128xf32, #tpu.memory_space<vmem_shared>>
        %dma_start3A_128 = arith.constant 0 : i32
        %dma_start3A_129 = tpu.memref_slice %arg11[%add3A_123, %dma_start3A_128] : memref<10112x128xf32, #tpu.memory_space<vmem_shared>> -> memref<40x128xf32, #tpu.memory_space<vmem_shared>>
        tpu.enqueue_dma source(%arg10 : memref<40x128xf32, #tpu.memory_space<vmem>>) target(%dma_start3A_129 : memref<40x128xf32, #tpu.memory_space<vmem_shared>>) target_semaphore(%run_scoped3A_125 : memref<!tpu.dma_semaphore, #tpu.memory_space<semaphore_mem>>)
        %dma_wait3A_130 = arith.constant 0 : i32
        %dma_wait3A_131 = tpu.memref_slice %arg11[%add3A_123, %dma_wait3A_130] : memref<10112x128xf32, #tpu.memory_space<vmem_shared>> -> memref<40x128xf32, #tpu.memory_space<vmem_shared>>
        %dma_wait3A_132 = arith.constant 0 : i32
        %dma_wait3A_133 = tpu.memref_slice %arg11[%add3A_123, %dma_wait3A_132] : memref<10112x128xf32, #tpu.memory_space<vmem_shared>> -> memref<40x128xf32, #tpu.memory_space<vmem_shared>>
        tpu.wait_dma2 semaphore(%run_scoped3A_125 : memref<!tpu.dma_semaphore, #tpu.memory_space<semaphore_mem>>) src(%arg10 : memref<40x128xf32, #tpu.memory_space<vmem>>) dst(%dma_wait3A_133 : memref<40x128xf32, #tpu.memory_space<vmem_shared>>)
        tpu.yield
      }) : () -> ()
      %scan3A_124 = arith.constant 0 : i32
      scf.yield %scan3A_124 : i32
    }
    %scan3A_14 = arith.constant 15 : i32
    %mul3A_15 = arith.constant 632 : i32
    %mul3A_16 = arith.muli %arg1, %mul3A_15 : i32
    %add3A_17 = arith.constant 600 : i32
    %add3A_18 = arith.addi %mul3A_16, %add3A_17 : i32
    "tpu.region"() ({
      %run_scoped3A_117 = tpu.sem_alloc : memref<!tpu.dma_semaphore, #tpu.memory_space<semaphore_mem>>
      %dma_start3A_118 = arith.constant 0 : i32
      %dma_start3A_119 = arith.constant 0 : i32
      %dma_start3A_120 = tpu.memref_slice %arg10[%dma_start3A_118, %dma_start3A_119] : memref<40x128xf32, #tpu.memory_space<vmem>> -> memref<32x128xf32, #tpu.memory_space<vmem>>
      %dma_start3A_121 = arith.constant 0 : i32
      %dma_start3A_122 = tpu.memref_slice %arg11[%add3A_18, %dma_start3A_121] : memref<10112x128xf32, #tpu.memory_space<vmem_shared>> -> memref<32x128xf32, #tpu.memory_space<vmem_shared>>
      %dma_start3A_123 = arith.constant 0 : i32
      %dma_start3A_124 = tpu.memref_slice %arg11[%add3A_18, %dma_start3A_123] : memref<10112x128xf32, #tpu.memory_space<vmem_shared>> -> memref<32x128xf32, #tpu.memory_space<vmem_shared>>
      %dma_start3A_125 = arith.constant 0 : i32
      %dma_start3A_126 = arith.constant 0 : i32
      %dma_start3A_127 = tpu.memref_slice %arg10[%dma_start3A_125, %dma_start3A_126] : memref<40x128xf32, #tpu.memory_space<vmem>> -> memref<32x128xf32, #tpu.memory_space<vmem>>
      tpu.enqueue_dma source(%dma_start3A_127 : memref<32x128xf32, #tpu.memory_space<vmem>>) target(%dma_start3A_124 : memref<32x128xf32, #tpu.memory_space<vmem_shared>>) target_semaphore(%run_scoped3A_117 : memref<!tpu.dma_semaphore, #tpu.memory_space<semaphore_mem>>)
      %dma_wait3A_128 = arith.constant 0 : i32
      %dma_wait3A_129 = arith.constant 0 : i32
      %dma_wait3A_130 = tpu.memref_slice %arg10[%dma_wait3A_128, %dma_wait3A_129] : memref<40x128xf32, #tpu.memory_space<vmem>> -> memref<32x128xf32, #tpu.memory_space<vmem>>
      %dma_wait3A_131 = arith.constant 0 : i32
      %dma_wait3A_132 = tpu.memref_slice %arg11[%add3A_18, %dma_wait3A_131] : memref<10112x128xf32, #tpu.memory_space<vmem_shared>> -> memref<32x128xf32, #tpu.memory_space<vmem_shared>>
      %dma_wait3A_133 = arith.constant 0 : i32
      %dma_wait3A_134 = tpu.memref_slice %arg11[%add3A_18, %dma_wait3A_133] : memref<10112x128xf32, #tpu.memory_space<vmem_shared>> -> memref<32x128xf32, #tpu.memory_space<vmem_shared>>
      %dma_wait3A_135 = arith.constant 0 : i32
      %dma_wait3A_136 = arith.constant 0 : i32
      %dma_wait3A_137 = tpu.memref_slice %arg10[%dma_wait3A_135, %dma_wait3A_136] : memref<40x128xf32, #tpu.memory_space<vmem>> -> memref<32x128xf32, #tpu.memory_space<vmem>>
      tpu.wait_dma2 semaphore(%run_scoped3A_117 : memref<!tpu.dma_semaphore, #tpu.memory_space<semaphore_mem>>) src(%dma_wait3A_137 : memref<32x128xf32, #tpu.memory_space<vmem>>) dst(%dma_wait3A_134 : memref<32x128xf32, #tpu.memory_space<vmem_shared>>)
      tpu.yield
    }) : () -> ()
    %broadcast_in_dim3A_19 = arith.constant 1.000000e+00 : f32
    %broadcast_in_dim3A_20 = vector.broadcast %broadcast_in_dim3A_19 : f32 to vector<16xf32>
    %scan3A_21 = arith.constant 0 : i32
    %scan3A_22 = arith.constant 0 : i32
    %scan3A_23 = arith.constant 8 : i32
    %scan3A_24 = arith.addi %scan3A_22, %scan3A_23 : i32
    %scan3A_25 = arith.constant 1 : i32
    %scan3A_26 = scf.for %scan3A_117 = %scan3A_22 to %scan3A_24 step %scan3A_25 iter_args(%scan3A_118 = %scan3A_21) -> (i32)  : i32 {
      %mul3A_119 = arith.constant 16 : i32
      %mul3A_120 = arith.muli %scan3A_117, %mul3A_119 : i32
      %swap3A = arith.index_cast %mul3A_120 : i32 to index
      %swap3A_121 = tpu.vector_load %arg14[%swap3A] {strides = array<i32>} : memref<128xf32, #tpu.memory_space<vmem>>, vector<16xf32>,
      %swap3A_122 = vector.shape_cast %swap3A_121 : vector<16xf32> to vector<16xf32>
      %swap3A_123 = vector.shape_cast %broadcast_in_dim3A_20 : vector<16xf32> to vector<16xf32>
      tpu.vector_store %arg14[%swap3A], %swap3A_123 {strides = array<i32>} : memref<128xf32, #tpu.memory_space<vmem>>, vector<16xf32>,
      %scan3A_124 = arith.constant 0 : i32
      scf.yield %scan3A_124 : i32
    }
    %scan3A_27 = arith.constant 8 : i32
    %scan3A_28 = arith.constant 0 : i32
    %scan3A_29 = arith.constant 0 : i32
    %scan3A_30 = arith.constant 40 : i32
    %scan3A_31 = arith.addi %scan3A_29, %scan3A_30 : i32
    %scan3A_32 = arith.constant 1 : i32
    %scan3A_33 = scf.for %scan3A_117 = %scan3A_29 to %scan3A_31 step %scan3A_32 iter_args(%scan3A_118 = %scan3A_28) -> (i32)  : i32 {
      %mul3A_119 = arith.constant 16 : i32
      %mul3A_120 = arith.muli %scan3A_117, %mul3A_119 : i32
      %swap3A = arith.index_cast %mul3A_120 : i32 to index
      %swap3A_121 = tpu.vector_load %arg15[%swap3A] {strides = array<i32>} : memref<640xf32, #tpu.memory_space<vmem>>, vector<16xf32>,
      %swap3A_122 = vector.shape_cast %swap3A_121 : vector<16xf32> to vector<16xf32>
      %swap3A_123 = vector.shape_cast %broadcast_in_dim3A_1 : vector<16xf32> to vector<16xf32>
      tpu.vector_store %arg15[%swap3A], %swap3A_123 {strides = array<i32>} : memref<640xf32, #tpu.memory_space<vmem>>, vector<16xf32>,
      %scan3A_124 = arith.constant 0 : i32
      scf.yield %scan3A_124 : i32
    }
    %scan3A_34 = arith.constant 40 : i32
    %mul3A_35 = arith.constant 632 : i32
    %mul3A_36 = arith.muli %arg1, %mul3A_35 : i32
    "tpu.region"() ({
      %run_scoped3A_117 = tpu.sem_alloc : memref<!tpu.dma_semaphore, #tpu.memory_space<semaphore_mem>>
      %dma_start3A_118 = arith.constant 0 : i32
      %dma_start3A_119 = tpu.memref_slice %arg15[%dma_start3A_118] : memref<640xf32, #tpu.memory_space<vmem>> -> memref<632xf32, #tpu.memory_space<vmem>>
      %dma_start3A_120 = tpu.memref_slice %arg16[%mul3A_36] : memref<10112xf32, #tpu.memory_space<vmem_shared>> -> memref<632xf32, #tpu.memory_space<vmem_shared>>
      %dma_start3A_121 = tpu.memref_slice %arg16[%mul3A_36] : memref<10112xf32, #tpu.memory_space<vmem_shared>> -> memref<632xf32, #tpu.memory_space<vmem_shared>>
      %dma_start3A_122 = arith.constant 0 : i32
      %dma_start3A_123 = tpu.memref_slice %arg15[%dma_start3A_122] : memref<640xf32, #tpu.memory_space<vmem>> -> memref<632xf32, #tpu.memory_space<vmem>>
      tpu.enqueue_dma source(%dma_start3A_123 : memref<632xf32, #tpu.memory_space<vmem>>) target(%dma_start3A_121 : memref<632xf32, #tpu.memory_space<vmem_shared>>) target_semaphore(%run_scoped3A_117 : memref<!tpu.dma_semaphore, #tpu.memory_space<semaphore_mem>>)
      %dma_wait3A_124 = arith.constant 0 : i32
      %dma_wait3A_125 = tpu.memref_slice %arg15[%dma_wait3A_124] : memref<640xf32, #tpu.memory_space<vmem>> -> memref<632xf32, #tpu.memory_space<vmem>>
      %dma_wait3A_126 = tpu.memref_slice %arg16[%mul3A_36] : memref<10112xf32, #tpu.memory_space<vmem_shared>> -> memref<632xf32, #tpu.memory_space<vmem_shared>>
      %dma_wait3A_127 = tpu.memref_slice %arg16[%mul3A_36] : memref<10112xf32, #tpu.memory_space<vmem_shared>> -> memref<632xf32, #tpu.memory_space<vmem_shared>>
      %dma_wait3A_128 = arith.constant 0 : i32
      %dma_wait3A_129 = tpu.memref_slice %arg15[%dma_wait3A_128] : memref<640xf32, #tpu.memory_space<vmem>> -> memref<632xf32, #tpu.memory_space<vmem>>
      tpu.wait_dma2 semaphore(%run_scoped3A_117 : memref<!tpu.dma_semaphore, #tpu.memory_space<semaphore_mem>>) src(%dma_wait3A_129 : memref<632xf32, #tpu.memory_space<vmem>>) dst(%dma_wait3A_127 : memref<632xf32, #tpu.memory_space<vmem_shared>>)
      tpu.yield
    }) : () -> ()
    %barrier3A = arith.constant 0 : index
    tpu.barrier barrier_id(%barrier3A)
    %mul3A_37 = arith.constant 80 : i32
    %mul3A_38 = arith.muli %add3A, %mul3A_37 : i32
    %add3A_39 = arith.constant 0 : i32
    %add3A_40 = arith.addi %mul3A_38, %add3A_39 : i32
    %run_scoped3A = arith.constant 0 : i32
    "tpu.region"() ({
      %run_scoped3A_117 = tpu.sem_alloc : memref<!tpu.dma_semaphore, #tpu.memory_space<semaphore_mem>>
      %dma_start3A_118 = arith.constant 0 : i32
      %dma_start3A_119 = tpu.memref_slice %arg3[%run_scoped3A, %add3A_40, %dma_start3A_118] : memref<2x2560x128xi32, #tpu.memory_space<hbm>> -> memref<1x40x128xi32, #tpu.memory_space<hbm>>
      %dma_start3A_120 = tpu.memref_squeeze %dma_start3A_119 : memref<1x40x128xi32, #tpu.memory_space<hbm>> -> memref<40x128xi32, #tpu.memory_space<hbm>>
      %dma_start3A_121 = arith.constant 0 : i32
      %dma_start3A_122 = tpu.memref_slice %arg3[%run_scoped3A, %add3A_40, %dma_start3A_121] : memref<2x2560x128xi32, #tpu.memory_space<hbm>> -> memref<1x40x128xi32, #tpu.memory_space<hbm>>
      %dma_start3A_123 = tpu.memref_squeeze %dma_start3A_122 : memref<1x40x128xi32, #tpu.memory_space<hbm>> -> memref<40x128xi32, #tpu.memory_space<hbm>>
      tpu.enqueue_dma source(%dma_start3A_123 : memref<40x128xi32, #tpu.memory_space<hbm>>) target(%arg6 : memref<40x128xi32, #tpu.memory_space<vmem>>) target_semaphore(%run_scoped3A_117 : memref<!tpu.dma_semaphore, #tpu.memory_space<semaphore_mem>>)
      %dma_wait3A_124 = arith.constant 0 : i32
      %dma_wait3A_125 = tpu.memref_slice %arg3[%run_scoped3A, %add3A_40, %dma_wait3A_124] : memref<2x2560x128xi32, #tpu.memory_space<hbm>> -> memref<1x40x128xi32, #tpu.memory_space<hbm>>
      %dma_wait3A_126 = tpu.memref_squeeze %dma_wait3A_125 : memref<1x40x128xi32, #tpu.memory_space<hbm>> -> memref<40x128xi32, #tpu.memory_space<hbm>>
      %dma_wait3A_127 = arith.constant 0 : i32
      %dma_wait3A_128 = tpu.memref_slice %arg3[%run_scoped3A, %add3A_40, %dma_wait3A_127] : memref<2x2560x128xi32, #tpu.memory_space<hbm>> -> memref<1x40x128xi32, #tpu.memory_space<hbm>>
      %dma_wait3A_129 = tpu.memref_squeeze %dma_wait3A_128 : memref<1x40x128xi32, #tpu.memory_space<hbm>> -> memref<40x128xi32, #tpu.memory_space<hbm>>
      tpu.wait_dma2 semaphore(%run_scoped3A_117 : memref<!tpu.dma_semaphore, #tpu.memory_space<semaphore_mem>>) src(%dma_wait3A_129 : memref<40x128xi32, #tpu.memory_space<hbm>>) dst(%arg6 : memref<40x128xi32, #tpu.memory_space<vmem>>)
      tpu.yield
    }) : () -> ()
    %run_scoped3A_41 = arith.constant 1 : i32
    "tpu.region"() ({
      %run_scoped3A_117 = tpu.sem_alloc : memref<!tpu.dma_semaphore, #tpu.memory_space<semaphore_mem>>
      %dma_start3A_118 = arith.constant 0 : i32
      %dma_start3A_119 = tpu.memref_slice %arg3[%run_scoped3A_41, %add3A_40, %dma_start3A_118] : memref<2x2560x128xi32, #tpu.memory_space<hbm>> -> memref<1x40x128xi32, #tpu.memory_space<hbm>>
      %dma_start3A_120 = tpu.memref_squeeze %dma_start3A_119 : memref<1x40x128xi32, #tpu.memory_space<hbm>> -> memref<40x128xi32, #tpu.memory_space<hbm>>
      %dma_start3A_121 = arith.constant 0 : i32
      %dma_start3A_122 = tpu.memref_slice %arg3[%run_scoped3A_41, %add3A_40, %dma_start3A_121] : memref<2x2560x128xi32, #tpu.memory_space<hbm>> -> memref<1x40x128xi32, #tpu.memory_space<hbm>>
      %dma_start3A_123 = tpu.memref_squeeze %dma_start3A_122 : memref<1x40x128xi32, #tpu.memory_space<hbm>> -> memref<40x128xi32, #tpu.memory_space<hbm>>
      tpu.enqueue_dma source(%dma_start3A_123 : memref<40x128xi32, #tpu.memory_space<hbm>>) target(%arg7 : memref<40x128xi32, #tpu.memory_space<vmem>>) target_semaphore(%run_scoped3A_117 : memref<!tpu.dma_semaphore, #tpu.memory_space<semaphore_mem>>)
      %dma_wait3A_124 = arith.constant 0 : i32
      %dma_wait3A_125 = tpu.memref_slice %arg3[%run_scoped3A_41, %add3A_40, %dma_wait3A_124] : memref<2x2560x128xi32, #tpu.memory_space<hbm>> -> memref<1x40x128xi32, #tpu.memory_space<hbm>>
      %dma_wait3A_126 = tpu.memref_squeeze %dma_wait3A_125 : memref<1x40x128xi32, #tpu.memory_space<hbm>> -> memref<40x128xi32, #tpu.memory_space<hbm>>
      %dma_wait3A_127 = arith.constant 0 : i32
      %dma_wait3A_128 = tpu.memref_slice %arg3[%run_scoped3A_41, %add3A_40, %dma_wait3A_127] : memref<2x2560x128xi32, #tpu.memory_space<hbm>> -> memref<1x40x128xi32, #tpu.memory_space<hbm>>
      %dma_wait3A_129 = tpu.memref_squeeze %dma_wait3A_128 : memref<1x40x128xi32, #tpu.memory_space<hbm>> -> memref<40x128xi32, #tpu.memory_space<hbm>>
      tpu.wait_dma2 semaphore(%run_scoped3A_117 : memref<!tpu.dma_semaphore, #tpu.memory_space<semaphore_mem>>) src(%dma_wait3A_129 : memref<40x128xi32, #tpu.memory_space<hbm>>) dst(%arg7 : memref<40x128xi32, #tpu.memory_space<vmem>>)
      tpu.yield
    }) : () -> ()
    %dma_start3A = arith.constant 0 : i32
    %dma_start3A_42 = arith.constant 0 : i32
    %dma_start3A_43 = arith.constant 0 : i32
    %dma_start3A_44 = arith.constant 0 : i32
    %dma_start3A_45 = tpu.memref_slice %arg8[%dma_start3A_42, %dma_start3A_43, %dma_start3A_44] : memref<2x128x64xi32, #tpu.memory_space<vmem>> -> memref<1x128x64xi32, #tpu.memory_space<vmem>>
    %dma_start3A_46 = tpu.memref_squeeze %dma_start3A_45 : memref<1x128x64xi32, #tpu.memory_space<vmem>> -> memref<128x64xi32, #tpu.memory_space<vmem>>
    %dma_start3A_47 = arith.constant 0 : i32
    %dma_start3A_48 = tpu.memref_slice %arg6[%dma_start3A, %dma_start3A_47] : memref<40x128xi32, #tpu.memory_space<vmem>> -> memref<1x128xi32, #tpu.memory_space<vmem>>
    %dma_start3A_49 = tpu.memref_squeeze %dma_start3A_48 : memref<1x128xi32, #tpu.memory_space<vmem>> -> memref<128xi32, #tpu.memory_space<vmem>>
    %dma_start3A_50 = arith.constant 0 : i32
    %dma_start3A_51 = arith.constant 0 : i32
    %dma_start3A_52 = tpu.memref_slice %arg2[%dma_start3A_50, %dma_start3A_51] : memref<10000x64xi32, #tpu.memory_space<hbm>> -> memref<10000x64xi32, #tpu.memory_space<hbm>>
    tpu.enqueue_indirect_dma source(%dma_start3A_52 : memref<10000x64xi32, #tpu.memory_space<hbm>>) target(%dma_start3A_46 : memref<128x64xi32, #tpu.memory_space<vmem>>) offsets(%dma_start3A_49 : memref<128xi32, #tpu.memory_space<vmem>>) semaphore(%arg12 : memref<!tpu.dma_semaphore, #tpu.memory_space<semaphore_mem>>)
    %scan3A_53 = arith.constant 0 : i32
    %scan3A_54 = arith.constant 0 : i32
    %scan3A_55 = arith.constant 20 : i32
    %scan3A_56 = arith.addi %scan3A_54, %scan3A_55 : i32
    %scan3A_57 = arith.constant 1 : i32
    %scan3A_58 = scf.for %scan3A_117 = %scan3A_54 to %scan3A_56 step %scan3A_57 iter_args(%scan3A_118 = %scan3A_53) -> (i32)  : i32 {
      %mul3A_119 = arith.constant 2 : i32
      %mul3A_120 = arith.muli %scan3A_117, %mul3A_119 : i32
      %add3A_121 = arith.constant 0 : i32
      %add3A_122 = arith.addi %mul3A_120, %add3A_121 : i32
      %dma_wait3A_123 = arith.constant 0 : i32
      %dma_wait3A_124 = arith.constant 0 : i32
      %dma_wait3A_125 = arith.constant 0 : i32
      %dma_wait3A_126 = tpu.memref_slice %arg8[%dma_wait3A_123, %dma_wait3A_124, %dma_wait3A_125] : memref<2x128x64xi32, #tpu.memory_space<vmem>> -> memref<1x128x64xi32, #tpu.memory_space<vmem>>
      %dma_wait3A_127 = tpu.memref_squeeze %dma_wait3A_126 : memref<1x128x64xi32, #tpu.memory_space<vmem>> -> memref<128x64xi32, #tpu.memory_space<vmem>>
      %dma_wait3A_128 = arith.constant 0 : i32
      %dma_wait3A_129 = tpu.memref_slice %arg6[%add3A_122, %dma_wait3A_128] : memref<40x128xi32, #tpu.memory_space<vmem>> -> memref<1x128xi32, #tpu.memory_space<vmem>>
      %dma_wait3A_130 = tpu.memref_squeeze %dma_wait3A_129 : memref<1x128xi32, #tpu.memory_space<vmem>> -> memref<128xi32, #tpu.memory_space<vmem>>
      %dma_wait3A_131 = arith.constant 0 : i32
      %dma_wait3A_132 = arith.constant 0 : i32
      %dma_wait3A_133 = tpu.memref_slice %arg2[%dma_wait3A_131, %dma_wait3A_132] : memref<10000x64xi32, #tpu.memory_space<hbm>> -> memref<10000x64xi32, #tpu.memory_space<hbm>>
      tpu.wait_indirect_dma semaphore(%arg12 : memref<!tpu.dma_semaphore, #tpu.memory_space<semaphore_mem>>) src(%dma_wait3A_133 : memref<10000x64xi32, #tpu.memory_space<hbm>>) dst(%dma_wait3A_127 : memref<128x64xi32, #tpu.memory_space<vmem>>)
      %add3A_134 = arith.constant 1 : i32
      %add3A_135 = arith.addi %add3A_122, %add3A_134 : i32
      %lt3A = arith.constant 40 : i32
      %lt3A_136 = arith.cmpi slt, %add3A_135, %lt3A : i32
      %convert_element_type3A_137 = arith.extui %lt3A_136 : i1 to i32
      %cond3A_138 = arith.constant 0 : i32
      %cond3A_139 = arith.cmpi ne, %convert_element_type3A_137, %cond3A_138 : i32
      scf.if %cond3A_139 {
        %add3A_208 = arith.constant 1 : i32
        %add3A_209 = arith.addi %add3A_122, %add3A_208 : i32
        %dma_start3A_210 = arith.constant 1 : i32
        %dma_start3A_211 = arith.constant 0 : i32
        %dma_start3A_212 = arith.constant 0 : i32
        %dma_start3A_213 = tpu.memref_slice %arg8[%dma_start3A_210, %dma_start3A_211, %dma_start3A_212] : memref<2x128x64xi32, #tpu.memory_space<vmem>> -> memref<1x128x64xi32, #tpu.memory_space<vmem>>
        %dma_start3A_214 = tpu.memref_squeeze %dma_start3A_213 : memref<1x128x64xi32, #tpu.memory_space<vmem>> -> memref<128x64xi32, #tpu.memory_space<vmem>>
        %dma_start3A_215 = arith.constant 0 : i32
        %dma_start3A_216 = tpu.memref_slice %arg6[%add3A_209, %dma_start3A_215] : memref<40x128xi32, #tpu.memory_space<vmem>> -> memref<1x128xi32, #tpu.memory_space<vmem>>
        %dma_start3A_217 = tpu.memref_squeeze %dma_start3A_216 : memref<1x128xi32, #tpu.memory_space<vmem>> -> memref<128xi32, #tpu.memory_space<vmem>>
        %dma_start3A_218 = arith.constant 0 : i32
        %dma_start3A_219 = arith.constant 0 : i32
        %dma_start3A_220 = tpu.memref_slice %arg2[%dma_start3A_218, %dma_start3A_219] : memref<10000x64xi32, #tpu.memory_space<hbm>> -> memref<10000x64xi32, #tpu.memory_space<hbm>>
        tpu.enqueue_indirect_dma source(%dma_start3A_220 : memref<10000x64xi32, #tpu.memory_space<hbm>>) target(%dma_start3A_214 : memref<128x64xi32, #tpu.memory_space<vmem>>) offsets(%dma_start3A_217 : memref<128xi32, #tpu.memory_space<vmem>>) semaphore(%arg12 : memref<!tpu.dma_semaphore, #tpu.memory_space<semaphore_mem>>)
      } else {
      }
      %ge3A = arith.constant 1 : i32
      %ge3A_140 = arith.cmpi sge, %add3A_122, %ge3A : i32
      %convert_element_type3A_141 = arith.extui %ge3A_140 : i1 to i32
      %cond3A_142 = arith.constant 0 : i32
      %cond3A_143 = arith.cmpi ne, %convert_element_type3A_141, %cond3A_142 : i32
      scf.if %cond3A_143 {
        %sub3A = arith.constant 1 : i32
        %sub3A_208 = arith.subi %add3A_122, %sub3A : i32
        %dma_wait3A_209 = arith.constant 0 : i32
        %dma_wait3A_210 = tpu.memref_slice %arg7[%sub3A_208, %dma_wait3A_209] : memref<40x128xi32, #tpu.memory_space<vmem>> -> memref<1x128xi32, #tpu.memory_space<vmem>>
        %dma_wait3A_211 = tpu.memref_squeeze %dma_wait3A_210 : memref<1x128xi32, #tpu.memory_space<vmem>> -> memref<128xi32, #tpu.memory_space<vmem>>
        %dma_wait3A_212 = arith.constant 0 : i32
        %dma_wait3A_213 = arith.constant 0 : i32
        %dma_wait3A_214 = tpu.memref_slice %arg11[%dma_wait3A_212, %dma_wait3A_213] : memref<10112x128xf32, #tpu.memory_space<vmem_shared>> -> memref<10112x128xf32, #tpu.memory_space<vmem_shared>>
        tpu.wait_indirect_dma semaphore(%arg13 : memref<!tpu.dma_semaphore, #tpu.memory_space<semaphore_mem>>) src(%arg9 : memref<128x128xf32, #tpu.memory_space<vmem>>) dst(%dma_wait3A_214 : memref<10112x128xf32, #tpu.memory_space<vmem_shared>>)
        %sub3A_215 = arith.constant 1 : i32
        %sub3A_216 = arith.subi %add3A_122, %sub3A_215 : i32
        %dma_wait3A_217 = arith.constant 0 : i32
        %dma_wait3A_218 = tpu.memref_slice %arg7[%sub3A_216, %dma_wait3A_217] : memref<40x128xi32, #tpu.memory_space<vmem>> -> memref<1x128xi32, #tpu.memory_space<vmem>>
        %dma_wait3A_219 = tpu.memref_squeeze %dma_wait3A_218 : memref<1x128xi32, #tpu.memory_space<vmem>> -> memref<128xi32, #tpu.memory_space<vmem>>
        %dma_wait3A_220 = arith.constant 0 : i32
        %dma_wait3A_221 = tpu.memref_slice %arg16[%dma_wait3A_220] : memref<10112xf32, #tpu.memory_space<vmem_shared>> -> memref<10112xf32, #tpu.memory_space<vmem_shared>>
        tpu.wait_indirect_dma semaphore(%arg17 : memref<!tpu.dma_semaphore, #tpu.memory_space<semaphore_mem>>) src(%arg14 : memref<128xf32, #tpu.memory_space<vmem>>) dst(%dma_wait3A_221 : memref<10112xf32, #tpu.memory_space<vmem_shared>>)
      } else {
      }
      %scan3A_144 = arith.constant 0 : i32
      %scan3A_145 = arith.constant 0 : i32
      %scan3A_146 = arith.constant 64 : i32
      %scan3A_147 = arith.addi %scan3A_145, %scan3A_146 : i32
      %scan3A_148 = arith.constant 1 : i32
      %scan3A_149 = scf.for %scan3A_208 = %scan3A_145 to %scan3A_147 step %scan3A_148 iter_args(%scan3A_209 = %scan3A_144) -> (i32)  : i32 {
        %mul3A_210 = arith.constant 2 : i32
        %mul3A_211 = arith.muli %scan3A_208, %mul3A_210 : i32
        %add3A_212 = arith.constant 0 : i32
        %add3A_213 = arith.addi %mul3A_211, %add3A_212 : i32
        %get3A = arith.constant 0 : i32
        %get3A_214 = arith.index_cast %get3A : i32 to index
        %get3A_215 = arith.index_cast %add3A_213 : i32 to index
        %get3A_216 = arith.constant 0 : index
        %get3A_217 = tpu.vector_load %arg8[%get3A_214, %get3A_215, %get3A_216] {strides = array<i32>} : memref<2x128x64xi32, #tpu.memory_space<vmem>>, vector<1x1x16xi32>,
        %get3A_218 = vector.shape_cast %get3A_217 : vector<1x1x16xi32> to vector<16xi32>
        %shift_left3A = arith.constant 16 : i32
        %shift_left3A_219 = vector.broadcast %shift_left3A : i32 to vector<16xi32>
        %shift_left3A_220 = arith.shli %get3A_218, %shift_left3A_219 : vector<16xi32>
        %shift_right_arithmetic3A = arith.constant 16 : i32
        %shift_right_arithmetic3A_221 = vector.broadcast %shift_right_arithmetic3A : i32 to vector<16xi32>
        %shift_right_arithmetic3A_222 = arith.shrsi %shift_left3A_220, %shift_right_arithmetic3A_221 : vector<16xi32>
        %convert_element_type3A_223 = arith.sitofp %shift_right_arithmetic3A_222 : vector<16xi32> to vector<16xf32>
        %shift_right_arithmetic3A_224 = arith.constant 16 : i32
        %shift_right_arithmetic3A_225 = vector.broadcast %shift_right_arithmetic3A_224 : i32 to vector<16xi32>
        %shift_right_arithmetic3A_226 = arith.shrsi %get3A_218, %shift_right_arithmetic3A_225 : vector<16xi32>
        %convert_element_type3A_227 = arith.sitofp %shift_right_arithmetic3A_226 : vector<16xi32> to vector<16xf32>
        %swap3A = arith.index_cast %add3A_213 : i32 to index
        %swap3A_228 = arith.constant 0 : index
        %swap3A_229 = tpu.vector_load %arg9[%swap3A, %swap3A_228] {strides = array<i32>} : memref<128x128xf32, #tpu.memory_space<vmem>>, vector<1x16xf32>,
        %swap3A_230 = vector.shape_cast %swap3A_229 : vector<1x16xf32> to vector<16xf32>
        %swap3A_231 = vector.shape_cast %convert_element_type3A_223 : vector<16xf32> to vector<1x16xf32>
        tpu.vector_store %arg9[%swap3A, %swap3A_228], %swap3A_231 {strides = array<i32>} : memref<128x128xf32, #tpu.memory_space<vmem>>, vector<1x16xf32>,
        %swap3A_232 = arith.index_cast %add3A_213 : i32 to index
        %swap3A_233 = arith.constant 64 : index
        %swap3A_234 = tpu.vector_load %arg9[%swap3A_232, %swap3A_233] {strides = array<i32>} : memref<128x128xf32, #tpu.memory_space<vmem>>, vector<1x16xf32>,
        %swap3A_235 = vector.shape_cast %swap3A_234 : vector<1x16xf32> to vector<16xf32>
        %swap3A_236 = vector.shape_cast %convert_element_type3A_227 : vector<16xf32> to vector<1x16xf32>
        tpu.vector_store %arg9[%swap3A_232, %swap3A_233], %swap3A_236 {strides = array<i32>} : memref<128x128xf32, #tpu.memory_space<vmem>>, vector<1x16xf32>,
        %get3A_237 = arith.constant 0 : i32
        %get3A_238 = arith.index_cast %get3A_237 : i32 to index
        %get3A_239 = arith.index_cast %add3A_213 : i32 to index
        %get3A_240 = arith.constant 16 : index
        %get3A_241 = tpu.vector_load %arg8[%get3A_238, %get3A_239, %get3A_240] {strides = array<i32>} : memref<2x128x64xi32, #tpu.memory_space<vmem>>, vector<1x1x16xi32>,
        %get3A_242 = vector.shape_cast %get3A_241 : vector<1x1x16xi32> to vector<16xi32>
        %shift_left3A_243 = arith.constant 16 : i32
        %shift_left3A_244 = vector.broadcast %shift_left3A_243 : i32 to vector<16xi32>
        %shift_left3A_245 = arith.shli %get3A_242, %shift_left3A_244 : vector<16xi32>
        %shift_right_arithmetic3A_246 = arith.constant 16 : i32
        %shift_right_arithmetic3A_247 = vector.broadcast %shift_right_arithmetic3A_246 : i32 to vector<16xi32>
        %shift_right_arithmetic3A_248 = arith.shrsi %shift_left3A_245, %shift_right_arithmetic3A_247 : vector<16xi32>
        %convert_element_type3A_249 = arith.sitofp %shift_right_arithmetic3A_248 : vector<16xi32> to vector<16xf32>
        %shift_right_arithmetic3A_250 = arith.constant 16 : i32
        %shift_right_arithmetic3A_251 = vector.broadcast %shift_right_arithmetic3A_250 : i32 to vector<16xi32>
        %shift_right_arithmetic3A_252 = arith.shrsi %get3A_242, %shift_right_arithmetic3A_251 : vector<16xi32>
        %convert_element_type3A_253 = arith.sitofp %shift_right_arithmetic3A_252 : vector<16xi32> to vector<16xf32>
        %swap3A_254 = arith.index_cast %add3A_213 : i32 to index
        %swap3A_255 = arith.constant 16 : index
        %swap3A_256 = tpu.vector_load %arg9[%swap3A_254, %swap3A_255] {strides = array<i32>} : memref<128x128xf32, #tpu.memory_space<vmem>>, vector<1x16xf32>,
        %swap3A_257 = vector.shape_cast %swap3A_256 : vector<1x16xf32> to vector<16xf32>
        %swap3A_258 = vector.shape_cast %convert_element_type3A_249 : vector<16xf32> to vector<1x16xf32>
        tpu.vector_store %arg9[%swap3A_254, %swap3A_255], %swap3A_258 {strides = array<i32>} : memref<128x128xf32, #tpu.memory_space<vmem>>, vector<1x16xf32>,
        %swap3A_259 = arith.index_cast %add3A_213 : i32 to index
        %swap3A_260 = arith.constant 80 : index
        %swap3A_261 = tpu.vector_load %arg9[%swap3A_259, %swap3A_260] {strides = array<i32>} : memref<128x128xf32, #tpu.memory_space<vmem>>, vector<1x16xf32>,
        %swap3A_262 = vector.shape_cast %swap3A_261 : vector<1x16xf32> to vector<16xf32>
        %swap3A_263 = vector.shape_cast %convert_element_type3A_253 : vector<16xf32> to vector<1x16xf32>
        tpu.vector_store %arg9[%swap3A_259, %swap3A_260], %swap3A_263 {strides = array<i32>} : memref<128x128xf32, #tpu.memory_space<vmem>>, vector<1x16xf32>,
        %get3A_264 = arith.constant 0 : i32
        %get3A_265 = arith.index_cast %get3A_264 : i32 to index
        %get3A_266 = arith.index_cast %add3A_213 : i32 to index
        %get3A_267 = arith.constant 32 : index
        %get3A_268 = tpu.vector_load %arg8[%get3A_265, %get3A_266, %get3A_267] {strides = array<i32>} : memref<2x128x64xi32, #tpu.memory_space<vmem>>, vector<1x1x16xi32>,
        %get3A_269 = vector.shape_cast %get3A_268 : vector<1x1x16xi32> to vector<16xi32>
        %shift_left3A_270 = arith.constant 16 : i32
        %shift_left3A_271 = vector.broadcast %shift_left3A_270 : i32 to vector<16xi32>
        %shift_left3A_272 = arith.shli %get3A_269, %shift_left3A_271 : vector<16xi32>
        %shift_right_arithmetic3A_273 = arith.constant 16 : i32
        %shift_right_arithmetic3A_274 = vector.broadcast %shift_right_arithmetic3A_273 : i32 to vector<16xi32>
        %shift_right_arithmetic3A_275 = arith.shrsi %shift_left3A_272, %shift_right_arithmetic3A_274 : vector<16xi32>
        %convert_element_type3A_276 = arith.sitofp %shift_right_arithmetic3A_275 : vector<16xi32> to vector<16xf32>
        %shift_right_arithmetic3A_277 = arith.constant 16 : i32
        %shift_right_arithmetic3A_278 = vector.broadcast %shift_right_arithmetic3A_277 : i32 to vector<16xi32>
        %shift_right_arithmetic3A_279 = arith.shrsi %get3A_269, %shift_right_arithmetic3A_278 : vector<16xi32>
        %convert_element_type3A_280 = arith.sitofp %shift_right_arithmetic3A_279 : vector<16xi32> to vector<16xf32>
        %swap3A_281 = arith.index_cast %add3A_213 : i32 to index
        %swap3A_282 = arith.constant 32 : index
        %swap3A_283 = tpu.vector_load %arg9[%swap3A_281, %swap3A_282] {strides = array<i32>} : memref<128x128xf32, #tpu.memory_space<vmem>>, vector<1x16xf32>,
        %swap3A_284 = vector.shape_cast %swap3A_283 : vector<1x16xf32> to vector<16xf32>
        %swap3A_285 = vector.shape_cast %convert_element_type3A_276 : vector<16xf32> to vector<1x16xf32>
        tpu.vector_store %arg9[%swap3A_281, %swap3A_282], %swap3A_285 {strides = array<i32>} : memref<128x128xf32, #tpu.memory_space<vmem>>, vector<1x16xf32>,
        %swap3A_286 = arith.index_cast %add3A_213 : i32 to index
        %swap3A_287 = arith.constant 96 : index
        %swap3A_288 = tpu.vector_load %arg9[%swap3A_286, %swap3A_287] {strides = array<i32>} : memref<128x128xf32, #tpu.memory_space<vmem>>, vector<1x16xf32>,
        %swap3A_289 = vector.shape_cast %swap3A_288 : vector<1x16xf32> to vector<16xf32>
        %swap3A_290 = vector.shape_cast %convert_element_type3A_280 : vector<16xf32> to vector<1x16xf32>
        tpu.vector_store %arg9[%swap3A_286, %swap3A_287], %swap3A_290 {strides = array<i32>} : memref<128x128xf32, #tpu.memory_space<vmem>>, vector<1x16xf32>,
        %get3A_291 = arith.constant 0 : i32
        %get3A_292 = arith.index_cast %get3A_291 : i32 to index
        %get3A_293 = arith.index_cast %add3A_213 : i32 to index
        %get3A_294 = arith.constant 48 : index
        %get3A_295 = tpu.vector_load %arg8[%get3A_292, %get3A_293, %get3A_294] {strides = array<i32>} : memref<2x128x64xi32, #tpu.memory_space<vmem>>, vector<1x1x16xi32>,
        %get3A_296 = vector.shape_cast %get3A_295 : vector<1x1x16xi32> to vector<16xi32>
        %shift_left3A_297 = arith.constant 16 : i32
        %shift_left3A_298 = vector.broadcast %shift_left3A_297 : i32 to vector<16xi32>
        %shift_left3A_299 = arith.shli %get3A_296, %shift_left3A_298 : vector<16xi32>
        %shift_right_arithmetic3A_300 = arith.constant 16 : i32
        %shift_right_arithmetic3A_301 = vector.broadcast %shift_right_arithmetic3A_300 : i32 to vector<16xi32>
        %shift_right_arithmetic3A_302 = arith.shrsi %shift_left3A_299, %shift_right_arithmetic3A_301 : vector<16xi32>
        %convert_element_type3A_303 = arith.sitofp %shift_right_arithmetic3A_302 : vector<16xi32> to vector<16xf32>
        %shift_right_arithmetic3A_304 = arith.constant 16 : i32
        %shift_right_arithmetic3A_305 = vector.broadcast %shift_right_arithmetic3A_304 : i32 to vector<16xi32>
        %shift_right_arithmetic3A_306 = arith.shrsi %get3A_296, %shift_right_arithmetic3A_305 : vector<16xi32>
        %convert_element_type3A_307 = arith.sitofp %shift_right_arithmetic3A_306 : vector<16xi32> to vector<16xf32>
        %swap3A_308 = arith.index_cast %add3A_213 : i32 to index
        %swap3A_309 = arith.constant 48 : index
        %swap3A_310 = tpu.vector_load %arg9[%swap3A_308, %swap3A_309] {strides = array<i32>} : memref<128x128xf32, #tpu.memory_space<vmem>>, vector<1x16xf32>,
        %swap3A_311 = vector.shape_cast %swap3A_310 : vector<1x16xf32> to vector<16xf32>
        %swap3A_312 = vector.shape_cast %convert_element_type3A_303 : vector<16xf32> to vector<1x16xf32>
        tpu.vector_store %arg9[%swap3A_308, %swap3A_309], %swap3A_312 {strides = array<i32>} : memref<128x128xf32, #tpu.memory_space<vmem>>, vector<1x16xf32>,
        %swap3A_313 = arith.index_cast %add3A_213 : i32 to index
        %swap3A_314 = arith.constant 112 : index
        %swap3A_315 = tpu.vector_load %arg9[%swap3A_313, %swap3A_314] {strides = array<i32>} : memref<128x128xf32, #tpu.memory_space<vmem>>, vector<1x16xf32>,
        %swap3A_316 = vector.shape_cast %swap3A_315 : vector<1x16xf32> to vector<16xf32>
        %swap3A_317 = vector.shape_cast %convert_element_type3A_307 : vector<16xf32> to vector<1x16xf32>
        tpu.vector_store %arg9[%swap3A_313, %swap3A_314], %swap3A_317 {strides = array<i32>} : memref<128x128xf32, #tpu.memory_space<vmem>>, vector<1x16xf32>,
        %mul3A_318 = arith.constant 2 : i32
        %mul3A_319 = arith.muli %scan3A_208, %mul3A_318 : i32
        %add3A_320 = arith.constant 1 : i32
        %add3A_321 = arith.addi %mul3A_319, %add3A_320 : i32
        %get3A_322 = arith.constant 0 : i32
        %get3A_323 = arith.index_cast %get3A_322 : i32 to index
        %get3A_324 = arith.index_cast %add3A_321 : i32 to index
        %get3A_325 = arith.constant 0 : index
        %get3A_326 = tpu.vector_load %arg8[%get3A_323, %get3A_324, %get3A_325] {strides = array<i32>} : memref<2x128x64xi32, #tpu.memory_space<vmem>>, vector<1x1x16xi32>,
        %get3A_327 = vector.shape_cast %get3A_326 : vector<1x1x16xi32> to vector<16xi32>
        %shift_left3A_328 = arith.constant 16 : i32
        %shift_left3A_329 = vector.broadcast %shift_left3A_328 : i32 to vector<16xi32>
        %shift_left3A_330 = arith.shli %get3A_327, %shift_left3A_329 : vector<16xi32>
        %shift_right_arithmetic3A_331 = arith.constant 16 : i32
        %shift_right_arithmetic3A_332 = vector.broadcast %shift_right_arithmetic3A_331 : i32 to vector<16xi32>
        %shift_right_arithmetic3A_333 = arith.shrsi %shift_left3A_330, %shift_right_arithmetic3A_332 : vector<16xi32>
        %convert_element_type3A_334 = arith.sitofp %shift_right_arithmetic3A_333 : vector<16xi32> to vector<16xf32>
        %shift_right_arithmetic3A_335 = arith.constant 16 : i32
        %shift_right_arithmetic3A_336 = vector.broadcast %shift_right_arithmetic3A_335 : i32 to vector<16xi32>
        %shift_right_arithmetic3A_337 = arith.shrsi %get3A_327, %shift_right_arithmetic3A_336 : vector<16xi32>
        %convert_element_type3A_338 = arith.sitofp %shift_right_arithmetic3A_337 : vector<16xi32> to vector<16xf32>
        %swap3A_339 = arith.index_cast %add3A_321 : i32 to index
        %swap3A_340 = arith.constant 0 : index
        %swap3A_341 = tpu.vector_load %arg9[%swap3A_339, %swap3A_340] {strides = array<i32>} : memref<128x128xf32, #tpu.memory_space<vmem>>, vector<1x16xf32>,
        %swap3A_342 = vector.shape_cast %swap3A_341 : vector<1x16xf32> to vector<16xf32>
        %swap3A_343 = vector.shape_cast %convert_element_type3A_334 : vector<16xf32> to vector<1x16xf32>
        tpu.vector_store %arg9[%swap3A_339, %swap3A_340], %swap3A_343 {strides = array<i32>} : memref<128x128xf32, #tpu.memory_space<vmem>>, vector<1x16xf32>,
        %swap3A_344 = arith.index_cast %add3A_321 : i32 to index
        %swap3A_345 = arith.constant 64 : index
        %swap3A_346 = tpu.vector_load %arg9[%swap3A_344, %swap3A_345] {strides = array<i32>} : memref<128x128xf32, #tpu.memory_space<vmem>>, vector<1x16xf32>,
        %swap3A_347 = vector.shape_cast %swap3A_346 : vector<1x16xf32> to vector<16xf32>
        %swap3A_348 = vector.shape_cast %convert_element_type3A_338 : vector<16xf32> to vector<1x16xf32>
        tpu.vector_store %arg9[%swap3A_344, %swap3A_345], %swap3A_348 {strides = array<i32>} : memref<128x128xf32, #tpu.memory_space<vmem>>, vector<1x16xf32>,
        %get3A_349 = arith.constant 0 : i32
        %get3A_350 = arith.index_cast %get3A_349 : i32 to index
        %get3A_351 = arith.index_cast %add3A_321 : i32 to index
        %get3A_352 = arith.constant 16 : index
        %get3A_353 = tpu.vector_load %arg8[%get3A_350, %get3A_351, %get3A_352] {strides = array<i32>} : memref<2x128x64xi32, #tpu.memory_space<vmem>>, vector<1x1x16xi32>,
        %get3A_354 = vector.shape_cast %get3A_353 : vector<1x1x16xi32> to vector<16xi32>
        %shift_left3A_355 = arith.constant 16 : i32
        %shift_left3A_356 = vector.broadcast %shift_left3A_355 : i32 to vector<16xi32>
        %shift_left3A_357 = arith.shli %get3A_354, %shift_left3A_356 : vector<16xi32>
        %shift_right_arithmetic3A_358 = arith.constant 16 : i32
        %shift_right_arithmetic3A_359 = vector.broadcast %shift_right_arithmetic3A_358 : i32 to vector<16xi32>
        %shift_right_arithmetic3A_360 = arith.shrsi %shift_left3A_357, %shift_right_arithmetic3A_359 : vector<16xi32>
        %convert_element_type3A_361 = arith.sitofp %shift_right_arithmetic3A_360 : vector<16xi32> to vector<16xf32>
        %shift_right_arithmetic3A_362 = arith.constant 16 : i32
        %shift_right_arithmetic3A_363 = vector.broadcast %shift_right_arithmetic3A_362 : i32 to vector<16xi32>
        %shift_right_arithmetic3A_364 = arith.shrsi %get3A_354, %shift_right_arithmetic3A_363 : vector<16xi32>
        %convert_element_type3A_365 = arith.sitofp %shift_right_arithmetic3A_364 : vector<16xi32> to vector<16xf32>
        %swap3A_366 = arith.index_cast %add3A_321 : i32 to index
        %swap3A_367 = arith.constant 16 : index
        %swap3A_368 = tpu.vector_load %arg9[%swap3A_366, %swap3A_367] {strides = array<i32>} : memref<128x128xf32, #tpu.memory_space<vmem>>, vector<1x16xf32>,
        %swap3A_369 = vector.shape_cast %swap3A_368 : vector<1x16xf32> to vector<16xf32>
        %swap3A_370 = vector.shape_cast %convert_element_type3A_361 : vector<16xf32> to vector<1x16xf32>
        tpu.vector_store %arg9[%swap3A_366, %swap3A_367], %swap3A_370 {strides = array<i32>} : memref<128x128xf32, #tpu.memory_space<vmem>>, vector<1x16xf32>,
        %swap3A_371 = arith.index_cast %add3A_321 : i32 to index
        %swap3A_372 = arith.constant 80 : index
        %swap3A_373 = tpu.vector_load %arg9[%swap3A_371, %swap3A_372] {strides = array<i32>} : memref<128x128xf32, #tpu.memory_space<vmem>>, vector<1x16xf32>,
        %swap3A_374 = vector.shape_cast %swap3A_373 : vector<1x16xf32> to vector<16xf32>
        %swap3A_375 = vector.shape_cast %convert_element_type3A_365 : vector<16xf32> to vector<1x16xf32>
        tpu.vector_store %arg9[%swap3A_371, %swap3A_372], %swap3A_375 {strides = array<i32>} : memref<128x128xf32, #tpu.memory_space<vmem>>, vector<1x16xf32>,
        %get3A_376 = arith.constant 0 : i32
        %get3A_377 = arith.index_cast %get3A_376 : i32 to index
        %get3A_378 = arith.index_cast %add3A_321 : i32 to index
        %get3A_379 = arith.constant 32 : index
        %get3A_380 = tpu.vector_load %arg8[%get3A_377, %get3A_378, %get3A_379] {strides = array<i32>} : memref<2x128x64xi32, #tpu.memory_space<vmem>>, vector<1x1x16xi32>,
        %get3A_381 = vector.shape_cast %get3A_380 : vector<1x1x16xi32> to vector<16xi32>
        %shift_left3A_382 = arith.constant 16 : i32
        %shift_left3A_383 = vector.broadcast %shift_left3A_382 : i32 to vector<16xi32>
        %shift_left3A_384 = arith.shli %get3A_381, %shift_left3A_383 : vector<16xi32>
        %shift_right_arithmetic3A_385 = arith.constant 16 : i32
        %shift_right_arithmetic3A_386 = vector.broadcast %shift_right_arithmetic3A_385 : i32 to vector<16xi32>
        %shift_right_arithmetic3A_387 = arith.shrsi %shift_left3A_384, %shift_right_arithmetic3A_386 : vector<16xi32>
        %convert_element_type3A_388 = arith.sitofp %shift_right_arithmetic3A_387 : vector<16xi32> to vector<16xf32>
        %shift_right_arithmetic3A_389 = arith.constant 16 : i32
        %shift_right_arithmetic3A_390 = vector.broadcast %shift_right_arithmetic3A_389 : i32 to vector<16xi32>
        %shift_right_arithmetic3A_391 = arith.shrsi %get3A_381, %shift_right_arithmetic3A_390 : vector<16xi32>
        %convert_element_type3A_392 = arith.sitofp %shift_right_arithmetic3A_391 : vector<16xi32> to vector<16xf32>
        %swap3A_393 = arith.index_cast %add3A_321 : i32 to index
        %swap3A_394 = arith.constant 32 : index
        %swap3A_395 = tpu.vector_load %arg9[%swap3A_393, %swap3A_394] {strides = array<i32>} : memref<128x128xf32, #tpu.memory_space<vmem>>, vector<1x16xf32>,
        %swap3A_396 = vector.shape_cast %swap3A_395 : vector<1x16xf32> to vector<16xf32>
        %swap3A_397 = vector.shape_cast %convert_element_type3A_388 : vector<16xf32> to vector<1x16xf32>
        tpu.vector_store %arg9[%swap3A_393, %swap3A_394], %swap3A_397 {strides = array<i32>} : memref<128x128xf32, #tpu.memory_space<vmem>>, vector<1x16xf32>,
        %swap3A_398 = arith.index_cast %add3A_321 : i32 to index
        %swap3A_399 = arith.constant 96 : index
        %swap3A_400 = tpu.vector_load %arg9[%swap3A_398, %swap3A_399] {strides = array<i32>} : memref<128x128xf32, #tpu.memory_space<vmem>>, vector<1x16xf32>,
        %swap3A_401 = vector.shape_cast %swap3A_400 : vector<1x16xf32> to vector<16xf32>
        %swap3A_402 = vector.shape_cast %convert_element_type3A_392 : vector<16xf32> to vector<1x16xf32>
        tpu.vector_store %arg9[%swap3A_398, %swap3A_399], %swap3A_402 {strides = array<i32>} : memref<128x128xf32, #tpu.memory_space<vmem>>, vector<1x16xf32>,
        %get3A_403 = arith.constant 0 : i32
        %get3A_404 = arith.index_cast %get3A_403 : i32 to index
        %get3A_405 = arith.index_cast %add3A_321 : i32 to index
        %get3A_406 = arith.constant 48 : index
        %get3A_407 = tpu.vector_load %arg8[%get3A_404, %get3A_405, %get3A_406] {strides = array<i32>} : memref<2x128x64xi32, #tpu.memory_space<vmem>>, vector<1x1x16xi32>,
        %get3A_408 = vector.shape_cast %get3A_407 : vector<1x1x16xi32> to vector<16xi32>
        %shift_left3A_409 = arith.constant 16 : i32
        %shift_left3A_410 = vector.broadcast %shift_left3A_409 : i32 to vector<16xi32>
        %shift_left3A_411 = arith.shli %get3A_408, %shift_left3A_410 : vector<16xi32>
        %shift_right_arithmetic3A_412 = arith.constant 16 : i32
        %shift_right_arithmetic3A_413 = vector.broadcast %shift_right_arithmetic3A_412 : i32 to vector<16xi32>
        %shift_right_arithmetic3A_414 = arith.shrsi %shift_left3A_411, %shift_right_arithmetic3A_413 : vector<16xi32>
        %convert_element_type3A_415 = arith.sitofp %shift_right_arithmetic3A_414 : vector<16xi32> to vector<16xf32>
        %shift_right_arithmetic3A_416 = arith.constant 16 : i32
        %shift_right_arithmetic3A_417 = vector.broadcast %shift_right_arithmetic3A_416 : i32 to vector<16xi32>
        %shift_right_arithmetic3A_418 = arith.shrsi %get3A_408, %shift_right_arithmetic3A_417 : vector<16xi32>
        %convert_element_type3A_419 = arith.sitofp %shift_right_arithmetic3A_418 : vector<16xi32> to vector<16xf32>
        %swap3A_420 = arith.index_cast %add3A_321 : i32 to index
        %swap3A_421 = arith.constant 48 : index
        %swap3A_422 = tpu.vector_load %arg9[%swap3A_420, %swap3A_421] {strides = array<i32>} : memref<128x128xf32, #tpu.memory_space<vmem>>, vector<1x16xf32>,
        %swap3A_423 = vector.shape_cast %swap3A_422 : vector<1x16xf32> to vector<16xf32>
        %swap3A_424 = vector.shape_cast %convert_element_type3A_415 : vector<16xf32> to vector<1x16xf32>
        tpu.vector_store %arg9[%swap3A_420, %swap3A_421], %swap3A_424 {strides = array<i32>} : memref<128x128xf32, #tpu.memory_space<vmem>>, vector<1x16xf32>,
        %swap3A_425 = arith.index_cast %add3A_321 : i32 to index
        %swap3A_426 = arith.constant 112 : index
        %swap3A_427 = tpu.vector_load %arg9[%swap3A_425, %swap3A_426] {strides = array<i32>} : memref<128x128xf32, #tpu.memory_space<vmem>>, vector<1x16xf32>,
        %swap3A_428 = vector.shape_cast %swap3A_427 : vector<1x16xf32> to vector<16xf32>
        %swap3A_429 = vector.shape_cast %convert_element_type3A_419 : vector<16xf32> to vector<1x16xf32>
        tpu.vector_store %arg9[%swap3A_425, %swap3A_426], %swap3A_429 {strides = array<i32>} : memref<128x128xf32, #tpu.memory_space<vmem>>, vector<1x16xf32>,
        %scan3A_430 = arith.constant 0 : i32
        scf.yield %scan3A_430 : i32
      }
      %scan3A_150 = arith.constant 64 : i32
      %dma_start3A_151 = arith.constant 0 : i32
      %dma_start3A_152 = tpu.memref_slice %arg7[%add3A_122, %dma_start3A_151] : memref<40x128xi32, #tpu.memory_space<vmem>> -> memref<1x128xi32, #tpu.memory_space<vmem>>
      %dma_start3A_153 = tpu.memref_squeeze %dma_start3A_152 : memref<1x128xi32, #tpu.memory_space<vmem>> -> memref<128xi32, #tpu.memory_space<vmem>>
      %dma_start3A_154 = arith.constant 0 : i32
      %dma_start3A_155 = arith.constant 0 : i32
      %dma_start3A_156 = tpu.memref_slice %arg11[%dma_start3A_154, %dma_start3A_155] : memref<10112x128xf32, #tpu.memory_space<vmem_shared>> -> memref<10112x128xf32, #tpu.memory_space<vmem_shared>>
      tpu.enqueue_indirect_dma source(%arg9 : memref<128x128xf32, #tpu.memory_space<vmem>>) target(%dma_start3A_156 : memref<10112x128xf32, #tpu.memory_space<vmem_shared>>) offsets(%dma_start3A_153 : memref<128xi32, #tpu.memory_space<vmem>>) semaphore(%arg13 : memref<!tpu.dma_semaphore, #tpu.memory_space<semaphore_mem>>) {add = true}
      %dma_start3A_157 = arith.constant 0 : i32
      %dma_start3A_158 = tpu.memref_slice %arg7[%add3A_122, %dma_start3A_157] : memref<40x128xi32, #tpu.memory_space<vmem>> -> memref<1x128xi32, #tpu.memory_space<vmem>>
      %dma_start3A_159 = tpu.memref_squeeze %dma_start3A_158 : memref<1x128xi32, #tpu.memory_space<vmem>> -> memref<128xi32, #tpu.memory_space<vmem>>
      %dma_start3A_160 = arith.constant 0 : i32
      %dma_start3A_161 = tpu.memref_slice %arg16[%dma_start3A_160] : memref<10112xf32, #tpu.memory_space<vmem_shared>> -> memref<10112xf32, #tpu.memory_space<vmem_shared>>
      tpu.enqueue_indirect_dma source(%arg14 : memref<128xf32, #tpu.memory_space<vmem>>) target(%dma_start3A_161 : memref<10112xf32, #tpu.memory_space<vmem_shared>>) offsets(%dma_start3A_159 : memref<128xi32, #tpu.memory_space<vmem>>) semaphore(%arg17 : memref<!tpu.dma_semaphore, #tpu.memory_space<semaphore_mem>>) {add = true}
      %mul3A_162 = arith.constant 2 : i32
      %mul3A_163 = arith.muli %scan3A_117, %mul3A_162 : i32
      %add3A_164 = arith.constant 1 : i32
      %add3A_165 = arith.addi %mul3A_163, %add3A_164 : i32
      %dma_wait3A_166 = arith.constant 1 : i32
      %dma_wait3A_167 = arith.constant 0 : i32
      %dma_wait3A_168 = arith.constant 0 : i32
      %dma_wait3A_169 = tpu.memref_slice %arg8[%dma_wait3A_166, %dma_wait3A_167, %dma_wait3A_168] : memref<2x128x64xi32, #tpu.memory_space<vmem>> -> memref<1x128x64xi32, #tpu.memory_space<vmem>>
      %dma_wait3A_170 = tpu.memref_squeeze %dma_wait3A_169 : memref<1x128x64xi32, #tpu.memory_space<vmem>> -> memref<128x64xi32, #tpu.memory_space<vmem>>
      %dma_wait3A_171 = arith.constant 0 : i32
      %dma_wait3A_172 = tpu.memref_slice %arg6[%add3A_165, %dma_wait3A_171] : memref<40x128xi32, #tpu.memory_space<vmem>> -> memref<1x128xi32, #tpu.memory_space<vmem>>
      %dma_wait3A_173 = tpu.memref_squeeze %dma_wait3A_172 : memref<1x128xi32, #tpu.memory_space<vmem>> -> memref<128xi32, #tpu.memory_space<vmem>>
      %dma_wait3A_174 = arith.constant 0 : i32
      %dma_wait3A_175 = arith.constant 0 : i32
      %dma_wait3A_176 = tpu.memref_slice %arg2[%dma_wait3A_174, %dma_wait3A_175] : memref<10000x64xi32, #tpu.memory_space<hbm>> -> memref<10000x64xi32, #tpu.memory_space<hbm>>
      tpu.wait_indirect_dma semaphore(%arg12 : memref<!tpu.dma_semaphore, #tpu.memory_space<semaphore_mem>>) src(%dma_wait3A_176 : memref<10000x64xi32, #tpu.memory_space<hbm>>) dst(%dma_wait3A_170 : memref<128x64xi32, #tpu.memory_space<vmem>>)
      %add3A_177 = arith.constant 1 : i32
      %add3A_178 = arith.addi %add3A_165, %add3A_177 : i32
      %lt3A_179 = arith.constant 40 : i32
      %lt3A_180 = arith.cmpi slt, %add3A_178, %lt3A_179 : i32
      %convert_element_type3A_181 = arith.extui %lt3A_180 : i1 to i32
      %cond3A_182 = arith.constant 0 : i32
      %cond3A_183 = arith.cmpi ne, %convert_element_type3A_181, %cond3A_182 : i32
      scf.if %cond3A_183 {
        %add3A_208 = arith.constant 1 : i32
        %add3A_209 = arith.addi %add3A_165, %add3A_208 : i32
        %dma_start3A_210 = arith.constant 0 : i32
        %dma_start3A_211 = arith.constant 0 : i32
        %dma_start3A_212 = arith.constant 0 : i32
        %dma_start3A_213 = tpu.memref_slice %arg8[%dma_start3A_210, %dma_start3A_211, %dma_start3A_212] : memref<2x128x64xi32, #tpu.memory_space<vmem>> -> memref<1x128x64xi32, #tpu.memory_space<vmem>>
        %dma_start3A_214 = tpu.memref_squeeze %dma_start3A_213 : memref<1x128x64xi32, #tpu.memory_space<vmem>> -> memref<128x64xi32, #tpu.memory_space<vmem>>
        %dma_start3A_215 = arith.constant 0 : i32
        %dma_start3A_216 = tpu.memref_slice %arg6[%add3A_209, %dma_start3A_215] : memref<40x128xi32, #tpu.memory_space<vmem>> -> memref<1x128xi32, #tpu.memory_space<vmem>>
        %dma_start3A_217 = tpu.memref_squeeze %dma_start3A_216 : memref<1x128xi32, #tpu.memory_space<vmem>> -> memref<128xi32, #tpu.memory_space<vmem>>
        %dma_start3A_218 = arith.constant 0 : i32
        %dma_start3A_219 = arith.constant 0 : i32
        %dma_start3A_220 = tpu.memref_slice %arg2[%dma_start3A_218, %dma_start3A_219] : memref<10000x64xi32, #tpu.memory_space<hbm>> -> memref<10000x64xi32, #tpu.memory_space<hbm>>
        tpu.enqueue_indirect_dma source(%dma_start3A_220 : memref<10000x64xi32, #tpu.memory_space<hbm>>) target(%dma_start3A_214 : memref<128x64xi32, #tpu.memory_space<vmem>>) offsets(%dma_start3A_217 : memref<128xi32, #tpu.memory_space<vmem>>) semaphore(%arg12 : memref<!tpu.dma_semaphore, #tpu.memory_space<semaphore_mem>>)
      } else {
      }
      %ge3A_184 = arith.constant 1 : i32
      %ge3A_185 = arith.cmpi sge, %add3A_165, %ge3A_184 : i32
      %convert_element_type3A_186 = arith.extui %ge3A_185 : i1 to i32
      %cond3A_187 = arith.constant 0 : i32
      %cond3A_188 = arith.cmpi ne, %convert_element_type3A_186, %cond3A_187 : i32
      scf.if %cond3A_188 {
        %sub3A = arith.constant 1 : i32
        %sub3A_208 = arith.subi %add3A_165, %sub3A : i32
        %dma_wait3A_209 = arith.constant 0 : i32
        %dma_wait3A_210 = tpu.memref_slice %arg7[%sub3A_208, %dma_wait3A_209] : memref<40x128xi32, #tpu.memory_space<vmem>> -> memref<1x128xi32, #tpu.memory_space<vmem>>
        %dma_wait3A_211 = tpu.memref_squeeze %dma_wait3A_210 : memref<1x128xi32, #tpu.memory_space<vmem>> -> memref<128xi32, #tpu.memory_space<vmem>>
        %dma_wait3A_212 = arith.constant 0 : i32
        %dma_wait3A_213 = arith.constant 0 : i32
        %dma_wait3A_214 = tpu.memref_slice %arg11[%dma_wait3A_212, %dma_wait3A_213] : memref<10112x128xf32, #tpu.memory_space<vmem_shared>> -> memref<10112x128xf32, #tpu.memory_space<vmem_shared>>
        tpu.wait_indirect_dma semaphore(%arg13 : memref<!tpu.dma_semaphore, #tpu.memory_space<semaphore_mem>>) src(%arg9 : memref<128x128xf32, #tpu.memory_space<vmem>>) dst(%dma_wait3A_214 : memref<10112x128xf32, #tpu.memory_space<vmem_shared>>)
        %sub3A_215 = arith.constant 1 : i32
        %sub3A_216 = arith.subi %add3A_165, %sub3A_215 : i32
        %dma_wait3A_217 = arith.constant 0 : i32
        %dma_wait3A_218 = tpu.memref_slice %arg7[%sub3A_216, %dma_wait3A_217] : memref<40x128xi32, #tpu.memory_space<vmem>> -> memref<1x128xi32, #tpu.memory_space<vmem>>
        %dma_wait3A_219 = tpu.memref_squeeze %dma_wait3A_218 : memref<1x128xi32, #tpu.memory_space<vmem>> -> memref<128xi32, #tpu.memory_space<vmem>>
        %dma_wait3A_220 = arith.constant 0 : i32
        %dma_wait3A_221 = tpu.memref_slice %arg16[%dma_wait3A_220] : memref<10112xf32, #tpu.memory_space<vmem_shared>> -> memref<10112xf32, #tpu.memory_space<vmem_shared>>
        tpu.wait_indirect_dma semaphore(%arg17 : memref<!tpu.dma_semaphore, #tpu.memory_space<semaphore_mem>>) src(%arg14 : memref<128xf32, #tpu.memory_space<vmem>>) dst(%dma_wait3A_221 : memref<10112xf32, #tpu.memory_space<vmem_shared>>)
      } else {
      }
      %scan3A_189 = arith.constant 0 : i32
      %scan3A_190 = arith.constant 0 : i32
      %scan3A_191 = arith.constant 64 : i32
      %scan3A_192 = arith.addi %scan3A_190, %scan3A_191 : i32
      %scan3A_193 = arith.constant 1 : i32
      %scan3A_194 = scf.for %scan3A_208 = %scan3A_190 to %scan3A_192 step %scan3A_193 iter_args(%scan3A_209 = %scan3A_189) -> (i32)  : i32 {
        %mul3A_210 = arith.constant 2 : i32
        %mul3A_211 = arith.muli %scan3A_208, %mul3A_210 : i32
        %add3A_212 = arith.constant 0 : i32
        %add3A_213 = arith.addi %mul3A_211, %add3A_212 : i32
        %get3A = arith.constant 1 : i32
        %get3A_214 = arith.index_cast %get3A : i32 to index
        %get3A_215 = arith.index_cast %add3A_213 : i32 to index
        %get3A_216 = arith.constant 0 : index
        %get3A_217 = tpu.vector_load %arg8[%get3A_214, %get3A_215, %get3A_216] {strides = array<i32>} : memref<2x128x64xi32, #tpu.memory_space<vmem>>, vector<1x1x16xi32>,
        %get3A_218 = vector.shape_cast %get3A_217 : vector<1x1x16xi32> to vector<16xi32>
        %shift_left3A = arith.constant 16 : i32
        %shift_left3A_219 = vector.broadcast %shift_left3A : i32 to vector<16xi32>
        %shift_left3A_220 = arith.shli %get3A_218, %shift_left3A_219 : vector<16xi32>
        %shift_right_arithmetic3A = arith.constant 16 : i32
        %shift_right_arithmetic3A_221 = vector.broadcast %shift_right_arithmetic3A : i32 to vector<16xi32>
        %shift_right_arithmetic3A_222 = arith.shrsi %shift_left3A_220, %shift_right_arithmetic3A_221 : vector<16xi32>
        %convert_element_type3A_223 = arith.sitofp %shift_right_arithmetic3A_222 : vector<16xi32> to vector<16xf32>
        %shift_right_arithmetic3A_224 = arith.constant 16 : i32
        %shift_right_arithmetic3A_225 = vector.broadcast %shift_right_arithmetic3A_224 : i32 to vector<16xi32>
        %shift_right_arithmetic3A_226 = arith.shrsi %get3A_218, %shift_right_arithmetic3A_225 : vector<16xi32>
        %convert_element_type3A_227 = arith.sitofp %shift_right_arithmetic3A_226 : vector<16xi32> to vector<16xf32>
        %swap3A = arith.index_cast %add3A_213 : i32 to index
        %swap3A_228 = arith.constant 0 : index
        %swap3A_229 = tpu.vector_load %arg9[%swap3A, %swap3A_228] {strides = array<i32>} : memref<128x128xf32, #tpu.memory_space<vmem>>, vector<1x16xf32>,
        %swap3A_230 = vector.shape_cast %swap3A_229 : vector<1x16xf32> to vector<16xf32>
        %swap3A_231 = vector.shape_cast %convert_element_type3A_223 : vector<16xf32> to vector<1x16xf32>
        tpu.vector_store %arg9[%swap3A, %swap3A_228], %swap3A_231 {strides = array<i32>} : memref<128x128xf32, #tpu.memory_space<vmem>>, vector<1x16xf32>,
        %swap3A_232 = arith.index_cast %add3A_213 : i32 to index
        %swap3A_233 = arith.constant 64 : index
        %swap3A_234 = tpu.vector_load %arg9[%swap3A_232, %swap3A_233] {strides = array<i32>} : memref<128x128xf32, #tpu.memory_space<vmem>>, vector<1x16xf32>,
        %swap3A_235 = vector.shape_cast %swap3A_234 : vector<1x16xf32> to vector<16xf32>
        %swap3A_236 = vector.shape_cast %convert_element_type3A_227 : vector<16xf32> to vector<1x16xf32>
        tpu.vector_store %arg9[%swap3A_232, %swap3A_233], %swap3A_236 {strides = array<i32>} : memref<128x128xf32, #tpu.memory_space<vmem>>, vector<1x16xf32>,
        %get3A_237 = arith.constant 1 : i32
        %get3A_238 = arith.index_cast %get3A_237 : i32 to index
        %get3A_239 = arith.index_cast %add3A_213 : i32 to index
        %get3A_240 = arith.constant 16 : index
        %get3A_241 = tpu.vector_load %arg8[%get3A_238, %get3A_239, %get3A_240] {strides = array<i32>} : memref<2x128x64xi32, #tpu.memory_space<vmem>>, vector<1x1x16xi32>,
        %get3A_242 = vector.shape_cast %get3A_241 : vector<1x1x16xi32> to vector<16xi32>
        %shift_left3A_243 = arith.constant 16 : i32
        %shift_left3A_244 = vector.broadcast %shift_left3A_243 : i32 to vector<16xi32>
        %shift_left3A_245 = arith.shli %get3A_242, %shift_left3A_244 : vector<16xi32>
        %shift_right_arithmetic3A_246 = arith.constant 16 : i32
        %shift_right_arithmetic3A_247 = vector.broadcast %shift_right_arithmetic3A_246 : i32 to vector<16xi32>
        %shift_right_arithmetic3A_248 = arith.shrsi %shift_left3A_245, %shift_right_arithmetic3A_247 : vector<16xi32>
        %convert_element_type3A_249 = arith.sitofp %shift_right_arithmetic3A_248 : vector<16xi32> to vector<16xf32>
        %shift_right_arithmetic3A_250 = arith.constant 16 : i32
        %shift_right_arithmetic3A_251 = vector.broadcast %shift_right_arithmetic3A_250 : i32 to vector<16xi32>
        %shift_right_arithmetic3A_252 = arith.shrsi %get3A_242, %shift_right_arithmetic3A_251 : vector<16xi32>
        %convert_element_type3A_253 = arith.sitofp %shift_right_arithmetic3A_252 : vector<16xi32> to vector<16xf32>
        %swap3A_254 = arith.index_cast %add3A_213 : i32 to index
        %swap3A_255 = arith.constant 16 : index
        %swap3A_256 = tpu.vector_load %arg9[%swap3A_254, %swap3A_255] {strides = array<i32>} : memref<128x128xf32, #tpu.memory_space<vmem>>, vector<1x16xf32>,
        %swap3A_257 = vector.shape_cast %swap3A_256 : vector<1x16xf32> to vector<16xf32>
        %swap3A_258 = vector.shape_cast %convert_element_type3A_249 : vector<16xf32> to vector<1x16xf32>
        tpu.vector_store %arg9[%swap3A_254, %swap3A_255], %swap3A_258 {strides = array<i32>} : memref<128x128xf32, #tpu.memory_space<vmem>>, vector<1x16xf32>,
        %swap3A_259 = arith.index_cast %add3A_213 : i32 to index
        %swap3A_260 = arith.constant 80 : index
        %swap3A_261 = tpu.vector_load %arg9[%swap3A_259, %swap3A_260] {strides = array<i32>} : memref<128x128xf32, #tpu.memory_space<vmem>>, vector<1x16xf32>,
        %swap3A_262 = vector.shape_cast %swap3A_261 : vector<1x16xf32> to vector<16xf32>
        %swap3A_263 = vector.shape_cast %convert_element_type3A_253 : vector<16xf32> to vector<1x16xf32>
        tpu.vector_store %arg9[%swap3A_259, %swap3A_260], %swap3A_263 {strides = array<i32>} : memref<128x128xf32, #tpu.memory_space<vmem>>, vector<1x16xf32>,
        %get3A_264 = arith.constant 1 : i32
        %get3A_265 = arith.index_cast %get3A_264 : i32 to index
        %get3A_266 = arith.index_cast %add3A_213 : i32 to index
        %get3A_267 = arith.constant 32 : index
        %get3A_268 = tpu.vector_load %arg8[%get3A_265, %get3A_266, %get3A_267] {strides = array<i32>} : memref<2x128x64xi32, #tpu.memory_space<vmem>>, vector<1x1x16xi32>,
        %get3A_269 = vector.shape_cast %get3A_268 : vector<1x1x16xi32> to vector<16xi32>
        %shift_left3A_270 = arith.constant 16 : i32
        %shift_left3A_271 = vector.broadcast %shift_left3A_270 : i32 to vector<16xi32>
        %shift_left3A_272 = arith.shli %get3A_269, %shift_left3A_271 : vector<16xi32>
        %shift_right_arithmetic3A_273 = arith.constant 16 : i32
        %shift_right_arithmetic3A_274 = vector.broadcast %shift_right_arithmetic3A_273 : i32 to vector<16xi32>
        %shift_right_arithmetic3A_275 = arith.shrsi %shift_left3A_272, %shift_right_arithmetic3A_274 : vector<16xi32>
        %convert_element_type3A_276 = arith.sitofp %shift_right_arithmetic3A_275 : vector<16xi32> to vector<16xf32>
        %shift_right_arithmetic3A_277 = arith.constant 16 : i32
        %shift_right_arithmetic3A_278 = vector.broadcast %shift_right_arithmetic3A_277 : i32 to vector<16xi32>
        %shift_right_arithmetic3A_279 = arith.shrsi %get3A_269, %shift_right_arithmetic3A_278 : vector<16xi32>
        %convert_element_type3A_280 = arith.sitofp %shift_right_arithmetic3A_279 : vector<16xi32> to vector<16xf32>
        %swap3A_281 = arith.index_cast %add3A_213 : i32 to index
        %swap3A_282 = arith.constant 32 : index
        %swap3A_283 = tpu.vector_load %arg9[%swap3A_281, %swap3A_282] {strides = array<i32>} : memref<128x128xf32, #tpu.memory_space<vmem>>, vector<1x16xf32>,
        %swap3A_284 = vector.shape_cast %swap3A_283 : vector<1x16xf32> to vector<16xf32>
        %swap3A_285 = vector.shape_cast %convert_element_type3A_276 : vector<16xf32> to vector<1x16xf32>
        tpu.vector_store %arg9[%swap3A_281, %swap3A_282], %swap3A_285 {strides = array<i32>} : memref<128x128xf32, #tpu.memory_space<vmem>>, vector<1x16xf32>,
        %swap3A_286 = arith.index_cast %add3A_213 : i32 to index
        %swap3A_287 = arith.constant 96 : index
        %swap3A_288 = tpu.vector_load %arg9[%swap3A_286, %swap3A_287] {strides = array<i32>} : memref<128x128xf32, #tpu.memory_space<vmem>>, vector<1x16xf32>,
        %swap3A_289 = vector.shape_cast %swap3A_288 : vector<1x16xf32> to vector<16xf32>
        %swap3A_290 = vector.shape_cast %convert_element_type3A_280 : vector<16xf32> to vector<1x16xf32>
        tpu.vector_store %arg9[%swap3A_286, %swap3A_287], %swap3A_290 {strides = array<i32>} : memref<128x128xf32, #tpu.memory_space<vmem>>, vector<1x16xf32>,
        %get3A_291 = arith.constant 1 : i32
        %get3A_292 = arith.index_cast %get3A_291 : i32 to index
        %get3A_293 = arith.index_cast %add3A_213 : i32 to index
        %get3A_294 = arith.constant 48 : index
        %get3A_295 = tpu.vector_load %arg8[%get3A_292, %get3A_293, %get3A_294] {strides = array<i32>} : memref<2x128x64xi32, #tpu.memory_space<vmem>>, vector<1x1x16xi32>,
        %get3A_296 = vector.shape_cast %get3A_295 : vector<1x1x16xi32> to vector<16xi32>
        %shift_left3A_297 = arith.constant 16 : i32
        %shift_left3A_298 = vector.broadcast %shift_left3A_297 : i32 to vector<16xi32>
        %shift_left3A_299 = arith.shli %get3A_296, %shift_left3A_298 : vector<16xi32>
        %shift_right_arithmetic3A_300 = arith.constant 16 : i32
        %shift_right_arithmetic3A_301 = vector.broadcast %shift_right_arithmetic3A_300 : i32 to vector<16xi32>
        %shift_right_arithmetic3A_302 = arith.shrsi %shift_left3A_299, %shift_right_arithmetic3A_301 : vector<16xi32>
        %convert_element_type3A_303 = arith.sitofp %shift_right_arithmetic3A_302 : vector<16xi32> to vector<16xf32>
        %shift_right_arithmetic3A_304 = arith.constant 16 : i32
        %shift_right_arithmetic3A_305 = vector.broadcast %shift_right_arithmetic3A_304 : i32 to vector<16xi32>
        %shift_right_arithmetic3A_306 = arith.shrsi %get3A_296, %shift_right_arithmetic3A_305 : vector<16xi32>
        %convert_element_type3A_307 = arith.sitofp %shift_right_arithmetic3A_306 : vector<16xi32> to vector<16xf32>
        %swap3A_308 = arith.index_cast %add3A_213 : i32 to index
        %swap3A_309 = arith.constant 48 : index
        %swap3A_310 = tpu.vector_load %arg9[%swap3A_308, %swap3A_309] {strides = array<i32>} : memref<128x128xf32, #tpu.memory_space<vmem>>, vector<1x16xf32>,
        %swap3A_311 = vector.shape_cast %swap3A_310 : vector<1x16xf32> to vector<16xf32>
        %swap3A_312 = vector.shape_cast %convert_element_type3A_303 : vector<16xf32> to vector<1x16xf32>
        tpu.vector_store %arg9[%swap3A_308, %swap3A_309], %swap3A_312 {strides = array<i32>} : memref<128x128xf32, #tpu.memory_space<vmem>>, vector<1x16xf32>,
        %swap3A_313 = arith.index_cast %add3A_213 : i32 to index
        %swap3A_314 = arith.constant 112 : index
        %swap3A_315 = tpu.vector_load %arg9[%swap3A_313, %swap3A_314] {strides = array<i32>} : memref<128x128xf32, #tpu.memory_space<vmem>>, vector<1x16xf32>,
        %swap3A_316 = vector.shape_cast %swap3A_315 : vector<1x16xf32> to vector<16xf32>
        %swap3A_317 = vector.shape_cast %convert_element_type3A_307 : vector<16xf32> to vector<1x16xf32>
        tpu.vector_store %arg9[%swap3A_313, %swap3A_314], %swap3A_317 {strides = array<i32>} : memref<128x128xf32, #tpu.memory_space<vmem>>, vector<1x16xf32>,
        %mul3A_318 = arith.constant 2 : i32
        %mul3A_319 = arith.muli %scan3A_208, %mul3A_318 : i32
        %add3A_320 = arith.constant 1 : i32
        %add3A_321 = arith.addi %mul3A_319, %add3A_320 : i32
        %get3A_322 = arith.constant 1 : i32
        %get3A_323 = arith.index_cast %get3A_322 : i32 to index
        %get3A_324 = arith.index_cast %add3A_321 : i32 to index
        %get3A_325 = arith.constant 0 : index
        %get3A_326 = tpu.vector_load %arg8[%get3A_323, %get3A_324, %get3A_325] {strides = array<i32>} : memref<2x128x64xi32, #tpu.memory_space<vmem>>, vector<1x1x16xi32>,
        %get3A_327 = vector.shape_cast %get3A_326 : vector<1x1x16xi32> to vector<16xi32>
        %shift_left3A_328 = arith.constant 16 : i32
        %shift_left3A_329 = vector.broadcast %shift_left3A_328 : i32 to vector<16xi32>
        %shift_left3A_330 = arith.shli %get3A_327, %shift_left3A_329 : vector<16xi32>
        %shift_right_arithmetic3A_331 = arith.constant 16 : i32
        %shift_right_arithmetic3A_332 = vector.broadcast %shift_right_arithmetic3A_331 : i32 to vector<16xi32>
        %shift_right_arithmetic3A_333 = arith.shrsi %shift_left3A_330, %shift_right_arithmetic3A_332 : vector<16xi32>
        %convert_element_type3A_334 = arith.sitofp %shift_right_arithmetic3A_333 : vector<16xi32> to vector<16xf32>
        %shift_right_arithmetic3A_335 = arith.constant 16 : i32
        %shift_right_arithmetic3A_336 = vector.broadcast %shift_right_arithmetic3A_335 : i32 to vector<16xi32>
        %shift_right_arithmetic3A_337 = arith.shrsi %get3A_327, %shift_right_arithmetic3A_336 : vector<16xi32>
        %convert_element_type3A_338 = arith.sitofp %shift_right_arithmetic3A_337 : vector<16xi32> to vector<16xf32>
        %swap3A_339 = arith.index_cast %add3A_321 : i32 to index
        %swap3A_340 = arith.constant 0 : index
        %swap3A_341 = tpu.vector_load %arg9[%swap3A_339, %swap3A_340] {strides = array<i32>} : memref<128x128xf32, #tpu.memory_space<vmem>>, vector<1x16xf32>,
        %swap3A_342 = vector.shape_cast %swap3A_341 : vector<1x16xf32> to vector<16xf32>
        %swap3A_343 = vector.shape_cast %convert_element_type3A_334 : vector<16xf32> to vector<1x16xf32>
        tpu.vector_store %arg9[%swap3A_339, %swap3A_340], %swap3A_343 {strides = array<i32>} : memref<128x128xf32, #tpu.memory_space<vmem>>, vector<1x16xf32>,
        %swap3A_344 = arith.index_cast %add3A_321 : i32 to index
        %swap3A_345 = arith.constant 64 : index
        %swap3A_346 = tpu.vector_load %arg9[%swap3A_344, %swap3A_345] {strides = array<i32>} : memref<128x128xf32, #tpu.memory_space<vmem>>, vector<1x16xf32>,
        %swap3A_347 = vector.shape_cast %swap3A_346 : vector<1x16xf32> to vector<16xf32>
        %swap3A_348 = vector.shape_cast %convert_element_type3A_338 : vector<16xf32> to vector<1x16xf32>
        tpu.vector_store %arg9[%swap3A_344, %swap3A_345], %swap3A_348 {strides = array<i32>} : memref<128x128xf32, #tpu.memory_space<vmem>>, vector<1x16xf32>,
        %get3A_349 = arith.constant 1 : i32
        %get3A_350 = arith.index_cast %get3A_349 : i32 to index
        %get3A_351 = arith.index_cast %add3A_321 : i32 to index
        %get3A_352 = arith.constant 16 : index
        %get3A_353 = tpu.vector_load %arg8[%get3A_350, %get3A_351, %get3A_352] {strides = array<i32>} : memref<2x128x64xi32, #tpu.memory_space<vmem>>, vector<1x1x16xi32>,
        %get3A_354 = vector.shape_cast %get3A_353 : vector<1x1x16xi32> to vector<16xi32>
        %shift_left3A_355 = arith.constant 16 : i32
        %shift_left3A_356 = vector.broadcast %shift_left3A_355 : i32 to vector<16xi32>
        %shift_left3A_357 = arith.shli %get3A_354, %shift_left3A_356 : vector<16xi32>
        %shift_right_arithmetic3A_358 = arith.constant 16 : i32
        %shift_right_arithmetic3A_359 = vector.broadcast %shift_right_arithmetic3A_358 : i32 to vector<16xi32>
        %shift_right_arithmetic3A_360 = arith.shrsi %shift_left3A_357, %shift_right_arithmetic3A_359 : vector<16xi32>
        %convert_element_type3A_361 = arith.sitofp %shift_right_arithmetic3A_360 : vector<16xi32> to vector<16xf32>
        %shift_right_arithmetic3A_362 = arith.constant 16 : i32
        %shift_right_arithmetic3A_363 = vector.broadcast %shift_right_arithmetic3A_362 : i32 to vector<16xi32>
        %shift_right_arithmetic3A_364 = arith.shrsi %get3A_354, %shift_right_arithmetic3A_363 : vector<16xi32>
        %convert_element_type3A_365 = arith.sitofp %shift_right_arithmetic3A_364 : vector<16xi32> to vector<16xf32>
        %swap3A_366 = arith.index_cast %add3A_321 : i32 to index
        %swap3A_367 = arith.constant 16 : index
        %swap3A_368 = tpu.vector_load %arg9[%swap3A_366, %swap3A_367] {strides = array<i32>} : memref<128x128xf32, #tpu.memory_space<vmem>>, vector<1x16xf32>,
        %swap3A_369 = vector.shape_cast %swap3A_368 : vector<1x16xf32> to vector<16xf32>
        %swap3A_370 = vector.shape_cast %convert_element_type3A_361 : vector<16xf32> to vector<1x16xf32>
        tpu.vector_store %arg9[%swap3A_366, %swap3A_367], %swap3A_370 {strides = array<i32>} : memref<128x128xf32, #tpu.memory_space<vmem>>, vector<1x16xf32>,
        %swap3A_371 = arith.index_cast %add3A_321 : i32 to index
        %swap3A_372 = arith.constant 80 : index
        %swap3A_373 = tpu.vector_load %arg9[%swap3A_371, %swap3A_372] {strides = array<i32>} : memref<128x128xf32, #tpu.memory_space<vmem>>, vector<1x16xf32>,
        %swap3A_374 = vector.shape_cast %swap3A_373 : vector<1x16xf32> to vector<16xf32>
        %swap3A_375 = vector.shape_cast %convert_element_type3A_365 : vector<16xf32> to vector<1x16xf32>
        tpu.vector_store %arg9[%swap3A_371, %swap3A_372], %swap3A_375 {strides = array<i32>} : memref<128x128xf32, #tpu.memory_space<vmem>>, vector<1x16xf32>,
        %get3A_376 = arith.constant 1 : i32
        %get3A_377 = arith.index_cast %get3A_376 : i32 to index
        %get3A_378 = arith.index_cast %add3A_321 : i32 to index
        %get3A_379 = arith.constant 32 : index
        %get3A_380 = tpu.vector_load %arg8[%get3A_377, %get3A_378, %get3A_379] {strides = array<i32>} : memref<2x128x64xi32, #tpu.memory_space<vmem>>, vector<1x1x16xi32>,
        %get3A_381 = vector.shape_cast %get3A_380 : vector<1x1x16xi32> to vector<16xi32>
        %shift_left3A_382 = arith.constant 16 : i32
        %shift_left3A_383 = vector.broadcast %shift_left3A_382 : i32 to vector<16xi32>
        %shift_left3A_384 = arith.shli %get3A_381, %shift_left3A_383 : vector<16xi32>
        %shift_right_arithmetic3A_385 = arith.constant 16 : i32
        %shift_right_arithmetic3A_386 = vector.broadcast %shift_right_arithmetic3A_385 : i32 to vector<16xi32>
        %shift_right_arithmetic3A_387 = arith.shrsi %shift_left3A_384, %shift_right_arithmetic3A_386 : vector<16xi32>
        %convert_element_type3A_388 = arith.sitofp %shift_right_arithmetic3A_387 : vector<16xi32> to vector<16xf32>
        %shift_right_arithmetic3A_389 = arith.constant 16 : i32
        %shift_right_arithmetic3A_390 = vector.broadcast %shift_right_arithmetic3A_389 : i32 to vector<16xi32>
        %shift_right_arithmetic3A_391 = arith.shrsi %get3A_381, %shift_right_arithmetic3A_390 : vector<16xi32>
        %convert_element_type3A_392 = arith.sitofp %shift_right_arithmetic3A_391 : vector<16xi32> to vector<16xf32>
        %swap3A_393 = arith.index_cast %add3A_321 : i32 to index
        %swap3A_394 = arith.constant 32 : index
        %swap3A_395 = tpu.vector_load %arg9[%swap3A_393, %swap3A_394] {strides = array<i32>} : memref<128x128xf32, #tpu.memory_space<vmem>>, vector<1x16xf32>,
        %swap3A_396 = vector.shape_cast %swap3A_395 : vector<1x16xf32> to vector<16xf32>
        %swap3A_397 = vector.shape_cast %convert_element_type3A_388 : vector<16xf32> to vector<1x16xf32>
        tpu.vector_store %arg9[%swap3A_393, %swap3A_394], %swap3A_397 {strides = array<i32>} : memref<128x128xf32, #tpu.memory_space<vmem>>, vector<1x16xf32>,
        %swap3A_398 = arith.index_cast %add3A_321 : i32 to index
        %swap3A_399 = arith.constant 96 : index
        %swap3A_400 = tpu.vector_load %arg9[%swap3A_398, %swap3A_399] {strides = array<i32>} : memref<128x128xf32, #tpu.memory_space<vmem>>, vector<1x16xf32>,
        %swap3A_401 = vector.shape_cast %swap3A_400 : vector<1x16xf32> to vector<16xf32>
        %swap3A_402 = vector.shape_cast %convert_element_type3A_392 : vector<16xf32> to vector<1x16xf32>
        tpu.vector_store %arg9[%swap3A_398, %swap3A_399], %swap3A_402 {strides = array<i32>} : memref<128x128xf32, #tpu.memory_space<vmem>>, vector<1x16xf32>,
        %get3A_403 = arith.constant 1 : i32
        %get3A_404 = arith.index_cast %get3A_403 : i32 to index
        %get3A_405 = arith.index_cast %add3A_321 : i32 to index
        %get3A_406 = arith.constant 48 : index
        %get3A_407 = tpu.vector_load %arg8[%get3A_404, %get3A_405, %get3A_406] {strides = array<i32>} : memref<2x128x64xi32, #tpu.memory_space<vmem>>, vector<1x1x16xi32>,
        %get3A_408 = vector.shape_cast %get3A_407 : vector<1x1x16xi32> to vector<16xi32>
        %shift_left3A_409 = arith.constant 16 : i32
        %shift_left3A_410 = vector.broadcast %shift_left3A_409 : i32 to vector<16xi32>
        %shift_left3A_411 = arith.shli %get3A_408, %shift_left3A_410 : vector<16xi32>
        %shift_right_arithmetic3A_412 = arith.constant 16 : i32
        %shift_right_arithmetic3A_413 = vector.broadcast %shift_right_arithmetic3A_412 : i32 to vector<16xi32>
        %shift_right_arithmetic3A_414 = arith.shrsi %shift_left3A_411, %shift_right_arithmetic3A_413 : vector<16xi32>
        %convert_element_type3A_415 = arith.sitofp %shift_right_arithmetic3A_414 : vector<16xi32> to vector<16xf32>
        %shift_right_arithmetic3A_416 = arith.constant 16 : i32
        %shift_right_arithmetic3A_417 = vector.broadcast %shift_right_arithmetic3A_416 : i32 to vector<16xi32>
        %shift_right_arithmetic3A_418 = arith.shrsi %get3A_408, %shift_right_arithmetic3A_417 : vector<16xi32>
        %convert_element_type3A_419 = arith.sitofp %shift_right_arithmetic3A_418 : vector<16xi32> to vector<16xf32>
        %swap3A_420 = arith.index_cast %add3A_321 : i32 to index
        %swap3A_421 = arith.constant 48 : index
        %swap3A_422 = tpu.vector_load %arg9[%swap3A_420, %swap3A_421] {strides = array<i32>} : memref<128x128xf32, #tpu.memory_space<vmem>>, vector<1x16xf32>,
        %swap3A_423 = vector.shape_cast %swap3A_422 : vector<1x16xf32> to vector<16xf32>
        %swap3A_424 = vector.shape_cast %convert_element_type3A_415 : vector<16xf32> to vector<1x16xf32>
        tpu.vector_store %arg9[%swap3A_420, %swap3A_421], %swap3A_424 {strides = array<i32>} : memref<128x128xf32, #tpu.memory_space<vmem>>, vector<1x16xf32>,
        %swap3A_425 = arith.index_cast %add3A_321 : i32 to index
        %swap3A_426 = arith.constant 112 : index
        %swap3A_427 = tpu.vector_load %arg9[%swap3A_425, %swap3A_426] {strides = array<i32>} : memref<128x128xf32, #tpu.memory_space<vmem>>, vector<1x16xf32>,
        %swap3A_428 = vector.shape_cast %swap3A_427 : vector<1x16xf32> to vector<16xf32>
        %swap3A_429 = vector.shape_cast %convert_element_type3A_419 : vector<16xf32> to vector<1x16xf32>
        tpu.vector_store %arg9[%swap3A_425, %swap3A_426], %swap3A_429 {strides = array<i32>} : memref<128x128xf32, #tpu.memory_space<vmem>>, vector<1x16xf32>,
        %scan3A_430 = arith.constant 0 : i32
        scf.yield %scan3A_430 : i32
      }
      %scan3A_195 = arith.constant 64 : i32
      %dma_start3A_196 = arith.constant 0 : i32
      %dma_start3A_197 = tpu.memref_slice %arg7[%add3A_165, %dma_start3A_196] : memref<40x128xi32, #tpu.memory_space<vmem>> -> memref<1x128xi32, #tpu.memory_space<vmem>>
      %dma_start3A_198 = tpu.memref_squeeze %dma_start3A_197 : memref<1x128xi32, #tpu.memory_space<vmem>> -> memref<128xi32, #tpu.memory_space<vmem>>
      %dma_start3A_199 = arith.constant 0 : i32
      %dma_start3A_200 = arith.constant 0 : i32
      %dma_start3A_201 = tpu.memref_slice %arg11[%dma_start3A_199, %dma_start3A_200] : memref<10112x128xf32, #tpu.memory_space<vmem_shared>> -> memref<10112x128xf32, #tpu.memory_space<vmem_shared>>
      tpu.enqueue_indirect_dma source(%arg9 : memref<128x128xf32, #tpu.memory_space<vmem>>) target(%dma_start3A_201 : memref<10112x128xf32, #tpu.memory_space<vmem_shared>>) offsets(%dma_start3A_198 : memref<128xi32, #tpu.memory_space<vmem>>) semaphore(%arg13 : memref<!tpu.dma_semaphore, #tpu.memory_space<semaphore_mem>>) {add = true}
      %dma_start3A_202 = arith.constant 0 : i32
      %dma_start3A_203 = tpu.memref_slice %arg7[%add3A_165, %dma_start3A_202] : memref<40x128xi32, #tpu.memory_space<vmem>> -> memref<1x128xi32, #tpu.memory_space<vmem>>
      %dma_start3A_204 = tpu.memref_squeeze %dma_start3A_203 : memref<1x128xi32, #tpu.memory_space<vmem>> -> memref<128xi32, #tpu.memory_space<vmem>>
      %dma_start3A_205 = arith.constant 0 : i32
      %dma_start3A_206 = tpu.memref_slice %arg16[%dma_start3A_205] : memref<10112xf32, #tpu.memory_space<vmem_shared>> -> memref<10112xf32, #tpu.memory_space<vmem_shared>>
      tpu.enqueue_indirect_dma source(%arg14 : memref<128xf32, #tpu.memory_space<vmem>>) target(%dma_start3A_206 : memref<10112xf32, #tpu.memory_space<vmem_shared>>) offsets(%dma_start3A_204 : memref<128xi32, #tpu.memory_space<vmem>>) semaphore(%arg17 : memref<!tpu.dma_semaphore, #tpu.memory_space<semaphore_mem>>) {add = true}
      %scan3A_207 = arith.constant 0 : i32
      scf.yield %scan3A_207 : i32
    }
    %scan3A_59 = arith.constant 20 : i32
    %dma_wait3A = arith.constant 39 : i32
    %dma_wait3A_60 = arith.constant 0 : i32
    %dma_wait3A_61 = tpu.memref_slice %arg7[%dma_wait3A, %dma_wait3A_60] : memref<40x128xi32, #tpu.memory_space<vmem>> -> memref<1x128xi32, #tpu.memory_space<vmem>>
    %dma_wait3A_62 = tpu.memref_squeeze %dma_wait3A_61 : memref<1x128xi32, #tpu.memory_space<vmem>> -> memref<128xi32, #tpu.memory_space<vmem>>
    %dma_wait3A_63 = arith.constant 0 : i32
    %dma_wait3A_64 = arith.constant 0 : i32
    %dma_wait3A_65 = tpu.memref_slice %arg11[%dma_wait3A_63, %dma_wait3A_64] : memref<10112x128xf32, #tpu.memory_space<vmem_shared>> -> memref<10112x128xf32, #tpu.memory_space<vmem_shared>>
    tpu.wait_indirect_dma semaphore(%arg13 : memref<!tpu.dma_semaphore, #tpu.memory_space<semaphore_mem>>) src(%arg9 : memref<128x128xf32, #tpu.memory_space<vmem>>) dst(%dma_wait3A_65 : memref<10112x128xf32, #tpu.memory_space<vmem_shared>>)
    %dma_wait3A_66 = arith.constant 39 : i32
    %dma_wait3A_67 = arith.constant 0 : i32
    %dma_wait3A_68 = tpu.memref_slice %arg7[%dma_wait3A_66, %dma_wait3A_67] : memref<40x128xi32, #tpu.memory_space<vmem>> -> memref<1x128xi32, #tpu.memory_space<vmem>>
    %dma_wait3A_69 = tpu.memref_squeeze %dma_wait3A_68 : memref<1x128xi32, #tpu.memory_space<vmem>> -> memref<128xi32, #tpu.memory_space<vmem>>
    %dma_wait3A_70 = arith.constant 0 : i32
    %dma_wait3A_71 = tpu.memref_slice %arg16[%dma_wait3A_70] : memref<10112xf32, #tpu.memory_space<vmem_shared>> -> memref<10112xf32, #tpu.memory_space<vmem_shared>>
    tpu.wait_indirect_dma semaphore(%arg17 : memref<!tpu.dma_semaphore, #tpu.memory_space<semaphore_mem>>) src(%arg14 : memref<128xf32, #tpu.memory_space<vmem>>) dst(%dma_wait3A_71 : memref<10112xf32, #tpu.memory_space<vmem_shared>>)
    %mul3A_72 = arith.constant 80 : i32
    %mul3A_73 = arith.muli %add3A, %mul3A_72 : i32
    %add3A_74 = arith.constant 40 : i32
    %add3A_75 = arith.addi %mul3A_73, %add3A_74 : i32
    %run_scoped3A_76 = arith.constant 0 : i32
    "tpu.region"() ({
      %run_scoped3A_117 = tpu.sem_alloc : memref<!tpu.dma_semaphore, #tpu.memory_space<semaphore_mem>>
      %dma_start3A_118 = arith.constant 0 : i32
      %dma_start3A_119 = tpu.memref_slice %arg3[%run_scoped3A_76, %add3A_75, %dma_start3A_118] : memref<2x2560x128xi32, #tpu.memory_space<hbm>> -> memref<1x40x128xi32, #tpu.memory_space<hbm>>
      %dma_start3A_120 = tpu.memref_squeeze %dma_start3A_119 : memref<1x40x128xi32, #tpu.memory_space<hbm>> -> memref<40x128xi32, #tpu.memory_space<hbm>>
      %dma_start3A_121 = arith.constant 0 : i32
      %dma_start3A_122 = tpu.memref_slice %arg3[%run_scoped3A_76, %add3A_75, %dma_start3A_121] : memref<2x2560x128xi32, #tpu.memory_space<hbm>> -> memref<1x40x128xi32, #tpu.memory_space<hbm>>
      %dma_start3A_123 = tpu.memref_squeeze %dma_start3A_122 : memref<1x40x128xi32, #tpu.memory_space<hbm>> -> memref<40x128xi32, #tpu.memory_space<hbm>>
      tpu.enqueue_dma source(%dma_start3A_123 : memref<40x128xi32, #tpu.memory_space<hbm>>) target(%arg6 : memref<40x128xi32, #tpu.memory_space<vmem>>) target_semaphore(%run_scoped3A_117 : memref<!tpu.dma_semaphore, #tpu.memory_space<semaphore_mem>>)
      %dma_wait3A_124 = arith.constant 0 : i32
      %dma_wait3A_125 = tpu.memref_slice %arg3[%run_scoped3A_76, %add3A_75, %dma_wait3A_124] : memref<2x2560x128xi32, #tpu.memory_space<hbm>> -> memref<1x40x128xi32, #tpu.memory_space<hbm>>
      %dma_wait3A_126 = tpu.memref_squeeze %dma_wait3A_125 : memref<1x40x128xi32, #tpu.memory_space<hbm>> -> memref<40x128xi32, #tpu.memory_space<hbm>>
      %dma_wait3A_127 = arith.constant 0 : i32
      %dma_wait3A_128 = tpu.memref_slice %arg3[%run_scoped3A_76, %add3A_75, %dma_wait3A_127] : memref<2x2560x128xi32, #tpu.memory_space<hbm>> -> memref<1x40x128xi32, #tpu.memory_space<hbm>>
      %dma_wait3A_129 = tpu.memref_squeeze %dma_wait3A_128 : memref<1x40x128xi32, #tpu.memory_space<hbm>> -> memref<40x128xi32, #tpu.memory_space<hbm>>
      tpu.wait_dma2 semaphore(%run_scoped3A_117 : memref<!tpu.dma_semaphore, #tpu.memory_space<semaphore_mem>>) src(%dma_wait3A_129 : memref<40x128xi32, #tpu.memory_space<hbm>>) dst(%arg6 : memref<40x128xi32, #tpu.memory_space<vmem>>)
      tpu.yield
    }) : () -> ()
    %run_scoped3A_77 = arith.constant 1 : i32
    "tpu.region"() ({
      %run_scoped3A_117 = tpu.sem_alloc : memref<!tpu.dma_semaphore, #tpu.memory_space<semaphore_mem>>
      %dma_start3A_118 = arith.constant 0 : i32
      %dma_start3A_119 = tpu.memref_slice %arg3[%run_scoped3A_77, %add3A_75, %dma_start3A_118] : memref<2x2560x128xi32, #tpu.memory_space<hbm>> -> memref<1x40x128xi32, #tpu.memory_space<hbm>>
      %dma_start3A_120 = tpu.memref_squeeze %dma_start3A_119 : memref<1x40x128xi32, #tpu.memory_space<hbm>> -> memref<40x128xi32, #tpu.memory_space<hbm>>
      %dma_start3A_121 = arith.constant 0 : i32
      %dma_start3A_122 = tpu.memref_slice %arg3[%run_scoped3A_77, %add3A_75, %dma_start3A_121] : memref<2x2560x128xi32, #tpu.memory_space<hbm>> -> memref<1x40x128xi32, #tpu.memory_space<hbm>>
      %dma_start3A_123 = tpu.memref_squeeze %dma_start3A_122 : memref<1x40x128xi32, #tpu.memory_space<hbm>> -> memref<40x128xi32, #tpu.memory_space<hbm>>
      tpu.enqueue_dma source(%dma_start3A_123 : memref<40x128xi32, #tpu.memory_space<hbm>>) target(%arg7 : memref<40x128xi32, #tpu.memory_space<vmem>>) target_semaphore(%run_scoped3A_117 : memref<!tpu.dma_semaphore, #tpu.memory_space<semaphore_mem>>)
      %dma_wait3A_124 = arith.constant 0 : i32
      %dma_wait3A_125 = tpu.memref_slice %arg3[%run_scoped3A_77, %add3A_75, %dma_wait3A_124] : memref<2x2560x128xi32, #tpu.memory_space<hbm>> -> memref<1x40x128xi32, #tpu.memory_space<hbm>>
      %dma_wait3A_126 = tpu.memref_squeeze %dma_wait3A_125 : memref<1x40x128xi32, #tpu.memory_space<hbm>> -> memref<40x128xi32, #tpu.memory_space<hbm>>
      %dma_wait3A_127 = arith.constant 0 : i32
      %dma_wait3A_128 = tpu.memref_slice %arg3[%run_scoped3A_77, %add3A_75, %dma_wait3A_127] : memref<2x2560x128xi32, #tpu.memory_space<hbm>> -> memref<1x40x128xi32, #tpu.memory_space<hbm>>
      %dma_wait3A_129 = tpu.memref_squeeze %dma_wait3A_128 : memref<1x40x128xi32, #tpu.memory_space<hbm>> -> memref<40x128xi32, #tpu.memory_space<hbm>>
      tpu.wait_dma2 semaphore(%run_scoped3A_117 : memref<!tpu.dma_semaphore, #tpu.memory_space<semaphore_mem>>) src(%dma_wait3A_129 : memref<40x128xi32, #tpu.memory_space<hbm>>) dst(%arg7 : memref<40x128xi32, #tpu.memory_space<vmem>>)
      tpu.yield
    }) : () -> ()
    %dma_start3A_78 = arith.constant 0 : i32
    %dma_start3A_79 = arith.constant 0 : i32
    %dma_start3A_80 = arith.constant 0 : i32
    %dma_start3A_81 = arith.constant 0 : i32
    %dma_start3A_82 = tpu.memref_slice %arg8[%dma_start3A_79, %dma_start3A_80, %dma_start3A_81] : memref<2x128x64xi32, #tpu.memory_space<vmem>> -> memref<1x128x64xi32, #tpu.memory_space<vmem>>
    %dma_start3A_83 = tpu.memref_squeeze %dma_start3A_82 : memref<1x128x64xi32, #tpu.memory_space<vmem>> -> memref<128x64xi32, #tpu.memory_space<vmem>>
    %dma_start3A_84 = arith.constant 0 : i32
    %dma_start3A_85 = tpu.memref_slice %arg6[%dma_start3A_78, %dma_start3A_84] : memref<40x128xi32, #tpu.memory_space<vmem>> -> memref<1x128xi32, #tpu.memory_space<vmem>>
    %dma_start3A_86 = tpu.memref_squeeze %dma_start3A_85 : memref<1x128xi32, #tpu.memory_space<vmem>> -> memref<128xi32, #tpu.memory_space<vmem>>
    %dma_start3A_87 = arith.constant 0 : i32
    %dma_start3A_88 = arith.constant 0 : i32
    %dma_start3A_89 = tpu.memref_slice %arg2[%dma_start3A_87, %dma_start3A_88] : memref<10000x64xi32, #tpu.memory_space<hbm>> -> memref<10000x64xi32, #tpu.memory_space<hbm>>
    tpu.enqueue_indirect_dma source(%dma_start3A_89 : memref<10000x64xi32, #tpu.memory_space<hbm>>) target(%dma_start3A_83 : memref<128x64xi32, #tpu.memory_space<vmem>>) offsets(%dma_start3A_86 : memref<128xi32, #tpu.memory_space<vmem>>) semaphore(%arg12 : memref<!tpu.dma_semaphore, #tpu.memory_space<semaphore_mem>>)
    %scan3A_90 = arith.constant 0 : i32
    %scan3A_91 = arith.constant 0 : i32
    %scan3A_92 = arith.constant 20 : i32
    %scan3A_93 = arith.addi %scan3A_91, %scan3A_92 : i32
    %scan3A_94 = arith.constant 1 : i32
    %scan3A_95 = scf.for %scan3A_117 = %scan3A_91 to %scan3A_93 step %scan3A_94 iter_args(%scan3A_118 = %scan3A_90) -> (i32)  : i32 {
      %mul3A_119 = arith.constant 2 : i32
      %mul3A_120 = arith.muli %scan3A_117, %mul3A_119 : i32
      %add3A_121 = arith.constant 0 : i32
      %add3A_122 = arith.addi %mul3A_120, %add3A_121 : i32
      %dma_wait3A_123 = arith.constant 0 : i32
      %dma_wait3A_124 = arith.constant 0 : i32
      %dma_wait3A_125 = arith.constant 0 : i32
      %dma_wait3A_126 = tpu.memref_slice %arg8[%dma_wait3A_123, %dma_wait3A_124, %dma_wait3A_125] : memref<2x128x64xi32, #tpu.memory_space<vmem>> -> memref<1x128x64xi32, #tpu.memory_space<vmem>>
      %dma_wait3A_127 = tpu.memref_squeeze %dma_wait3A_126 : memref<1x128x64xi32, #tpu.memory_space<vmem>> -> memref<128x64xi32, #tpu.memory_space<vmem>>
      %dma_wait3A_128 = arith.constant 0 : i32
      %dma_wait3A_129 = tpu.memref_slice %arg6[%add3A_122, %dma_wait3A_128] : memref<40x128xi32, #tpu.memory_space<vmem>> -> memref<1x128xi32, #tpu.memory_space<vmem>>
      %dma_wait3A_130 = tpu.memref_squeeze %dma_wait3A_129 : memref<1x128xi32, #tpu.memory_space<vmem>> -> memref<128xi32, #tpu.memory_space<vmem>>
      %dma_wait3A_131 = arith.constant 0 : i32
      %dma_wait3A_132 = arith.constant 0 : i32
      %dma_wait3A_133 = tpu.memref_slice %arg2[%dma_wait3A_131, %dma_wait3A_132] : memref<10000x64xi32, #tpu.memory_space<hbm>> -> memref<10000x64xi32, #tpu.memory_space<hbm>>
      tpu.wait_indirect_dma semaphore(%arg12 : memref<!tpu.dma_semaphore, #tpu.memory_space<semaphore_mem>>) src(%dma_wait3A_133 : memref<10000x64xi32, #tpu.memory_space<hbm>>) dst(%dma_wait3A_127 : memref<128x64xi32, #tpu.memory_space<vmem>>)
      %add3A_134 = arith.constant 1 : i32
      %add3A_135 = arith.addi %add3A_122, %add3A_134 : i32
      %lt3A = arith.constant 40 : i32
      %lt3A_136 = arith.cmpi slt, %add3A_135, %lt3A : i32
      %convert_element_type3A_137 = arith.extui %lt3A_136 : i1 to i32
      %cond3A_138 = arith.constant 0 : i32
      %cond3A_139 = arith.cmpi ne, %convert_element_type3A_137, %cond3A_138 : i32
      scf.if %cond3A_139 {
        %add3A_208 = arith.constant 1 : i32
        %add3A_209 = arith.addi %add3A_122, %add3A_208 : i32
        %dma_start3A_210 = arith.constant 1 : i32
        %dma_start3A_211 = arith.constant 0 : i32
        %dma_start3A_212 = arith.constant 0 : i32
        %dma_start3A_213 = tpu.memref_slice %arg8[%dma_start3A_210, %dma_start3A_211, %dma_start3A_212] : memref<2x128x64xi32, #tpu.memory_space<vmem>> -> memref<1x128x64xi32, #tpu.memory_space<vmem>>
        %dma_start3A_214 = tpu.memref_squeeze %dma_start3A_213 : memref<1x128x64xi32, #tpu.memory_space<vmem>> -> memref<128x64xi32, #tpu.memory_space<vmem>>
        %dma_start3A_215 = arith.constant 0 : i32
        %dma_start3A_216 = tpu.memref_slice %arg6[%add3A_209, %dma_start3A_215] : memref<40x128xi32, #tpu.memory_space<vmem>> -> memref<1x128xi32, #tpu.memory_space<vmem>>
        %dma_start3A_217 = tpu.memref_squeeze %dma_start3A_216 : memref<1x128xi32, #tpu.memory_space<vmem>> -> memref<128xi32, #tpu.memory_space<vmem>>
        %dma_start3A_218 = arith.constant 0 : i32
        %dma_start3A_219 = arith.constant 0 : i32
        %dma_start3A_220 = tpu.memref_slice %arg2[%dma_start3A_218, %dma_start3A_219] : memref<10000x64xi32, #tpu.memory_space<hbm>> -> memref<10000x64xi32, #tpu.memory_space<hbm>>
        tpu.enqueue_indirect_dma source(%dma_start3A_220 : memref<10000x64xi32, #tpu.memory_space<hbm>>) target(%dma_start3A_214 : memref<128x64xi32, #tpu.memory_space<vmem>>) offsets(%dma_start3A_217 : memref<128xi32, #tpu.memory_space<vmem>>) semaphore(%arg12 : memref<!tpu.dma_semaphore, #tpu.memory_space<semaphore_mem>>)
      } else {
      }
      %ge3A = arith.constant 1 : i32
      %ge3A_140 = arith.cmpi sge, %add3A_122, %ge3A : i32
      %convert_element_type3A_141 = arith.extui %ge3A_140 : i1 to i32
      %cond3A_142 = arith.constant 0 : i32
      %cond3A_143 = arith.cmpi ne, %convert_element_type3A_141, %cond3A_142 : i32
      scf.if %cond3A_143 {
        %sub3A = arith.constant 1 : i32
        %sub3A_208 = arith.subi %add3A_122, %sub3A : i32
        %dma_wait3A_209 = arith.constant 0 : i32
        %dma_wait3A_210 = tpu.memref_slice %arg7[%sub3A_208, %dma_wait3A_209] : memref<40x128xi32, #tpu.memory_space<vmem>> -> memref<1x128xi32, #tpu.memory_space<vmem>>
        %dma_wait3A_211 = tpu.memref_squeeze %dma_wait3A_210 : memref<1x128xi32, #tpu.memory_space<vmem>> -> memref<128xi32, #tpu.memory_space<vmem>>
        %dma_wait3A_212 = arith.constant 0 : i32
        %dma_wait3A_213 = arith.constant 0 : i32
        %dma_wait3A_214 = tpu.memref_slice %arg11[%dma_wait3A_212, %dma_wait3A_213] : memref<10112x128xf32, #tpu.memory_space<vmem_shared>> -> memref<10112x128xf32, #tpu.memory_space<vmem_shared>>
        tpu.wait_indirect_dma semaphore(%arg13 : memref<!tpu.dma_semaphore, #tpu.memory_space<semaphore_mem>>) src(%arg9 : memref<128x128xf32, #tpu.memory_space<vmem>>) dst(%dma_wait3A_214 : memref<10112x128xf32, #tpu.memory_space<vmem_shared>>)
        %sub3A_215 = arith.constant 1 : i32
        %sub3A_216 = arith.subi %add3A_122, %sub3A_215 : i32
        %dma_wait3A_217 = arith.constant 0 : i32
        %dma_wait3A_218 = tpu.memref_slice %arg7[%sub3A_216, %dma_wait3A_217] : memref<40x128xi32, #tpu.memory_space<vmem>> -> memref<1x128xi32, #tpu.memory_space<vmem>>
        %dma_wait3A_219 = tpu.memref_squeeze %dma_wait3A_218 : memref<1x128xi32, #tpu.memory_space<vmem>> -> memref<128xi32, #tpu.memory_space<vmem>>
        %dma_wait3A_220 = arith.constant 0 : i32
        %dma_wait3A_221 = tpu.memref_slice %arg16[%dma_wait3A_220] : memref<10112xf32, #tpu.memory_space<vmem_shared>> -> memref<10112xf32, #tpu.memory_space<vmem_shared>>
        tpu.wait_indirect_dma semaphore(%arg17 : memref<!tpu.dma_semaphore, #tpu.memory_space<semaphore_mem>>) src(%arg14 : memref<128xf32, #tpu.memory_space<vmem>>) dst(%dma_wait3A_221 : memref<10112xf32, #tpu.memory_space<vmem_shared>>)
      } else {
      }
      %scan3A_144 = arith.constant 0 : i32
      %scan3A_145 = arith.constant 0 : i32
      %scan3A_146 = arith.constant 64 : i32
      %scan3A_147 = arith.addi %scan3A_145, %scan3A_146 : i32
      %scan3A_148 = arith.constant 1 : i32
      %scan3A_149 = scf.for %scan3A_208 = %scan3A_145 to %scan3A_147 step %scan3A_148 iter_args(%scan3A_209 = %scan3A_144) -> (i32)  : i32 {
        %mul3A_210 = arith.constant 2 : i32
        %mul3A_211 = arith.muli %scan3A_208, %mul3A_210 : i32
        %add3A_212 = arith.constant 0 : i32
        %add3A_213 = arith.addi %mul3A_211, %add3A_212 : i32
        %get3A = arith.constant 0 : i32
        %get3A_214 = arith.index_cast %get3A : i32 to index
        %get3A_215 = arith.index_cast %add3A_213 : i32 to index
        %get3A_216 = arith.constant 0 : index
        %get3A_217 = tpu.vector_load %arg8[%get3A_214, %get3A_215, %get3A_216] {strides = array<i32>} : memref<2x128x64xi32, #tpu.memory_space<vmem>>, vector<1x1x16xi32>,
        %get3A_218 = vector.shape_cast %get3A_217 : vector<1x1x16xi32> to vector<16xi32>
        %shift_left3A = arith.constant 16 : i32
        %shift_left3A_219 = vector.broadcast %shift_left3A : i32 to vector<16xi32>
        %shift_left3A_220 = arith.shli %get3A_218, %shift_left3A_219 : vector<16xi32>
        %shift_right_arithmetic3A = arith.constant 16 : i32
        %shift_right_arithmetic3A_221 = vector.broadcast %shift_right_arithmetic3A : i32 to vector<16xi32>
        %shift_right_arithmetic3A_222 = arith.shrsi %shift_left3A_220, %shift_right_arithmetic3A_221 : vector<16xi32>
        %convert_element_type3A_223 = arith.sitofp %shift_right_arithmetic3A_222 : vector<16xi32> to vector<16xf32>
        %shift_right_arithmetic3A_224 = arith.constant 16 : i32
        %shift_right_arithmetic3A_225 = vector.broadcast %shift_right_arithmetic3A_224 : i32 to vector<16xi32>
        %shift_right_arithmetic3A_226 = arith.shrsi %get3A_218, %shift_right_arithmetic3A_225 : vector<16xi32>
        %convert_element_type3A_227 = arith.sitofp %shift_right_arithmetic3A_226 : vector<16xi32> to vector<16xf32>
        %swap3A = arith.index_cast %add3A_213 : i32 to index
        %swap3A_228 = arith.constant 0 : index
        %swap3A_229 = tpu.vector_load %arg9[%swap3A, %swap3A_228] {strides = array<i32>} : memref<128x128xf32, #tpu.memory_space<vmem>>, vector<1x16xf32>,
        %swap3A_230 = vector.shape_cast %swap3A_229 : vector<1x16xf32> to vector<16xf32>
        %swap3A_231 = vector.shape_cast %convert_element_type3A_223 : vector<16xf32> to vector<1x16xf32>
        tpu.vector_store %arg9[%swap3A, %swap3A_228], %swap3A_231 {strides = array<i32>} : memref<128x128xf32, #tpu.memory_space<vmem>>, vector<1x16xf32>,
        %swap3A_232 = arith.index_cast %add3A_213 : i32 to index
        %swap3A_233 = arith.constant 64 : index
        %swap3A_234 = tpu.vector_load %arg9[%swap3A_232, %swap3A_233] {strides = array<i32>} : memref<128x128xf32, #tpu.memory_space<vmem>>, vector<1x16xf32>,
        %swap3A_235 = vector.shape_cast %swap3A_234 : vector<1x16xf32> to vector<16xf32>
        %swap3A_236 = vector.shape_cast %convert_element_type3A_227 : vector<16xf32> to vector<1x16xf32>
        tpu.vector_store %arg9[%swap3A_232, %swap3A_233], %swap3A_236 {strides = array<i32>} : memref<128x128xf32, #tpu.memory_space<vmem>>, vector<1x16xf32>,
        %get3A_237 = arith.constant 0 : i32
        %get3A_238 = arith.index_cast %get3A_237 : i32 to index
        %get3A_239 = arith.index_cast %add3A_213 : i32 to index
        %get3A_240 = arith.constant 16 : index
        %get3A_241 = tpu.vector_load %arg8[%get3A_238, %get3A_239, %get3A_240] {strides = array<i32>} : memref<2x128x64xi32, #tpu.memory_space<vmem>>, vector<1x1x16xi32>,
        %get3A_242 = vector.shape_cast %get3A_241 : vector<1x1x16xi32> to vector<16xi32>
        %shift_left3A_243 = arith.constant 16 : i32
        %shift_left3A_244 = vector.broadcast %shift_left3A_243 : i32 to vector<16xi32>
        %shift_left3A_245 = arith.shli %get3A_242, %shift_left3A_244 : vector<16xi32>
        %shift_right_arithmetic3A_246 = arith.constant 16 : i32
        %shift_right_arithmetic3A_247 = vector.broadcast %shift_right_arithmetic3A_246 : i32 to vector<16xi32>
        %shift_right_arithmetic3A_248 = arith.shrsi %shift_left3A_245, %shift_right_arithmetic3A_247 : vector<16xi32>
        %convert_element_type3A_249 = arith.sitofp %shift_right_arithmetic3A_248 : vector<16xi32> to vector<16xf32>
        %shift_right_arithmetic3A_250 = arith.constant 16 : i32
        %shift_right_arithmetic3A_251 = vector.broadcast %shift_right_arithmetic3A_250 : i32 to vector<16xi32>
        %shift_right_arithmetic3A_252 = arith.shrsi %get3A_242, %shift_right_arithmetic3A_251 : vector<16xi32>
        %convert_element_type3A_253 = arith.sitofp %shift_right_arithmetic3A_252 : vector<16xi32> to vector<16xf32>
        %swap3A_254 = arith.index_cast %add3A_213 : i32 to index
        %swap3A_255 = arith.constant 16 : index
        %swap3A_256 = tpu.vector_load %arg9[%swap3A_254, %swap3A_255] {strides = array<i32>} : memref<128x128xf32, #tpu.memory_space<vmem>>, vector<1x16xf32>,
        %swap3A_257 = vector.shape_cast %swap3A_256 : vector<1x16xf32> to vector<16xf32>
        %swap3A_258 = vector.shape_cast %convert_element_type3A_249 : vector<16xf32> to vector<1x16xf32>
        tpu.vector_store %arg9[%swap3A_254, %swap3A_255], %swap3A_258 {strides = array<i32>} : memref<128x128xf32, #tpu.memory_space<vmem>>, vector<1x16xf32>,
        %swap3A_259 = arith.index_cast %add3A_213 : i32 to index
        %swap3A_260 = arith.constant 80 : index
        %swap3A_261 = tpu.vector_load %arg9[%swap3A_259, %swap3A_260] {strides = array<i32>} : memref<128x128xf32, #tpu.memory_space<vmem>>, vector<1x16xf32>,
        %swap3A_262 = vector.shape_cast %swap3A_261 : vector<1x16xf32> to vector<16xf32>
        %swap3A_263 = vector.shape_cast %convert_element_type3A_253 : vector<16xf32> to vector<1x16xf32>
        tpu.vector_store %arg9[%swap3A_259, %swap3A_260], %swap3A_263 {strides = array<i32>} : memref<128x128xf32, #tpu.memory_space<vmem>>, vector<1x16xf32>,
        %get3A_264 = arith.constant 0 : i32
        %get3A_265 = arith.index_cast %get3A_264 : i32 to index
        %get3A_266 = arith.index_cast %add3A_213 : i32 to index
        %get3A_267 = arith.constant 32 : index
        %get3A_268 = tpu.vector_load %arg8[%get3A_265, %get3A_266, %get3A_267] {strides = array<i32>} : memref<2x128x64xi32, #tpu.memory_space<vmem>>, vector<1x1x16xi32>,
        %get3A_269 = vector.shape_cast %get3A_268 : vector<1x1x16xi32> to vector<16xi32>
        %shift_left3A_270 = arith.constant 16 : i32
        %shift_left3A_271 = vector.broadcast %shift_left3A_270 : i32 to vector<16xi32>
        %shift_left3A_272 = arith.shli %get3A_269, %shift_left3A_271 : vector<16xi32>
        %shift_right_arithmetic3A_273 = arith.constant 16 : i32
        %shift_right_arithmetic3A_274 = vector.broadcast %shift_right_arithmetic3A_273 : i32 to vector<16xi32>
        %shift_right_arithmetic3A_275 = arith.shrsi %shift_left3A_272, %shift_right_arithmetic3A_274 : vector<16xi32>
        %convert_element_type3A_276 = arith.sitofp %shift_right_arithmetic3A_275 : vector<16xi32> to vector<16xf32>
        %shift_right_arithmetic3A_277 = arith.constant 16 : i32
        %shift_right_arithmetic3A_278 = vector.broadcast %shift_right_arithmetic3A_277 : i32 to vector<16xi32>
        %shift_right_arithmetic3A_279 = arith.shrsi %get3A_269, %shift_right_arithmetic3A_278 : vector<16xi32>
        %convert_element_type3A_280 = arith.sitofp %shift_right_arithmetic3A_279 : vector<16xi32> to vector<16xf32>
        %swap3A_281 = arith.index_cast %add3A_213 : i32 to index
        %swap3A_282 = arith.constant 32 : index
        %swap3A_283 = tpu.vector_load %arg9[%swap3A_281, %swap3A_282] {strides = array<i32>} : memref<128x128xf32, #tpu.memory_space<vmem>>, vector<1x16xf32>,
        %swap3A_284 = vector.shape_cast %swap3A_283 : vector<1x16xf32> to vector<16xf32>
        %swap3A_285 = vector.shape_cast %convert_element_type3A_276 : vector<16xf32> to vector<1x16xf32>
        tpu.vector_store %arg9[%swap3A_281, %swap3A_282], %swap3A_285 {strides = array<i32>} : memref<128x128xf32, #tpu.memory_space<vmem>>, vector<1x16xf32>,
        %swap3A_286 = arith.index_cast %add3A_213 : i32 to index
        %swap3A_287 = arith.constant 96 : index
        %swap3A_288 = tpu.vector_load %arg9[%swap3A_286, %swap3A_287] {strides = array<i32>} : memref<128x128xf32, #tpu.memory_space<vmem>>, vector<1x16xf32>,
        %swap3A_289 = vector.shape_cast %swap3A_288 : vector<1x16xf32> to vector<16xf32>
        %swap3A_290 = vector.shape_cast %convert_element_type3A_280 : vector<16xf32> to vector<1x16xf32>
        tpu.vector_store %arg9[%swap3A_286, %swap3A_287], %swap3A_290 {strides = array<i32>} : memref<128x128xf32, #tpu.memory_space<vmem>>, vector<1x16xf32>,
        %get3A_291 = arith.constant 0 : i32
        %get3A_292 = arith.index_cast %get3A_291 : i32 to index
        %get3A_293 = arith.index_cast %add3A_213 : i32 to index
        %get3A_294 = arith.constant 48 : index
        %get3A_295 = tpu.vector_load %arg8[%get3A_292, %get3A_293, %get3A_294] {strides = array<i32>} : memref<2x128x64xi32, #tpu.memory_space<vmem>>, vector<1x1x16xi32>,
        %get3A_296 = vector.shape_cast %get3A_295 : vector<1x1x16xi32> to vector<16xi32>
        %shift_left3A_297 = arith.constant 16 : i32
        %shift_left3A_298 = vector.broadcast %shift_left3A_297 : i32 to vector<16xi32>
        %shift_left3A_299 = arith.shli %get3A_296, %shift_left3A_298 : vector<16xi32>
        %shift_right_arithmetic3A_300 = arith.constant 16 : i32
        %shift_right_arithmetic3A_301 = vector.broadcast %shift_right_arithmetic3A_300 : i32 to vector<16xi32>
        %shift_right_arithmetic3A_302 = arith.shrsi %shift_left3A_299, %shift_right_arithmetic3A_301 : vector<16xi32>
        %convert_element_type3A_303 = arith.sitofp %shift_right_arithmetic3A_302 : vector<16xi32> to vector<16xf32>
        %shift_right_arithmetic3A_304 = arith.constant 16 : i32
        %shift_right_arithmetic3A_305 = vector.broadcast %shift_right_arithmetic3A_304 : i32 to vector<16xi32>
        %shift_right_arithmetic3A_306 = arith.shrsi %get3A_296, %shift_right_arithmetic3A_305 : vector<16xi32>
        %convert_element_type3A_307 = arith.sitofp %shift_right_arithmetic3A_306 : vector<16xi32> to vector<16xf32>
        %swap3A_308 = arith.index_cast %add3A_213 : i32 to index
        %swap3A_309 = arith.constant 48 : index
        %swap3A_310 = tpu.vector_load %arg9[%swap3A_308, %swap3A_309] {strides = array<i32>} : memref<128x128xf32, #tpu.memory_space<vmem>>, vector<1x16xf32>,
        %swap3A_311 = vector.shape_cast %swap3A_310 : vector<1x16xf32> to vector<16xf32>
        %swap3A_312 = vector.shape_cast %convert_element_type3A_303 : vector<16xf32> to vector<1x16xf32>
        tpu.vector_store %arg9[%swap3A_308, %swap3A_309], %swap3A_312 {strides = array<i32>} : memref<128x128xf32, #tpu.memory_space<vmem>>, vector<1x16xf32>,
        %swap3A_313 = arith.index_cast %add3A_213 : i32 to index
        %swap3A_314 = arith.constant 112 : index
        %swap3A_315 = tpu.vector_load %arg9[%swap3A_313, %swap3A_314] {strides = array<i32>} : memref<128x128xf32, #tpu.memory_space<vmem>>, vector<1x16xf32>,
        %swap3A_316 = vector.shape_cast %swap3A_315 : vector<1x16xf32> to vector<16xf32>
        %swap3A_317 = vector.shape_cast %convert_element_type3A_307 : vector<16xf32> to vector<1x16xf32>
        tpu.vector_store %arg9[%swap3A_313, %swap3A_314], %swap3A_317 {strides = array<i32>} : memref<128x128xf32, #tpu.memory_space<vmem>>, vector<1x16xf32>,
        %mul3A_318 = arith.constant 2 : i32
        %mul3A_319 = arith.muli %scan3A_208, %mul3A_318 : i32
        %add3A_320 = arith.constant 1 : i32
        %add3A_321 = arith.addi %mul3A_319, %add3A_320 : i32
        %get3A_322 = arith.constant 0 : i32
        %get3A_323 = arith.index_cast %get3A_322 : i32 to index
        %get3A_324 = arith.index_cast %add3A_321 : i32 to index
        %get3A_325 = arith.constant 0 : index
        %get3A_326 = tpu.vector_load %arg8[%get3A_323, %get3A_324, %get3A_325] {strides = array<i32>} : memref<2x128x64xi32, #tpu.memory_space<vmem>>, vector<1x1x16xi32>,
        %get3A_327 = vector.shape_cast %get3A_326 : vector<1x1x16xi32> to vector<16xi32>
        %shift_left3A_328 = arith.constant 16 : i32
        %shift_left3A_329 = vector.broadcast %shift_left3A_328 : i32 to vector<16xi32>
        %shift_left3A_330 = arith.shli %get3A_327, %shift_left3A_329 : vector<16xi32>
        %shift_right_arithmetic3A_331 = arith.constant 16 : i32
        %shift_right_arithmetic3A_332 = vector.broadcast %shift_right_arithmetic3A_331 : i32 to vector<16xi32>
        %shift_right_arithmetic3A_333 = arith.shrsi %shift_left3A_330, %shift_right_arithmetic3A_332 : vector<16xi32>
        %convert_element_type3A_334 = arith.sitofp %shift_right_arithmetic3A_333 : vector<16xi32> to vector<16xf32>
        %shift_right_arithmetic3A_335 = arith.constant 16 : i32
        %shift_right_arithmetic3A_336 = vector.broadcast %shift_right_arithmetic3A_335 : i32 to vector<16xi32>
        %shift_right_arithmetic3A_337 = arith.shrsi %get3A_327, %shift_right_arithmetic3A_336 : vector<16xi32>
        %convert_element_type3A_338 = arith.sitofp %shift_right_arithmetic3A_337 : vector<16xi32> to vector<16xf32>
        %swap3A_339 = arith.index_cast %add3A_321 : i32 to index
        %swap3A_340 = arith.constant 0 : index
        %swap3A_341 = tpu.vector_load %arg9[%swap3A_339, %swap3A_340] {strides = array<i32>} : memref<128x128xf32, #tpu.memory_space<vmem>>, vector<1x16xf32>,
        %swap3A_342 = vector.shape_cast %swap3A_341 : vector<1x16xf32> to vector<16xf32>
        %swap3A_343 = vector.shape_cast %convert_element_type3A_334 : vector<16xf32> to vector<1x16xf32>
        tpu.vector_store %arg9[%swap3A_339, %swap3A_340], %swap3A_343 {strides = array<i32>} : memref<128x128xf32, #tpu.memory_space<vmem>>, vector<1x16xf32>,
        %swap3A_344 = arith.index_cast %add3A_321 : i32 to index
        %swap3A_345 = arith.constant 64 : index
        %swap3A_346 = tpu.vector_load %arg9[%swap3A_344, %swap3A_345] {strides = array<i32>} : memref<128x128xf32, #tpu.memory_space<vmem>>, vector<1x16xf32>,
        %swap3A_347 = vector.shape_cast %swap3A_346 : vector<1x16xf32> to vector<16xf32>
        %swap3A_348 = vector.shape_cast %convert_element_type3A_338 : vector<16xf32> to vector<1x16xf32>
        tpu.vector_store %arg9[%swap3A_344, %swap3A_345], %swap3A_348 {strides = array<i32>} : memref<128x128xf32, #tpu.memory_space<vmem>>, vector<1x16xf32>,
        %get3A_349 = arith.constant 0 : i32
        %get3A_350 = arith.index_cast %get3A_349 : i32 to index
        %get3A_351 = arith.index_cast %add3A_321 : i32 to index
        %get3A_352 = arith.constant 16 : index
        %get3A_353 = tpu.vector_load %arg8[%get3A_350, %get3A_351, %get3A_352] {strides = array<i32>} : memref<2x128x64xi32, #tpu.memory_space<vmem>>, vector<1x1x16xi32>,
        %get3A_354 = vector.shape_cast %get3A_353 : vector<1x1x16xi32> to vector<16xi32>
        %shift_left3A_355 = arith.constant 16 : i32
        %shift_left3A_356 = vector.broadcast %shift_left3A_355 : i32 to vector<16xi32>
        %shift_left3A_357 = arith.shli %get3A_354, %shift_left3A_356 : vector<16xi32>
        %shift_right_arithmetic3A_358 = arith.constant 16 : i32
        %shift_right_arithmetic3A_359 = vector.broadcast %shift_right_arithmetic3A_358 : i32 to vector<16xi32>
        %shift_right_arithmetic3A_360 = arith.shrsi %shift_left3A_357, %shift_right_arithmetic3A_359 : vector<16xi32>
        %convert_element_type3A_361 = arith.sitofp %shift_right_arithmetic3A_360 : vector<16xi32> to vector<16xf32>
        %shift_right_arithmetic3A_362 = arith.constant 16 : i32
        %shift_right_arithmetic3A_363 = vector.broadcast %shift_right_arithmetic3A_362 : i32 to vector<16xi32>
        %shift_right_arithmetic3A_364 = arith.shrsi %get3A_354, %shift_right_arithmetic3A_363 : vector<16xi32>
        %convert_element_type3A_365 = arith.sitofp %shift_right_arithmetic3A_364 : vector<16xi32> to vector<16xf32>
        %swap3A_366 = arith.index_cast %add3A_321 : i32 to index
        %swap3A_367 = arith.constant 16 : index
        %swap3A_368 = tpu.vector_load %arg9[%swap3A_366, %swap3A_367] {strides = array<i32>} : memref<128x128xf32, #tpu.memory_space<vmem>>, vector<1x16xf32>,
        %swap3A_369 = vector.shape_cast %swap3A_368 : vector<1x16xf32> to vector<16xf32>
        %swap3A_370 = vector.shape_cast %convert_element_type3A_361 : vector<16xf32> to vector<1x16xf32>
        tpu.vector_store %arg9[%swap3A_366, %swap3A_367], %swap3A_370 {strides = array<i32>} : memref<128x128xf32, #tpu.memory_space<vmem>>, vector<1x16xf32>,
        %swap3A_371 = arith.index_cast %add3A_321 : i32 to index
        %swap3A_372 = arith.constant 80 : index
        %swap3A_373 = tpu.vector_load %arg9[%swap3A_371, %swap3A_372] {strides = array<i32>} : memref<128x128xf32, #tpu.memory_space<vmem>>, vector<1x16xf32>,
        %swap3A_374 = vector.shape_cast %swap3A_373 : vector<1x16xf32> to vector<16xf32>
        %swap3A_375 = vector.shape_cast %convert_element_type3A_365 : vector<16xf32> to vector<1x16xf32>
        tpu.vector_store %arg9[%swap3A_371, %swap3A_372], %swap3A_375 {strides = array<i32>} : memref<128x128xf32, #tpu.memory_space<vmem>>, vector<1x16xf32>,
        %get3A_376 = arith.constant 0 : i32
        %get3A_377 = arith.index_cast %get3A_376 : i32 to index
        %get3A_378 = arith.index_cast %add3A_321 : i32 to index
        %get3A_379 = arith.constant 32 : index
        %get3A_380 = tpu.vector_load %arg8[%get3A_377, %get3A_378, %get3A_379] {strides = array<i32>} : memref<2x128x64xi32, #tpu.memory_space<vmem>>, vector<1x1x16xi32>,
        %get3A_381 = vector.shape_cast %get3A_380 : vector<1x1x16xi32> to vector<16xi32>
        %shift_left3A_382 = arith.constant 16 : i32
        %shift_left3A_383 = vector.broadcast %shift_left3A_382 : i32 to vector<16xi32>
        %shift_left3A_384 = arith.shli %get3A_381, %shift_left3A_383 : vector<16xi32>
        %shift_right_arithmetic3A_385 = arith.constant 16 : i32
        %shift_right_arithmetic3A_386 = vector.broadcast %shift_right_arithmetic3A_385 : i32 to vector<16xi32>
        %shift_right_arithmetic3A_387 = arith.shrsi %shift_left3A_384, %shift_right_arithmetic3A_386 : vector<16xi32>
        %convert_element_type3A_388 = arith.sitofp %shift_right_arithmetic3A_387 : vector<16xi32> to vector<16xf32>
        %shift_right_arithmetic3A_389 = arith.constant 16 : i32
        %shift_right_arithmetic3A_390 = vector.broadcast %shift_right_arithmetic3A_389 : i32 to vector<16xi32>
        %shift_right_arithmetic3A_391 = arith.shrsi %get3A_381, %shift_right_arithmetic3A_390 : vector<16xi32>
        %convert_element_type3A_392 = arith.sitofp %shift_right_arithmetic3A_391 : vector<16xi32> to vector<16xf32>
        %swap3A_393 = arith.index_cast %add3A_321 : i32 to index
        %swap3A_394 = arith.constant 32 : index
        %swap3A_395 = tpu.vector_load %arg9[%swap3A_393, %swap3A_394] {strides = array<i32>} : memref<128x128xf32, #tpu.memory_space<vmem>>, vector<1x16xf32>,
        %swap3A_396 = vector.shape_cast %swap3A_395 : vector<1x16xf32> to vector<16xf32>
        %swap3A_397 = vector.shape_cast %convert_element_type3A_388 : vector<16xf32> to vector<1x16xf32>
        tpu.vector_store %arg9[%swap3A_393, %swap3A_394], %swap3A_397 {strides = array<i32>} : memref<128x128xf32, #tpu.memory_space<vmem>>, vector<1x16xf32>,
        %swap3A_398 = arith.index_cast %add3A_321 : i32 to index
        %swap3A_399 = arith.constant 96 : index
        %swap3A_400 = tpu.vector_load %arg9[%swap3A_398, %swap3A_399] {strides = array<i32>} : memref<128x128xf32, #tpu.memory_space<vmem>>, vector<1x16xf32>,
        %swap3A_401 = vector.shape_cast %swap3A_400 : vector<1x16xf32> to vector<16xf32>
        %swap3A_402 = vector.shape_cast %convert_element_type3A_392 : vector<16xf32> to vector<1x16xf32>
        tpu.vector_store %arg9[%swap3A_398, %swap3A_399], %swap3A_402 {strides = array<i32>} : memref<128x128xf32, #tpu.memory_space<vmem>>, vector<1x16xf32>,
        %get3A_403 = arith.constant 0 : i32
        %get3A_404 = arith.index_cast %get3A_403 : i32 to index
        %get3A_405 = arith.index_cast %add3A_321 : i32 to index
        %get3A_406 = arith.constant 48 : index
        %get3A_407 = tpu.vector_load %arg8[%get3A_404, %get3A_405, %get3A_406] {strides = array<i32>} : memref<2x128x64xi32, #tpu.memory_space<vmem>>, vector<1x1x16xi32>,
        %get3A_408 = vector.shape_cast %get3A_407 : vector<1x1x16xi32> to vector<16xi32>
        %shift_left3A_409 = arith.constant 16 : i32
        %shift_left3A_410 = vector.broadcast %shift_left3A_409 : i32 to vector<16xi32>
        %shift_left3A_411 = arith.shli %get3A_408, %shift_left3A_410 : vector<16xi32>
        %shift_right_arithmetic3A_412 = arith.constant 16 : i32
        %shift_right_arithmetic3A_413 = vector.broadcast %shift_right_arithmetic3A_412 : i32 to vector<16xi32>
        %shift_right_arithmetic3A_414 = arith.shrsi %shift_left3A_411, %shift_right_arithmetic3A_413 : vector<16xi32>
        %convert_element_type3A_415 = arith.sitofp %shift_right_arithmetic3A_414 : vector<16xi32> to vector<16xf32>
        %shift_right_arithmetic3A_416 = arith.constant 16 : i32
        %shift_right_arithmetic3A_417 = vector.broadcast %shift_right_arithmetic3A_416 : i32 to vector<16xi32>
        %shift_right_arithmetic3A_418 = arith.shrsi %get3A_408, %shift_right_arithmetic3A_417 : vector<16xi32>
        %convert_element_type3A_419 = arith.sitofp %shift_right_arithmetic3A_418 : vector<16xi32> to vector<16xf32>
        %swap3A_420 = arith.index_cast %add3A_321 : i32 to index
        %swap3A_421 = arith.constant 48 : index
        %swap3A_422 = tpu.vector_load %arg9[%swap3A_420, %swap3A_421] {strides = array<i32>} : memref<128x128xf32, #tpu.memory_space<vmem>>, vector<1x16xf32>,
        %swap3A_423 = vector.shape_cast %swap3A_422 : vector<1x16xf32> to vector<16xf32>
        %swap3A_424 = vector.shape_cast %convert_element_type3A_415 : vector<16xf32> to vector<1x16xf32>
        tpu.vector_store %arg9[%swap3A_420, %swap3A_421], %swap3A_424 {strides = array<i32>} : memref<128x128xf32, #tpu.memory_space<vmem>>, vector<1x16xf32>,
        %swap3A_425 = arith.index_cast %add3A_321 : i32 to index
        %swap3A_426 = arith.constant 112 : index
        %swap3A_427 = tpu.vector_load %arg9[%swap3A_425, %swap3A_426] {strides = array<i32>} : memref<128x128xf32, #tpu.memory_space<vmem>>, vector<1x16xf32>,
        %swap3A_428 = vector.shape_cast %swap3A_427 : vector<1x16xf32> to vector<16xf32>
        %swap3A_429 = vector.shape_cast %convert_element_type3A_419 : vector<16xf32> to vector<1x16xf32>
        tpu.vector_store %arg9[%swap3A_425, %swap3A_426], %swap3A_429 {strides = array<i32>} : memref<128x128xf32, #tpu.memory_space<vmem>>, vector<1x16xf32>,
        %scan3A_430 = arith.constant 0 : i32
        scf.yield %scan3A_430 : i32
      }
      %scan3A_150 = arith.constant 64 : i32
      %dma_start3A_151 = arith.constant 0 : i32
      %dma_start3A_152 = tpu.memref_slice %arg7[%add3A_122, %dma_start3A_151] : memref<40x128xi32, #tpu.memory_space<vmem>> -> memref<1x128xi32, #tpu.memory_space<vmem>>
      %dma_start3A_153 = tpu.memref_squeeze %dma_start3A_152 : memref<1x128xi32, #tpu.memory_space<vmem>> -> memref<128xi32, #tpu.memory_space<vmem>>
      %dma_start3A_154 = arith.constant 0 : i32
      %dma_start3A_155 = arith.constant 0 : i32
      %dma_start3A_156 = tpu.memref_slice %arg11[%dma_start3A_154, %dma_start3A_155] : memref<10112x128xf32, #tpu.memory_space<vmem_shared>> -> memref<10112x128xf32, #tpu.memory_space<vmem_shared>>
      tpu.enqueue_indirect_dma source(%arg9 : memref<128x128xf32, #tpu.memory_space<vmem>>) target(%dma_start3A_156 : memref<10112x128xf32, #tpu.memory_space<vmem_shared>>) offsets(%dma_start3A_153 : memref<128xi32, #tpu.memory_space<vmem>>) semaphore(%arg13 : memref<!tpu.dma_semaphore, #tpu.memory_space<semaphore_mem>>) {add = true}
      %dma_start3A_157 = arith.constant 0 : i32
      %dma_start3A_158 = tpu.memref_slice %arg7[%add3A_122, %dma_start3A_157] : memref<40x128xi32, #tpu.memory_space<vmem>> -> memref<1x128xi32, #tpu.memory_space<vmem>>
      %dma_start3A_159 = tpu.memref_squeeze %dma_start3A_158 : memref<1x128xi32, #tpu.memory_space<vmem>> -> memref<128xi32, #tpu.memory_space<vmem>>
      %dma_start3A_160 = arith.constant 0 : i32
      %dma_start3A_161 = tpu.memref_slice %arg16[%dma_start3A_160] : memref<10112xf32, #tpu.memory_space<vmem_shared>> -> memref<10112xf32, #tpu.memory_space<vmem_shared>>
      tpu.enqueue_indirect_dma source(%arg14 : memref<128xf32, #tpu.memory_space<vmem>>) target(%dma_start3A_161 : memref<10112xf32, #tpu.memory_space<vmem_shared>>) offsets(%dma_start3A_159 : memref<128xi32, #tpu.memory_space<vmem>>) semaphore(%arg17 : memref<!tpu.dma_semaphore, #tpu.memory_space<semaphore_mem>>) {add = true}
      %mul3A_162 = arith.constant 2 : i32
      %mul3A_163 = arith.muli %scan3A_117, %mul3A_162 : i32
      %add3A_164 = arith.constant 1 : i32
      %add3A_165 = arith.addi %mul3A_163, %add3A_164 : i32
      %dma_wait3A_166 = arith.constant 1 : i32
      %dma_wait3A_167 = arith.constant 0 : i32
      %dma_wait3A_168 = arith.constant 0 : i32
      %dma_wait3A_169 = tpu.memref_slice %arg8[%dma_wait3A_166, %dma_wait3A_167, %dma_wait3A_168] : memref<2x128x64xi32, #tpu.memory_space<vmem>> -> memref<1x128x64xi32, #tpu.memory_space<vmem>>
      %dma_wait3A_170 = tpu.memref_squeeze %dma_wait3A_169 : memref<1x128x64xi32, #tpu.memory_space<vmem>> -> memref<128x64xi32, #tpu.memory_space<vmem>>
      %dma_wait3A_171 = arith.constant 0 : i32
      %dma_wait3A_172 = tpu.memref_slice %arg6[%add3A_165, %dma_wait3A_171] : memref<40x128xi32, #tpu.memory_space<vmem>> -> memref<1x128xi32, #tpu.memory_space<vmem>>
      %dma_wait3A_173 = tpu.memref_squeeze %dma_wait3A_172 : memref<1x128xi32, #tpu.memory_space<vmem>> -> memref<128xi32, #tpu.memory_space<vmem>>
      %dma_wait3A_174 = arith.constant 0 : i32
      %dma_wait3A_175 = arith.constant 0 : i32
      %dma_wait3A_176 = tpu.memref_slice %arg2[%dma_wait3A_174, %dma_wait3A_175] : memref<10000x64xi32, #tpu.memory_space<hbm>> -> memref<10000x64xi32, #tpu.memory_space<hbm>>
      tpu.wait_indirect_dma semaphore(%arg12 : memref<!tpu.dma_semaphore, #tpu.memory_space<semaphore_mem>>) src(%dma_wait3A_176 : memref<10000x64xi32, #tpu.memory_space<hbm>>) dst(%dma_wait3A_170 : memref<128x64xi32, #tpu.memory_space<vmem>>)
      %add3A_177 = arith.constant 1 : i32
      %add3A_178 = arith.addi %add3A_165, %add3A_177 : i32
      %lt3A_179 = arith.constant 40 : i32
      %lt3A_180 = arith.cmpi slt, %add3A_178, %lt3A_179 : i32
      %convert_element_type3A_181 = arith.extui %lt3A_180 : i1 to i32
      %cond3A_182 = arith.constant 0 : i32
      %cond3A_183 = arith.cmpi ne, %convert_element_type3A_181, %cond3A_182 : i32
      scf.if %cond3A_183 {
        %add3A_208 = arith.constant 1 : i32
        %add3A_209 = arith.addi %add3A_165, %add3A_208 : i32
        %dma_start3A_210 = arith.constant 0 : i32
        %dma_start3A_211 = arith.constant 0 : i32
        %dma_start3A_212 = arith.constant 0 : i32
        %dma_start3A_213 = tpu.memref_slice %arg8[%dma_start3A_210, %dma_start3A_211, %dma_start3A_212] : memref<2x128x64xi32, #tpu.memory_space<vmem>> -> memref<1x128x64xi32, #tpu.memory_space<vmem>>
        %dma_start3A_214 = tpu.memref_squeeze %dma_start3A_213 : memref<1x128x64xi32, #tpu.memory_space<vmem>> -> memref<128x64xi32, #tpu.memory_space<vmem>>
        %dma_start3A_215 = arith.constant 0 : i32
        %dma_start3A_216 = tpu.memref_slice %arg6[%add3A_209, %dma_start3A_215] : memref<40x128xi32, #tpu.memory_space<vmem>> -> memref<1x128xi32, #tpu.memory_space<vmem>>
        %dma_start3A_217 = tpu.memref_squeeze %dma_start3A_216 : memref<1x128xi32, #tpu.memory_space<vmem>> -> memref<128xi32, #tpu.memory_space<vmem>>
        %dma_start3A_218 = arith.constant 0 : i32
        %dma_start3A_219 = arith.constant 0 : i32
        %dma_start3A_220 = tpu.memref_slice %arg2[%dma_start3A_218, %dma_start3A_219] : memref<10000x64xi32, #tpu.memory_space<hbm>> -> memref<10000x64xi32, #tpu.memory_space<hbm>>
        tpu.enqueue_indirect_dma source(%dma_start3A_220 : memref<10000x64xi32, #tpu.memory_space<hbm>>) target(%dma_start3A_214 : memref<128x64xi32, #tpu.memory_space<vmem>>) offsets(%dma_start3A_217 : memref<128xi32, #tpu.memory_space<vmem>>) semaphore(%arg12 : memref<!tpu.dma_semaphore, #tpu.memory_space<semaphore_mem>>)
      } else {
      }
      %ge3A_184 = arith.constant 1 : i32
      %ge3A_185 = arith.cmpi sge, %add3A_165, %ge3A_184 : i32
      %convert_element_type3A_186 = arith.extui %ge3A_185 : i1 to i32
      %cond3A_187 = arith.constant 0 : i32
      %cond3A_188 = arith.cmpi ne, %convert_element_type3A_186, %cond3A_187 : i32
      scf.if %cond3A_188 {
        %sub3A = arith.constant 1 : i32
        %sub3A_208 = arith.subi %add3A_165, %sub3A : i32
        %dma_wait3A_209 = arith.constant 0 : i32
        %dma_wait3A_210 = tpu.memref_slice %arg7[%sub3A_208, %dma_wait3A_209] : memref<40x128xi32, #tpu.memory_space<vmem>> -> memref<1x128xi32, #tpu.memory_space<vmem>>
        %dma_wait3A_211 = tpu.memref_squeeze %dma_wait3A_210 : memref<1x128xi32, #tpu.memory_space<vmem>> -> memref<128xi32, #tpu.memory_space<vmem>>
        %dma_wait3A_212 = arith.constant 0 : i32
        %dma_wait3A_213 = arith.constant 0 : i32
        %dma_wait3A_214 = tpu.memref_slice %arg11[%dma_wait3A_212, %dma_wait3A_213] : memref<10112x128xf32, #tpu.memory_space<vmem_shared>> -> memref<10112x128xf32, #tpu.memory_space<vmem_shared>>
        tpu.wait_indirect_dma semaphore(%arg13 : memref<!tpu.dma_semaphore, #tpu.memory_space<semaphore_mem>>) src(%arg9 : memref<128x128xf32, #tpu.memory_space<vmem>>) dst(%dma_wait3A_214 : memref<10112x128xf32, #tpu.memory_space<vmem_shared>>)
        %sub3A_215 = arith.constant 1 : i32
        %sub3A_216 = arith.subi %add3A_165, %sub3A_215 : i32
        %dma_wait3A_217 = arith.constant 0 : i32
        %dma_wait3A_218 = tpu.memref_slice %arg7[%sub3A_216, %dma_wait3A_217] : memref<40x128xi32, #tpu.memory_space<vmem>> -> memref<1x128xi32, #tpu.memory_space<vmem>>
        %dma_wait3A_219 = tpu.memref_squeeze %dma_wait3A_218 : memref<1x128xi32, #tpu.memory_space<vmem>> -> memref<128xi32, #tpu.memory_space<vmem>>
        %dma_wait3A_220 = arith.constant 0 : i32
        %dma_wait3A_221 = tpu.memref_slice %arg16[%dma_wait3A_220] : memref<10112xf32, #tpu.memory_space<vmem_shared>> -> memref<10112xf32, #tpu.memory_space<vmem_shared>>
        tpu.wait_indirect_dma semaphore(%arg17 : memref<!tpu.dma_semaphore, #tpu.memory_space<semaphore_mem>>) src(%arg14 : memref<128xf32, #tpu.memory_space<vmem>>) dst(%dma_wait3A_221 : memref<10112xf32, #tpu.memory_space<vmem_shared>>)
      } else {
      }
      %scan3A_189 = arith.constant 0 : i32
      %scan3A_190 = arith.constant 0 : i32
      %scan3A_191 = arith.constant 64 : i32
      %scan3A_192 = arith.addi %scan3A_190, %scan3A_191 : i32
      %scan3A_193 = arith.constant 1 : i32
      %scan3A_194 = scf.for %scan3A_208 = %scan3A_190 to %scan3A_192 step %scan3A_193 iter_args(%scan3A_209 = %scan3A_189) -> (i32)  : i32 {
        %mul3A_210 = arith.constant 2 : i32
        %mul3A_211 = arith.muli %scan3A_208, %mul3A_210 : i32
        %add3A_212 = arith.constant 0 : i32
        %add3A_213 = arith.addi %mul3A_211, %add3A_212 : i32
        %get3A = arith.constant 1 : i32
        %get3A_214 = arith.index_cast %get3A : i32 to index
        %get3A_215 = arith.index_cast %add3A_213 : i32 to index
        %get3A_216 = arith.constant 0 : index
        %get3A_217 = tpu.vector_load %arg8[%get3A_214, %get3A_215, %get3A_216] {strides = array<i32>} : memref<2x128x64xi32, #tpu.memory_space<vmem>>, vector<1x1x16xi32>,
        %get3A_218 = vector.shape_cast %get3A_217 : vector<1x1x16xi32> to vector<16xi32>
        %shift_left3A = arith.constant 16 : i32
        %shift_left3A_219 = vector.broadcast %shift_left3A : i32 to vector<16xi32>
        %shift_left3A_220 = arith.shli %get3A_218, %shift_left3A_219 : vector<16xi32>
        %shift_right_arithmetic3A = arith.constant 16 : i32
        %shift_right_arithmetic3A_221 = vector.broadcast %shift_right_arithmetic3A : i32 to vector<16xi32>
        %shift_right_arithmetic3A_222 = arith.shrsi %shift_left3A_220, %shift_right_arithmetic3A_221 : vector<16xi32>
        %convert_element_type3A_223 = arith.sitofp %shift_right_arithmetic3A_222 : vector<16xi32> to vector<16xf32>
        %shift_right_arithmetic3A_224 = arith.constant 16 : i32
        %shift_right_arithmetic3A_225 = vector.broadcast %shift_right_arithmetic3A_224 : i32 to vector<16xi32>
        %shift_right_arithmetic3A_226 = arith.shrsi %get3A_218, %shift_right_arithmetic3A_225 : vector<16xi32>
        %convert_element_type3A_227 = arith.sitofp %shift_right_arithmetic3A_226 : vector<16xi32> to vector<16xf32>
        %swap3A = arith.index_cast %add3A_213 : i32 to index
        %swap3A_228 = arith.constant 0 : index
        %swap3A_229 = tpu.vector_load %arg9[%swap3A, %swap3A_228] {strides = array<i32>} : memref<128x128xf32, #tpu.memory_space<vmem>>, vector<1x16xf32>,
        %swap3A_230 = vector.shape_cast %swap3A_229 : vector<1x16xf32> to vector<16xf32>
        %swap3A_231 = vector.shape_cast %convert_element_type3A_223 : vector<16xf32> to vector<1x16xf32>
        tpu.vector_store %arg9[%swap3A, %swap3A_228], %swap3A_231 {strides = array<i32>} : memref<128x128xf32, #tpu.memory_space<vmem>>, vector<1x16xf32>,
        %swap3A_232 = arith.index_cast %add3A_213 : i32 to index
        %swap3A_233 = arith.constant 64 : index
        %swap3A_234 = tpu.vector_load %arg9[%swap3A_232, %swap3A_233] {strides = array<i32>} : memref<128x128xf32, #tpu.memory_space<vmem>>, vector<1x16xf32>,
        %swap3A_235 = vector.shape_cast %swap3A_234 : vector<1x16xf32> to vector<16xf32>
        %swap3A_236 = vector.shape_cast %convert_element_type3A_227 : vector<16xf32> to vector<1x16xf32>
        tpu.vector_store %arg9[%swap3A_232, %swap3A_233], %swap3A_236 {strides = array<i32>} : memref<128x128xf32, #tpu.memory_space<vmem>>, vector<1x16xf32>,
        %get3A_237 = arith.constant 1 : i32
        %get3A_238 = arith.index_cast %get3A_237 : i32 to index
        %get3A_239 = arith.index_cast %add3A_213 : i32 to index
        %get3A_240 = arith.constant 16 : index
        %get3A_241 = tpu.vector_load %arg8[%get3A_238, %get3A_239, %get3A_240] {strides = array<i32>} : memref<2x128x64xi32, #tpu.memory_space<vmem>>, vector<1x1x16xi32>,
        %get3A_242 = vector.shape_cast %get3A_241 : vector<1x1x16xi32> to vector<16xi32>
        %shift_left3A_243 = arith.constant 16 : i32
        %shift_left3A_244 = vector.broadcast %shift_left3A_243 : i32 to vector<16xi32>
        %shift_left3A_245 = arith.shli %get3A_242, %shift_left3A_244 : vector<16xi32>
        %shift_right_arithmetic3A_246 = arith.constant 16 : i32
        %shift_right_arithmetic3A_247 = vector.broadcast %shift_right_arithmetic3A_246 : i32 to vector<16xi32>
        %shift_right_arithmetic3A_248 = arith.shrsi %shift_left3A_245, %shift_right_arithmetic3A_247 : vector<16xi32>
        %convert_element_type3A_249 = arith.sitofp %shift_right_arithmetic3A_248 : vector<16xi32> to vector<16xf32>
        %shift_right_arithmetic3A_250 = arith.constant 16 : i32
        %shift_right_arithmetic3A_251 = vector.broadcast %shift_right_arithmetic3A_250 : i32 to vector<16xi32>
        %shift_right_arithmetic3A_252 = arith.shrsi %get3A_242, %shift_right_arithmetic3A_251 : vector<16xi32>
        %convert_element_type3A_253 = arith.sitofp %shift_right_arithmetic3A_252 : vector<16xi32> to vector<16xf32>
        %swap3A_254 = arith.index_cast %add3A_213 : i32 to index
        %swap3A_255 = arith.constant 16 : index
        %swap3A_256 = tpu.vector_load %arg9[%swap3A_254, %swap3A_255] {strides = array<i32>} : memref<128x128xf32, #tpu.memory_space<vmem>>, vector<1x16xf32>,
        %swap3A_257 = vector.shape_cast %swap3A_256 : vector<1x16xf32> to vector<16xf32>
        %swap3A_258 = vector.shape_cast %convert_element_type3A_249 : vector<16xf32> to vector<1x16xf32>
        tpu.vector_store %arg9[%swap3A_254, %swap3A_255], %swap3A_258 {strides = array<i32>} : memref<128x128xf32, #tpu.memory_space<vmem>>, vector<1x16xf32>,
        %swap3A_259 = arith.index_cast %add3A_213 : i32 to index
        %swap3A_260 = arith.constant 80 : index
        %swap3A_261 = tpu.vector_load %arg9[%swap3A_259, %swap3A_260] {strides = array<i32>} : memref<128x128xf32, #tpu.memory_space<vmem>>, vector<1x16xf32>,
        %swap3A_262 = vector.shape_cast %swap3A_261 : vector<1x16xf32> to vector<16xf32>
        %swap3A_263 = vector.shape_cast %convert_element_type3A_253 : vector<16xf32> to vector<1x16xf32>
        tpu.vector_store %arg9[%swap3A_259, %swap3A_260], %swap3A_263 {strides = array<i32>} : memref<128x128xf32, #tpu.memory_space<vmem>>, vector<1x16xf32>,
        %get3A_264 = arith.constant 1 : i32
        %get3A_265 = arith.index_cast %get3A_264 : i32 to index
        %get3A_266 = arith.index_cast %add3A_213 : i32 to index
        %get3A_267 = arith.constant 32 : index
        %get3A_268 = tpu.vector_load %arg8[%get3A_265, %get3A_266, %get3A_267] {strides = array<i32>} : memref<2x128x64xi32, #tpu.memory_space<vmem>>, vector<1x1x16xi32>,
        %get3A_269 = vector.shape_cast %get3A_268 : vector<1x1x16xi32> to vector<16xi32>
        %shift_left3A_270 = arith.constant 16 : i32
        %shift_left3A_271 = vector.broadcast %shift_left3A_270 : i32 to vector<16xi32>
        %shift_left3A_272 = arith.shli %get3A_269, %shift_left3A_271 : vector<16xi32>
        %shift_right_arithmetic3A_273 = arith.constant 16 : i32
        %shift_right_arithmetic3A_274 = vector.broadcast %shift_right_arithmetic3A_273 : i32 to vector<16xi32>
        %shift_right_arithmetic3A_275 = arith.shrsi %shift_left3A_272, %shift_right_arithmetic3A_274 : vector<16xi32>
        %convert_element_type3A_276 = arith.sitofp %shift_right_arithmetic3A_275 : vector<16xi32> to vector<16xf32>
        %shift_right_arithmetic3A_277 = arith.constant 16 : i32
        %shift_right_arithmetic3A_278 = vector.broadcast %shift_right_arithmetic3A_277 : i32 to vector<16xi32>
        %shift_right_arithmetic3A_279 = arith.shrsi %get3A_269, %shift_right_arithmetic3A_278 : vector<16xi32>
        %convert_element_type3A_280 = arith.sitofp %shift_right_arithmetic3A_279 : vector<16xi32> to vector<16xf32>
        %swap3A_281 = arith.index_cast %add3A_213 : i32 to index
        %swap3A_282 = arith.constant 32 : index
        %swap3A_283 = tpu.vector_load %arg9[%swap3A_281, %swap3A_282] {strides = array<i32>} : memref<128x128xf32, #tpu.memory_space<vmem>>, vector<1x16xf32>,
        %swap3A_284 = vector.shape_cast %swap3A_283 : vector<1x16xf32> to vector<16xf32>
        %swap3A_285 = vector.shape_cast %convert_element_type3A_276 : vector<16xf32> to vector<1x16xf32>
        tpu.vector_store %arg9[%swap3A_281, %swap3A_282], %swap3A_285 {strides = array<i32>} : memref<128x128xf32, #tpu.memory_space<vmem>>, vector<1x16xf32>,
        %swap3A_286 = arith.index_cast %add3A_213 : i32 to index
        %swap3A_287 = arith.constant 96 : index
        %swap3A_288 = tpu.vector_load %arg9[%swap3A_286, %swap3A_287] {strides = array<i32>} : memref<128x128xf32, #tpu.memory_space<vmem>>, vector<1x16xf32>,
        %swap3A_289 = vector.shape_cast %swap3A_288 : vector<1x16xf32> to vector<16xf32>
        %swap3A_290 = vector.shape_cast %convert_element_type3A_280 : vector<16xf32> to vector<1x16xf32>
        tpu.vector_store %arg9[%swap3A_286, %swap3A_287], %swap3A_290 {strides = array<i32>} : memref<128x128xf32, #tpu.memory_space<vmem>>, vector<1x16xf32>,
        %get3A_291 = arith.constant 1 : i32
        %get3A_292 = arith.index_cast %get3A_291 : i32 to index
        %get3A_293 = arith.index_cast %add3A_213 : i32 to index
        %get3A_294 = arith.constant 48 : index
        %get3A_295 = tpu.vector_load %arg8[%get3A_292, %get3A_293, %get3A_294] {strides = array<i32>} : memref<2x128x64xi32, #tpu.memory_space<vmem>>, vector<1x1x16xi32>,
        %get3A_296 = vector.shape_cast %get3A_295 : vector<1x1x16xi32> to vector<16xi32>
        %shift_left3A_297 = arith.constant 16 : i32
        %shift_left3A_298 = vector.broadcast %shift_left3A_297 : i32 to vector<16xi32>
        %shift_left3A_299 = arith.shli %get3A_296, %shift_left3A_298 : vector<16xi32>
        %shift_right_arithmetic3A_300 = arith.constant 16 : i32
        %shift_right_arithmetic3A_301 = vector.broadcast %shift_right_arithmetic3A_300 : i32 to vector<16xi32>
        %shift_right_arithmetic3A_302 = arith.shrsi %shift_left3A_299, %shift_right_arithmetic3A_301 : vector<16xi32>
        %convert_element_type3A_303 = arith.sitofp %shift_right_arithmetic3A_302 : vector<16xi32> to vector<16xf32>
        %shift_right_arithmetic3A_304 = arith.constant 16 : i32
        %shift_right_arithmetic3A_305 = vector.broadcast %shift_right_arithmetic3A_304 : i32 to vector<16xi32>
        %shift_right_arithmetic3A_306 = arith.shrsi %get3A_296, %shift_right_arithmetic3A_305 : vector<16xi32>
        %convert_element_type3A_307 = arith.sitofp %shift_right_arithmetic3A_306 : vector<16xi32> to vector<16xf32>
        %swap3A_308 = arith.index_cast %add3A_213 : i32 to index
        %swap3A_309 = arith.constant 48 : index
        %swap3A_310 = tpu.vector_load %arg9[%swap3A_308, %swap3A_309] {strides = array<i32>} : memref<128x128xf32, #tpu.memory_space<vmem>>, vector<1x16xf32>,
        %swap3A_311 = vector.shape_cast %swap3A_310 : vector<1x16xf32> to vector<16xf32>
        %swap3A_312 = vector.shape_cast %convert_element_type3A_303 : vector<16xf32> to vector<1x16xf32>
        tpu.vector_store %arg9[%swap3A_308, %swap3A_309], %swap3A_312 {strides = array<i32>} : memref<128x128xf32, #tpu.memory_space<vmem>>, vector<1x16xf32>,
        %swap3A_313 = arith.index_cast %add3A_213 : i32 to index
        %swap3A_314 = arith.constant 112 : index
        %swap3A_315 = tpu.vector_load %arg9[%swap3A_313, %swap3A_314] {strides = array<i32>} : memref<128x128xf32, #tpu.memory_space<vmem>>, vector<1x16xf32>,
        %swap3A_316 = vector.shape_cast %swap3A_315 : vector<1x16xf32> to vector<16xf32>
        %swap3A_317 = vector.shape_cast %convert_element_type3A_307 : vector<16xf32> to vector<1x16xf32>
        tpu.vector_store %arg9[%swap3A_313, %swap3A_314], %swap3A_317 {strides = array<i32>} : memref<128x128xf32, #tpu.memory_space<vmem>>, vector<1x16xf32>,
        %mul3A_318 = arith.constant 2 : i32
        %mul3A_319 = arith.muli %scan3A_208, %mul3A_318 : i32
        %add3A_320 = arith.constant 1 : i32
        %add3A_321 = arith.addi %mul3A_319, %add3A_320 : i32
        %get3A_322 = arith.constant 1 : i32
        %get3A_323 = arith.index_cast %get3A_322 : i32 to index
        %get3A_324 = arith.index_cast %add3A_321 : i32 to index
        %get3A_325 = arith.constant 0 : index
        %get3A_326 = tpu.vector_load %arg8[%get3A_323, %get3A_324, %get3A_325] {strides = array<i32>} : memref<2x128x64xi32, #tpu.memory_space<vmem>>, vector<1x1x16xi32>,
        %get3A_327 = vector.shape_cast %get3A_326 : vector<1x1x16xi32> to vector<16xi32>
        %shift_left3A_328 = arith.constant 16 : i32
        %shift_left3A_329 = vector.broadcast %shift_left3A_328 : i32 to vector<16xi32>
        %shift_left3A_330 = arith.shli %get3A_327, %shift_left3A_329 : vector<16xi32>
        %shift_right_arithmetic3A_331 = arith.constant 16 : i32
        %shift_right_arithmetic3A_332 = vector.broadcast %shift_right_arithmetic3A_331 : i32 to vector<16xi32>
        %shift_right_arithmetic3A_333 = arith.shrsi %shift_left3A_330, %shift_right_arithmetic3A_332 : vector<16xi32>
        %convert_element_type3A_334 = arith.sitofp %shift_right_arithmetic3A_333 : vector<16xi32> to vector<16xf32>
        %shift_right_arithmetic3A_335 = arith.constant 16 : i32
        %shift_right_arithmetic3A_336 = vector.broadcast %shift_right_arithmetic3A_335 : i32 to vector<16xi32>
        %shift_right_arithmetic3A_337 = arith.shrsi %get3A_327, %shift_right_arithmetic3A_336 : vector<16xi32>
        %convert_element_type3A_338 = arith.sitofp %shift_right_arithmetic3A_337 : vector<16xi32> to vector<16xf32>
        %swap3A_339 = arith.index_cast %add3A_321 : i32 to index
        %swap3A_340 = arith.constant 0 : index
        %swap3A_341 = tpu.vector_load %arg9[%swap3A_339, %swap3A_340] {strides = array<i32>} : memref<128x128xf32, #tpu.memory_space<vmem>>, vector<1x16xf32>,
        %swap3A_342 = vector.shape_cast %swap3A_341 : vector<1x16xf32> to vector<16xf32>
        %swap3A_343 = vector.shape_cast %convert_element_type3A_334 : vector<16xf32> to vector<1x16xf32>
        tpu.vector_store %arg9[%swap3A_339, %swap3A_340], %swap3A_343 {strides = array<i32>} : memref<128x128xf32, #tpu.memory_space<vmem>>, vector<1x16xf32>,
        %swap3A_344 = arith.index_cast %add3A_321 : i32 to index
        %swap3A_345 = arith.constant 64 : index
        %swap3A_346 = tpu.vector_load %arg9[%swap3A_344, %swap3A_345] {strides = array<i32>} : memref<128x128xf32, #tpu.memory_space<vmem>>, vector<1x16xf32>,
        %swap3A_347 = vector.shape_cast %swap3A_346 : vector<1x16xf32> to vector<16xf32>
        %swap3A_348 = vector.shape_cast %convert_element_type3A_338 : vector<16xf32> to vector<1x16xf32>
        tpu.vector_store %arg9[%swap3A_344, %swap3A_345], %swap3A_348 {strides = array<i32>} : memref<128x128xf32, #tpu.memory_space<vmem>>, vector<1x16xf32>,
        %get3A_349 = arith.constant 1 : i32
        %get3A_350 = arith.index_cast %get3A_349 : i32 to index
        %get3A_351 = arith.index_cast %add3A_321 : i32 to index
        %get3A_352 = arith.constant 16 : index
        %get3A_353 = tpu.vector_load %arg8[%get3A_350, %get3A_351, %get3A_352] {strides = array<i32>} : memref<2x128x64xi32, #tpu.memory_space<vmem>>, vector<1x1x16xi32>,
        %get3A_354 = vector.shape_cast %get3A_353 : vector<1x1x16xi32> to vector<16xi32>
        %shift_left3A_355 = arith.constant 16 : i32
        %shift_left3A_356 = vector.broadcast %shift_left3A_355 : i32 to vector<16xi32>
        %shift_left3A_357 = arith.shli %get3A_354, %shift_left3A_356 : vector<16xi32>
        %shift_right_arithmetic3A_358 = arith.constant 16 : i32
        %shift_right_arithmetic3A_359 = vector.broadcast %shift_right_arithmetic3A_358 : i32 to vector<16xi32>
        %shift_right_arithmetic3A_360 = arith.shrsi %shift_left3A_357, %shift_right_arithmetic3A_359 : vector<16xi32>
        %convert_element_type3A_361 = arith.sitofp %shift_right_arithmetic3A_360 : vector<16xi32> to vector<16xf32>
        %shift_right_arithmetic3A_362 = arith.constant 16 : i32
        %shift_right_arithmetic3A_363 = vector.broadcast %shift_right_arithmetic3A_362 : i32 to vector<16xi32>
        %shift_right_arithmetic3A_364 = arith.shrsi %get3A_354, %shift_right_arithmetic3A_363 : vector<16xi32>
        %convert_element_type3A_365 = arith.sitofp %shift_right_arithmetic3A_364 : vector<16xi32> to vector<16xf32>
        %swap3A_366 = arith.index_cast %add3A_321 : i32 to index
        %swap3A_367 = arith.constant 16 : index
        %swap3A_368 = tpu.vector_load %arg9[%swap3A_366, %swap3A_367] {strides = array<i32>} : memref<128x128xf32, #tpu.memory_space<vmem>>, vector<1x16xf32>,
        %swap3A_369 = vector.shape_cast %swap3A_368 : vector<1x16xf32> to vector<16xf32>
        %swap3A_370 = vector.shape_cast %convert_element_type3A_361 : vector<16xf32> to vector<1x16xf32>
        tpu.vector_store %arg9[%swap3A_366, %swap3A_367], %swap3A_370 {strides = array<i32>} : memref<128x128xf32, #tpu.memory_space<vmem>>, vector<1x16xf32>,
        %swap3A_371 = arith.index_cast %add3A_321 : i32 to index
        %swap3A_372 = arith.constant 80 : index
        %swap3A_373 = tpu.vector_load %arg9[%swap3A_371, %swap3A_372] {strides = array<i32>} : memref<128x128xf32, #tpu.memory_space<vmem>>, vector<1x16xf32>,
        %swap3A_374 = vector.shape_cast %swap3A_373 : vector<1x16xf32> to vector<16xf32>
        %swap3A_375 = vector.shape_cast %convert_element_type3A_365 : vector<16xf32> to vector<1x16xf32>
        tpu.vector_store %arg9[%swap3A_371, %swap3A_372], %swap3A_375 {strides = array<i32>} : memref<128x128xf32, #tpu.memory_space<vmem>>, vector<1x16xf32>,
        %get3A_376 = arith.constant 1 : i32
        %get3A_377 = arith.index_cast %get3A_376 : i32 to index
        %get3A_378 = arith.index_cast %add3A_321 : i32 to index
        %get3A_379 = arith.constant 32 : index
        %get3A_380 = tpu.vector_load %arg8[%get3A_377, %get3A_378, %get3A_379] {strides = array<i32>} : memref<2x128x64xi32, #tpu.memory_space<vmem>>, vector<1x1x16xi32>,
        %get3A_381 = vector.shape_cast %get3A_380 : vector<1x1x16xi32> to vector<16xi32>
        %shift_left3A_382 = arith.constant 16 : i32
        %shift_left3A_383 = vector.broadcast %shift_left3A_382 : i32 to vector<16xi32>
        %shift_left3A_384 = arith.shli %get3A_381, %shift_left3A_383 : vector<16xi32>
        %shift_right_arithmetic3A_385 = arith.constant 16 : i32
        %shift_right_arithmetic3A_386 = vector.broadcast %shift_right_arithmetic3A_385 : i32 to vector<16xi32>
        %shift_right_arithmetic3A_387 = arith.shrsi %shift_left3A_384, %shift_right_arithmetic3A_386 : vector<16xi32>
        %convert_element_type3A_388 = arith.sitofp %shift_right_arithmetic3A_387 : vector<16xi32> to vector<16xf32>
        %shift_right_arithmetic3A_389 = arith.constant 16 : i32
        %shift_right_arithmetic3A_390 = vector.broadcast %shift_right_arithmetic3A_389 : i32 to vector<16xi32>
        %shift_right_arithmetic3A_391 = arith.shrsi %get3A_381, %shift_right_arithmetic3A_390 : vector<16xi32>
        %convert_element_type3A_392 = arith.sitofp %shift_right_arithmetic3A_391 : vector<16xi32> to vector<16xf32>
        %swap3A_393 = arith.index_cast %add3A_321 : i32 to index
        %swap3A_394 = arith.constant 32 : index
        %swap3A_395 = tpu.vector_load %arg9[%swap3A_393, %swap3A_394] {strides = array<i32>} : memref<128x128xf32, #tpu.memory_space<vmem>>, vector<1x16xf32>,
        %swap3A_396 = vector.shape_cast %swap3A_395 : vector<1x16xf32> to vector<16xf32>
        %swap3A_397 = vector.shape_cast %convert_element_type3A_388 : vector<16xf32> to vector<1x16xf32>
        tpu.vector_store %arg9[%swap3A_393, %swap3A_394], %swap3A_397 {strides = array<i32>} : memref<128x128xf32, #tpu.memory_space<vmem>>, vector<1x16xf32>,
        %swap3A_398 = arith.index_cast %add3A_321 : i32 to index
        %swap3A_399 = arith.constant 96 : index
        %swap3A_400 = tpu.vector_load %arg9[%swap3A_398, %swap3A_399] {strides = array<i32>} : memref<128x128xf32, #tpu.memory_space<vmem>>, vector<1x16xf32>,
        %swap3A_401 = vector.shape_cast %swap3A_400 : vector<1x16xf32> to vector<16xf32>
        %swap3A_402 = vector.shape_cast %convert_element_type3A_392 : vector<16xf32> to vector<1x16xf32>
        tpu.vector_store %arg9[%swap3A_398, %swap3A_399], %swap3A_402 {strides = array<i32>} : memref<128x128xf32, #tpu.memory_space<vmem>>, vector<1x16xf32>,
        %get3A_403 = arith.constant 1 : i32
        %get3A_404 = arith.index_cast %get3A_403 : i32 to index
        %get3A_405 = arith.index_cast %add3A_321 : i32 to index
        %get3A_406 = arith.constant 48 : index
        %get3A_407 = tpu.vector_load %arg8[%get3A_404, %get3A_405, %get3A_406] {strides = array<i32>} : memref<2x128x64xi32, #tpu.memory_space<vmem>>, vector<1x1x16xi32>,
        %get3A_408 = vector.shape_cast %get3A_407 : vector<1x1x16xi32> to vector<16xi32>
        %shift_left3A_409 = arith.constant 16 : i32
        %shift_left3A_410 = vector.broadcast %shift_left3A_409 : i32 to vector<16xi32>
        %shift_left3A_411 = arith.shli %get3A_408, %shift_left3A_410 : vector<16xi32>
        %shift_right_arithmetic3A_412 = arith.constant 16 : i32
        %shift_right_arithmetic3A_413 = vector.broadcast %shift_right_arithmetic3A_412 : i32 to vector<16xi32>
        %shift_right_arithmetic3A_414 = arith.shrsi %shift_left3A_411, %shift_right_arithmetic3A_413 : vector<16xi32>
        %convert_element_type3A_415 = arith.sitofp %shift_right_arithmetic3A_414 : vector<16xi32> to vector<16xf32>
        %shift_right_arithmetic3A_416 = arith.constant 16 : i32
        %shift_right_arithmetic3A_417 = vector.broadcast %shift_right_arithmetic3A_416 : i32 to vector<16xi32>
        %shift_right_arithmetic3A_418 = arith.shrsi %get3A_408, %shift_right_arithmetic3A_417 : vector<16xi32>
        %convert_element_type3A_419 = arith.sitofp %shift_right_arithmetic3A_418 : vector<16xi32> to vector<16xf32>
        %swap3A_420 = arith.index_cast %add3A_321 : i32 to index
        %swap3A_421 = arith.constant 48 : index
        %swap3A_422 = tpu.vector_load %arg9[%swap3A_420, %swap3A_421] {strides = array<i32>} : memref<128x128xf32, #tpu.memory_space<vmem>>, vector<1x16xf32>,
        %swap3A_423 = vector.shape_cast %swap3A_422 : vector<1x16xf32> to vector<16xf32>
        %swap3A_424 = vector.shape_cast %convert_element_type3A_415 : vector<16xf32> to vector<1x16xf32>
        tpu.vector_store %arg9[%swap3A_420, %swap3A_421], %swap3A_424 {strides = array<i32>} : memref<128x128xf32, #tpu.memory_space<vmem>>, vector<1x16xf32>,
        %swap3A_425 = arith.index_cast %add3A_321 : i32 to index
        %swap3A_426 = arith.constant 112 : index
        %swap3A_427 = tpu.vector_load %arg9[%swap3A_425, %swap3A_426] {strides = array<i32>} : memref<128x128xf32, #tpu.memory_space<vmem>>, vector<1x16xf32>,
        %swap3A_428 = vector.shape_cast %swap3A_427 : vector<1x16xf32> to vector<16xf32>
        %swap3A_429 = vector.shape_cast %convert_element_type3A_419 : vector<16xf32> to vector<1x16xf32>
        tpu.vector_store %arg9[%swap3A_425, %swap3A_426], %swap3A_429 {strides = array<i32>} : memref<128x128xf32, #tpu.memory_space<vmem>>, vector<1x16xf32>,
        %scan3A_430 = arith.constant 0 : i32
        scf.yield %scan3A_430 : i32
      }
      %scan3A_195 = arith.constant 64 : i32
      %dma_start3A_196 = arith.constant 0 : i32
      %dma_start3A_197 = tpu.memref_slice %arg7[%add3A_165, %dma_start3A_196] : memref<40x128xi32, #tpu.memory_space<vmem>> -> memref<1x128xi32, #tpu.memory_space<vmem>>
      %dma_start3A_198 = tpu.memref_squeeze %dma_start3A_197 : memref<1x128xi32, #tpu.memory_space<vmem>> -> memref<128xi32, #tpu.memory_space<vmem>>
      %dma_start3A_199 = arith.constant 0 : i32
      %dma_start3A_200 = arith.constant 0 : i32
      %dma_start3A_201 = tpu.memref_slice %arg11[%dma_start3A_199, %dma_start3A_200] : memref<10112x128xf32, #tpu.memory_space<vmem_shared>> -> memref<10112x128xf32, #tpu.memory_space<vmem_shared>>
      tpu.enqueue_indirect_dma source(%arg9 : memref<128x128xf32, #tpu.memory_space<vmem>>) target(%dma_start3A_201 : memref<10112x128xf32, #tpu.memory_space<vmem_shared>>) offsets(%dma_start3A_198 : memref<128xi32, #tpu.memory_space<vmem>>) semaphore(%arg13 : memref<!tpu.dma_semaphore, #tpu.memory_space<semaphore_mem>>) {add = true}
      %dma_start3A_202 = arith.constant 0 : i32
      %dma_start3A_203 = tpu.memref_slice %arg7[%add3A_165, %dma_start3A_202] : memref<40x128xi32, #tpu.memory_space<vmem>> -> memref<1x128xi32, #tpu.memory_space<vmem>>
      %dma_start3A_204 = tpu.memref_squeeze %dma_start3A_203 : memref<1x128xi32, #tpu.memory_space<vmem>> -> memref<128xi32, #tpu.memory_space<vmem>>
      %dma_start3A_205 = arith.constant 0 : i32
      %dma_start3A_206 = tpu.memref_slice %arg16[%dma_start3A_205] : memref<10112xf32, #tpu.memory_space<vmem_shared>> -> memref<10112xf32, #tpu.memory_space<vmem_shared>>
      tpu.enqueue_indirect_dma source(%arg14 : memref<128xf32, #tpu.memory_space<vmem>>) target(%dma_start3A_206 : memref<10112xf32, #tpu.memory_space<vmem_shared>>) offsets(%dma_start3A_204 : memref<128xi32, #tpu.memory_space<vmem>>) semaphore(%arg17 : memref<!tpu.dma_semaphore, #tpu.memory_space<semaphore_mem>>) {add = true}
      %scan3A_207 = arith.constant 0 : i32
      scf.yield %scan3A_207 : i32
    }
    %scan3A_96 = arith.constant 20 : i32
    %dma_wait3A_97 = arith.constant 39 : i32
    %dma_wait3A_98 = arith.constant 0 : i32
    %dma_wait3A_99 = tpu.memref_slice %arg7[%dma_wait3A_97, %dma_wait3A_98] : memref<40x128xi32, #tpu.memory_space<vmem>> -> memref<1x128xi32, #tpu.memory_space<vmem>>
    %dma_wait3A_100 = tpu.memref_squeeze %dma_wait3A_99 : memref<1x128xi32, #tpu.memory_space<vmem>> -> memref<128xi32, #tpu.memory_space<vmem>>
    %dma_wait3A_101 = arith.constant 0 : i32
    %dma_wait3A_102 = arith.constant 0 : i32
    %dma_wait3A_103 = tpu.memref_slice %arg11[%dma_wait3A_101, %dma_wait3A_102] : memref<10112x128xf32, #tpu.memory_space<vmem_shared>> -> memref<10112x128xf32, #tpu.memory_space<vmem_shared>>
    tpu.wait_indirect_dma semaphore(%arg13 : memref<!tpu.dma_semaphore, #tpu.memory_space<semaphore_mem>>) src(%arg9 : memref<128x128xf32, #tpu.memory_space<vmem>>) dst(%dma_wait3A_103 : memref<10112x128xf32, #tpu.memory_space<vmem_shared>>)
    %dma_wait3A_104 = arith.constant 39 : i32
    %dma_wait3A_105 = arith.constant 0 : i32
    %dma_wait3A_106 = tpu.memref_slice %arg7[%dma_wait3A_104, %dma_wait3A_105] : memref<40x128xi32, #tpu.memory_space<vmem>> -> memref<1x128xi32, #tpu.memory_space<vmem>>
    %dma_wait3A_107 = tpu.memref_squeeze %dma_wait3A_106 : memref<1x128xi32, #tpu.memory_space<vmem>> -> memref<128xi32, #tpu.memory_space<vmem>>
    %dma_wait3A_108 = arith.constant 0 : i32
    %dma_wait3A_109 = tpu.memref_slice %arg16[%dma_wait3A_108] : memref<10112xf32, #tpu.memory_space<vmem_shared>> -> memref<10112xf32, #tpu.memory_space<vmem_shared>>
    tpu.wait_indirect_dma semaphore(%arg17 : memref<!tpu.dma_semaphore, #tpu.memory_space<semaphore_mem>>) src(%arg14 : memref<128xf32, #tpu.memory_space<vmem>>) dst(%dma_wait3A_109 : memref<10112xf32, #tpu.memory_space<vmem_shared>>)
    %barrier3A_110 = arith.constant 0 : index
    tpu.barrier barrier_id(%barrier3A_110)
    %mul3A_111 = arith.constant 632 : i32
    %mul3A_112 = arith.muli %arg1, %mul3A_111 : i32
    %mul3A_113 = arith.constant 632 : i32
    %mul3A_114 = arith.muli %arg1, %mul3A_113 : i32
    "tpu.region"() ({
      %run_scoped3A_117 = tpu.sem_alloc : memref<!tpu.dma_semaphore, #tpu.memory_space<semaphore_mem>>
      %dma_start3A_118 = arith.constant 0 : i32
      %dma_start3A_119 = tpu.memref_slice %arg4[%arg0, %mul3A_114, %dma_start3A_118] : memref<2x10112x128xf32, #tpu.memory_space<hbm>> -> memref<1x632x128xf32, #tpu.memory_space<hbm>>
      %dma_start3A_120 = tpu.memref_squeeze %dma_start3A_119 : memref<1x632x128xf32, #tpu.memory_space<hbm>> -> memref<632x128xf32, #tpu.memory_space<hbm>>
      %dma_start3A_121 = arith.constant 0 : i32
      %dma_start3A_122 = tpu.memref_slice %arg11[%mul3A_112, %dma_start3A_121] : memref<10112x128xf32, #tpu.memory_space<vmem_shared>> -> memref<632x128xf32, #tpu.memory_space<vmem_shared>>
      tpu.enqueue_dma source(%dma_start3A_122 : memref<632x128xf32, #tpu.memory_space<vmem_shared>>) target(%dma_start3A_120 : memref<632x128xf32, #tpu.memory_space<hbm>>) target_semaphore(%run_scoped3A_117 : memref<!tpu.dma_semaphore, #tpu.memory_space<semaphore_mem>>)
      %dma_wait3A_123 = arith.constant 0 : i32
      %dma_wait3A_124 = tpu.memref_slice %arg4[%arg0, %mul3A_114, %dma_wait3A_123] : memref<2x10112x128xf32, #tpu.memory_space<hbm>> -> memref<1x632x128xf32, #tpu.memory_space<hbm>>
      %dma_wait3A_125 = tpu.memref_squeeze %dma_wait3A_124 : memref<1x632x128xf32, #tpu.memory_space<hbm>> -> memref<632x128xf32, #tpu.memory_space<hbm>>
      %dma_wait3A_126 = arith.constant 0 : i32
      %dma_wait3A_127 = tpu.memref_slice %arg11[%mul3A_112, %dma_wait3A_126] : memref<10112x128xf32, #tpu.memory_space<vmem_shared>> -> memref<632x128xf32, #tpu.memory_space<vmem_shared>>
      tpu.wait_dma2 semaphore(%run_scoped3A_117 : memref<!tpu.dma_semaphore, #tpu.memory_space<semaphore_mem>>) src(%dma_wait3A_127 : memref<632x128xf32, #tpu.memory_space<vmem_shared>>) dst(%dma_wait3A_125 : memref<632x128xf32, #tpu.memory_space<hbm>>)
      tpu.yield
    }) : () -> ()
    %eq3A = arith.constant 0 : i32
    %eq3A_115 = arith.cmpi eq, %arg1, %eq3A : i32
    %convert_element_type3A = arith.extui %eq3A_115 : i1 to i32
    %cond3A = arith.constant 0 : i32
    %cond3A_116 = arith.cmpi ne, %convert_element_type3A, %cond3A : i32
    scf.if %cond3A_116 {
      %run_scoped3A_117 = arith.constant 0 : i32
      "tpu.region"() ({
        %run_scoped3A_118 = tpu.sem_alloc : memref<!tpu.dma_semaphore, #tpu.memory_space<semaphore_mem>>
        %dma_start3A_119 = arith.constant 0 : i32
        %dma_start3A_120 = tpu.memref_slice %arg5[%arg0, %run_scoped3A_117, %dma_start3A_119] : memref<2x1x10112xf32, #tpu.memory_space<hbm>> -> memref<1x1x10112xf32, #tpu.memory_space<hbm>>
        %dma_start3A_121 = tpu.memref_squeeze %dma_start3A_120 : memref<1x1x10112xf32, #tpu.memory_space<hbm>> -> memref<10112xf32, #tpu.memory_space<hbm>>
        tpu.enqueue_dma source(%arg16 : memref<10112xf32, #tpu.memory_space<vmem_shared>>) target(%dma_start3A_121 : memref<10112xf32, #tpu.memory_space<hbm>>) target_semaphore(%run_scoped3A_118 : memref<!tpu.dma_semaphore, #tpu.memory_space<semaphore_mem>>)
        %dma_wait3A_122 = arith.constant 0 : i32
        %dma_wait3A_123 = tpu.memref_slice %arg5[%arg0, %run_scoped3A_117, %dma_wait3A_122] : memref<2x1x10112xf32, #tpu.memory_space<hbm>> -> memref<1x1x10112xf32, #tpu.memory_space<hbm>>
        %dma_wait3A_124 = tpu.memref_squeeze %dma_wait3A_123 : memref<1x1x10112xf32, #tpu.memory_space<hbm>> -> memref<10112xf32, #tpu.memory_space<hbm>>
        tpu.wait_dma2 semaphore(%run_scoped3A_118 : memref<!tpu.dma_semaphore, #tpu.memory_space<semaphore_mem>>) src(%arg16 : memref<10112xf32, #tpu.memory_space<vmem_shared>>) dst(%dma_wait3A_124 : memref<10112xf32, #tpu.memory_space<hbm>>)
        tpu.yield
      }) : () -> ()
    } else {
    }
    return
  }
}

#map = affine_map<(d0, d1) -> (0, 0)>
#map1 = affine_map<(d0, d1) -> (0, 0, 0)>
module attributes {stable_mosaic.version = 14 : i64} {
  func.func @body(%arg0: i32, %arg1: i32, %arg2: memref<10000x64xi32, #tpu.memory_space<hbm>>, %arg3: memref<2x2560x128xi32, #tpu.memory_space<hbm>>, %arg4: memref<2x10112x128xf32, #tpu.memory_space<hbm>>, %arg5: memref<40x128xi32, #tpu.memory_space<vmem>>, %arg6: memref<40x128xi32, #tpu.memory_space<vmem>>, %arg7: memref<2x128x64xi32, #tpu.memory_space<vmem>>, %arg8: memref<128x128xf32, #tpu.memory_space<vmem>>, %arg9: memref<40x128xf32, #tpu.memory_space<vmem>>, %arg10: memref<10112x128xf32, #tpu.memory_space<vmem_shared>>, %arg11: memref<!tpu.dma_semaphore, #tpu.memory_space<semaphore_mem>>, %arg12: memref<!tpu.dma_semaphore, #tpu.memory_space<semaphore_mem>>) attributes {dimension_semantics = [#tpu.dimension_semantics<core_parallel>, #tpu.dimension_semantics<subcore_parallel>], iteration_bounds = array<i64: 2, 16>, scalar_prefetch = 0 : i64, scratch_operands = 8 : i64, tpu.core_type = #tpu.core_type<sc_vector_subcore>, window_params = [{transform_indices = #map}, {transform_indices = #map1}, {transform_indices = #map1}]} {
    %mul3A = arith.constant 16 : i32
    %mul3A_0 = arith.muli %arg0, %mul3A : i32
    %add3A = arith.addi %mul3A_0, %arg1 : i32
    %broadcast_in_dim3A = arith.constant 0.000000e+00 : f32
    %broadcast_in_dim3A_1 = vector.broadcast %broadcast_in_dim3A : f32 to vector<16xf32>
    %scan3A = arith.constant 0 : i32
    %scan3A_2 = arith.constant 0 : i32
    %scan3A_3 = arith.constant 40 : i32
    %scan3A_4 = arith.addi %scan3A_2, %scan3A_3 : i32
    %scan3A_5 = arith.constant 1 : i32
    %scan3A_6 = scf.for %scan3A_85 = %scan3A_2 to %scan3A_4 step %scan3A_5 iter_args(%scan3A_86 = %scan3A) -> (i32)  : i32 {
      %swap3A = arith.index_cast %scan3A_85 : i32 to index
      %swap3A_87 = arith.constant 0 : index
      %swap3A_88 = tpu.vector_load %arg9[%swap3A, %swap3A_87] {strides = array<i32>} : memref<40x128xf32, #tpu.memory_space<vmem>>, vector<1x16xf32>,
      %swap3A_89 = vector.shape_cast %swap3A_88 : vector<1x16xf32> to vector<16xf32>
      %swap3A_90 = vector.shape_cast %broadcast_in_dim3A_1 : vector<16xf32> to vector<1x16xf32>
      tpu.vector_store %arg9[%swap3A, %swap3A_87], %swap3A_90 {strides = array<i32>} : memref<40x128xf32, #tpu.memory_space<vmem>>, vector<1x16xf32>,
      %swap3A_91 = arith.index_cast %scan3A_85 : i32 to index
      %swap3A_92 = arith.constant 16 : index
      %swap3A_93 = tpu.vector_load %arg9[%swap3A_91, %swap3A_92] {strides = array<i32>} : memref<40x128xf32, #tpu.memory_space<vmem>>, vector<1x16xf32>,
      %swap3A_94 = vector.shape_cast %swap3A_93 : vector<1x16xf32> to vector<16xf32>
      %swap3A_95 = vector.shape_cast %broadcast_in_dim3A_1 : vector<16xf32> to vector<1x16xf32>
      tpu.vector_store %arg9[%swap3A_91, %swap3A_92], %swap3A_95 {strides = array<i32>} : memref<40x128xf32, #tpu.memory_space<vmem>>, vector<1x16xf32>,
      %swap3A_96 = arith.index_cast %scan3A_85 : i32 to index
      %swap3A_97 = arith.constant 32 : index
      %swap3A_98 = tpu.vector_load %arg9[%swap3A_96, %swap3A_97] {strides = array<i32>} : memref<40x128xf32, #tpu.memory_space<vmem>>, vector<1x16xf32>,
      %swap3A_99 = vector.shape_cast %swap3A_98 : vector<1x16xf32> to vector<16xf32>
      %swap3A_100 = vector.shape_cast %broadcast_in_dim3A_1 : vector<16xf32> to vector<1x16xf32>
      tpu.vector_store %arg9[%swap3A_96, %swap3A_97], %swap3A_100 {strides = array<i32>} : memref<40x128xf32, #tpu.memory_space<vmem>>, vector<1x16xf32>,
      %swap3A_101 = arith.index_cast %scan3A_85 : i32 to index
      %swap3A_102 = arith.constant 48 : index
      %swap3A_103 = tpu.vector_load %arg9[%swap3A_101, %swap3A_102] {strides = array<i32>} : memref<40x128xf32, #tpu.memory_space<vmem>>, vector<1x16xf32>,
      %swap3A_104 = vector.shape_cast %swap3A_103 : vector<1x16xf32> to vector<16xf32>
      %swap3A_105 = vector.shape_cast %broadcast_in_dim3A_1 : vector<16xf32> to vector<1x16xf32>
      tpu.vector_store %arg9[%swap3A_101, %swap3A_102], %swap3A_105 {strides = array<i32>} : memref<40x128xf32, #tpu.memory_space<vmem>>, vector<1x16xf32>,
      %swap3A_106 = arith.index_cast %scan3A_85 : i32 to index
      %swap3A_107 = arith.constant 64 : index
      %swap3A_108 = tpu.vector_load %arg9[%swap3A_106, %swap3A_107] {strides = array<i32>} : memref<40x128xf32, #tpu.memory_space<vmem>>, vector<1x16xf32>,
      %swap3A_109 = vector.shape_cast %swap3A_108 : vector<1x16xf32> to vector<16xf32>
      %swap3A_110 = vector.shape_cast %broadcast_in_dim3A_1 : vector<16xf32> to vector<1x16xf32>
      tpu.vector_store %arg9[%swap3A_106, %swap3A_107], %swap3A_110 {strides = array<i32>} : memref<40x128xf32, #tpu.memory_space<vmem>>, vector<1x16xf32>,
      %swap3A_111 = arith.index_cast %scan3A_85 : i32 to index
      %swap3A_112 = arith.constant 80 : index
      %swap3A_113 = tpu.vector_load %arg9[%swap3A_111, %swap3A_112] {strides = array<i32>} : memref<40x128xf32, #tpu.memory_space<vmem>>, vector<1x16xf32>,
      %swap3A_114 = vector.shape_cast %swap3A_113 : vector<1x16xf32> to vector<16xf32>
      %swap3A_115 = vector.shape_cast %broadcast_in_dim3A_1 : vector<16xf32> to vector<1x16xf32>
      tpu.vector_store %arg9[%swap3A_111, %swap3A_112], %swap3A_115 {strides = array<i32>} : memref<40x128xf32, #tpu.memory_space<vmem>>, vector<1x16xf32>,
      %swap3A_116 = arith.index_cast %scan3A_85 : i32 to index
      %swap3A_117 = arith.constant 96 : index
      %swap3A_118 = tpu.vector_load %arg9[%swap3A_116, %swap3A_117] {strides = array<i32>} : memref<40x128xf32, #tpu.memory_space<vmem>>, vector<1x16xf32>,
      %swap3A_119 = vector.shape_cast %swap3A_118 : vector<1x16xf32> to vector<16xf32>
      %swap3A_120 = vector.shape_cast %broadcast_in_dim3A_1 : vector<16xf32> to vector<1x16xf32>
      tpu.vector_store %arg9[%swap3A_116, %swap3A_117], %swap3A_120 {strides = array<i32>} : memref<40x128xf32, #tpu.memory_space<vmem>>, vector<1x16xf32>,
      %swap3A_121 = arith.index_cast %scan3A_85 : i32 to index
      %swap3A_122 = arith.constant 112 : index
      %swap3A_123 = tpu.vector_load %arg9[%swap3A_121, %swap3A_122] {strides = array<i32>} : memref<40x128xf32, #tpu.memory_space<vmem>>, vector<1x16xf32>,
      %swap3A_124 = vector.shape_cast %swap3A_123 : vector<1x16xf32> to vector<16xf32>
      %swap3A_125 = vector.shape_cast %broadcast_in_dim3A_1 : vector<16xf32> to vector<1x16xf32>
      tpu.vector_store %arg9[%swap3A_121, %swap3A_122], %swap3A_125 {strides = array<i32>} : memref<40x128xf32, #tpu.memory_space<vmem>>, vector<1x16xf32>,
      %scan3A_126 = arith.constant 0 : i32
      scf.yield %scan3A_126 : i32
    }
    %scan3A_7 = arith.constant 40 : i32
    %scan3A_8 = arith.constant 0 : i32
    %scan3A_9 = arith.constant 0 : i32
    %scan3A_10 = arith.constant 15 : i32
    %scan3A_11 = arith.addi %scan3A_9, %scan3A_10 : i32
    %scan3A_12 = arith.constant 1 : i32
    %scan3A_13 = scf.for %scan3A_85 = %scan3A_9 to %scan3A_11 step %scan3A_12 iter_args(%scan3A_86 = %scan3A_8) -> (i32)  : i32 {
      %mul3A_87 = arith.constant 632 : i32
      %mul3A_88 = arith.muli %arg1, %mul3A_87 : i32
      %mul3A_89 = arith.constant 40 : i32
      %mul3A_90 = arith.muli %scan3A_85, %mul3A_89 : i32
      %add3A_91 = arith.addi %mul3A_88, %mul3A_90 : i32
      "tpu.region"() ({
        %run_scoped3A_93 = tpu.sem_alloc : memref<!tpu.dma_semaphore, #tpu.memory_space<semaphore_mem>>
        %dma_start3A_94 = arith.constant 0 : i32
        %dma_start3A_95 = tpu.memref_slice %arg10[%add3A_91, %dma_start3A_94] : memref<10112x128xf32, #tpu.memory_space<vmem_shared>> -> memref<40x128xf32, #tpu.memory_space<vmem_shared>>
        %dma_start3A_96 = arith.constant 0 : i32
        %dma_start3A_97 = tpu.memref_slice %arg10[%add3A_91, %dma_start3A_96] : memref<10112x128xf32, #tpu.memory_space<vmem_shared>> -> memref<40x128xf32, #tpu.memory_space<vmem_shared>>
        tpu.enqueue_dma source(%arg9 : memref<40x128xf32, #tpu.memory_space<vmem>>) target(%dma_start3A_97 : memref<40x128xf32, #tpu.memory_space<vmem_shared>>) target_semaphore(%run_scoped3A_93 : memref<!tpu.dma_semaphore, #tpu.memory_space<semaphore_mem>>)
        %dma_wait3A_98 = arith.constant 0 : i32
        %dma_wait3A_99 = tpu.memref_slice %arg10[%add3A_91, %dma_wait3A_98] : memref<10112x128xf32, #tpu.memory_space<vmem_shared>> -> memref<40x128xf32, #tpu.memory_space<vmem_shared>>
        %dma_wait3A_100 = arith.constant 0 : i32
        %dma_wait3A_101 = tpu.memref_slice %arg10[%add3A_91, %dma_wait3A_100] : memref<10112x128xf32, #tpu.memory_space<vmem_shared>> -> memref<40x128xf32, #tpu.memory_space<vmem_shared>>
        tpu.wait_dma2 semaphore(%run_scoped3A_93 : memref<!tpu.dma_semaphore, #tpu.memory_space<semaphore_mem>>) src(%arg9 : memref<40x128xf32, #tpu.memory_space<vmem>>) dst(%dma_wait3A_101 : memref<40x128xf32, #tpu.memory_space<vmem_shared>>)
        tpu.yield
      }) : () -> ()
      %scan3A_92 = arith.constant 0 : i32
      scf.yield %scan3A_92 : i32
    }
    %scan3A_14 = arith.constant 15 : i32
    %mul3A_15 = arith.constant 632 : i32
    %mul3A_16 = arith.muli %arg1, %mul3A_15 : i32
    %add3A_17 = arith.constant 600 : i32
    %add3A_18 = arith.addi %mul3A_16, %add3A_17 : i32
    "tpu.region"() ({
      %run_scoped3A_85 = tpu.sem_alloc : memref<!tpu.dma_semaphore, #tpu.memory_space<semaphore_mem>>
      %dma_start3A_86 = arith.constant 0 : i32
      %dma_start3A_87 = arith.constant 0 : i32
      %dma_start3A_88 = tpu.memref_slice %arg9[%dma_start3A_86, %dma_start3A_87] : memref<40x128xf32, #tpu.memory_space<vmem>> -> memref<32x128xf32, #tpu.memory_space<vmem>>
      %dma_start3A_89 = arith.constant 0 : i32
      %dma_start3A_90 = tpu.memref_slice %arg10[%add3A_18, %dma_start3A_89] : memref<10112x128xf32, #tpu.memory_space<vmem_shared>> -> memref<32x128xf32, #tpu.memory_space<vmem_shared>>
      %dma_start3A_91 = arith.constant 0 : i32
      %dma_start3A_92 = tpu.memref_slice %arg10[%add3A_18, %dma_start3A_91] : memref<10112x128xf32, #tpu.memory_space<vmem_shared>> -> memref<32x128xf32, #tpu.memory_space<vmem_shared>>
      %dma_start3A_93 = arith.constant 0 : i32
      %dma_start3A_94 = arith.constant 0 : i32
      %dma_start3A_95 = tpu.memref_slice %arg9[%dma_start3A_93, %dma_start3A_94] : memref<40x128xf32, #tpu.memory_space<vmem>> -> memref<32x128xf32, #tpu.memory_space<vmem>>
      tpu.enqueue_dma source(%dma_start3A_95 : memref<32x128xf32, #tpu.memory_space<vmem>>) target(%dma_start3A_92 : memref<32x128xf32, #tpu.memory_space<vmem_shared>>) target_semaphore(%run_scoped3A_85 : memref<!tpu.dma_semaphore, #tpu.memory_space<semaphore_mem>>)
      %dma_wait3A_96 = arith.constant 0 : i32
      %dma_wait3A_97 = arith.constant 0 : i32
      %dma_wait3A_98 = tpu.memref_slice %arg9[%dma_wait3A_96, %dma_wait3A_97] : memref<40x128xf32, #tpu.memory_space<vmem>> -> memref<32x128xf32, #tpu.memory_space<vmem>>
      %dma_wait3A_99 = arith.constant 0 : i32
      %dma_wait3A_100 = tpu.memref_slice %arg10[%add3A_18, %dma_wait3A_99] : memref<10112x128xf32, #tpu.memory_space<vmem_shared>> -> memref<32x128xf32, #tpu.memory_space<vmem_shared>>
      %dma_wait3A_101 = arith.constant 0 : i32
      %dma_wait3A_102 = tpu.memref_slice %arg10[%add3A_18, %dma_wait3A_101] : memref<10112x128xf32, #tpu.memory_space<vmem_shared>> -> memref<32x128xf32, #tpu.memory_space<vmem_shared>>
      %dma_wait3A_103 = arith.constant 0 : i32
      %dma_wait3A_104 = arith.constant 0 : i32
      %dma_wait3A_105 = tpu.memref_slice %arg9[%dma_wait3A_103, %dma_wait3A_104] : memref<40x128xf32, #tpu.memory_space<vmem>> -> memref<32x128xf32, #tpu.memory_space<vmem>>
      tpu.wait_dma2 semaphore(%run_scoped3A_85 : memref<!tpu.dma_semaphore, #tpu.memory_space<semaphore_mem>>) src(%dma_wait3A_105 : memref<32x128xf32, #tpu.memory_space<vmem>>) dst(%dma_wait3A_102 : memref<32x128xf32, #tpu.memory_space<vmem_shared>>)
      tpu.yield
    }) : () -> ()
    %barrier3A = arith.constant 0 : index
    tpu.barrier barrier_id(%barrier3A)
    %mul3A_19 = arith.constant 80 : i32
    %mul3A_20 = arith.muli %add3A, %mul3A_19 : i32
    %add3A_21 = arith.constant 0 : i32
    %add3A_22 = arith.addi %mul3A_20, %add3A_21 : i32
    %run_scoped3A = arith.constant 0 : i32
    "tpu.region"() ({
      %run_scoped3A_85 = tpu.sem_alloc : memref<!tpu.dma_semaphore, #tpu.memory_space<semaphore_mem>>
      %dma_start3A_86 = arith.constant 0 : i32
      %dma_start3A_87 = tpu.memref_slice %arg3[%run_scoped3A, %add3A_22, %dma_start3A_86] : memref<2x2560x128xi32, #tpu.memory_space<hbm>> -> memref<1x40x128xi32, #tpu.memory_space<hbm>>
      %dma_start3A_88 = tpu.memref_squeeze %dma_start3A_87 : memref<1x40x128xi32, #tpu.memory_space<hbm>> -> memref<40x128xi32, #tpu.memory_space<hbm>>
      %dma_start3A_89 = arith.constant 0 : i32
      %dma_start3A_90 = tpu.memref_slice %arg3[%run_scoped3A, %add3A_22, %dma_start3A_89] : memref<2x2560x128xi32, #tpu.memory_space<hbm>> -> memref<1x40x128xi32, #tpu.memory_space<hbm>>
      %dma_start3A_91 = tpu.memref_squeeze %dma_start3A_90 : memref<1x40x128xi32, #tpu.memory_space<hbm>> -> memref<40x128xi32, #tpu.memory_space<hbm>>
      tpu.enqueue_dma source(%dma_start3A_91 : memref<40x128xi32, #tpu.memory_space<hbm>>) target(%arg5 : memref<40x128xi32, #tpu.memory_space<vmem>>) target_semaphore(%run_scoped3A_85 : memref<!tpu.dma_semaphore, #tpu.memory_space<semaphore_mem>>)
      %dma_wait3A_92 = arith.constant 0 : i32
      %dma_wait3A_93 = tpu.memref_slice %arg3[%run_scoped3A, %add3A_22, %dma_wait3A_92] : memref<2x2560x128xi32, #tpu.memory_space<hbm>> -> memref<1x40x128xi32, #tpu.memory_space<hbm>>
      %dma_wait3A_94 = tpu.memref_squeeze %dma_wait3A_93 : memref<1x40x128xi32, #tpu.memory_space<hbm>> -> memref<40x128xi32, #tpu.memory_space<hbm>>
      %dma_wait3A_95 = arith.constant 0 : i32
      %dma_wait3A_96 = tpu.memref_slice %arg3[%run_scoped3A, %add3A_22, %dma_wait3A_95] : memref<2x2560x128xi32, #tpu.memory_space<hbm>> -> memref<1x40x128xi32, #tpu.memory_space<hbm>>
      %dma_wait3A_97 = tpu.memref_squeeze %dma_wait3A_96 : memref<1x40x128xi32, #tpu.memory_space<hbm>> -> memref<40x128xi32, #tpu.memory_space<hbm>>
      tpu.wait_dma2 semaphore(%run_scoped3A_85 : memref<!tpu.dma_semaphore, #tpu.memory_space<semaphore_mem>>) src(%dma_wait3A_97 : memref<40x128xi32, #tpu.memory_space<hbm>>) dst(%arg5 : memref<40x128xi32, #tpu.memory_space<vmem>>)
      tpu.yield
    }) : () -> ()
    %run_scoped3A_23 = arith.constant 1 : i32
    "tpu.region"() ({
      %run_scoped3A_85 = tpu.sem_alloc : memref<!tpu.dma_semaphore, #tpu.memory_space<semaphore_mem>>
      %dma_start3A_86 = arith.constant 0 : i32
      %dma_start3A_87 = tpu.memref_slice %arg3[%run_scoped3A_23, %add3A_22, %dma_start3A_86] : memref<2x2560x128xi32, #tpu.memory_space<hbm>> -> memref<1x40x128xi32, #tpu.memory_space<hbm>>
      %dma_start3A_88 = tpu.memref_squeeze %dma_start3A_87 : memref<1x40x128xi32, #tpu.memory_space<hbm>> -> memref<40x128xi32, #tpu.memory_space<hbm>>
      %dma_start3A_89 = arith.constant 0 : i32
      %dma_start3A_90 = tpu.memref_slice %arg3[%run_scoped3A_23, %add3A_22, %dma_start3A_89] : memref<2x2560x128xi32, #tpu.memory_space<hbm>> -> memref<1x40x128xi32, #tpu.memory_space<hbm>>
      %dma_start3A_91 = tpu.memref_squeeze %dma_start3A_90 : memref<1x40x128xi32, #tpu.memory_space<hbm>> -> memref<40x128xi32, #tpu.memory_space<hbm>>
      tpu.enqueue_dma source(%dma_start3A_91 : memref<40x128xi32, #tpu.memory_space<hbm>>) target(%arg6 : memref<40x128xi32, #tpu.memory_space<vmem>>) target_semaphore(%run_scoped3A_85 : memref<!tpu.dma_semaphore, #tpu.memory_space<semaphore_mem>>)
      %dma_wait3A_92 = arith.constant 0 : i32
      %dma_wait3A_93 = tpu.memref_slice %arg3[%run_scoped3A_23, %add3A_22, %dma_wait3A_92] : memref<2x2560x128xi32, #tpu.memory_space<hbm>> -> memref<1x40x128xi32, #tpu.memory_space<hbm>>
      %dma_wait3A_94 = tpu.memref_squeeze %dma_wait3A_93 : memref<1x40x128xi32, #tpu.memory_space<hbm>> -> memref<40x128xi32, #tpu.memory_space<hbm>>
      %dma_wait3A_95 = arith.constant 0 : i32
      %dma_wait3A_96 = tpu.memref_slice %arg3[%run_scoped3A_23, %add3A_22, %dma_wait3A_95] : memref<2x2560x128xi32, #tpu.memory_space<hbm>> -> memref<1x40x128xi32, #tpu.memory_space<hbm>>
      %dma_wait3A_97 = tpu.memref_squeeze %dma_wait3A_96 : memref<1x40x128xi32, #tpu.memory_space<hbm>> -> memref<40x128xi32, #tpu.memory_space<hbm>>
      tpu.wait_dma2 semaphore(%run_scoped3A_85 : memref<!tpu.dma_semaphore, #tpu.memory_space<semaphore_mem>>) src(%dma_wait3A_97 : memref<40x128xi32, #tpu.memory_space<hbm>>) dst(%arg6 : memref<40x128xi32, #tpu.memory_space<vmem>>)
      tpu.yield
    }) : () -> ()
    %dma_start3A = arith.constant 0 : i32
    %dma_start3A_24 = arith.constant 0 : i32
    %dma_start3A_25 = arith.constant 0 : i32
    %dma_start3A_26 = arith.constant 0 : i32
    %dma_start3A_27 = tpu.memref_slice %arg7[%dma_start3A_24, %dma_start3A_25, %dma_start3A_26] : memref<2x128x64xi32, #tpu.memory_space<vmem>> -> memref<1x128x64xi32, #tpu.memory_space<vmem>>
    %dma_start3A_28 = tpu.memref_squeeze %dma_start3A_27 : memref<1x128x64xi32, #tpu.memory_space<vmem>> -> memref<128x64xi32, #tpu.memory_space<vmem>>
    %dma_start3A_29 = arith.constant 0 : i32
    %dma_start3A_30 = tpu.memref_slice %arg5[%dma_start3A, %dma_start3A_29] : memref<40x128xi32, #tpu.memory_space<vmem>> -> memref<1x128xi32, #tpu.memory_space<vmem>>
    %dma_start3A_31 = tpu.memref_squeeze %dma_start3A_30 : memref<1x128xi32, #tpu.memory_space<vmem>> -> memref<128xi32, #tpu.memory_space<vmem>>
    %dma_start3A_32 = arith.constant 0 : i32
    %dma_start3A_33 = arith.constant 0 : i32
    %dma_start3A_34 = tpu.memref_slice %arg2[%dma_start3A_32, %dma_start3A_33] : memref<10000x64xi32, #tpu.memory_space<hbm>> -> memref<10000x64xi32, #tpu.memory_space<hbm>>
    tpu.enqueue_indirect_dma source(%dma_start3A_34 : memref<10000x64xi32, #tpu.memory_space<hbm>>) target(%dma_start3A_28 : memref<128x64xi32, #tpu.memory_space<vmem>>) offsets(%dma_start3A_31 : memref<128xi32, #tpu.memory_space<vmem>>) semaphore(%arg11 : memref<!tpu.dma_semaphore, #tpu.memory_space<semaphore_mem>>)
    %scan3A_35 = arith.constant 0 : i32
    %scan3A_36 = arith.constant 0 : i32
    %scan3A_37 = arith.constant 20 : i32
    %scan3A_38 = arith.addi %scan3A_36, %scan3A_37 : i32
    %scan3A_39 = arith.constant 1 : i32
    %scan3A_40 = scf.for %scan3A_85 = %scan3A_36 to %scan3A_38 step %scan3A_39 iter_args(%scan3A_86 = %scan3A_35) -> (i32)  : i32 {
      %mul3A_87 = arith.constant 2 : i32
      %mul3A_88 = arith.muli %scan3A_85, %mul3A_87 : i32
      %add3A_89 = arith.constant 0 : i32
      %add3A_90 = arith.addi %mul3A_88, %add3A_89 : i32
      %dma_wait3A_91 = arith.constant 0 : i32
      %dma_wait3A_92 = arith.constant 0 : i32
      %dma_wait3A_93 = arith.constant 0 : i32
      %dma_wait3A_94 = tpu.memref_slice %arg7[%dma_wait3A_91, %dma_wait3A_92, %dma_wait3A_93] : memref<2x128x64xi32, #tpu.memory_space<vmem>> -> memref<1x128x64xi32, #tpu.memory_space<vmem>>
      %dma_wait3A_95 = tpu.memref_squeeze %dma_wait3A_94 : memref<1x128x64xi32, #tpu.memory_space<vmem>> -> memref<128x64xi32, #tpu.memory_space<vmem>>
      %dma_wait3A_96 = arith.constant 0 : i32
      %dma_wait3A_97 = tpu.memref_slice %arg5[%add3A_90, %dma_wait3A_96] : memref<40x128xi32, #tpu.memory_space<vmem>> -> memref<1x128xi32, #tpu.memory_space<vmem>>
      %dma_wait3A_98 = tpu.memref_squeeze %dma_wait3A_97 : memref<1x128xi32, #tpu.memory_space<vmem>> -> memref<128xi32, #tpu.memory_space<vmem>>
      %dma_wait3A_99 = arith.constant 0 : i32
      %dma_wait3A_100 = arith.constant 0 : i32
      %dma_wait3A_101 = tpu.memref_slice %arg2[%dma_wait3A_99, %dma_wait3A_100] : memref<10000x64xi32, #tpu.memory_space<hbm>> -> memref<10000x64xi32, #tpu.memory_space<hbm>>
      tpu.wait_indirect_dma semaphore(%arg11 : memref<!tpu.dma_semaphore, #tpu.memory_space<semaphore_mem>>) src(%dma_wait3A_101 : memref<10000x64xi32, #tpu.memory_space<hbm>>) dst(%dma_wait3A_95 : memref<128x64xi32, #tpu.memory_space<vmem>>)
      %add3A_102 = arith.constant 1 : i32
      %add3A_103 = arith.addi %add3A_90, %add3A_102 : i32
      %lt3A = arith.constant 40 : i32
      %lt3A_104 = arith.cmpi slt, %add3A_103, %lt3A : i32
      %convert_element_type3A = arith.extui %lt3A_104 : i1 to i32
      %cond3A = arith.constant 0 : i32
      %cond3A_105 = arith.cmpi ne, %convert_element_type3A, %cond3A : i32
      scf.if %cond3A_105 {
        %add3A_164 = arith.constant 1 : i32
        %add3A_165 = arith.addi %add3A_90, %add3A_164 : i32
        %dma_start3A_166 = arith.constant 1 : i32
        %dma_start3A_167 = arith.constant 0 : i32
        %dma_start3A_168 = arith.constant 0 : i32
        %dma_start3A_169 = tpu.memref_slice %arg7[%dma_start3A_166, %dma_start3A_167, %dma_start3A_168] : memref<2x128x64xi32, #tpu.memory_space<vmem>> -> memref<1x128x64xi32, #tpu.memory_space<vmem>>
        %dma_start3A_170 = tpu.memref_squeeze %dma_start3A_169 : memref<1x128x64xi32, #tpu.memory_space<vmem>> -> memref<128x64xi32, #tpu.memory_space<vmem>>
        %dma_start3A_171 = arith.constant 0 : i32
        %dma_start3A_172 = tpu.memref_slice %arg5[%add3A_165, %dma_start3A_171] : memref<40x128xi32, #tpu.memory_space<vmem>> -> memref<1x128xi32, #tpu.memory_space<vmem>>
        %dma_start3A_173 = tpu.memref_squeeze %dma_start3A_172 : memref<1x128xi32, #tpu.memory_space<vmem>> -> memref<128xi32, #tpu.memory_space<vmem>>
        %dma_start3A_174 = arith.constant 0 : i32
        %dma_start3A_175 = arith.constant 0 : i32
        %dma_start3A_176 = tpu.memref_slice %arg2[%dma_start3A_174, %dma_start3A_175] : memref<10000x64xi32, #tpu.memory_space<hbm>> -> memref<10000x64xi32, #tpu.memory_space<hbm>>
        tpu.enqueue_indirect_dma source(%dma_start3A_176 : memref<10000x64xi32, #tpu.memory_space<hbm>>) target(%dma_start3A_170 : memref<128x64xi32, #tpu.memory_space<vmem>>) offsets(%dma_start3A_173 : memref<128xi32, #tpu.memory_space<vmem>>) semaphore(%arg11 : memref<!tpu.dma_semaphore, #tpu.memory_space<semaphore_mem>>)
      } else {
      }
      %ge3A = arith.constant 1 : i32
      %ge3A_106 = arith.cmpi sge, %add3A_90, %ge3A : i32
      %convert_element_type3A_107 = arith.extui %ge3A_106 : i1 to i32
      %cond3A_108 = arith.constant 0 : i32
      %cond3A_109 = arith.cmpi ne, %convert_element_type3A_107, %cond3A_108 : i32
      scf.if %cond3A_109 {
        %sub3A = arith.constant 1 : i32
        %sub3A_164 = arith.subi %add3A_90, %sub3A : i32
        %dma_wait3A_165 = arith.constant 0 : i32
        %dma_wait3A_166 = tpu.memref_slice %arg6[%sub3A_164, %dma_wait3A_165] : memref<40x128xi32, #tpu.memory_space<vmem>> -> memref<1x128xi32, #tpu.memory_space<vmem>>
        %dma_wait3A_167 = tpu.memref_squeeze %dma_wait3A_166 : memref<1x128xi32, #tpu.memory_space<vmem>> -> memref<128xi32, #tpu.memory_space<vmem>>
        %dma_wait3A_168 = arith.constant 0 : i32
        %dma_wait3A_169 = arith.constant 0 : i32
        %dma_wait3A_170 = tpu.memref_slice %arg10[%dma_wait3A_168, %dma_wait3A_169] : memref<10112x128xf32, #tpu.memory_space<vmem_shared>> -> memref<10112x128xf32, #tpu.memory_space<vmem_shared>>
        tpu.wait_indirect_dma semaphore(%arg12 : memref<!tpu.dma_semaphore, #tpu.memory_space<semaphore_mem>>) src(%arg8 : memref<128x128xf32, #tpu.memory_space<vmem>>) dst(%dma_wait3A_170 : memref<10112x128xf32, #tpu.memory_space<vmem_shared>>)
      } else {
      }
      %scan3A_110 = arith.constant 0 : i32
      %scan3A_111 = arith.constant 0 : i32
      %scan3A_112 = arith.constant 64 : i32
      %scan3A_113 = arith.addi %scan3A_111, %scan3A_112 : i32
      %scan3A_114 = arith.constant 1 : i32
      %scan3A_115 = scf.for %scan3A_164 = %scan3A_111 to %scan3A_113 step %scan3A_114 iter_args(%scan3A_165 = %scan3A_110) -> (i32)  : i32 {
        %mul3A_166 = arith.constant 2 : i32
        %mul3A_167 = arith.muli %scan3A_164, %mul3A_166 : i32
        %add3A_168 = arith.constant 0 : i32
        %add3A_169 = arith.addi %mul3A_167, %add3A_168 : i32
        %get3A = arith.constant 0 : i32
        %get3A_170 = arith.index_cast %get3A : i32 to index
        %get3A_171 = arith.index_cast %add3A_169 : i32 to index
        %get3A_172 = arith.constant 0 : index
        %get3A_173 = tpu.vector_load %arg7[%get3A_170, %get3A_171, %get3A_172] {strides = array<i32>} : memref<2x128x64xi32, #tpu.memory_space<vmem>>, vector<1x1x16xi32>,
        %get3A_174 = vector.shape_cast %get3A_173 : vector<1x1x16xi32> to vector<16xi32>
        %shift_left3A = arith.constant 16 : i32
        %shift_left3A_175 = vector.broadcast %shift_left3A : i32 to vector<16xi32>
        %shift_left3A_176 = arith.shli %get3A_174, %shift_left3A_175 : vector<16xi32>
        %shift_right_arithmetic3A = arith.constant 16 : i32
        %shift_right_arithmetic3A_177 = vector.broadcast %shift_right_arithmetic3A : i32 to vector<16xi32>
        %shift_right_arithmetic3A_178 = arith.shrsi %shift_left3A_176, %shift_right_arithmetic3A_177 : vector<16xi32>
        %convert_element_type3A_179 = arith.sitofp %shift_right_arithmetic3A_178 : vector<16xi32> to vector<16xf32>
        %shift_right_arithmetic3A_180 = arith.constant 16 : i32
        %shift_right_arithmetic3A_181 = vector.broadcast %shift_right_arithmetic3A_180 : i32 to vector<16xi32>
        %shift_right_arithmetic3A_182 = arith.shrsi %get3A_174, %shift_right_arithmetic3A_181 : vector<16xi32>
        %convert_element_type3A_183 = arith.sitofp %shift_right_arithmetic3A_182 : vector<16xi32> to vector<16xf32>
        %swap3A = arith.index_cast %add3A_169 : i32 to index
        %swap3A_184 = arith.constant 0 : index
        %swap3A_185 = tpu.vector_load %arg8[%swap3A, %swap3A_184] {strides = array<i32>} : memref<128x128xf32, #tpu.memory_space<vmem>>, vector<1x16xf32>,
        %swap3A_186 = vector.shape_cast %swap3A_185 : vector<1x16xf32> to vector<16xf32>
        %swap3A_187 = vector.shape_cast %convert_element_type3A_179 : vector<16xf32> to vector<1x16xf32>
        tpu.vector_store %arg8[%swap3A, %swap3A_184], %swap3A_187 {strides = array<i32>} : memref<128x128xf32, #tpu.memory_space<vmem>>, vector<1x16xf32>,
        %swap3A_188 = arith.index_cast %add3A_169 : i32 to index
        %swap3A_189 = arith.constant 64 : index
        %swap3A_190 = tpu.vector_load %arg8[%swap3A_188, %swap3A_189] {strides = array<i32>} : memref<128x128xf32, #tpu.memory_space<vmem>>, vector<1x16xf32>,
        %swap3A_191 = vector.shape_cast %swap3A_190 : vector<1x16xf32> to vector<16xf32>
        %swap3A_192 = vector.shape_cast %convert_element_type3A_183 : vector<16xf32> to vector<1x16xf32>
        tpu.vector_store %arg8[%swap3A_188, %swap3A_189], %swap3A_192 {strides = array<i32>} : memref<128x128xf32, #tpu.memory_space<vmem>>, vector<1x16xf32>,
        %get3A_193 = arith.constant 0 : i32
        %get3A_194 = arith.index_cast %get3A_193 : i32 to index
        %get3A_195 = arith.index_cast %add3A_169 : i32 to index
        %get3A_196 = arith.constant 16 : index
        %get3A_197 = tpu.vector_load %arg7[%get3A_194, %get3A_195, %get3A_196] {strides = array<i32>} : memref<2x128x64xi32, #tpu.memory_space<vmem>>, vector<1x1x16xi32>,
        %get3A_198 = vector.shape_cast %get3A_197 : vector<1x1x16xi32> to vector<16xi32>
        %shift_left3A_199 = arith.constant 16 : i32
        %shift_left3A_200 = vector.broadcast %shift_left3A_199 : i32 to vector<16xi32>
        %shift_left3A_201 = arith.shli %get3A_198, %shift_left3A_200 : vector<16xi32>
        %shift_right_arithmetic3A_202 = arith.constant 16 : i32
        %shift_right_arithmetic3A_203 = vector.broadcast %shift_right_arithmetic3A_202 : i32 to vector<16xi32>
        %shift_right_arithmetic3A_204 = arith.shrsi %shift_left3A_201, %shift_right_arithmetic3A_203 : vector<16xi32>
        %convert_element_type3A_205 = arith.sitofp %shift_right_arithmetic3A_204 : vector<16xi32> to vector<16xf32>
        %shift_right_arithmetic3A_206 = arith.constant 16 : i32
        %shift_right_arithmetic3A_207 = vector.broadcast %shift_right_arithmetic3A_206 : i32 to vector<16xi32>
        %shift_right_arithmetic3A_208 = arith.shrsi %get3A_198, %shift_right_arithmetic3A_207 : vector<16xi32>
        %convert_element_type3A_209 = arith.sitofp %shift_right_arithmetic3A_208 : vector<16xi32> to vector<16xf32>
        %swap3A_210 = arith.index_cast %add3A_169 : i32 to index
        %swap3A_211 = arith.constant 16 : index
        %swap3A_212 = tpu.vector_load %arg8[%swap3A_210, %swap3A_211] {strides = array<i32>} : memref<128x128xf32, #tpu.memory_space<vmem>>, vector<1x16xf32>,
        %swap3A_213 = vector.shape_cast %swap3A_212 : vector<1x16xf32> to vector<16xf32>
        %swap3A_214 = vector.shape_cast %convert_element_type3A_205 : vector<16xf32> to vector<1x16xf32>
        tpu.vector_store %arg8[%swap3A_210, %swap3A_211], %swap3A_214 {strides = array<i32>} : memref<128x128xf32, #tpu.memory_space<vmem>>, vector<1x16xf32>,
        %swap3A_215 = arith.index_cast %add3A_169 : i32 to index
        %swap3A_216 = arith.constant 80 : index
        %swap3A_217 = tpu.vector_load %arg8[%swap3A_215, %swap3A_216] {strides = array<i32>} : memref<128x128xf32, #tpu.memory_space<vmem>>, vector<1x16xf32>,
        %swap3A_218 = vector.shape_cast %swap3A_217 : vector<1x16xf32> to vector<16xf32>
        %swap3A_219 = vector.shape_cast %convert_element_type3A_209 : vector<16xf32> to vector<1x16xf32>
        tpu.vector_store %arg8[%swap3A_215, %swap3A_216], %swap3A_219 {strides = array<i32>} : memref<128x128xf32, #tpu.memory_space<vmem>>, vector<1x16xf32>,
        %get3A_220 = arith.constant 0 : i32
        %get3A_221 = arith.index_cast %get3A_220 : i32 to index
        %get3A_222 = arith.index_cast %add3A_169 : i32 to index
        %get3A_223 = arith.constant 32 : index
        %get3A_224 = tpu.vector_load %arg7[%get3A_221, %get3A_222, %get3A_223] {strides = array<i32>} : memref<2x128x64xi32, #tpu.memory_space<vmem>>, vector<1x1x16xi32>,
        %get3A_225 = vector.shape_cast %get3A_224 : vector<1x1x16xi32> to vector<16xi32>
        %shift_left3A_226 = arith.constant 16 : i32
        %shift_left3A_227 = vector.broadcast %shift_left3A_226 : i32 to vector<16xi32>
        %shift_left3A_228 = arith.shli %get3A_225, %shift_left3A_227 : vector<16xi32>
        %shift_right_arithmetic3A_229 = arith.constant 16 : i32
        %shift_right_arithmetic3A_230 = vector.broadcast %shift_right_arithmetic3A_229 : i32 to vector<16xi32>
        %shift_right_arithmetic3A_231 = arith.shrsi %shift_left3A_228, %shift_right_arithmetic3A_230 : vector<16xi32>
        %convert_element_type3A_232 = arith.sitofp %shift_right_arithmetic3A_231 : vector<16xi32> to vector<16xf32>
        %shift_right_arithmetic3A_233 = arith.constant 16 : i32
        %shift_right_arithmetic3A_234 = vector.broadcast %shift_right_arithmetic3A_233 : i32 to vector<16xi32>
        %shift_right_arithmetic3A_235 = arith.shrsi %get3A_225, %shift_right_arithmetic3A_234 : vector<16xi32>
        %convert_element_type3A_236 = arith.sitofp %shift_right_arithmetic3A_235 : vector<16xi32> to vector<16xf32>
        %swap3A_237 = arith.index_cast %add3A_169 : i32 to index
        %swap3A_238 = arith.constant 32 : index
        %swap3A_239 = tpu.vector_load %arg8[%swap3A_237, %swap3A_238] {strides = array<i32>} : memref<128x128xf32, #tpu.memory_space<vmem>>, vector<1x16xf32>,
        %swap3A_240 = vector.shape_cast %swap3A_239 : vector<1x16xf32> to vector<16xf32>
        %swap3A_241 = vector.shape_cast %convert_element_type3A_232 : vector<16xf32> to vector<1x16xf32>
        tpu.vector_store %arg8[%swap3A_237, %swap3A_238], %swap3A_241 {strides = array<i32>} : memref<128x128xf32, #tpu.memory_space<vmem>>, vector<1x16xf32>,
        %swap3A_242 = arith.index_cast %add3A_169 : i32 to index
        %swap3A_243 = arith.constant 96 : index
        %swap3A_244 = tpu.vector_load %arg8[%swap3A_242, %swap3A_243] {strides = array<i32>} : memref<128x128xf32, #tpu.memory_space<vmem>>, vector<1x16xf32>,
        %swap3A_245 = vector.shape_cast %swap3A_244 : vector<1x16xf32> to vector<16xf32>
        %swap3A_246 = vector.shape_cast %convert_element_type3A_236 : vector<16xf32> to vector<1x16xf32>
        tpu.vector_store %arg8[%swap3A_242, %swap3A_243], %swap3A_246 {strides = array<i32>} : memref<128x128xf32, #tpu.memory_space<vmem>>, vector<1x16xf32>,
        %get3A_247 = arith.constant 0 : i32
        %get3A_248 = arith.index_cast %get3A_247 : i32 to index
        %get3A_249 = arith.index_cast %add3A_169 : i32 to index
        %get3A_250 = arith.constant 48 : index
        %get3A_251 = tpu.vector_load %arg7[%get3A_248, %get3A_249, %get3A_250] {strides = array<i32>} : memref<2x128x64xi32, #tpu.memory_space<vmem>>, vector<1x1x16xi32>,
        %get3A_252 = vector.shape_cast %get3A_251 : vector<1x1x16xi32> to vector<16xi32>
        %shift_left3A_253 = arith.constant 16 : i32
        %shift_left3A_254 = vector.broadcast %shift_left3A_253 : i32 to vector<16xi32>
        %shift_left3A_255 = arith.shli %get3A_252, %shift_left3A_254 : vector<16xi32>
        %shift_right_arithmetic3A_256 = arith.constant 16 : i32
        %shift_right_arithmetic3A_257 = vector.broadcast %shift_right_arithmetic3A_256 : i32 to vector<16xi32>
        %shift_right_arithmetic3A_258 = arith.shrsi %shift_left3A_255, %shift_right_arithmetic3A_257 : vector<16xi32>
        %convert_element_type3A_259 = arith.sitofp %shift_right_arithmetic3A_258 : vector<16xi32> to vector<16xf32>
        %shift_right_arithmetic3A_260 = arith.constant 16 : i32
        %shift_right_arithmetic3A_261 = vector.broadcast %shift_right_arithmetic3A_260 : i32 to vector<16xi32>
        %shift_right_arithmetic3A_262 = arith.shrsi %get3A_252, %shift_right_arithmetic3A_261 : vector<16xi32>
        %convert_element_type3A_263 = arith.sitofp %shift_right_arithmetic3A_262 : vector<16xi32> to vector<16xf32>
        %swap3A_264 = arith.index_cast %add3A_169 : i32 to index
        %swap3A_265 = arith.constant 48 : index
        %swap3A_266 = tpu.vector_load %arg8[%swap3A_264, %swap3A_265] {strides = array<i32>} : memref<128x128xf32, #tpu.memory_space<vmem>>, vector<1x16xf32>,
        %swap3A_267 = vector.shape_cast %swap3A_266 : vector<1x16xf32> to vector<16xf32>
        %swap3A_268 = vector.shape_cast %convert_element_type3A_259 : vector<16xf32> to vector<1x16xf32>
        tpu.vector_store %arg8[%swap3A_264, %swap3A_265], %swap3A_268 {strides = array<i32>} : memref<128x128xf32, #tpu.memory_space<vmem>>, vector<1x16xf32>,
        %swap3A_269 = arith.index_cast %add3A_169 : i32 to index
        %swap3A_270 = arith.constant 112 : index
        %swap3A_271 = tpu.vector_load %arg8[%swap3A_269, %swap3A_270] {strides = array<i32>} : memref<128x128xf32, #tpu.memory_space<vmem>>, vector<1x16xf32>,
        %swap3A_272 = vector.shape_cast %swap3A_271 : vector<1x16xf32> to vector<16xf32>
        %swap3A_273 = vector.shape_cast %convert_element_type3A_263 : vector<16xf32> to vector<1x16xf32>
        tpu.vector_store %arg8[%swap3A_269, %swap3A_270], %swap3A_273 {strides = array<i32>} : memref<128x128xf32, #tpu.memory_space<vmem>>, vector<1x16xf32>,
        %mul3A_274 = arith.constant 2 : i32
        %mul3A_275 = arith.muli %scan3A_164, %mul3A_274 : i32
        %add3A_276 = arith.constant 1 : i32
        %add3A_277 = arith.addi %mul3A_275, %add3A_276 : i32
        %get3A_278 = arith.constant 0 : i32
        %get3A_279 = arith.index_cast %get3A_278 : i32 to index
        %get3A_280 = arith.index_cast %add3A_277 : i32 to index
        %get3A_281 = arith.constant 0 : index
        %get3A_282 = tpu.vector_load %arg7[%get3A_279, %get3A_280, %get3A_281] {strides = array<i32>} : memref<2x128x64xi32, #tpu.memory_space<vmem>>, vector<1x1x16xi32>,
        %get3A_283 = vector.shape_cast %get3A_282 : vector<1x1x16xi32> to vector<16xi32>
        %shift_left3A_284 = arith.constant 16 : i32
        %shift_left3A_285 = vector.broadcast %shift_left3A_284 : i32 to vector<16xi32>
        %shift_left3A_286 = arith.shli %get3A_283, %shift_left3A_285 : vector<16xi32>
        %shift_right_arithmetic3A_287 = arith.constant 16 : i32
        %shift_right_arithmetic3A_288 = vector.broadcast %shift_right_arithmetic3A_287 : i32 to vector<16xi32>
        %shift_right_arithmetic3A_289 = arith.shrsi %shift_left3A_286, %shift_right_arithmetic3A_288 : vector<16xi32>
        %convert_element_type3A_290 = arith.sitofp %shift_right_arithmetic3A_289 : vector<16xi32> to vector<16xf32>
        %shift_right_arithmetic3A_291 = arith.constant 16 : i32
        %shift_right_arithmetic3A_292 = vector.broadcast %shift_right_arithmetic3A_291 : i32 to vector<16xi32>
        %shift_right_arithmetic3A_293 = arith.shrsi %get3A_283, %shift_right_arithmetic3A_292 : vector<16xi32>
        %convert_element_type3A_294 = arith.sitofp %shift_right_arithmetic3A_293 : vector<16xi32> to vector<16xf32>
        %swap3A_295 = arith.index_cast %add3A_277 : i32 to index
        %swap3A_296 = arith.constant 0 : index
        %swap3A_297 = tpu.vector_load %arg8[%swap3A_295, %swap3A_296] {strides = array<i32>} : memref<128x128xf32, #tpu.memory_space<vmem>>, vector<1x16xf32>,
        %swap3A_298 = vector.shape_cast %swap3A_297 : vector<1x16xf32> to vector<16xf32>
        %swap3A_299 = vector.shape_cast %convert_element_type3A_290 : vector<16xf32> to vector<1x16xf32>
        tpu.vector_store %arg8[%swap3A_295, %swap3A_296], %swap3A_299 {strides = array<i32>} : memref<128x128xf32, #tpu.memory_space<vmem>>, vector<1x16xf32>,
        %swap3A_300 = arith.index_cast %add3A_277 : i32 to index
        %swap3A_301 = arith.constant 64 : index
        %swap3A_302 = tpu.vector_load %arg8[%swap3A_300, %swap3A_301] {strides = array<i32>} : memref<128x128xf32, #tpu.memory_space<vmem>>, vector<1x16xf32>,
        %swap3A_303 = vector.shape_cast %swap3A_302 : vector<1x16xf32> to vector<16xf32>
        %swap3A_304 = vector.shape_cast %convert_element_type3A_294 : vector<16xf32> to vector<1x16xf32>
        tpu.vector_store %arg8[%swap3A_300, %swap3A_301], %swap3A_304 {strides = array<i32>} : memref<128x128xf32, #tpu.memory_space<vmem>>, vector<1x16xf32>,
        %get3A_305 = arith.constant 0 : i32
        %get3A_306 = arith.index_cast %get3A_305 : i32 to index
        %get3A_307 = arith.index_cast %add3A_277 : i32 to index
        %get3A_308 = arith.constant 16 : index
        %get3A_309 = tpu.vector_load %arg7[%get3A_306, %get3A_307, %get3A_308] {strides = array<i32>} : memref<2x128x64xi32, #tpu.memory_space<vmem>>, vector<1x1x16xi32>,
        %get3A_310 = vector.shape_cast %get3A_309 : vector<1x1x16xi32> to vector<16xi32>
        %shift_left3A_311 = arith.constant 16 : i32
        %shift_left3A_312 = vector.broadcast %shift_left3A_311 : i32 to vector<16xi32>
        %shift_left3A_313 = arith.shli %get3A_310, %shift_left3A_312 : vector<16xi32>
        %shift_right_arithmetic3A_314 = arith.constant 16 : i32
        %shift_right_arithmetic3A_315 = vector.broadcast %shift_right_arithmetic3A_314 : i32 to vector<16xi32>
        %shift_right_arithmetic3A_316 = arith.shrsi %shift_left3A_313, %shift_right_arithmetic3A_315 : vector<16xi32>
        %convert_element_type3A_317 = arith.sitofp %shift_right_arithmetic3A_316 : vector<16xi32> to vector<16xf32>
        %shift_right_arithmetic3A_318 = arith.constant 16 : i32
        %shift_right_arithmetic3A_319 = vector.broadcast %shift_right_arithmetic3A_318 : i32 to vector<16xi32>
        %shift_right_arithmetic3A_320 = arith.shrsi %get3A_310, %shift_right_arithmetic3A_319 : vector<16xi32>
        %convert_element_type3A_321 = arith.sitofp %shift_right_arithmetic3A_320 : vector<16xi32> to vector<16xf32>
        %swap3A_322 = arith.index_cast %add3A_277 : i32 to index
        %swap3A_323 = arith.constant 16 : index
        %swap3A_324 = tpu.vector_load %arg8[%swap3A_322, %swap3A_323] {strides = array<i32>} : memref<128x128xf32, #tpu.memory_space<vmem>>, vector<1x16xf32>,
        %swap3A_325 = vector.shape_cast %swap3A_324 : vector<1x16xf32> to vector<16xf32>
        %swap3A_326 = vector.shape_cast %convert_element_type3A_317 : vector<16xf32> to vector<1x16xf32>
        tpu.vector_store %arg8[%swap3A_322, %swap3A_323], %swap3A_326 {strides = array<i32>} : memref<128x128xf32, #tpu.memory_space<vmem>>, vector<1x16xf32>,
        %swap3A_327 = arith.index_cast %add3A_277 : i32 to index
        %swap3A_328 = arith.constant 80 : index
        %swap3A_329 = tpu.vector_load %arg8[%swap3A_327, %swap3A_328] {strides = array<i32>} : memref<128x128xf32, #tpu.memory_space<vmem>>, vector<1x16xf32>,
        %swap3A_330 = vector.shape_cast %swap3A_329 : vector<1x16xf32> to vector<16xf32>
        %swap3A_331 = vector.shape_cast %convert_element_type3A_321 : vector<16xf32> to vector<1x16xf32>
        tpu.vector_store %arg8[%swap3A_327, %swap3A_328], %swap3A_331 {strides = array<i32>} : memref<128x128xf32, #tpu.memory_space<vmem>>, vector<1x16xf32>,
        %get3A_332 = arith.constant 0 : i32
        %get3A_333 = arith.index_cast %get3A_332 : i32 to index
        %get3A_334 = arith.index_cast %add3A_277 : i32 to index
        %get3A_335 = arith.constant 32 : index
        %get3A_336 = tpu.vector_load %arg7[%get3A_333, %get3A_334, %get3A_335] {strides = array<i32>} : memref<2x128x64xi32, #tpu.memory_space<vmem>>, vector<1x1x16xi32>,
        %get3A_337 = vector.shape_cast %get3A_336 : vector<1x1x16xi32> to vector<16xi32>
        %shift_left3A_338 = arith.constant 16 : i32
        %shift_left3A_339 = vector.broadcast %shift_left3A_338 : i32 to vector<16xi32>
        %shift_left3A_340 = arith.shli %get3A_337, %shift_left3A_339 : vector<16xi32>
        %shift_right_arithmetic3A_341 = arith.constant 16 : i32
        %shift_right_arithmetic3A_342 = vector.broadcast %shift_right_arithmetic3A_341 : i32 to vector<16xi32>
        %shift_right_arithmetic3A_343 = arith.shrsi %shift_left3A_340, %shift_right_arithmetic3A_342 : vector<16xi32>
        %convert_element_type3A_344 = arith.sitofp %shift_right_arithmetic3A_343 : vector<16xi32> to vector<16xf32>
        %shift_right_arithmetic3A_345 = arith.constant 16 : i32
        %shift_right_arithmetic3A_346 = vector.broadcast %shift_right_arithmetic3A_345 : i32 to vector<16xi32>
        %shift_right_arithmetic3A_347 = arith.shrsi %get3A_337, %shift_right_arithmetic3A_346 : vector<16xi32>
        %convert_element_type3A_348 = arith.sitofp %shift_right_arithmetic3A_347 : vector<16xi32> to vector<16xf32>
        %swap3A_349 = arith.index_cast %add3A_277 : i32 to index
        %swap3A_350 = arith.constant 32 : index
        %swap3A_351 = tpu.vector_load %arg8[%swap3A_349, %swap3A_350] {strides = array<i32>} : memref<128x128xf32, #tpu.memory_space<vmem>>, vector<1x16xf32>,
        %swap3A_352 = vector.shape_cast %swap3A_351 : vector<1x16xf32> to vector<16xf32>
        %swap3A_353 = vector.shape_cast %convert_element_type3A_344 : vector<16xf32> to vector<1x16xf32>
        tpu.vector_store %arg8[%swap3A_349, %swap3A_350], %swap3A_353 {strides = array<i32>} : memref<128x128xf32, #tpu.memory_space<vmem>>, vector<1x16xf32>,
        %swap3A_354 = arith.index_cast %add3A_277 : i32 to index
        %swap3A_355 = arith.constant 96 : index
        %swap3A_356 = tpu.vector_load %arg8[%swap3A_354, %swap3A_355] {strides = array<i32>} : memref<128x128xf32, #tpu.memory_space<vmem>>, vector<1x16xf32>,
        %swap3A_357 = vector.shape_cast %swap3A_356 : vector<1x16xf32> to vector<16xf32>
        %swap3A_358 = vector.shape_cast %convert_element_type3A_348 : vector<16xf32> to vector<1x16xf32>
        tpu.vector_store %arg8[%swap3A_354, %swap3A_355], %swap3A_358 {strides = array<i32>} : memref<128x128xf32, #tpu.memory_space<vmem>>, vector<1x16xf32>,
        %get3A_359 = arith.constant 0 : i32
        %get3A_360 = arith.index_cast %get3A_359 : i32 to index
        %get3A_361 = arith.index_cast %add3A_277 : i32 to index
        %get3A_362 = arith.constant 48 : index
        %get3A_363 = tpu.vector_load %arg7[%get3A_360, %get3A_361, %get3A_362] {strides = array<i32>} : memref<2x128x64xi32, #tpu.memory_space<vmem>>, vector<1x1x16xi32>,
        %get3A_364 = vector.shape_cast %get3A_363 : vector<1x1x16xi32> to vector<16xi32>
        %shift_left3A_365 = arith.constant 16 : i32
        %shift_left3A_366 = vector.broadcast %shift_left3A_365 : i32 to vector<16xi32>
        %shift_left3A_367 = arith.shli %get3A_364, %shift_left3A_366 : vector<16xi32>
        %shift_right_arithmetic3A_368 = arith.constant 16 : i32
        %shift_right_arithmetic3A_369 = vector.broadcast %shift_right_arithmetic3A_368 : i32 to vector<16xi32>
        %shift_right_arithmetic3A_370 = arith.shrsi %shift_left3A_367, %shift_right_arithmetic3A_369 : vector<16xi32>
        %convert_element_type3A_371 = arith.sitofp %shift_right_arithmetic3A_370 : vector<16xi32> to vector<16xf32>
        %shift_right_arithmetic3A_372 = arith.constant 16 : i32
        %shift_right_arithmetic3A_373 = vector.broadcast %shift_right_arithmetic3A_372 : i32 to vector<16xi32>
        %shift_right_arithmetic3A_374 = arith.shrsi %get3A_364, %shift_right_arithmetic3A_373 : vector<16xi32>
        %convert_element_type3A_375 = arith.sitofp %shift_right_arithmetic3A_374 : vector<16xi32> to vector<16xf32>
        %swap3A_376 = arith.index_cast %add3A_277 : i32 to index
        %swap3A_377 = arith.constant 48 : index
        %swap3A_378 = tpu.vector_load %arg8[%swap3A_376, %swap3A_377] {strides = array<i32>} : memref<128x128xf32, #tpu.memory_space<vmem>>, vector<1x16xf32>,
        %swap3A_379 = vector.shape_cast %swap3A_378 : vector<1x16xf32> to vector<16xf32>
        %swap3A_380 = vector.shape_cast %convert_element_type3A_371 : vector<16xf32> to vector<1x16xf32>
        tpu.vector_store %arg8[%swap3A_376, %swap3A_377], %swap3A_380 {strides = array<i32>} : memref<128x128xf32, #tpu.memory_space<vmem>>, vector<1x16xf32>,
        %swap3A_381 = arith.index_cast %add3A_277 : i32 to index
        %swap3A_382 = arith.constant 112 : index
        %swap3A_383 = tpu.vector_load %arg8[%swap3A_381, %swap3A_382] {strides = array<i32>} : memref<128x128xf32, #tpu.memory_space<vmem>>, vector<1x16xf32>,
        %swap3A_384 = vector.shape_cast %swap3A_383 : vector<1x16xf32> to vector<16xf32>
        %swap3A_385 = vector.shape_cast %convert_element_type3A_375 : vector<16xf32> to vector<1x16xf32>
        tpu.vector_store %arg8[%swap3A_381, %swap3A_382], %swap3A_385 {strides = array<i32>} : memref<128x128xf32, #tpu.memory_space<vmem>>, vector<1x16xf32>,
        %scan3A_386 = arith.constant 0 : i32
        scf.yield %scan3A_386 : i32
      }
      %scan3A_116 = arith.constant 64 : i32
      %dma_start3A_117 = arith.constant 0 : i32
      %dma_start3A_118 = tpu.memref_slice %arg6[%add3A_90, %dma_start3A_117] : memref<40x128xi32, #tpu.memory_space<vmem>> -> memref<1x128xi32, #tpu.memory_space<vmem>>
      %dma_start3A_119 = tpu.memref_squeeze %dma_start3A_118 : memref<1x128xi32, #tpu.memory_space<vmem>> -> memref<128xi32, #tpu.memory_space<vmem>>
      %dma_start3A_120 = arith.constant 0 : i32
      %dma_start3A_121 = arith.constant 0 : i32
      %dma_start3A_122 = tpu.memref_slice %arg10[%dma_start3A_120, %dma_start3A_121] : memref<10112x128xf32, #tpu.memory_space<vmem_shared>> -> memref<10112x128xf32, #tpu.memory_space<vmem_shared>>
      tpu.enqueue_indirect_dma source(%arg8 : memref<128x128xf32, #tpu.memory_space<vmem>>) target(%dma_start3A_122 : memref<10112x128xf32, #tpu.memory_space<vmem_shared>>) offsets(%dma_start3A_119 : memref<128xi32, #tpu.memory_space<vmem>>) semaphore(%arg12 : memref<!tpu.dma_semaphore, #tpu.memory_space<semaphore_mem>>) {add = true}
      %mul3A_123 = arith.constant 2 : i32
      %mul3A_124 = arith.muli %scan3A_85, %mul3A_123 : i32
      %add3A_125 = arith.constant 1 : i32
      %add3A_126 = arith.addi %mul3A_124, %add3A_125 : i32
      %dma_wait3A_127 = arith.constant 1 : i32
      %dma_wait3A_128 = arith.constant 0 : i32
      %dma_wait3A_129 = arith.constant 0 : i32
      %dma_wait3A_130 = tpu.memref_slice %arg7[%dma_wait3A_127, %dma_wait3A_128, %dma_wait3A_129] : memref<2x128x64xi32, #tpu.memory_space<vmem>> -> memref<1x128x64xi32, #tpu.memory_space<vmem>>
      %dma_wait3A_131 = tpu.memref_squeeze %dma_wait3A_130 : memref<1x128x64xi32, #tpu.memory_space<vmem>> -> memref<128x64xi32, #tpu.memory_space<vmem>>
      %dma_wait3A_132 = arith.constant 0 : i32
      %dma_wait3A_133 = tpu.memref_slice %arg5[%add3A_126, %dma_wait3A_132] : memref<40x128xi32, #tpu.memory_space<vmem>> -> memref<1x128xi32, #tpu.memory_space<vmem>>
      %dma_wait3A_134 = tpu.memref_squeeze %dma_wait3A_133 : memref<1x128xi32, #tpu.memory_space<vmem>> -> memref<128xi32, #tpu.memory_space<vmem>>
      %dma_wait3A_135 = arith.constant 0 : i32
      %dma_wait3A_136 = arith.constant 0 : i32
      %dma_wait3A_137 = tpu.memref_slice %arg2[%dma_wait3A_135, %dma_wait3A_136] : memref<10000x64xi32, #tpu.memory_space<hbm>> -> memref<10000x64xi32, #tpu.memory_space<hbm>>
      tpu.wait_indirect_dma semaphore(%arg11 : memref<!tpu.dma_semaphore, #tpu.memory_space<semaphore_mem>>) src(%dma_wait3A_137 : memref<10000x64xi32, #tpu.memory_space<hbm>>) dst(%dma_wait3A_131 : memref<128x64xi32, #tpu.memory_space<vmem>>)
      %add3A_138 = arith.constant 1 : i32
      %add3A_139 = arith.addi %add3A_126, %add3A_138 : i32
      %lt3A_140 = arith.constant 40 : i32
      %lt3A_141 = arith.cmpi slt, %add3A_139, %lt3A_140 : i32
      %convert_element_type3A_142 = arith.extui %lt3A_141 : i1 to i32
      %cond3A_143 = arith.constant 0 : i32
      %cond3A_144 = arith.cmpi ne, %convert_element_type3A_142, %cond3A_143 : i32
      scf.if %cond3A_144 {
        %add3A_164 = arith.constant 1 : i32
        %add3A_165 = arith.addi %add3A_126, %add3A_164 : i32
        %dma_start3A_166 = arith.constant 0 : i32
        %dma_start3A_167 = arith.constant 0 : i32
        %dma_start3A_168 = arith.constant 0 : i32
        %dma_start3A_169 = tpu.memref_slice %arg7[%dma_start3A_166, %dma_start3A_167, %dma_start3A_168] : memref<2x128x64xi32, #tpu.memory_space<vmem>> -> memref<1x128x64xi32, #tpu.memory_space<vmem>>
        %dma_start3A_170 = tpu.memref_squeeze %dma_start3A_169 : memref<1x128x64xi32, #tpu.memory_space<vmem>> -> memref<128x64xi32, #tpu.memory_space<vmem>>
        %dma_start3A_171 = arith.constant 0 : i32
        %dma_start3A_172 = tpu.memref_slice %arg5[%add3A_165, %dma_start3A_171] : memref<40x128xi32, #tpu.memory_space<vmem>> -> memref<1x128xi32, #tpu.memory_space<vmem>>
        %dma_start3A_173 = tpu.memref_squeeze %dma_start3A_172 : memref<1x128xi32, #tpu.memory_space<vmem>> -> memref<128xi32, #tpu.memory_space<vmem>>
        %dma_start3A_174 = arith.constant 0 : i32
        %dma_start3A_175 = arith.constant 0 : i32
        %dma_start3A_176 = tpu.memref_slice %arg2[%dma_start3A_174, %dma_start3A_175] : memref<10000x64xi32, #tpu.memory_space<hbm>> -> memref<10000x64xi32, #tpu.memory_space<hbm>>
        tpu.enqueue_indirect_dma source(%dma_start3A_176 : memref<10000x64xi32, #tpu.memory_space<hbm>>) target(%dma_start3A_170 : memref<128x64xi32, #tpu.memory_space<vmem>>) offsets(%dma_start3A_173 : memref<128xi32, #tpu.memory_space<vmem>>) semaphore(%arg11 : memref<!tpu.dma_semaphore, #tpu.memory_space<semaphore_mem>>)
      } else {
      }
      %ge3A_145 = arith.constant 1 : i32
      %ge3A_146 = arith.cmpi sge, %add3A_126, %ge3A_145 : i32
      %convert_element_type3A_147 = arith.extui %ge3A_146 : i1 to i32
      %cond3A_148 = arith.constant 0 : i32
      %cond3A_149 = arith.cmpi ne, %convert_element_type3A_147, %cond3A_148 : i32
      scf.if %cond3A_149 {
        %sub3A = arith.constant 1 : i32
        %sub3A_164 = arith.subi %add3A_126, %sub3A : i32
        %dma_wait3A_165 = arith.constant 0 : i32
        %dma_wait3A_166 = tpu.memref_slice %arg6[%sub3A_164, %dma_wait3A_165] : memref<40x128xi32, #tpu.memory_space<vmem>> -> memref<1x128xi32, #tpu.memory_space<vmem>>
        %dma_wait3A_167 = tpu.memref_squeeze %dma_wait3A_166 : memref<1x128xi32, #tpu.memory_space<vmem>> -> memref<128xi32, #tpu.memory_space<vmem>>
        %dma_wait3A_168 = arith.constant 0 : i32
        %dma_wait3A_169 = arith.constant 0 : i32
        %dma_wait3A_170 = tpu.memref_slice %arg10[%dma_wait3A_168, %dma_wait3A_169] : memref<10112x128xf32, #tpu.memory_space<vmem_shared>> -> memref<10112x128xf32, #tpu.memory_space<vmem_shared>>
        tpu.wait_indirect_dma semaphore(%arg12 : memref<!tpu.dma_semaphore, #tpu.memory_space<semaphore_mem>>) src(%arg8 : memref<128x128xf32, #tpu.memory_space<vmem>>) dst(%dma_wait3A_170 : memref<10112x128xf32, #tpu.memory_space<vmem_shared>>)
      } else {
      }
      %scan3A_150 = arith.constant 0 : i32
      %scan3A_151 = arith.constant 0 : i32
      %scan3A_152 = arith.constant 64 : i32
      %scan3A_153 = arith.addi %scan3A_151, %scan3A_152 : i32
      %scan3A_154 = arith.constant 1 : i32
      %scan3A_155 = scf.for %scan3A_164 = %scan3A_151 to %scan3A_153 step %scan3A_154 iter_args(%scan3A_165 = %scan3A_150) -> (i32)  : i32 {
        %mul3A_166 = arith.constant 2 : i32
        %mul3A_167 = arith.muli %scan3A_164, %mul3A_166 : i32
        %add3A_168 = arith.constant 0 : i32
        %add3A_169 = arith.addi %mul3A_167, %add3A_168 : i32
        %get3A = arith.constant 1 : i32
        %get3A_170 = arith.index_cast %get3A : i32 to index
        %get3A_171 = arith.index_cast %add3A_169 : i32 to index
        %get3A_172 = arith.constant 0 : index
        %get3A_173 = tpu.vector_load %arg7[%get3A_170, %get3A_171, %get3A_172] {strides = array<i32>} : memref<2x128x64xi32, #tpu.memory_space<vmem>>, vector<1x1x16xi32>,
        %get3A_174 = vector.shape_cast %get3A_173 : vector<1x1x16xi32> to vector<16xi32>
        %shift_left3A = arith.constant 16 : i32
        %shift_left3A_175 = vector.broadcast %shift_left3A : i32 to vector<16xi32>
        %shift_left3A_176 = arith.shli %get3A_174, %shift_left3A_175 : vector<16xi32>
        %shift_right_arithmetic3A = arith.constant 16 : i32
        %shift_right_arithmetic3A_177 = vector.broadcast %shift_right_arithmetic3A : i32 to vector<16xi32>
        %shift_right_arithmetic3A_178 = arith.shrsi %shift_left3A_176, %shift_right_arithmetic3A_177 : vector<16xi32>
        %convert_element_type3A_179 = arith.sitofp %shift_right_arithmetic3A_178 : vector<16xi32> to vector<16xf32>
        %shift_right_arithmetic3A_180 = arith.constant 16 : i32
        %shift_right_arithmetic3A_181 = vector.broadcast %shift_right_arithmetic3A_180 : i32 to vector<16xi32>
        %shift_right_arithmetic3A_182 = arith.shrsi %get3A_174, %shift_right_arithmetic3A_181 : vector<16xi32>
        %convert_element_type3A_183 = arith.sitofp %shift_right_arithmetic3A_182 : vector<16xi32> to vector<16xf32>
        %swap3A = arith.index_cast %add3A_169 : i32 to index
        %swap3A_184 = arith.constant 0 : index
        %swap3A_185 = tpu.vector_load %arg8[%swap3A, %swap3A_184] {strides = array<i32>} : memref<128x128xf32, #tpu.memory_space<vmem>>, vector<1x16xf32>,
        %swap3A_186 = vector.shape_cast %swap3A_185 : vector<1x16xf32> to vector<16xf32>
        %swap3A_187 = vector.shape_cast %convert_element_type3A_179 : vector<16xf32> to vector<1x16xf32>
        tpu.vector_store %arg8[%swap3A, %swap3A_184], %swap3A_187 {strides = array<i32>} : memref<128x128xf32, #tpu.memory_space<vmem>>, vector<1x16xf32>,
        %swap3A_188 = arith.index_cast %add3A_169 : i32 to index
        %swap3A_189 = arith.constant 64 : index
        %swap3A_190 = tpu.vector_load %arg8[%swap3A_188, %swap3A_189] {strides = array<i32>} : memref<128x128xf32, #tpu.memory_space<vmem>>, vector<1x16xf32>,
        %swap3A_191 = vector.shape_cast %swap3A_190 : vector<1x16xf32> to vector<16xf32>
        %swap3A_192 = vector.shape_cast %convert_element_type3A_183 : vector<16xf32> to vector<1x16xf32>
        tpu.vector_store %arg8[%swap3A_188, %swap3A_189], %swap3A_192 {strides = array<i32>} : memref<128x128xf32, #tpu.memory_space<vmem>>, vector<1x16xf32>,
        %get3A_193 = arith.constant 1 : i32
        %get3A_194 = arith.index_cast %get3A_193 : i32 to index
        %get3A_195 = arith.index_cast %add3A_169 : i32 to index
        %get3A_196 = arith.constant 16 : index
        %get3A_197 = tpu.vector_load %arg7[%get3A_194, %get3A_195, %get3A_196] {strides = array<i32>} : memref<2x128x64xi32, #tpu.memory_space<vmem>>, vector<1x1x16xi32>,
        %get3A_198 = vector.shape_cast %get3A_197 : vector<1x1x16xi32> to vector<16xi32>
        %shift_left3A_199 = arith.constant 16 : i32
        %shift_left3A_200 = vector.broadcast %shift_left3A_199 : i32 to vector<16xi32>
        %shift_left3A_201 = arith.shli %get3A_198, %shift_left3A_200 : vector<16xi32>
        %shift_right_arithmetic3A_202 = arith.constant 16 : i32
        %shift_right_arithmetic3A_203 = vector.broadcast %shift_right_arithmetic3A_202 : i32 to vector<16xi32>
        %shift_right_arithmetic3A_204 = arith.shrsi %shift_left3A_201, %shift_right_arithmetic3A_203 : vector<16xi32>
        %convert_element_type3A_205 = arith.sitofp %shift_right_arithmetic3A_204 : vector<16xi32> to vector<16xf32>
        %shift_right_arithmetic3A_206 = arith.constant 16 : i32
        %shift_right_arithmetic3A_207 = vector.broadcast %shift_right_arithmetic3A_206 : i32 to vector<16xi32>
        %shift_right_arithmetic3A_208 = arith.shrsi %get3A_198, %shift_right_arithmetic3A_207 : vector<16xi32>
        %convert_element_type3A_209 = arith.sitofp %shift_right_arithmetic3A_208 : vector<16xi32> to vector<16xf32>
        %swap3A_210 = arith.index_cast %add3A_169 : i32 to index
        %swap3A_211 = arith.constant 16 : index
        %swap3A_212 = tpu.vector_load %arg8[%swap3A_210, %swap3A_211] {strides = array<i32>} : memref<128x128xf32, #tpu.memory_space<vmem>>, vector<1x16xf32>,
        %swap3A_213 = vector.shape_cast %swap3A_212 : vector<1x16xf32> to vector<16xf32>
        %swap3A_214 = vector.shape_cast %convert_element_type3A_205 : vector<16xf32> to vector<1x16xf32>
        tpu.vector_store %arg8[%swap3A_210, %swap3A_211], %swap3A_214 {strides = array<i32>} : memref<128x128xf32, #tpu.memory_space<vmem>>, vector<1x16xf32>,
        %swap3A_215 = arith.index_cast %add3A_169 : i32 to index
        %swap3A_216 = arith.constant 80 : index
        %swap3A_217 = tpu.vector_load %arg8[%swap3A_215, %swap3A_216] {strides = array<i32>} : memref<128x128xf32, #tpu.memory_space<vmem>>, vector<1x16xf32>,
        %swap3A_218 = vector.shape_cast %swap3A_217 : vector<1x16xf32> to vector<16xf32>
        %swap3A_219 = vector.shape_cast %convert_element_type3A_209 : vector<16xf32> to vector<1x16xf32>
        tpu.vector_store %arg8[%swap3A_215, %swap3A_216], %swap3A_219 {strides = array<i32>} : memref<128x128xf32, #tpu.memory_space<vmem>>, vector<1x16xf32>,
        %get3A_220 = arith.constant 1 : i32
        %get3A_221 = arith.index_cast %get3A_220 : i32 to index
        %get3A_222 = arith.index_cast %add3A_169 : i32 to index
        %get3A_223 = arith.constant 32 : index
        %get3A_224 = tpu.vector_load %arg7[%get3A_221, %get3A_222, %get3A_223] {strides = array<i32>} : memref<2x128x64xi32, #tpu.memory_space<vmem>>, vector<1x1x16xi32>,
        %get3A_225 = vector.shape_cast %get3A_224 : vector<1x1x16xi32> to vector<16xi32>
        %shift_left3A_226 = arith.constant 16 : i32
        %shift_left3A_227 = vector.broadcast %shift_left3A_226 : i32 to vector<16xi32>
        %shift_left3A_228 = arith.shli %get3A_225, %shift_left3A_227 : vector<16xi32>
        %shift_right_arithmetic3A_229 = arith.constant 16 : i32
        %shift_right_arithmetic3A_230 = vector.broadcast %shift_right_arithmetic3A_229 : i32 to vector<16xi32>
        %shift_right_arithmetic3A_231 = arith.shrsi %shift_left3A_228, %shift_right_arithmetic3A_230 : vector<16xi32>
        %convert_element_type3A_232 = arith.sitofp %shift_right_arithmetic3A_231 : vector<16xi32> to vector<16xf32>
        %shift_right_arithmetic3A_233 = arith.constant 16 : i32
        %shift_right_arithmetic3A_234 = vector.broadcast %shift_right_arithmetic3A_233 : i32 to vector<16xi32>
        %shift_right_arithmetic3A_235 = arith.shrsi %get3A_225, %shift_right_arithmetic3A_234 : vector<16xi32>
        %convert_element_type3A_236 = arith.sitofp %shift_right_arithmetic3A_235 : vector<16xi32> to vector<16xf32>
        %swap3A_237 = arith.index_cast %add3A_169 : i32 to index
        %swap3A_238 = arith.constant 32 : index
        %swap3A_239 = tpu.vector_load %arg8[%swap3A_237, %swap3A_238] {strides = array<i32>} : memref<128x128xf32, #tpu.memory_space<vmem>>, vector<1x16xf32>,
        %swap3A_240 = vector.shape_cast %swap3A_239 : vector<1x16xf32> to vector<16xf32>
        %swap3A_241 = vector.shape_cast %convert_element_type3A_232 : vector<16xf32> to vector<1x16xf32>
        tpu.vector_store %arg8[%swap3A_237, %swap3A_238], %swap3A_241 {strides = array<i32>} : memref<128x128xf32, #tpu.memory_space<vmem>>, vector<1x16xf32>,
        %swap3A_242 = arith.index_cast %add3A_169 : i32 to index
        %swap3A_243 = arith.constant 96 : index
        %swap3A_244 = tpu.vector_load %arg8[%swap3A_242, %swap3A_243] {strides = array<i32>} : memref<128x128xf32, #tpu.memory_space<vmem>>, vector<1x16xf32>,
        %swap3A_245 = vector.shape_cast %swap3A_244 : vector<1x16xf32> to vector<16xf32>
        %swap3A_246 = vector.shape_cast %convert_element_type3A_236 : vector<16xf32> to vector<1x16xf32>
        tpu.vector_store %arg8[%swap3A_242, %swap3A_243], %swap3A_246 {strides = array<i32>} : memref<128x128xf32, #tpu.memory_space<vmem>>, vector<1x16xf32>,
        %get3A_247 = arith.constant 1 : i32
        %get3A_248 = arith.index_cast %get3A_247 : i32 to index
        %get3A_249 = arith.index_cast %add3A_169 : i32 to index
        %get3A_250 = arith.constant 48 : index
        %get3A_251 = tpu.vector_load %arg7[%get3A_248, %get3A_249, %get3A_250] {strides = array<i32>} : memref<2x128x64xi32, #tpu.memory_space<vmem>>, vector<1x1x16xi32>,
        %get3A_252 = vector.shape_cast %get3A_251 : vector<1x1x16xi32> to vector<16xi32>
        %shift_left3A_253 = arith.constant 16 : i32
        %shift_left3A_254 = vector.broadcast %shift_left3A_253 : i32 to vector<16xi32>
        %shift_left3A_255 = arith.shli %get3A_252, %shift_left3A_254 : vector<16xi32>
        %shift_right_arithmetic3A_256 = arith.constant 16 : i32
        %shift_right_arithmetic3A_257 = vector.broadcast %shift_right_arithmetic3A_256 : i32 to vector<16xi32>
        %shift_right_arithmetic3A_258 = arith.shrsi %shift_left3A_255, %shift_right_arithmetic3A_257 : vector<16xi32>
        %convert_element_type3A_259 = arith.sitofp %shift_right_arithmetic3A_258 : vector<16xi32> to vector<16xf32>
        %shift_right_arithmetic3A_260 = arith.constant 16 : i32
        %shift_right_arithmetic3A_261 = vector.broadcast %shift_right_arithmetic3A_260 : i32 to vector<16xi32>
        %shift_right_arithmetic3A_262 = arith.shrsi %get3A_252, %shift_right_arithmetic3A_261 : vector<16xi32>
        %convert_element_type3A_263 = arith.sitofp %shift_right_arithmetic3A_262 : vector<16xi32> to vector<16xf32>
        %swap3A_264 = arith.index_cast %add3A_169 : i32 to index
        %swap3A_265 = arith.constant 48 : index
        %swap3A_266 = tpu.vector_load %arg8[%swap3A_264, %swap3A_265] {strides = array<i32>} : memref<128x128xf32, #tpu.memory_space<vmem>>, vector<1x16xf32>,
        %swap3A_267 = vector.shape_cast %swap3A_266 : vector<1x16xf32> to vector<16xf32>
        %swap3A_268 = vector.shape_cast %convert_element_type3A_259 : vector<16xf32> to vector<1x16xf32>
        tpu.vector_store %arg8[%swap3A_264, %swap3A_265], %swap3A_268 {strides = array<i32>} : memref<128x128xf32, #tpu.memory_space<vmem>>, vector<1x16xf32>,
        %swap3A_269 = arith.index_cast %add3A_169 : i32 to index
        %swap3A_270 = arith.constant 112 : index
        %swap3A_271 = tpu.vector_load %arg8[%swap3A_269, %swap3A_270] {strides = array<i32>} : memref<128x128xf32, #tpu.memory_space<vmem>>, vector<1x16xf32>,
        %swap3A_272 = vector.shape_cast %swap3A_271 : vector<1x16xf32> to vector<16xf32>
        %swap3A_273 = vector.shape_cast %convert_element_type3A_263 : vector<16xf32> to vector<1x16xf32>
        tpu.vector_store %arg8[%swap3A_269, %swap3A_270], %swap3A_273 {strides = array<i32>} : memref<128x128xf32, #tpu.memory_space<vmem>>, vector<1x16xf32>,
        %mul3A_274 = arith.constant 2 : i32
        %mul3A_275 = arith.muli %scan3A_164, %mul3A_274 : i32
        %add3A_276 = arith.constant 1 : i32
        %add3A_277 = arith.addi %mul3A_275, %add3A_276 : i32
        %get3A_278 = arith.constant 1 : i32
        %get3A_279 = arith.index_cast %get3A_278 : i32 to index
        %get3A_280 = arith.index_cast %add3A_277 : i32 to index
        %get3A_281 = arith.constant 0 : index
        %get3A_282 = tpu.vector_load %arg7[%get3A_279, %get3A_280, %get3A_281] {strides = array<i32>} : memref<2x128x64xi32, #tpu.memory_space<vmem>>, vector<1x1x16xi32>,
        %get3A_283 = vector.shape_cast %get3A_282 : vector<1x1x16xi32> to vector<16xi32>
        %shift_left3A_284 = arith.constant 16 : i32
        %shift_left3A_285 = vector.broadcast %shift_left3A_284 : i32 to vector<16xi32>
        %shift_left3A_286 = arith.shli %get3A_283, %shift_left3A_285 : vector<16xi32>
        %shift_right_arithmetic3A_287 = arith.constant 16 : i32
        %shift_right_arithmetic3A_288 = vector.broadcast %shift_right_arithmetic3A_287 : i32 to vector<16xi32>
        %shift_right_arithmetic3A_289 = arith.shrsi %shift_left3A_286, %shift_right_arithmetic3A_288 : vector<16xi32>
        %convert_element_type3A_290 = arith.sitofp %shift_right_arithmetic3A_289 : vector<16xi32> to vector<16xf32>
        %shift_right_arithmetic3A_291 = arith.constant 16 : i32
        %shift_right_arithmetic3A_292 = vector.broadcast %shift_right_arithmetic3A_291 : i32 to vector<16xi32>
        %shift_right_arithmetic3A_293 = arith.shrsi %get3A_283, %shift_right_arithmetic3A_292 : vector<16xi32>
        %convert_element_type3A_294 = arith.sitofp %shift_right_arithmetic3A_293 : vector<16xi32> to vector<16xf32>
        %swap3A_295 = arith.index_cast %add3A_277 : i32 to index
        %swap3A_296 = arith.constant 0 : index
        %swap3A_297 = tpu.vector_load %arg8[%swap3A_295, %swap3A_296] {strides = array<i32>} : memref<128x128xf32, #tpu.memory_space<vmem>>, vector<1x16xf32>,
        %swap3A_298 = vector.shape_cast %swap3A_297 : vector<1x16xf32> to vector<16xf32>
        %swap3A_299 = vector.shape_cast %convert_element_type3A_290 : vector<16xf32> to vector<1x16xf32>
        tpu.vector_store %arg8[%swap3A_295, %swap3A_296], %swap3A_299 {strides = array<i32>} : memref<128x128xf32, #tpu.memory_space<vmem>>, vector<1x16xf32>,
        %swap3A_300 = arith.index_cast %add3A_277 : i32 to index
        %swap3A_301 = arith.constant 64 : index
        %swap3A_302 = tpu.vector_load %arg8[%swap3A_300, %swap3A_301] {strides = array<i32>} : memref<128x128xf32, #tpu.memory_space<vmem>>, vector<1x16xf32>,
        %swap3A_303 = vector.shape_cast %swap3A_302 : vector<1x16xf32> to vector<16xf32>
        %swap3A_304 = vector.shape_cast %convert_element_type3A_294 : vector<16xf32> to vector<1x16xf32>
        tpu.vector_store %arg8[%swap3A_300, %swap3A_301], %swap3A_304 {strides = array<i32>} : memref<128x128xf32, #tpu.memory_space<vmem>>, vector<1x16xf32>,
        %get3A_305 = arith.constant 1 : i32
        %get3A_306 = arith.index_cast %get3A_305 : i32 to index
        %get3A_307 = arith.index_cast %add3A_277 : i32 to index
        %get3A_308 = arith.constant 16 : index
        %get3A_309 = tpu.vector_load %arg7[%get3A_306, %get3A_307, %get3A_308] {strides = array<i32>} : memref<2x128x64xi32, #tpu.memory_space<vmem>>, vector<1x1x16xi32>,
        %get3A_310 = vector.shape_cast %get3A_309 : vector<1x1x16xi32> to vector<16xi32>
        %shift_left3A_311 = arith.constant 16 : i32
        %shift_left3A_312 = vector.broadcast %shift_left3A_311 : i32 to vector<16xi32>
        %shift_left3A_313 = arith.shli %get3A_310, %shift_left3A_312 : vector<16xi32>
        %shift_right_arithmetic3A_314 = arith.constant 16 : i32
        %shift_right_arithmetic3A_315 = vector.broadcast %shift_right_arithmetic3A_314 : i32 to vector<16xi32>
        %shift_right_arithmetic3A_316 = arith.shrsi %shift_left3A_313, %shift_right_arithmetic3A_315 : vector<16xi32>
        %convert_element_type3A_317 = arith.sitofp %shift_right_arithmetic3A_316 : vector<16xi32> to vector<16xf32>
        %shift_right_arithmetic3A_318 = arith.constant 16 : i32
        %shift_right_arithmetic3A_319 = vector.broadcast %shift_right_arithmetic3A_318 : i32 to vector<16xi32>
        %shift_right_arithmetic3A_320 = arith.shrsi %get3A_310, %shift_right_arithmetic3A_319 : vector<16xi32>
        %convert_element_type3A_321 = arith.sitofp %shift_right_arithmetic3A_320 : vector<16xi32> to vector<16xf32>
        %swap3A_322 = arith.index_cast %add3A_277 : i32 to index
        %swap3A_323 = arith.constant 16 : index
        %swap3A_324 = tpu.vector_load %arg8[%swap3A_322, %swap3A_323] {strides = array<i32>} : memref<128x128xf32, #tpu.memory_space<vmem>>, vector<1x16xf32>,
        %swap3A_325 = vector.shape_cast %swap3A_324 : vector<1x16xf32> to vector<16xf32>
        %swap3A_326 = vector.shape_cast %convert_element_type3A_317 : vector<16xf32> to vector<1x16xf32>
        tpu.vector_store %arg8[%swap3A_322, %swap3A_323], %swap3A_326 {strides = array<i32>} : memref<128x128xf32, #tpu.memory_space<vmem>>, vector<1x16xf32>,
        %swap3A_327 = arith.index_cast %add3A_277 : i32 to index
        %swap3A_328 = arith.constant 80 : index
        %swap3A_329 = tpu.vector_load %arg8[%swap3A_327, %swap3A_328] {strides = array<i32>} : memref<128x128xf32, #tpu.memory_space<vmem>>, vector<1x16xf32>,
        %swap3A_330 = vector.shape_cast %swap3A_329 : vector<1x16xf32> to vector<16xf32>
        %swap3A_331 = vector.shape_cast %convert_element_type3A_321 : vector<16xf32> to vector<1x16xf32>
        tpu.vector_store %arg8[%swap3A_327, %swap3A_328], %swap3A_331 {strides = array<i32>} : memref<128x128xf32, #tpu.memory_space<vmem>>, vector<1x16xf32>,
        %get3A_332 = arith.constant 1 : i32
        %get3A_333 = arith.index_cast %get3A_332 : i32 to index
        %get3A_334 = arith.index_cast %add3A_277 : i32 to index
        %get3A_335 = arith.constant 32 : index
        %get3A_336 = tpu.vector_load %arg7[%get3A_333, %get3A_334, %get3A_335] {strides = array<i32>} : memref<2x128x64xi32, #tpu.memory_space<vmem>>, vector<1x1x16xi32>,
        %get3A_337 = vector.shape_cast %get3A_336 : vector<1x1x16xi32> to vector<16xi32>
        %shift_left3A_338 = arith.constant 16 : i32
        %shift_left3A_339 = vector.broadcast %shift_left3A_338 : i32 to vector<16xi32>
        %shift_left3A_340 = arith.shli %get3A_337, %shift_left3A_339 : vector<16xi32>
        %shift_right_arithmetic3A_341 = arith.constant 16 : i32
        %shift_right_arithmetic3A_342 = vector.broadcast %shift_right_arithmetic3A_341 : i32 to vector<16xi32>
        %shift_right_arithmetic3A_343 = arith.shrsi %shift_left3A_340, %shift_right_arithmetic3A_342 : vector<16xi32>
        %convert_element_type3A_344 = arith.sitofp %shift_right_arithmetic3A_343 : vector<16xi32> to vector<16xf32>
        %shift_right_arithmetic3A_345 = arith.constant 16 : i32
        %shift_right_arithmetic3A_346 = vector.broadcast %shift_right_arithmetic3A_345 : i32 to vector<16xi32>
        %shift_right_arithmetic3A_347 = arith.shrsi %get3A_337, %shift_right_arithmetic3A_346 : vector<16xi32>
        %convert_element_type3A_348 = arith.sitofp %shift_right_arithmetic3A_347 : vector<16xi32> to vector<16xf32>
        %swap3A_349 = arith.index_cast %add3A_277 : i32 to index
        %swap3A_350 = arith.constant 32 : index
        %swap3A_351 = tpu.vector_load %arg8[%swap3A_349, %swap3A_350] {strides = array<i32>} : memref<128x128xf32, #tpu.memory_space<vmem>>, vector<1x16xf32>,
        %swap3A_352 = vector.shape_cast %swap3A_351 : vector<1x16xf32> to vector<16xf32>
        %swap3A_353 = vector.shape_cast %convert_element_type3A_344 : vector<16xf32> to vector<1x16xf32>
        tpu.vector_store %arg8[%swap3A_349, %swap3A_350], %swap3A_353 {strides = array<i32>} : memref<128x128xf32, #tpu.memory_space<vmem>>, vector<1x16xf32>,
        %swap3A_354 = arith.index_cast %add3A_277 : i32 to index
        %swap3A_355 = arith.constant 96 : index
        %swap3A_356 = tpu.vector_load %arg8[%swap3A_354, %swap3A_355] {strides = array<i32>} : memref<128x128xf32, #tpu.memory_space<vmem>>, vector<1x16xf32>,
        %swap3A_357 = vector.shape_cast %swap3A_356 : vector<1x16xf32> to vector<16xf32>
        %swap3A_358 = vector.shape_cast %convert_element_type3A_348 : vector<16xf32> to vector<1x16xf32>
        tpu.vector_store %arg8[%swap3A_354, %swap3A_355], %swap3A_358 {strides = array<i32>} : memref<128x128xf32, #tpu.memory_space<vmem>>, vector<1x16xf32>,
        %get3A_359 = arith.constant 1 : i32
        %get3A_360 = arith.index_cast %get3A_359 : i32 to index
        %get3A_361 = arith.index_cast %add3A_277 : i32 to index
        %get3A_362 = arith.constant 48 : index
        %get3A_363 = tpu.vector_load %arg7[%get3A_360, %get3A_361, %get3A_362] {strides = array<i32>} : memref<2x128x64xi32, #tpu.memory_space<vmem>>, vector<1x1x16xi32>,
        %get3A_364 = vector.shape_cast %get3A_363 : vector<1x1x16xi32> to vector<16xi32>
        %shift_left3A_365 = arith.constant 16 : i32
        %shift_left3A_366 = vector.broadcast %shift_left3A_365 : i32 to vector<16xi32>
        %shift_left3A_367 = arith.shli %get3A_364, %shift_left3A_366 : vector<16xi32>
        %shift_right_arithmetic3A_368 = arith.constant 16 : i32
        %shift_right_arithmetic3A_369 = vector.broadcast %shift_right_arithmetic3A_368 : i32 to vector<16xi32>
        %shift_right_arithmetic3A_370 = arith.shrsi %shift_left3A_367, %shift_right_arithmetic3A_369 : vector<16xi32>
        %convert_element_type3A_371 = arith.sitofp %shift_right_arithmetic3A_370 : vector<16xi32> to vector<16xf32>
        %shift_right_arithmetic3A_372 = arith.constant 16 : i32
        %shift_right_arithmetic3A_373 = vector.broadcast %shift_right_arithmetic3A_372 : i32 to vector<16xi32>
        %shift_right_arithmetic3A_374 = arith.shrsi %get3A_364, %shift_right_arithmetic3A_373 : vector<16xi32>
        %convert_element_type3A_375 = arith.sitofp %shift_right_arithmetic3A_374 : vector<16xi32> to vector<16xf32>
        %swap3A_376 = arith.index_cast %add3A_277 : i32 to index
        %swap3A_377 = arith.constant 48 : index
        %swap3A_378 = tpu.vector_load %arg8[%swap3A_376, %swap3A_377] {strides = array<i32>} : memref<128x128xf32, #tpu.memory_space<vmem>>, vector<1x16xf32>,
        %swap3A_379 = vector.shape_cast %swap3A_378 : vector<1x16xf32> to vector<16xf32>
        %swap3A_380 = vector.shape_cast %convert_element_type3A_371 : vector<16xf32> to vector<1x16xf32>
        tpu.vector_store %arg8[%swap3A_376, %swap3A_377], %swap3A_380 {strides = array<i32>} : memref<128x128xf32, #tpu.memory_space<vmem>>, vector<1x16xf32>,
        %swap3A_381 = arith.index_cast %add3A_277 : i32 to index
        %swap3A_382 = arith.constant 112 : index
        %swap3A_383 = tpu.vector_load %arg8[%swap3A_381, %swap3A_382] {strides = array<i32>} : memref<128x128xf32, #tpu.memory_space<vmem>>, vector<1x16xf32>,
        %swap3A_384 = vector.shape_cast %swap3A_383 : vector<1x16xf32> to vector<16xf32>
        %swap3A_385 = vector.shape_cast %convert_element_type3A_375 : vector<16xf32> to vector<1x16xf32>
        tpu.vector_store %arg8[%swap3A_381, %swap3A_382], %swap3A_385 {strides = array<i32>} : memref<128x128xf32, #tpu.memory_space<vmem>>, vector<1x16xf32>,
        %scan3A_386 = arith.constant 0 : i32
        scf.yield %scan3A_386 : i32
      }
      %scan3A_156 = arith.constant 64 : i32
      %dma_start3A_157 = arith.constant 0 : i32
      %dma_start3A_158 = tpu.memref_slice %arg6[%add3A_126, %dma_start3A_157] : memref<40x128xi32, #tpu.memory_space<vmem>> -> memref<1x128xi32, #tpu.memory_space<vmem>>
      %dma_start3A_159 = tpu.memref_squeeze %dma_start3A_158 : memref<1x128xi32, #tpu.memory_space<vmem>> -> memref<128xi32, #tpu.memory_space<vmem>>
      %dma_start3A_160 = arith.constant 0 : i32
      %dma_start3A_161 = arith.constant 0 : i32
      %dma_start3A_162 = tpu.memref_slice %arg10[%dma_start3A_160, %dma_start3A_161] : memref<10112x128xf32, #tpu.memory_space<vmem_shared>> -> memref<10112x128xf32, #tpu.memory_space<vmem_shared>>
      tpu.enqueue_indirect_dma source(%arg8 : memref<128x128xf32, #tpu.memory_space<vmem>>) target(%dma_start3A_162 : memref<10112x128xf32, #tpu.memory_space<vmem_shared>>) offsets(%dma_start3A_159 : memref<128xi32, #tpu.memory_space<vmem>>) semaphore(%arg12 : memref<!tpu.dma_semaphore, #tpu.memory_space<semaphore_mem>>) {add = true}
      %scan3A_163 = arith.constant 0 : i32
      scf.yield %scan3A_163 : i32
    }
    %scan3A_41 = arith.constant 20 : i32
    %dma_wait3A = arith.constant 39 : i32
    %dma_wait3A_42 = arith.constant 0 : i32
    %dma_wait3A_43 = tpu.memref_slice %arg6[%dma_wait3A, %dma_wait3A_42] : memref<40x128xi32, #tpu.memory_space<vmem>> -> memref<1x128xi32, #tpu.memory_space<vmem>>
    %dma_wait3A_44 = tpu.memref_squeeze %dma_wait3A_43 : memref<1x128xi32, #tpu.memory_space<vmem>> -> memref<128xi32, #tpu.memory_space<vmem>>
    %dma_wait3A_45 = arith.constant 0 : i32
    %dma_wait3A_46 = arith.constant 0 : i32
    %dma_wait3A_47 = tpu.memref_slice %arg10[%dma_wait3A_45, %dma_wait3A_46] : memref<10112x128xf32, #tpu.memory_space<vmem_shared>> -> memref<10112x128xf32, #tpu.memory_space<vmem_shared>>
    tpu.wait_indirect_dma semaphore(%arg12 : memref<!tpu.dma_semaphore, #tpu.memory_space<semaphore_mem>>) src(%arg8 : memref<128x128xf32, #tpu.memory_space<vmem>>) dst(%dma_wait3A_47 : memref<10112x128xf32, #tpu.memory_space<vmem_shared>>)
    %mul3A_48 = arith.constant 80 : i32
    %mul3A_49 = arith.muli %add3A, %mul3A_48 : i32
    %add3A_50 = arith.constant 40 : i32
    %add3A_51 = arith.addi %mul3A_49, %add3A_50 : i32
    %run_scoped3A_52 = arith.constant 0 : i32
    "tpu.region"() ({
      %run_scoped3A_85 = tpu.sem_alloc : memref<!tpu.dma_semaphore, #tpu.memory_space<semaphore_mem>>
      %dma_start3A_86 = arith.constant 0 : i32
      %dma_start3A_87 = tpu.memref_slice %arg3[%run_scoped3A_52, %add3A_51, %dma_start3A_86] : memref<2x2560x128xi32, #tpu.memory_space<hbm>> -> memref<1x40x128xi32, #tpu.memory_space<hbm>>
      %dma_start3A_88 = tpu.memref_squeeze %dma_start3A_87 : memref<1x40x128xi32, #tpu.memory_space<hbm>> -> memref<40x128xi32, #tpu.memory_space<hbm>>
      %dma_start3A_89 = arith.constant 0 : i32
      %dma_start3A_90 = tpu.memref_slice %arg3[%run_scoped3A_52, %add3A_51, %dma_start3A_89] : memref<2x2560x128xi32, #tpu.memory_space<hbm>> -> memref<1x40x128xi32, #tpu.memory_space<hbm>>
      %dma_start3A_91 = tpu.memref_squeeze %dma_start3A_90 : memref<1x40x128xi32, #tpu.memory_space<hbm>> -> memref<40x128xi32, #tpu.memory_space<hbm>>
      tpu.enqueue_dma source(%dma_start3A_91 : memref<40x128xi32, #tpu.memory_space<hbm>>) target(%arg5 : memref<40x128xi32, #tpu.memory_space<vmem>>) target_semaphore(%run_scoped3A_85 : memref<!tpu.dma_semaphore, #tpu.memory_space<semaphore_mem>>)
      %dma_wait3A_92 = arith.constant 0 : i32
      %dma_wait3A_93 = tpu.memref_slice %arg3[%run_scoped3A_52, %add3A_51, %dma_wait3A_92] : memref<2x2560x128xi32, #tpu.memory_space<hbm>> -> memref<1x40x128xi32, #tpu.memory_space<hbm>>
      %dma_wait3A_94 = tpu.memref_squeeze %dma_wait3A_93 : memref<1x40x128xi32, #tpu.memory_space<hbm>> -> memref<40x128xi32, #tpu.memory_space<hbm>>
      %dma_wait3A_95 = arith.constant 0 : i32
      %dma_wait3A_96 = tpu.memref_slice %arg3[%run_scoped3A_52, %add3A_51, %dma_wait3A_95] : memref<2x2560x128xi32, #tpu.memory_space<hbm>> -> memref<1x40x128xi32, #tpu.memory_space<hbm>>
      %dma_wait3A_97 = tpu.memref_squeeze %dma_wait3A_96 : memref<1x40x128xi32, #tpu.memory_space<hbm>> -> memref<40x128xi32, #tpu.memory_space<hbm>>
      tpu.wait_dma2 semaphore(%run_scoped3A_85 : memref<!tpu.dma_semaphore, #tpu.memory_space<semaphore_mem>>) src(%dma_wait3A_97 : memref<40x128xi32, #tpu.memory_space<hbm>>) dst(%arg5 : memref<40x128xi32, #tpu.memory_space<vmem>>)
      tpu.yield
    }) : () -> ()
    %run_scoped3A_53 = arith.constant 1 : i32
    "tpu.region"() ({
      %run_scoped3A_85 = tpu.sem_alloc : memref<!tpu.dma_semaphore, #tpu.memory_space<semaphore_mem>>
      %dma_start3A_86 = arith.constant 0 : i32
      %dma_start3A_87 = tpu.memref_slice %arg3[%run_scoped3A_53, %add3A_51, %dma_start3A_86] : memref<2x2560x128xi32, #tpu.memory_space<hbm>> -> memref<1x40x128xi32, #tpu.memory_space<hbm>>
      %dma_start3A_88 = tpu.memref_squeeze %dma_start3A_87 : memref<1x40x128xi32, #tpu.memory_space<hbm>> -> memref<40x128xi32, #tpu.memory_space<hbm>>
      %dma_start3A_89 = arith.constant 0 : i32
      %dma_start3A_90 = tpu.memref_slice %arg3[%run_scoped3A_53, %add3A_51, %dma_start3A_89] : memref<2x2560x128xi32, #tpu.memory_space<hbm>> -> memref<1x40x128xi32, #tpu.memory_space<hbm>>
      %dma_start3A_91 = tpu.memref_squeeze %dma_start3A_90 : memref<1x40x128xi32, #tpu.memory_space<hbm>> -> memref<40x128xi32, #tpu.memory_space<hbm>>
      tpu.enqueue_dma source(%dma_start3A_91 : memref<40x128xi32, #tpu.memory_space<hbm>>) target(%arg6 : memref<40x128xi32, #tpu.memory_space<vmem>>) target_semaphore(%run_scoped3A_85 : memref<!tpu.dma_semaphore, #tpu.memory_space<semaphore_mem>>)
      %dma_wait3A_92 = arith.constant 0 : i32
      %dma_wait3A_93 = tpu.memref_slice %arg3[%run_scoped3A_53, %add3A_51, %dma_wait3A_92] : memref<2x2560x128xi32, #tpu.memory_space<hbm>> -> memref<1x40x128xi32, #tpu.memory_space<hbm>>
      %dma_wait3A_94 = tpu.memref_squeeze %dma_wait3A_93 : memref<1x40x128xi32, #tpu.memory_space<hbm>> -> memref<40x128xi32, #tpu.memory_space<hbm>>
      %dma_wait3A_95 = arith.constant 0 : i32
      %dma_wait3A_96 = tpu.memref_slice %arg3[%run_scoped3A_53, %add3A_51, %dma_wait3A_95] : memref<2x2560x128xi32, #tpu.memory_space<hbm>> -> memref<1x40x128xi32, #tpu.memory_space<hbm>>
      %dma_wait3A_97 = tpu.memref_squeeze %dma_wait3A_96 : memref<1x40x128xi32, #tpu.memory_space<hbm>> -> memref<40x128xi32, #tpu.memory_space<hbm>>
      tpu.wait_dma2 semaphore(%run_scoped3A_85 : memref<!tpu.dma_semaphore, #tpu.memory_space<semaphore_mem>>) src(%dma_wait3A_97 : memref<40x128xi32, #tpu.memory_space<hbm>>) dst(%arg6 : memref<40x128xi32, #tpu.memory_space<vmem>>)
      tpu.yield
    }) : () -> ()
    %dma_start3A_54 = arith.constant 0 : i32
    %dma_start3A_55 = arith.constant 0 : i32
    %dma_start3A_56 = arith.constant 0 : i32
    %dma_start3A_57 = arith.constant 0 : i32
    %dma_start3A_58 = tpu.memref_slice %arg7[%dma_start3A_55, %dma_start3A_56, %dma_start3A_57] : memref<2x128x64xi32, #tpu.memory_space<vmem>> -> memref<1x128x64xi32, #tpu.memory_space<vmem>>
    %dma_start3A_59 = tpu.memref_squeeze %dma_start3A_58 : memref<1x128x64xi32, #tpu.memory_space<vmem>> -> memref<128x64xi32, #tpu.memory_space<vmem>>
    %dma_start3A_60 = arith.constant 0 : i32
    %dma_start3A_61 = tpu.memref_slice %arg5[%dma_start3A_54, %dma_start3A_60] : memref<40x128xi32, #tpu.memory_space<vmem>> -> memref<1x128xi32, #tpu.memory_space<vmem>>
    %dma_start3A_62 = tpu.memref_squeeze %dma_start3A_61 : memref<1x128xi32, #tpu.memory_space<vmem>> -> memref<128xi32, #tpu.memory_space<vmem>>
    %dma_start3A_63 = arith.constant 0 : i32
    %dma_start3A_64 = arith.constant 0 : i32
    %dma_start3A_65 = tpu.memref_slice %arg2[%dma_start3A_63, %dma_start3A_64] : memref<10000x64xi32, #tpu.memory_space<hbm>> -> memref<10000x64xi32, #tpu.memory_space<hbm>>
    tpu.enqueue_indirect_dma source(%dma_start3A_65 : memref<10000x64xi32, #tpu.memory_space<hbm>>) target(%dma_start3A_59 : memref<128x64xi32, #tpu.memory_space<vmem>>) offsets(%dma_start3A_62 : memref<128xi32, #tpu.memory_space<vmem>>) semaphore(%arg11 : memref<!tpu.dma_semaphore, #tpu.memory_space<semaphore_mem>>)
    %scan3A_66 = arith.constant 0 : i32
    %scan3A_67 = arith.constant 0 : i32
    %scan3A_68 = arith.constant 20 : i32
    %scan3A_69 = arith.addi %scan3A_67, %scan3A_68 : i32
    %scan3A_70 = arith.constant 1 : i32
    %scan3A_71 = scf.for %scan3A_85 = %scan3A_67 to %scan3A_69 step %scan3A_70 iter_args(%scan3A_86 = %scan3A_66) -> (i32)  : i32 {
      %mul3A_87 = arith.constant 2 : i32
      %mul3A_88 = arith.muli %scan3A_85, %mul3A_87 : i32
      %add3A_89 = arith.constant 0 : i32
      %add3A_90 = arith.addi %mul3A_88, %add3A_89 : i32
      %dma_wait3A_91 = arith.constant 0 : i32
      %dma_wait3A_92 = arith.constant 0 : i32
      %dma_wait3A_93 = arith.constant 0 : i32
      %dma_wait3A_94 = tpu.memref_slice %arg7[%dma_wait3A_91, %dma_wait3A_92, %dma_wait3A_93] : memref<2x128x64xi32, #tpu.memory_space<vmem>> -> memref<1x128x64xi32, #tpu.memory_space<vmem>>
      %dma_wait3A_95 = tpu.memref_squeeze %dma_wait3A_94 : memref<1x128x64xi32, #tpu.memory_space<vmem>> -> memref<128x64xi32, #tpu.memory_space<vmem>>
      %dma_wait3A_96 = arith.constant 0 : i32
      %dma_wait3A_97 = tpu.memref_slice %arg5[%add3A_90, %dma_wait3A_96] : memref<40x128xi32, #tpu.memory_space<vmem>> -> memref<1x128xi32, #tpu.memory_space<vmem>>
      %dma_wait3A_98 = tpu.memref_squeeze %dma_wait3A_97 : memref<1x128xi32, #tpu.memory_space<vmem>> -> memref<128xi32, #tpu.memory_space<vmem>>
      %dma_wait3A_99 = arith.constant 0 : i32
      %dma_wait3A_100 = arith.constant 0 : i32
      %dma_wait3A_101 = tpu.memref_slice %arg2[%dma_wait3A_99, %dma_wait3A_100] : memref<10000x64xi32, #tpu.memory_space<hbm>> -> memref<10000x64xi32, #tpu.memory_space<hbm>>
      tpu.wait_indirect_dma semaphore(%arg11 : memref<!tpu.dma_semaphore, #tpu.memory_space<semaphore_mem>>) src(%dma_wait3A_101 : memref<10000x64xi32, #tpu.memory_space<hbm>>) dst(%dma_wait3A_95 : memref<128x64xi32, #tpu.memory_space<vmem>>)
      %add3A_102 = arith.constant 1 : i32
      %add3A_103 = arith.addi %add3A_90, %add3A_102 : i32
      %lt3A = arith.constant 40 : i32
      %lt3A_104 = arith.cmpi slt, %add3A_103, %lt3A : i32
      %convert_element_type3A = arith.extui %lt3A_104 : i1 to i32
      %cond3A = arith.constant 0 : i32
      %cond3A_105 = arith.cmpi ne, %convert_element_type3A, %cond3A : i32
      scf.if %cond3A_105 {
        %add3A_164 = arith.constant 1 : i32
        %add3A_165 = arith.addi %add3A_90, %add3A_164 : i32
        %dma_start3A_166 = arith.constant 1 : i32
        %dma_start3A_167 = arith.constant 0 : i32
        %dma_start3A_168 = arith.constant 0 : i32
        %dma_start3A_169 = tpu.memref_slice %arg7[%dma_start3A_166, %dma_start3A_167, %dma_start3A_168] : memref<2x128x64xi32, #tpu.memory_space<vmem>> -> memref<1x128x64xi32, #tpu.memory_space<vmem>>
        %dma_start3A_170 = tpu.memref_squeeze %dma_start3A_169 : memref<1x128x64xi32, #tpu.memory_space<vmem>> -> memref<128x64xi32, #tpu.memory_space<vmem>>
        %dma_start3A_171 = arith.constant 0 : i32
        %dma_start3A_172 = tpu.memref_slice %arg5[%add3A_165, %dma_start3A_171] : memref<40x128xi32, #tpu.memory_space<vmem>> -> memref<1x128xi32, #tpu.memory_space<vmem>>
        %dma_start3A_173 = tpu.memref_squeeze %dma_start3A_172 : memref<1x128xi32, #tpu.memory_space<vmem>> -> memref<128xi32, #tpu.memory_space<vmem>>
        %dma_start3A_174 = arith.constant 0 : i32
        %dma_start3A_175 = arith.constant 0 : i32
        %dma_start3A_176 = tpu.memref_slice %arg2[%dma_start3A_174, %dma_start3A_175] : memref<10000x64xi32, #tpu.memory_space<hbm>> -> memref<10000x64xi32, #tpu.memory_space<hbm>>
        tpu.enqueue_indirect_dma source(%dma_start3A_176 : memref<10000x64xi32, #tpu.memory_space<hbm>>) target(%dma_start3A_170 : memref<128x64xi32, #tpu.memory_space<vmem>>) offsets(%dma_start3A_173 : memref<128xi32, #tpu.memory_space<vmem>>) semaphore(%arg11 : memref<!tpu.dma_semaphore, #tpu.memory_space<semaphore_mem>>)
      } else {
      }
      %ge3A = arith.constant 1 : i32
      %ge3A_106 = arith.cmpi sge, %add3A_90, %ge3A : i32
      %convert_element_type3A_107 = arith.extui %ge3A_106 : i1 to i32
      %cond3A_108 = arith.constant 0 : i32
      %cond3A_109 = arith.cmpi ne, %convert_element_type3A_107, %cond3A_108 : i32
      scf.if %cond3A_109 {
        %sub3A = arith.constant 1 : i32
        %sub3A_164 = arith.subi %add3A_90, %sub3A : i32
        %dma_wait3A_165 = arith.constant 0 : i32
        %dma_wait3A_166 = tpu.memref_slice %arg6[%sub3A_164, %dma_wait3A_165] : memref<40x128xi32, #tpu.memory_space<vmem>> -> memref<1x128xi32, #tpu.memory_space<vmem>>
        %dma_wait3A_167 = tpu.memref_squeeze %dma_wait3A_166 : memref<1x128xi32, #tpu.memory_space<vmem>> -> memref<128xi32, #tpu.memory_space<vmem>>
        %dma_wait3A_168 = arith.constant 0 : i32
        %dma_wait3A_169 = arith.constant 0 : i32
        %dma_wait3A_170 = tpu.memref_slice %arg10[%dma_wait3A_168, %dma_wait3A_169] : memref<10112x128xf32, #tpu.memory_space<vmem_shared>> -> memref<10112x128xf32, #tpu.memory_space<vmem_shared>>
        tpu.wait_indirect_dma semaphore(%arg12 : memref<!tpu.dma_semaphore, #tpu.memory_space<semaphore_mem>>) src(%arg8 : memref<128x128xf32, #tpu.memory_space<vmem>>) dst(%dma_wait3A_170 : memref<10112x128xf32, #tpu.memory_space<vmem_shared>>)
      } else {
      }
      %scan3A_110 = arith.constant 0 : i32
      %scan3A_111 = arith.constant 0 : i32
      %scan3A_112 = arith.constant 64 : i32
      %scan3A_113 = arith.addi %scan3A_111, %scan3A_112 : i32
      %scan3A_114 = arith.constant 1 : i32
      %scan3A_115 = scf.for %scan3A_164 = %scan3A_111 to %scan3A_113 step %scan3A_114 iter_args(%scan3A_165 = %scan3A_110) -> (i32)  : i32 {
        %mul3A_166 = arith.constant 2 : i32
        %mul3A_167 = arith.muli %scan3A_164, %mul3A_166 : i32
        %add3A_168 = arith.constant 0 : i32
        %add3A_169 = arith.addi %mul3A_167, %add3A_168 : i32
        %get3A = arith.constant 0 : i32
        %get3A_170 = arith.index_cast %get3A : i32 to index
        %get3A_171 = arith.index_cast %add3A_169 : i32 to index
        %get3A_172 = arith.constant 0 : index
        %get3A_173 = tpu.vector_load %arg7[%get3A_170, %get3A_171, %get3A_172] {strides = array<i32>} : memref<2x128x64xi32, #tpu.memory_space<vmem>>, vector<1x1x16xi32>,
        %get3A_174 = vector.shape_cast %get3A_173 : vector<1x1x16xi32> to vector<16xi32>
        %shift_left3A = arith.constant 16 : i32
        %shift_left3A_175 = vector.broadcast %shift_left3A : i32 to vector<16xi32>
        %shift_left3A_176 = arith.shli %get3A_174, %shift_left3A_175 : vector<16xi32>
        %shift_right_arithmetic3A = arith.constant 16 : i32
        %shift_right_arithmetic3A_177 = vector.broadcast %shift_right_arithmetic3A : i32 to vector<16xi32>
        %shift_right_arithmetic3A_178 = arith.shrsi %shift_left3A_176, %shift_right_arithmetic3A_177 : vector<16xi32>
        %convert_element_type3A_179 = arith.sitofp %shift_right_arithmetic3A_178 : vector<16xi32> to vector<16xf32>
        %shift_right_arithmetic3A_180 = arith.constant 16 : i32
        %shift_right_arithmetic3A_181 = vector.broadcast %shift_right_arithmetic3A_180 : i32 to vector<16xi32>
        %shift_right_arithmetic3A_182 = arith.shrsi %get3A_174, %shift_right_arithmetic3A_181 : vector<16xi32>
        %convert_element_type3A_183 = arith.sitofp %shift_right_arithmetic3A_182 : vector<16xi32> to vector<16xf32>
        %swap3A = arith.index_cast %add3A_169 : i32 to index
        %swap3A_184 = arith.constant 0 : index
        %swap3A_185 = tpu.vector_load %arg8[%swap3A, %swap3A_184] {strides = array<i32>} : memref<128x128xf32, #tpu.memory_space<vmem>>, vector<1x16xf32>,
        %swap3A_186 = vector.shape_cast %swap3A_185 : vector<1x16xf32> to vector<16xf32>
        %swap3A_187 = vector.shape_cast %convert_element_type3A_179 : vector<16xf32> to vector<1x16xf32>
        tpu.vector_store %arg8[%swap3A, %swap3A_184], %swap3A_187 {strides = array<i32>} : memref<128x128xf32, #tpu.memory_space<vmem>>, vector<1x16xf32>,
        %swap3A_188 = arith.index_cast %add3A_169 : i32 to index
        %swap3A_189 = arith.constant 64 : index
        %swap3A_190 = tpu.vector_load %arg8[%swap3A_188, %swap3A_189] {strides = array<i32>} : memref<128x128xf32, #tpu.memory_space<vmem>>, vector<1x16xf32>,
        %swap3A_191 = vector.shape_cast %swap3A_190 : vector<1x16xf32> to vector<16xf32>
        %swap3A_192 = vector.shape_cast %convert_element_type3A_183 : vector<16xf32> to vector<1x16xf32>
        tpu.vector_store %arg8[%swap3A_188, %swap3A_189], %swap3A_192 {strides = array<i32>} : memref<128x128xf32, #tpu.memory_space<vmem>>, vector<1x16xf32>,
        %get3A_193 = arith.constant 0 : i32
        %get3A_194 = arith.index_cast %get3A_193 : i32 to index
        %get3A_195 = arith.index_cast %add3A_169 : i32 to index
        %get3A_196 = arith.constant 16 : index
        %get3A_197 = tpu.vector_load %arg7[%get3A_194, %get3A_195, %get3A_196] {strides = array<i32>} : memref<2x128x64xi32, #tpu.memory_space<vmem>>, vector<1x1x16xi32>,
        %get3A_198 = vector.shape_cast %get3A_197 : vector<1x1x16xi32> to vector<16xi32>
        %shift_left3A_199 = arith.constant 16 : i32
        %shift_left3A_200 = vector.broadcast %shift_left3A_199 : i32 to vector<16xi32>
        %shift_left3A_201 = arith.shli %get3A_198, %shift_left3A_200 : vector<16xi32>
        %shift_right_arithmetic3A_202 = arith.constant 16 : i32
        %shift_right_arithmetic3A_203 = vector.broadcast %shift_right_arithmetic3A_202 : i32 to vector<16xi32>
        %shift_right_arithmetic3A_204 = arith.shrsi %shift_left3A_201, %shift_right_arithmetic3A_203 : vector<16xi32>
        %convert_element_type3A_205 = arith.sitofp %shift_right_arithmetic3A_204 : vector<16xi32> to vector<16xf32>
        %shift_right_arithmetic3A_206 = arith.constant 16 : i32
        %shift_right_arithmetic3A_207 = vector.broadcast %shift_right_arithmetic3A_206 : i32 to vector<16xi32>
        %shift_right_arithmetic3A_208 = arith.shrsi %get3A_198, %shift_right_arithmetic3A_207 : vector<16xi32>
        %convert_element_type3A_209 = arith.sitofp %shift_right_arithmetic3A_208 : vector<16xi32> to vector<16xf32>
        %swap3A_210 = arith.index_cast %add3A_169 : i32 to index
        %swap3A_211 = arith.constant 16 : index
        %swap3A_212 = tpu.vector_load %arg8[%swap3A_210, %swap3A_211] {strides = array<i32>} : memref<128x128xf32, #tpu.memory_space<vmem>>, vector<1x16xf32>,
        %swap3A_213 = vector.shape_cast %swap3A_212 : vector<1x16xf32> to vector<16xf32>
        %swap3A_214 = vector.shape_cast %convert_element_type3A_205 : vector<16xf32> to vector<1x16xf32>
        tpu.vector_store %arg8[%swap3A_210, %swap3A_211], %swap3A_214 {strides = array<i32>} : memref<128x128xf32, #tpu.memory_space<vmem>>, vector<1x16xf32>,
        %swap3A_215 = arith.index_cast %add3A_169 : i32 to index
        %swap3A_216 = arith.constant 80 : index
        %swap3A_217 = tpu.vector_load %arg8[%swap3A_215, %swap3A_216] {strides = array<i32>} : memref<128x128xf32, #tpu.memory_space<vmem>>, vector<1x16xf32>,
        %swap3A_218 = vector.shape_cast %swap3A_217 : vector<1x16xf32> to vector<16xf32>
        %swap3A_219 = vector.shape_cast %convert_element_type3A_209 : vector<16xf32> to vector<1x16xf32>
        tpu.vector_store %arg8[%swap3A_215, %swap3A_216], %swap3A_219 {strides = array<i32>} : memref<128x128xf32, #tpu.memory_space<vmem>>, vector<1x16xf32>,
        %get3A_220 = arith.constant 0 : i32
        %get3A_221 = arith.index_cast %get3A_220 : i32 to index
        %get3A_222 = arith.index_cast %add3A_169 : i32 to index
        %get3A_223 = arith.constant 32 : index
        %get3A_224 = tpu.vector_load %arg7[%get3A_221, %get3A_222, %get3A_223] {strides = array<i32>} : memref<2x128x64xi32, #tpu.memory_space<vmem>>, vector<1x1x16xi32>,
        %get3A_225 = vector.shape_cast %get3A_224 : vector<1x1x16xi32> to vector<16xi32>
        %shift_left3A_226 = arith.constant 16 : i32
        %shift_left3A_227 = vector.broadcast %shift_left3A_226 : i32 to vector<16xi32>
        %shift_left3A_228 = arith.shli %get3A_225, %shift_left3A_227 : vector<16xi32>
        %shift_right_arithmetic3A_229 = arith.constant 16 : i32
        %shift_right_arithmetic3A_230 = vector.broadcast %shift_right_arithmetic3A_229 : i32 to vector<16xi32>
        %shift_right_arithmetic3A_231 = arith.shrsi %shift_left3A_228, %shift_right_arithmetic3A_230 : vector<16xi32>
        %convert_element_type3A_232 = arith.sitofp %shift_right_arithmetic3A_231 : vector<16xi32> to vector<16xf32>
        %shift_right_arithmetic3A_233 = arith.constant 16 : i32
        %shift_right_arithmetic3A_234 = vector.broadcast %shift_right_arithmetic3A_233 : i32 to vector<16xi32>
        %shift_right_arithmetic3A_235 = arith.shrsi %get3A_225, %shift_right_arithmetic3A_234 : vector<16xi32>
        %convert_element_type3A_236 = arith.sitofp %shift_right_arithmetic3A_235 : vector<16xi32> to vector<16xf32>
        %swap3A_237 = arith.index_cast %add3A_169 : i32 to index
        %swap3A_238 = arith.constant 32 : index
        %swap3A_239 = tpu.vector_load %arg8[%swap3A_237, %swap3A_238] {strides = array<i32>} : memref<128x128xf32, #tpu.memory_space<vmem>>, vector<1x16xf32>,
        %swap3A_240 = vector.shape_cast %swap3A_239 : vector<1x16xf32> to vector<16xf32>
        %swap3A_241 = vector.shape_cast %convert_element_type3A_232 : vector<16xf32> to vector<1x16xf32>
        tpu.vector_store %arg8[%swap3A_237, %swap3A_238], %swap3A_241 {strides = array<i32>} : memref<128x128xf32, #tpu.memory_space<vmem>>, vector<1x16xf32>,
        %swap3A_242 = arith.index_cast %add3A_169 : i32 to index
        %swap3A_243 = arith.constant 96 : index
        %swap3A_244 = tpu.vector_load %arg8[%swap3A_242, %swap3A_243] {strides = array<i32>} : memref<128x128xf32, #tpu.memory_space<vmem>>, vector<1x16xf32>,
        %swap3A_245 = vector.shape_cast %swap3A_244 : vector<1x16xf32> to vector<16xf32>
        %swap3A_246 = vector.shape_cast %convert_element_type3A_236 : vector<16xf32> to vector<1x16xf32>
        tpu.vector_store %arg8[%swap3A_242, %swap3A_243], %swap3A_246 {strides = array<i32>} : memref<128x128xf32, #tpu.memory_space<vmem>>, vector<1x16xf32>,
        %get3A_247 = arith.constant 0 : i32
        %get3A_248 = arith.index_cast %get3A_247 : i32 to index
        %get3A_249 = arith.index_cast %add3A_169 : i32 to index
        %get3A_250 = arith.constant 48 : index
        %get3A_251 = tpu.vector_load %arg7[%get3A_248, %get3A_249, %get3A_250] {strides = array<i32>} : memref<2x128x64xi32, #tpu.memory_space<vmem>>, vector<1x1x16xi32>,
        %get3A_252 = vector.shape_cast %get3A_251 : vector<1x1x16xi32> to vector<16xi32>
        %shift_left3A_253 = arith.constant 16 : i32
        %shift_left3A_254 = vector.broadcast %shift_left3A_253 : i32 to vector<16xi32>
        %shift_left3A_255 = arith.shli %get3A_252, %shift_left3A_254 : vector<16xi32>
        %shift_right_arithmetic3A_256 = arith.constant 16 : i32
        %shift_right_arithmetic3A_257 = vector.broadcast %shift_right_arithmetic3A_256 : i32 to vector<16xi32>
        %shift_right_arithmetic3A_258 = arith.shrsi %shift_left3A_255, %shift_right_arithmetic3A_257 : vector<16xi32>
        %convert_element_type3A_259 = arith.sitofp %shift_right_arithmetic3A_258 : vector<16xi32> to vector<16xf32>
        %shift_right_arithmetic3A_260 = arith.constant 16 : i32
        %shift_right_arithmetic3A_261 = vector.broadcast %shift_right_arithmetic3A_260 : i32 to vector<16xi32>
        %shift_right_arithmetic3A_262 = arith.shrsi %get3A_252, %shift_right_arithmetic3A_261 : vector<16xi32>
        %convert_element_type3A_263 = arith.sitofp %shift_right_arithmetic3A_262 : vector<16xi32> to vector<16xf32>
        %swap3A_264 = arith.index_cast %add3A_169 : i32 to index
        %swap3A_265 = arith.constant 48 : index
        %swap3A_266 = tpu.vector_load %arg8[%swap3A_264, %swap3A_265] {strides = array<i32>} : memref<128x128xf32, #tpu.memory_space<vmem>>, vector<1x16xf32>,
        %swap3A_267 = vector.shape_cast %swap3A_266 : vector<1x16xf32> to vector<16xf32>
        %swap3A_268 = vector.shape_cast %convert_element_type3A_259 : vector<16xf32> to vector<1x16xf32>
        tpu.vector_store %arg8[%swap3A_264, %swap3A_265], %swap3A_268 {strides = array<i32>} : memref<128x128xf32, #tpu.memory_space<vmem>>, vector<1x16xf32>,
        %swap3A_269 = arith.index_cast %add3A_169 : i32 to index
        %swap3A_270 = arith.constant 112 : index
        %swap3A_271 = tpu.vector_load %arg8[%swap3A_269, %swap3A_270] {strides = array<i32>} : memref<128x128xf32, #tpu.memory_space<vmem>>, vector<1x16xf32>,
        %swap3A_272 = vector.shape_cast %swap3A_271 : vector<1x16xf32> to vector<16xf32>
        %swap3A_273 = vector.shape_cast %convert_element_type3A_263 : vector<16xf32> to vector<1x16xf32>
        tpu.vector_store %arg8[%swap3A_269, %swap3A_270], %swap3A_273 {strides = array<i32>} : memref<128x128xf32, #tpu.memory_space<vmem>>, vector<1x16xf32>,
        %mul3A_274 = arith.constant 2 : i32
        %mul3A_275 = arith.muli %scan3A_164, %mul3A_274 : i32
        %add3A_276 = arith.constant 1 : i32
        %add3A_277 = arith.addi %mul3A_275, %add3A_276 : i32
        %get3A_278 = arith.constant 0 : i32
        %get3A_279 = arith.index_cast %get3A_278 : i32 to index
        %get3A_280 = arith.index_cast %add3A_277 : i32 to index
        %get3A_281 = arith.constant 0 : index
        %get3A_282 = tpu.vector_load %arg7[%get3A_279, %get3A_280, %get3A_281] {strides = array<i32>} : memref<2x128x64xi32, #tpu.memory_space<vmem>>, vector<1x1x16xi32>,
        %get3A_283 = vector.shape_cast %get3A_282 : vector<1x1x16xi32> to vector<16xi32>
        %shift_left3A_284 = arith.constant 16 : i32
        %shift_left3A_285 = vector.broadcast %shift_left3A_284 : i32 to vector<16xi32>
        %shift_left3A_286 = arith.shli %get3A_283, %shift_left3A_285 : vector<16xi32>
        %shift_right_arithmetic3A_287 = arith.constant 16 : i32
        %shift_right_arithmetic3A_288 = vector.broadcast %shift_right_arithmetic3A_287 : i32 to vector<16xi32>
        %shift_right_arithmetic3A_289 = arith.shrsi %shift_left3A_286, %shift_right_arithmetic3A_288 : vector<16xi32>
        %convert_element_type3A_290 = arith.sitofp %shift_right_arithmetic3A_289 : vector<16xi32> to vector<16xf32>
        %shift_right_arithmetic3A_291 = arith.constant 16 : i32
        %shift_right_arithmetic3A_292 = vector.broadcast %shift_right_arithmetic3A_291 : i32 to vector<16xi32>
        %shift_right_arithmetic3A_293 = arith.shrsi %get3A_283, %shift_right_arithmetic3A_292 : vector<16xi32>
        %convert_element_type3A_294 = arith.sitofp %shift_right_arithmetic3A_293 : vector<16xi32> to vector<16xf32>
        %swap3A_295 = arith.index_cast %add3A_277 : i32 to index
        %swap3A_296 = arith.constant 0 : index
        %swap3A_297 = tpu.vector_load %arg8[%swap3A_295, %swap3A_296] {strides = array<i32>} : memref<128x128xf32, #tpu.memory_space<vmem>>, vector<1x16xf32>,
        %swap3A_298 = vector.shape_cast %swap3A_297 : vector<1x16xf32> to vector<16xf32>
        %swap3A_299 = vector.shape_cast %convert_element_type3A_290 : vector<16xf32> to vector<1x16xf32>
        tpu.vector_store %arg8[%swap3A_295, %swap3A_296], %swap3A_299 {strides = array<i32>} : memref<128x128xf32, #tpu.memory_space<vmem>>, vector<1x16xf32>,
        %swap3A_300 = arith.index_cast %add3A_277 : i32 to index
        %swap3A_301 = arith.constant 64 : index
        %swap3A_302 = tpu.vector_load %arg8[%swap3A_300, %swap3A_301] {strides = array<i32>} : memref<128x128xf32, #tpu.memory_space<vmem>>, vector<1x16xf32>,
        %swap3A_303 = vector.shape_cast %swap3A_302 : vector<1x16xf32> to vector<16xf32>
        %swap3A_304 = vector.shape_cast %convert_element_type3A_294 : vector<16xf32> to vector<1x16xf32>
        tpu.vector_store %arg8[%swap3A_300, %swap3A_301], %swap3A_304 {strides = array<i32>} : memref<128x128xf32, #tpu.memory_space<vmem>>, vector<1x16xf32>,
        %get3A_305 = arith.constant 0 : i32
        %get3A_306 = arith.index_cast %get3A_305 : i32 to index
        %get3A_307 = arith.index_cast %add3A_277 : i32 to index
        %get3A_308 = arith.constant 16 : index
        %get3A_309 = tpu.vector_load %arg7[%get3A_306, %get3A_307, %get3A_308] {strides = array<i32>} : memref<2x128x64xi32, #tpu.memory_space<vmem>>, vector<1x1x16xi32>,
        %get3A_310 = vector.shape_cast %get3A_309 : vector<1x1x16xi32> to vector<16xi32>
        %shift_left3A_311 = arith.constant 16 : i32
        %shift_left3A_312 = vector.broadcast %shift_left3A_311 : i32 to vector<16xi32>
        %shift_left3A_313 = arith.shli %get3A_310, %shift_left3A_312 : vector<16xi32>
        %shift_right_arithmetic3A_314 = arith.constant 16 : i32
        %shift_right_arithmetic3A_315 = vector.broadcast %shift_right_arithmetic3A_314 : i32 to vector<16xi32>
        %shift_right_arithmetic3A_316 = arith.shrsi %shift_left3A_313, %shift_right_arithmetic3A_315 : vector<16xi32>
        %convert_element_type3A_317 = arith.sitofp %shift_right_arithmetic3A_316 : vector<16xi32> to vector<16xf32>
        %shift_right_arithmetic3A_318 = arith.constant 16 : i32
        %shift_right_arithmetic3A_319 = vector.broadcast %shift_right_arithmetic3A_318 : i32 to vector<16xi32>
        %shift_right_arithmetic3A_320 = arith.shrsi %get3A_310, %shift_right_arithmetic3A_319 : vector<16xi32>
        %convert_element_type3A_321 = arith.sitofp %shift_right_arithmetic3A_320 : vector<16xi32> to vector<16xf32>
        %swap3A_322 = arith.index_cast %add3A_277 : i32 to index
        %swap3A_323 = arith.constant 16 : index
        %swap3A_324 = tpu.vector_load %arg8[%swap3A_322, %swap3A_323] {strides = array<i32>} : memref<128x128xf32, #tpu.memory_space<vmem>>, vector<1x16xf32>,
        %swap3A_325 = vector.shape_cast %swap3A_324 : vector<1x16xf32> to vector<16xf32>
        %swap3A_326 = vector.shape_cast %convert_element_type3A_317 : vector<16xf32> to vector<1x16xf32>
        tpu.vector_store %arg8[%swap3A_322, %swap3A_323], %swap3A_326 {strides = array<i32>} : memref<128x128xf32, #tpu.memory_space<vmem>>, vector<1x16xf32>,
        %swap3A_327 = arith.index_cast %add3A_277 : i32 to index
        %swap3A_328 = arith.constant 80 : index
        %swap3A_329 = tpu.vector_load %arg8[%swap3A_327, %swap3A_328] {strides = array<i32>} : memref<128x128xf32, #tpu.memory_space<vmem>>, vector<1x16xf32>,
        %swap3A_330 = vector.shape_cast %swap3A_329 : vector<1x16xf32> to vector<16xf32>
        %swap3A_331 = vector.shape_cast %convert_element_type3A_321 : vector<16xf32> to vector<1x16xf32>
        tpu.vector_store %arg8[%swap3A_327, %swap3A_328], %swap3A_331 {strides = array<i32>} : memref<128x128xf32, #tpu.memory_space<vmem>>, vector<1x16xf32>,
        %get3A_332 = arith.constant 0 : i32
        %get3A_333 = arith.index_cast %get3A_332 : i32 to index
        %get3A_334 = arith.index_cast %add3A_277 : i32 to index
        %get3A_335 = arith.constant 32 : index
        %get3A_336 = tpu.vector_load %arg7[%get3A_333, %get3A_334, %get3A_335] {strides = array<i32>} : memref<2x128x64xi32, #tpu.memory_space<vmem>>, vector<1x1x16xi32>,
        %get3A_337 = vector.shape_cast %get3A_336 : vector<1x1x16xi32> to vector<16xi32>
        %shift_left3A_338 = arith.constant 16 : i32
        %shift_left3A_339 = vector.broadcast %shift_left3A_338 : i32 to vector<16xi32>
        %shift_left3A_340 = arith.shli %get3A_337, %shift_left3A_339 : vector<16xi32>
        %shift_right_arithmetic3A_341 = arith.constant 16 : i32
        %shift_right_arithmetic3A_342 = vector.broadcast %shift_right_arithmetic3A_341 : i32 to vector<16xi32>
        %shift_right_arithmetic3A_343 = arith.shrsi %shift_left3A_340, %shift_right_arithmetic3A_342 : vector<16xi32>
        %convert_element_type3A_344 = arith.sitofp %shift_right_arithmetic3A_343 : vector<16xi32> to vector<16xf32>
        %shift_right_arithmetic3A_345 = arith.constant 16 : i32
        %shift_right_arithmetic3A_346 = vector.broadcast %shift_right_arithmetic3A_345 : i32 to vector<16xi32>
        %shift_right_arithmetic3A_347 = arith.shrsi %get3A_337, %shift_right_arithmetic3A_346 : vector<16xi32>
        %convert_element_type3A_348 = arith.sitofp %shift_right_arithmetic3A_347 : vector<16xi32> to vector<16xf32>
        %swap3A_349 = arith.index_cast %add3A_277 : i32 to index
        %swap3A_350 = arith.constant 32 : index
        %swap3A_351 = tpu.vector_load %arg8[%swap3A_349, %swap3A_350] {strides = array<i32>} : memref<128x128xf32, #tpu.memory_space<vmem>>, vector<1x16xf32>,
        %swap3A_352 = vector.shape_cast %swap3A_351 : vector<1x16xf32> to vector<16xf32>
        %swap3A_353 = vector.shape_cast %convert_element_type3A_344 : vector<16xf32> to vector<1x16xf32>
        tpu.vector_store %arg8[%swap3A_349, %swap3A_350], %swap3A_353 {strides = array<i32>} : memref<128x128xf32, #tpu.memory_space<vmem>>, vector<1x16xf32>,
        %swap3A_354 = arith.index_cast %add3A_277 : i32 to index
        %swap3A_355 = arith.constant 96 : index
        %swap3A_356 = tpu.vector_load %arg8[%swap3A_354, %swap3A_355] {strides = array<i32>} : memref<128x128xf32, #tpu.memory_space<vmem>>, vector<1x16xf32>,
        %swap3A_357 = vector.shape_cast %swap3A_356 : vector<1x16xf32> to vector<16xf32>
        %swap3A_358 = vector.shape_cast %convert_element_type3A_348 : vector<16xf32> to vector<1x16xf32>
        tpu.vector_store %arg8[%swap3A_354, %swap3A_355], %swap3A_358 {strides = array<i32>} : memref<128x128xf32, #tpu.memory_space<vmem>>, vector<1x16xf32>,
        %get3A_359 = arith.constant 0 : i32
        %get3A_360 = arith.index_cast %get3A_359 : i32 to index
        %get3A_361 = arith.index_cast %add3A_277 : i32 to index
        %get3A_362 = arith.constant 48 : index
        %get3A_363 = tpu.vector_load %arg7[%get3A_360, %get3A_361, %get3A_362] {strides = array<i32>} : memref<2x128x64xi32, #tpu.memory_space<vmem>>, vector<1x1x16xi32>,
        %get3A_364 = vector.shape_cast %get3A_363 : vector<1x1x16xi32> to vector<16xi32>
        %shift_left3A_365 = arith.constant 16 : i32
        %shift_left3A_366 = vector.broadcast %shift_left3A_365 : i32 to vector<16xi32>
        %shift_left3A_367 = arith.shli %get3A_364, %shift_left3A_366 : vector<16xi32>
        %shift_right_arithmetic3A_368 = arith.constant 16 : i32
        %shift_right_arithmetic3A_369 = vector.broadcast %shift_right_arithmetic3A_368 : i32 to vector<16xi32>
        %shift_right_arithmetic3A_370 = arith.shrsi %shift_left3A_367, %shift_right_arithmetic3A_369 : vector<16xi32>
        %convert_element_type3A_371 = arith.sitofp %shift_right_arithmetic3A_370 : vector<16xi32> to vector<16xf32>
        %shift_right_arithmetic3A_372 = arith.constant 16 : i32
        %shift_right_arithmetic3A_373 = vector.broadcast %shift_right_arithmetic3A_372 : i32 to vector<16xi32>
        %shift_right_arithmetic3A_374 = arith.shrsi %get3A_364, %shift_right_arithmetic3A_373 : vector<16xi32>
        %convert_element_type3A_375 = arith.sitofp %shift_right_arithmetic3A_374 : vector<16xi32> to vector<16xf32>
        %swap3A_376 = arith.index_cast %add3A_277 : i32 to index
        %swap3A_377 = arith.constant 48 : index
        %swap3A_378 = tpu.vector_load %arg8[%swap3A_376, %swap3A_377] {strides = array<i32>} : memref<128x128xf32, #tpu.memory_space<vmem>>, vector<1x16xf32>,
        %swap3A_379 = vector.shape_cast %swap3A_378 : vector<1x16xf32> to vector<16xf32>
        %swap3A_380 = vector.shape_cast %convert_element_type3A_371 : vector<16xf32> to vector<1x16xf32>
        tpu.vector_store %arg8[%swap3A_376, %swap3A_377], %swap3A_380 {strides = array<i32>} : memref<128x128xf32, #tpu.memory_space<vmem>>, vector<1x16xf32>,
        %swap3A_381 = arith.index_cast %add3A_277 : i32 to index
        %swap3A_382 = arith.constant 112 : index
        %swap3A_383 = tpu.vector_load %arg8[%swap3A_381, %swap3A_382] {strides = array<i32>} : memref<128x128xf32, #tpu.memory_space<vmem>>, vector<1x16xf32>,
        %swap3A_384 = vector.shape_cast %swap3A_383 : vector<1x16xf32> to vector<16xf32>
        %swap3A_385 = vector.shape_cast %convert_element_type3A_375 : vector<16xf32> to vector<1x16xf32>
        tpu.vector_store %arg8[%swap3A_381, %swap3A_382], %swap3A_385 {strides = array<i32>} : memref<128x128xf32, #tpu.memory_space<vmem>>, vector<1x16xf32>,
        %scan3A_386 = arith.constant 0 : i32
        scf.yield %scan3A_386 : i32
      }
      %scan3A_116 = arith.constant 64 : i32
      %dma_start3A_117 = arith.constant 0 : i32
      %dma_start3A_118 = tpu.memref_slice %arg6[%add3A_90, %dma_start3A_117] : memref<40x128xi32, #tpu.memory_space<vmem>> -> memref<1x128xi32, #tpu.memory_space<vmem>>
      %dma_start3A_119 = tpu.memref_squeeze %dma_start3A_118 : memref<1x128xi32, #tpu.memory_space<vmem>> -> memref<128xi32, #tpu.memory_space<vmem>>
      %dma_start3A_120 = arith.constant 0 : i32
      %dma_start3A_121 = arith.constant 0 : i32
      %dma_start3A_122 = tpu.memref_slice %arg10[%dma_start3A_120, %dma_start3A_121] : memref<10112x128xf32, #tpu.memory_space<vmem_shared>> -> memref<10112x128xf32, #tpu.memory_space<vmem_shared>>
      tpu.enqueue_indirect_dma source(%arg8 : memref<128x128xf32, #tpu.memory_space<vmem>>) target(%dma_start3A_122 : memref<10112x128xf32, #tpu.memory_space<vmem_shared>>) offsets(%dma_start3A_119 : memref<128xi32, #tpu.memory_space<vmem>>) semaphore(%arg12 : memref<!tpu.dma_semaphore, #tpu.memory_space<semaphore_mem>>) {add = true}
      %mul3A_123 = arith.constant 2 : i32
      %mul3A_124 = arith.muli %scan3A_85, %mul3A_123 : i32
      %add3A_125 = arith.constant 1 : i32
      %add3A_126 = arith.addi %mul3A_124, %add3A_125 : i32
      %dma_wait3A_127 = arith.constant 1 : i32
      %dma_wait3A_128 = arith.constant 0 : i32
      %dma_wait3A_129 = arith.constant 0 : i32
      %dma_wait3A_130 = tpu.memref_slice %arg7[%dma_wait3A_127, %dma_wait3A_128, %dma_wait3A_129] : memref<2x128x64xi32, #tpu.memory_space<vmem>> -> memref<1x128x64xi32, #tpu.memory_space<vmem>>
      %dma_wait3A_131 = tpu.memref_squeeze %dma_wait3A_130 : memref<1x128x64xi32, #tpu.memory_space<vmem>> -> memref<128x64xi32, #tpu.memory_space<vmem>>
      %dma_wait3A_132 = arith.constant 0 : i32
      %dma_wait3A_133 = tpu.memref_slice %arg5[%add3A_126, %dma_wait3A_132] : memref<40x128xi32, #tpu.memory_space<vmem>> -> memref<1x128xi32, #tpu.memory_space<vmem>>
      %dma_wait3A_134 = tpu.memref_squeeze %dma_wait3A_133 : memref<1x128xi32, #tpu.memory_space<vmem>> -> memref<128xi32, #tpu.memory_space<vmem>>
      %dma_wait3A_135 = arith.constant 0 : i32
      %dma_wait3A_136 = arith.constant 0 : i32
      %dma_wait3A_137 = tpu.memref_slice %arg2[%dma_wait3A_135, %dma_wait3A_136] : memref<10000x64xi32, #tpu.memory_space<hbm>> -> memref<10000x64xi32, #tpu.memory_space<hbm>>
      tpu.wait_indirect_dma semaphore(%arg11 : memref<!tpu.dma_semaphore, #tpu.memory_space<semaphore_mem>>) src(%dma_wait3A_137 : memref<10000x64xi32, #tpu.memory_space<hbm>>) dst(%dma_wait3A_131 : memref<128x64xi32, #tpu.memory_space<vmem>>)
      %add3A_138 = arith.constant 1 : i32
      %add3A_139 = arith.addi %add3A_126, %add3A_138 : i32
      %lt3A_140 = arith.constant 40 : i32
      %lt3A_141 = arith.cmpi slt, %add3A_139, %lt3A_140 : i32
      %convert_element_type3A_142 = arith.extui %lt3A_141 : i1 to i32
      %cond3A_143 = arith.constant 0 : i32
      %cond3A_144 = arith.cmpi ne, %convert_element_type3A_142, %cond3A_143 : i32
      scf.if %cond3A_144 {
        %add3A_164 = arith.constant 1 : i32
        %add3A_165 = arith.addi %add3A_126, %add3A_164 : i32
        %dma_start3A_166 = arith.constant 0 : i32
        %dma_start3A_167 = arith.constant 0 : i32
        %dma_start3A_168 = arith.constant 0 : i32
        %dma_start3A_169 = tpu.memref_slice %arg7[%dma_start3A_166, %dma_start3A_167, %dma_start3A_168] : memref<2x128x64xi32, #tpu.memory_space<vmem>> -> memref<1x128x64xi32, #tpu.memory_space<vmem>>
        %dma_start3A_170 = tpu.memref_squeeze %dma_start3A_169 : memref<1x128x64xi32, #tpu.memory_space<vmem>> -> memref<128x64xi32, #tpu.memory_space<vmem>>
        %dma_start3A_171 = arith.constant 0 : i32
        %dma_start3A_172 = tpu.memref_slice %arg5[%add3A_165, %dma_start3A_171] : memref<40x128xi32, #tpu.memory_space<vmem>> -> memref<1x128xi32, #tpu.memory_space<vmem>>
        %dma_start3A_173 = tpu.memref_squeeze %dma_start3A_172 : memref<1x128xi32, #tpu.memory_space<vmem>> -> memref<128xi32, #tpu.memory_space<vmem>>
        %dma_start3A_174 = arith.constant 0 : i32
        %dma_start3A_175 = arith.constant 0 : i32
        %dma_start3A_176 = tpu.memref_slice %arg2[%dma_start3A_174, %dma_start3A_175] : memref<10000x64xi32, #tpu.memory_space<hbm>> -> memref<10000x64xi32, #tpu.memory_space<hbm>>
        tpu.enqueue_indirect_dma source(%dma_start3A_176 : memref<10000x64xi32, #tpu.memory_space<hbm>>) target(%dma_start3A_170 : memref<128x64xi32, #tpu.memory_space<vmem>>) offsets(%dma_start3A_173 : memref<128xi32, #tpu.memory_space<vmem>>) semaphore(%arg11 : memref<!tpu.dma_semaphore, #tpu.memory_space<semaphore_mem>>)
      } else {
      }
      %ge3A_145 = arith.constant 1 : i32
      %ge3A_146 = arith.cmpi sge, %add3A_126, %ge3A_145 : i32
      %convert_element_type3A_147 = arith.extui %ge3A_146 : i1 to i32
      %cond3A_148 = arith.constant 0 : i32
      %cond3A_149 = arith.cmpi ne, %convert_element_type3A_147, %cond3A_148 : i32
      scf.if %cond3A_149 {
        %sub3A = arith.constant 1 : i32
        %sub3A_164 = arith.subi %add3A_126, %sub3A : i32
        %dma_wait3A_165 = arith.constant 0 : i32
        %dma_wait3A_166 = tpu.memref_slice %arg6[%sub3A_164, %dma_wait3A_165] : memref<40x128xi32, #tpu.memory_space<vmem>> -> memref<1x128xi32, #tpu.memory_space<vmem>>
        %dma_wait3A_167 = tpu.memref_squeeze %dma_wait3A_166 : memref<1x128xi32, #tpu.memory_space<vmem>> -> memref<128xi32, #tpu.memory_space<vmem>>
        %dma_wait3A_168 = arith.constant 0 : i32
        %dma_wait3A_169 = arith.constant 0 : i32
        %dma_wait3A_170 = tpu.memref_slice %arg10[%dma_wait3A_168, %dma_wait3A_169] : memref<10112x128xf32, #tpu.memory_space<vmem_shared>> -> memref<10112x128xf32, #tpu.memory_space<vmem_shared>>
        tpu.wait_indirect_dma semaphore(%arg12 : memref<!tpu.dma_semaphore, #tpu.memory_space<semaphore_mem>>) src(%arg8 : memref<128x128xf32, #tpu.memory_space<vmem>>) dst(%dma_wait3A_170 : memref<10112x128xf32, #tpu.memory_space<vmem_shared>>)
      } else {
      }
      %scan3A_150 = arith.constant 0 : i32
      %scan3A_151 = arith.constant 0 : i32
      %scan3A_152 = arith.constant 64 : i32
      %scan3A_153 = arith.addi %scan3A_151, %scan3A_152 : i32
      %scan3A_154 = arith.constant 1 : i32
      %scan3A_155 = scf.for %scan3A_164 = %scan3A_151 to %scan3A_153 step %scan3A_154 iter_args(%scan3A_165 = %scan3A_150) -> (i32)  : i32 {
        %mul3A_166 = arith.constant 2 : i32
        %mul3A_167 = arith.muli %scan3A_164, %mul3A_166 : i32
        %add3A_168 = arith.constant 0 : i32
        %add3A_169 = arith.addi %mul3A_167, %add3A_168 : i32
        %get3A = arith.constant 1 : i32
        %get3A_170 = arith.index_cast %get3A : i32 to index
        %get3A_171 = arith.index_cast %add3A_169 : i32 to index
        %get3A_172 = arith.constant 0 : index
        %get3A_173 = tpu.vector_load %arg7[%get3A_170, %get3A_171, %get3A_172] {strides = array<i32>} : memref<2x128x64xi32, #tpu.memory_space<vmem>>, vector<1x1x16xi32>,
        %get3A_174 = vector.shape_cast %get3A_173 : vector<1x1x16xi32> to vector<16xi32>
        %shift_left3A = arith.constant 16 : i32
        %shift_left3A_175 = vector.broadcast %shift_left3A : i32 to vector<16xi32>
        %shift_left3A_176 = arith.shli %get3A_174, %shift_left3A_175 : vector<16xi32>
        %shift_right_arithmetic3A = arith.constant 16 : i32
        %shift_right_arithmetic3A_177 = vector.broadcast %shift_right_arithmetic3A : i32 to vector<16xi32>
        %shift_right_arithmetic3A_178 = arith.shrsi %shift_left3A_176, %shift_right_arithmetic3A_177 : vector<16xi32>
        %convert_element_type3A_179 = arith.sitofp %shift_right_arithmetic3A_178 : vector<16xi32> to vector<16xf32>
        %shift_right_arithmetic3A_180 = arith.constant 16 : i32
        %shift_right_arithmetic3A_181 = vector.broadcast %shift_right_arithmetic3A_180 : i32 to vector<16xi32>
        %shift_right_arithmetic3A_182 = arith.shrsi %get3A_174, %shift_right_arithmetic3A_181 : vector<16xi32>
        %convert_element_type3A_183 = arith.sitofp %shift_right_arithmetic3A_182 : vector<16xi32> to vector<16xf32>
        %swap3A = arith.index_cast %add3A_169 : i32 to index
        %swap3A_184 = arith.constant 0 : index
        %swap3A_185 = tpu.vector_load %arg8[%swap3A, %swap3A_184] {strides = array<i32>} : memref<128x128xf32, #tpu.memory_space<vmem>>, vector<1x16xf32>,
        %swap3A_186 = vector.shape_cast %swap3A_185 : vector<1x16xf32> to vector<16xf32>
        %swap3A_187 = vector.shape_cast %convert_element_type3A_179 : vector<16xf32> to vector<1x16xf32>
        tpu.vector_store %arg8[%swap3A, %swap3A_184], %swap3A_187 {strides = array<i32>} : memref<128x128xf32, #tpu.memory_space<vmem>>, vector<1x16xf32>,
        %swap3A_188 = arith.index_cast %add3A_169 : i32 to index
        %swap3A_189 = arith.constant 64 : index
        %swap3A_190 = tpu.vector_load %arg8[%swap3A_188, %swap3A_189] {strides = array<i32>} : memref<128x128xf32, #tpu.memory_space<vmem>>, vector<1x16xf32>,
        %swap3A_191 = vector.shape_cast %swap3A_190 : vector<1x16xf32> to vector<16xf32>
        %swap3A_192 = vector.shape_cast %convert_element_type3A_183 : vector<16xf32> to vector<1x16xf32>
        tpu.vector_store %arg8[%swap3A_188, %swap3A_189], %swap3A_192 {strides = array<i32>} : memref<128x128xf32, #tpu.memory_space<vmem>>, vector<1x16xf32>,
        %get3A_193 = arith.constant 1 : i32
        %get3A_194 = arith.index_cast %get3A_193 : i32 to index
        %get3A_195 = arith.index_cast %add3A_169 : i32 to index
        %get3A_196 = arith.constant 16 : index
        %get3A_197 = tpu.vector_load %arg7[%get3A_194, %get3A_195, %get3A_196] {strides = array<i32>} : memref<2x128x64xi32, #tpu.memory_space<vmem>>, vector<1x1x16xi32>,
        %get3A_198 = vector.shape_cast %get3A_197 : vector<1x1x16xi32> to vector<16xi32>
        %shift_left3A_199 = arith.constant 16 : i32
        %shift_left3A_200 = vector.broadcast %shift_left3A_199 : i32 to vector<16xi32>
        %shift_left3A_201 = arith.shli %get3A_198, %shift_left3A_200 : vector<16xi32>
        %shift_right_arithmetic3A_202 = arith.constant 16 : i32
        %shift_right_arithmetic3A_203 = vector.broadcast %shift_right_arithmetic3A_202 : i32 to vector<16xi32>
        %shift_right_arithmetic3A_204 = arith.shrsi %shift_left3A_201, %shift_right_arithmetic3A_203 : vector<16xi32>
        %convert_element_type3A_205 = arith.sitofp %shift_right_arithmetic3A_204 : vector<16xi32> to vector<16xf32>
        %shift_right_arithmetic3A_206 = arith.constant 16 : i32
        %shift_right_arithmetic3A_207 = vector.broadcast %shift_right_arithmetic3A_206 : i32 to vector<16xi32>
        %shift_right_arithmetic3A_208 = arith.shrsi %get3A_198, %shift_right_arithmetic3A_207 : vector<16xi32>
        %convert_element_type3A_209 = arith.sitofp %shift_right_arithmetic3A_208 : vector<16xi32> to vector<16xf32>
        %swap3A_210 = arith.index_cast %add3A_169 : i32 to index
        %swap3A_211 = arith.constant 16 : index
        %swap3A_212 = tpu.vector_load %arg8[%swap3A_210, %swap3A_211] {strides = array<i32>} : memref<128x128xf32, #tpu.memory_space<vmem>>, vector<1x16xf32>,
        %swap3A_213 = vector.shape_cast %swap3A_212 : vector<1x16xf32> to vector<16xf32>
        %swap3A_214 = vector.shape_cast %convert_element_type3A_205 : vector<16xf32> to vector<1x16xf32>
        tpu.vector_store %arg8[%swap3A_210, %swap3A_211], %swap3A_214 {strides = array<i32>} : memref<128x128xf32, #tpu.memory_space<vmem>>, vector<1x16xf32>,
        %swap3A_215 = arith.index_cast %add3A_169 : i32 to index
        %swap3A_216 = arith.constant 80 : index
        %swap3A_217 = tpu.vector_load %arg8[%swap3A_215, %swap3A_216] {strides = array<i32>} : memref<128x128xf32, #tpu.memory_space<vmem>>, vector<1x16xf32>,
        %swap3A_218 = vector.shape_cast %swap3A_217 : vector<1x16xf32> to vector<16xf32>
        %swap3A_219 = vector.shape_cast %convert_element_type3A_209 : vector<16xf32> to vector<1x16xf32>
        tpu.vector_store %arg8[%swap3A_215, %swap3A_216], %swap3A_219 {strides = array<i32>} : memref<128x128xf32, #tpu.memory_space<vmem>>, vector<1x16xf32>,
        %get3A_220 = arith.constant 1 : i32
        %get3A_221 = arith.index_cast %get3A_220 : i32 to index
        %get3A_222 = arith.index_cast %add3A_169 : i32 to index
        %get3A_223 = arith.constant 32 : index
        %get3A_224 = tpu.vector_load %arg7[%get3A_221, %get3A_222, %get3A_223] {strides = array<i32>} : memref<2x128x64xi32, #tpu.memory_space<vmem>>, vector<1x1x16xi32>,
        %get3A_225 = vector.shape_cast %get3A_224 : vector<1x1x16xi32> to vector<16xi32>
        %shift_left3A_226 = arith.constant 16 : i32
        %shift_left3A_227 = vector.broadcast %shift_left3A_226 : i32 to vector<16xi32>
        %shift_left3A_228 = arith.shli %get3A_225, %shift_left3A_227 : vector<16xi32>
        %shift_right_arithmetic3A_229 = arith.constant 16 : i32
        %shift_right_arithmetic3A_230 = vector.broadcast %shift_right_arithmetic3A_229 : i32 to vector<16xi32>
        %shift_right_arithmetic3A_231 = arith.shrsi %shift_left3A_228, %shift_right_arithmetic3A_230 : vector<16xi32>
        %convert_element_type3A_232 = arith.sitofp %shift_right_arithmetic3A_231 : vector<16xi32> to vector<16xf32>
        %shift_right_arithmetic3A_233 = arith.constant 16 : i32
        %shift_right_arithmetic3A_234 = vector.broadcast %shift_right_arithmetic3A_233 : i32 to vector<16xi32>
        %shift_right_arithmetic3A_235 = arith.shrsi %get3A_225, %shift_right_arithmetic3A_234 : vector<16xi32>
        %convert_element_type3A_236 = arith.sitofp %shift_right_arithmetic3A_235 : vector<16xi32> to vector<16xf32>
        %swap3A_237 = arith.index_cast %add3A_169 : i32 to index
        %swap3A_238 = arith.constant 32 : index
        %swap3A_239 = tpu.vector_load %arg8[%swap3A_237, %swap3A_238] {strides = array<i32>} : memref<128x128xf32, #tpu.memory_space<vmem>>, vector<1x16xf32>,
        %swap3A_240 = vector.shape_cast %swap3A_239 : vector<1x16xf32> to vector<16xf32>
        %swap3A_241 = vector.shape_cast %convert_element_type3A_232 : vector<16xf32> to vector<1x16xf32>
        tpu.vector_store %arg8[%swap3A_237, %swap3A_238], %swap3A_241 {strides = array<i32>} : memref<128x128xf32, #tpu.memory_space<vmem>>, vector<1x16xf32>,
        %swap3A_242 = arith.index_cast %add3A_169 : i32 to index
        %swap3A_243 = arith.constant 96 : index
        %swap3A_244 = tpu.vector_load %arg8[%swap3A_242, %swap3A_243] {strides = array<i32>} : memref<128x128xf32, #tpu.memory_space<vmem>>, vector<1x16xf32>,
        %swap3A_245 = vector.shape_cast %swap3A_244 : vector<1x16xf32> to vector<16xf32>
        %swap3A_246 = vector.shape_cast %convert_element_type3A_236 : vector<16xf32> to vector<1x16xf32>
        tpu.vector_store %arg8[%swap3A_242, %swap3A_243], %swap3A_246 {strides = array<i32>} : memref<128x128xf32, #tpu.memory_space<vmem>>, vector<1x16xf32>,
        %get3A_247 = arith.constant 1 : i32
        %get3A_248 = arith.index_cast %get3A_247 : i32 to index
        %get3A_249 = arith.index_cast %add3A_169 : i32 to index
        %get3A_250 = arith.constant 48 : index
        %get3A_251 = tpu.vector_load %arg7[%get3A_248, %get3A_249, %get3A_250] {strides = array<i32>} : memref<2x128x64xi32, #tpu.memory_space<vmem>>, vector<1x1x16xi32>,
        %get3A_252 = vector.shape_cast %get3A_251 : vector<1x1x16xi32> to vector<16xi32>
        %shift_left3A_253 = arith.constant 16 : i32
        %shift_left3A_254 = vector.broadcast %shift_left3A_253 : i32 to vector<16xi32>
        %shift_left3A_255 = arith.shli %get3A_252, %shift_left3A_254 : vector<16xi32>
        %shift_right_arithmetic3A_256 = arith.constant 16 : i32
        %shift_right_arithmetic3A_257 = vector.broadcast %shift_right_arithmetic3A_256 : i32 to vector<16xi32>
        %shift_right_arithmetic3A_258 = arith.shrsi %shift_left3A_255, %shift_right_arithmetic3A_257 : vector<16xi32>
        %convert_element_type3A_259 = arith.sitofp %shift_right_arithmetic3A_258 : vector<16xi32> to vector<16xf32>
        %shift_right_arithmetic3A_260 = arith.constant 16 : i32
        %shift_right_arithmetic3A_261 = vector.broadcast %shift_right_arithmetic3A_260 : i32 to vector<16xi32>
        %shift_right_arithmetic3A_262 = arith.shrsi %get3A_252, %shift_right_arithmetic3A_261 : vector<16xi32>
        %convert_element_type3A_263 = arith.sitofp %shift_right_arithmetic3A_262 : vector<16xi32> to vector<16xf32>
        %swap3A_264 = arith.index_cast %add3A_169 : i32 to index
        %swap3A_265 = arith.constant 48 : index
        %swap3A_266 = tpu.vector_load %arg8[%swap3A_264, %swap3A_265] {strides = array<i32>} : memref<128x128xf32, #tpu.memory_space<vmem>>, vector<1x16xf32>,
        %swap3A_267 = vector.shape_cast %swap3A_266 : vector<1x16xf32> to vector<16xf32>
        %swap3A_268 = vector.shape_cast %convert_element_type3A_259 : vector<16xf32> to vector<1x16xf32>
        tpu.vector_store %arg8[%swap3A_264, %swap3A_265], %swap3A_268 {strides = array<i32>} : memref<128x128xf32, #tpu.memory_space<vmem>>, vector<1x16xf32>,
        %swap3A_269 = arith.index_cast %add3A_169 : i32 to index
        %swap3A_270 = arith.constant 112 : index
        %swap3A_271 = tpu.vector_load %arg8[%swap3A_269, %swap3A_270] {strides = array<i32>} : memref<128x128xf32, #tpu.memory_space<vmem>>, vector<1x16xf32>,
        %swap3A_272 = vector.shape_cast %swap3A_271 : vector<1x16xf32> to vector<16xf32>
        %swap3A_273 = vector.shape_cast %convert_element_type3A_263 : vector<16xf32> to vector<1x16xf32>
        tpu.vector_store %arg8[%swap3A_269, %swap3A_270], %swap3A_273 {strides = array<i32>} : memref<128x128xf32, #tpu.memory_space<vmem>>, vector<1x16xf32>,
        %mul3A_274 = arith.constant 2 : i32
        %mul3A_275 = arith.muli %scan3A_164, %mul3A_274 : i32
        %add3A_276 = arith.constant 1 : i32
        %add3A_277 = arith.addi %mul3A_275, %add3A_276 : i32
        %get3A_278 = arith.constant 1 : i32
        %get3A_279 = arith.index_cast %get3A_278 : i32 to index
        %get3A_280 = arith.index_cast %add3A_277 : i32 to index
        %get3A_281 = arith.constant 0 : index
        %get3A_282 = tpu.vector_load %arg7[%get3A_279, %get3A_280, %get3A_281] {strides = array<i32>} : memref<2x128x64xi32, #tpu.memory_space<vmem>>, vector<1x1x16xi32>,
        %get3A_283 = vector.shape_cast %get3A_282 : vector<1x1x16xi32> to vector<16xi32>
        %shift_left3A_284 = arith.constant 16 : i32
        %shift_left3A_285 = vector.broadcast %shift_left3A_284 : i32 to vector<16xi32>
        %shift_left3A_286 = arith.shli %get3A_283, %shift_left3A_285 : vector<16xi32>
        %shift_right_arithmetic3A_287 = arith.constant 16 : i32
        %shift_right_arithmetic3A_288 = vector.broadcast %shift_right_arithmetic3A_287 : i32 to vector<16xi32>
        %shift_right_arithmetic3A_289 = arith.shrsi %shift_left3A_286, %shift_right_arithmetic3A_288 : vector<16xi32>
        %convert_element_type3A_290 = arith.sitofp %shift_right_arithmetic3A_289 : vector<16xi32> to vector<16xf32>
        %shift_right_arithmetic3A_291 = arith.constant 16 : i32
        %shift_right_arithmetic3A_292 = vector.broadcast %shift_right_arithmetic3A_291 : i32 to vector<16xi32>
        %shift_right_arithmetic3A_293 = arith.shrsi %get3A_283, %shift_right_arithmetic3A_292 : vector<16xi32>
        %convert_element_type3A_294 = arith.sitofp %shift_right_arithmetic3A_293 : vector<16xi32> to vector<16xf32>
        %swap3A_295 = arith.index_cast %add3A_277 : i32 to index
        %swap3A_296 = arith.constant 0 : index
        %swap3A_297 = tpu.vector_load %arg8[%swap3A_295, %swap3A_296] {strides = array<i32>} : memref<128x128xf32, #tpu.memory_space<vmem>>, vector<1x16xf32>,
        %swap3A_298 = vector.shape_cast %swap3A_297 : vector<1x16xf32> to vector<16xf32>
        %swap3A_299 = vector.shape_cast %convert_element_type3A_290 : vector<16xf32> to vector<1x16xf32>
        tpu.vector_store %arg8[%swap3A_295, %swap3A_296], %swap3A_299 {strides = array<i32>} : memref<128x128xf32, #tpu.memory_space<vmem>>, vector<1x16xf32>,
        %swap3A_300 = arith.index_cast %add3A_277 : i32 to index
        %swap3A_301 = arith.constant 64 : index
        %swap3A_302 = tpu.vector_load %arg8[%swap3A_300, %swap3A_301] {strides = array<i32>} : memref<128x128xf32, #tpu.memory_space<vmem>>, vector<1x16xf32>,
        %swap3A_303 = vector.shape_cast %swap3A_302 : vector<1x16xf32> to vector<16xf32>
        %swap3A_304 = vector.shape_cast %convert_element_type3A_294 : vector<16xf32> to vector<1x16xf32>
        tpu.vector_store %arg8[%swap3A_300, %swap3A_301], %swap3A_304 {strides = array<i32>} : memref<128x128xf32, #tpu.memory_space<vmem>>, vector<1x16xf32>,
        %get3A_305 = arith.constant 1 : i32
        %get3A_306 = arith.index_cast %get3A_305 : i32 to index
        %get3A_307 = arith.index_cast %add3A_277 : i32 to index
        %get3A_308 = arith.constant 16 : index
        %get3A_309 = tpu.vector_load %arg7[%get3A_306, %get3A_307, %get3A_308] {strides = array<i32>} : memref<2x128x64xi32, #tpu.memory_space<vmem>>, vector<1x1x16xi32>,
        %get3A_310 = vector.shape_cast %get3A_309 : vector<1x1x16xi32> to vector<16xi32>
        %shift_left3A_311 = arith.constant 16 : i32
        %shift_left3A_312 = vector.broadcast %shift_left3A_311 : i32 to vector<16xi32>
        %shift_left3A_313 = arith.shli %get3A_310, %shift_left3A_312 : vector<16xi32>
        %shift_right_arithmetic3A_314 = arith.constant 16 : i32
        %shift_right_arithmetic3A_315 = vector.broadcast %shift_right_arithmetic3A_314 : i32 to vector<16xi32>
        %shift_right_arithmetic3A_316 = arith.shrsi %shift_left3A_313, %shift_right_arithmetic3A_315 : vector<16xi32>
        %convert_element_type3A_317 = arith.sitofp %shift_right_arithmetic3A_316 : vector<16xi32> to vector<16xf32>
        %shift_right_arithmetic3A_318 = arith.constant 16 : i32
        %shift_right_arithmetic3A_319 = vector.broadcast %shift_right_arithmetic3A_318 : i32 to vector<16xi32>
        %shift_right_arithmetic3A_320 = arith.shrsi %get3A_310, %shift_right_arithmetic3A_319 : vector<16xi32>
        %convert_element_type3A_321 = arith.sitofp %shift_right_arithmetic3A_320 : vector<16xi32> to vector<16xf32>
        %swap3A_322 = arith.index_cast %add3A_277 : i32 to index
        %swap3A_323 = arith.constant 16 : index
        %swap3A_324 = tpu.vector_load %arg8[%swap3A_322, %swap3A_323] {strides = array<i32>} : memref<128x128xf32, #tpu.memory_space<vmem>>, vector<1x16xf32>,
        %swap3A_325 = vector.shape_cast %swap3A_324 : vector<1x16xf32> to vector<16xf32>
        %swap3A_326 = vector.shape_cast %convert_element_type3A_317 : vector<16xf32> to vector<1x16xf32>
        tpu.vector_store %arg8[%swap3A_322, %swap3A_323], %swap3A_326 {strides = array<i32>} : memref<128x128xf32, #tpu.memory_space<vmem>>, vector<1x16xf32>,
        %swap3A_327 = arith.index_cast %add3A_277 : i32 to index
        %swap3A_328 = arith.constant 80 : index
        %swap3A_329 = tpu.vector_load %arg8[%swap3A_327, %swap3A_328] {strides = array<i32>} : memref<128x128xf32, #tpu.memory_space<vmem>>, vector<1x16xf32>,
        %swap3A_330 = vector.shape_cast %swap3A_329 : vector<1x16xf32> to vector<16xf32>
        %swap3A_331 = vector.shape_cast %convert_element_type3A_321 : vector<16xf32> to vector<1x16xf32>
        tpu.vector_store %arg8[%swap3A_327, %swap3A_328], %swap3A_331 {strides = array<i32>} : memref<128x128xf32, #tpu.memory_space<vmem>>, vector<1x16xf32>,
        %get3A_332 = arith.constant 1 : i32
        %get3A_333 = arith.index_cast %get3A_332 : i32 to index
        %get3A_334 = arith.index_cast %add3A_277 : i32 to index
        %get3A_335 = arith.constant 32 : index
        %get3A_336 = tpu.vector_load %arg7[%get3A_333, %get3A_334, %get3A_335] {strides = array<i32>} : memref<2x128x64xi32, #tpu.memory_space<vmem>>, vector<1x1x16xi32>,
        %get3A_337 = vector.shape_cast %get3A_336 : vector<1x1x16xi32> to vector<16xi32>
        %shift_left3A_338 = arith.constant 16 : i32
        %shift_left3A_339 = vector.broadcast %shift_left3A_338 : i32 to vector<16xi32>
        %shift_left3A_340 = arith.shli %get3A_337, %shift_left3A_339 : vector<16xi32>
        %shift_right_arithmetic3A_341 = arith.constant 16 : i32
        %shift_right_arithmetic3A_342 = vector.broadcast %shift_right_arithmetic3A_341 : i32 to vector<16xi32>
        %shift_right_arithmetic3A_343 = arith.shrsi %shift_left3A_340, %shift_right_arithmetic3A_342 : vector<16xi32>
        %convert_element_type3A_344 = arith.sitofp %shift_right_arithmetic3A_343 : vector<16xi32> to vector<16xf32>
        %shift_right_arithmetic3A_345 = arith.constant 16 : i32
        %shift_right_arithmetic3A_346 = vector.broadcast %shift_right_arithmetic3A_345 : i32 to vector<16xi32>
        %shift_right_arithmetic3A_347 = arith.shrsi %get3A_337, %shift_right_arithmetic3A_346 : vector<16xi32>
        %convert_element_type3A_348 = arith.sitofp %shift_right_arithmetic3A_347 : vector<16xi32> to vector<16xf32>
        %swap3A_349 = arith.index_cast %add3A_277 : i32 to index
        %swap3A_350 = arith.constant 32 : index
        %swap3A_351 = tpu.vector_load %arg8[%swap3A_349, %swap3A_350] {strides = array<i32>} : memref<128x128xf32, #tpu.memory_space<vmem>>, vector<1x16xf32>,
        %swap3A_352 = vector.shape_cast %swap3A_351 : vector<1x16xf32> to vector<16xf32>
        %swap3A_353 = vector.shape_cast %convert_element_type3A_344 : vector<16xf32> to vector<1x16xf32>
        tpu.vector_store %arg8[%swap3A_349, %swap3A_350], %swap3A_353 {strides = array<i32>} : memref<128x128xf32, #tpu.memory_space<vmem>>, vector<1x16xf32>,
        %swap3A_354 = arith.index_cast %add3A_277 : i32 to index
        %swap3A_355 = arith.constant 96 : index
        %swap3A_356 = tpu.vector_load %arg8[%swap3A_354, %swap3A_355] {strides = array<i32>} : memref<128x128xf32, #tpu.memory_space<vmem>>, vector<1x16xf32>,
        %swap3A_357 = vector.shape_cast %swap3A_356 : vector<1x16xf32> to vector<16xf32>
        %swap3A_358 = vector.shape_cast %convert_element_type3A_348 : vector<16xf32> to vector<1x16xf32>
        tpu.vector_store %arg8[%swap3A_354, %swap3A_355], %swap3A_358 {strides = array<i32>} : memref<128x128xf32, #tpu.memory_space<vmem>>, vector<1x16xf32>,
        %get3A_359 = arith.constant 1 : i32
        %get3A_360 = arith.index_cast %get3A_359 : i32 to index
        %get3A_361 = arith.index_cast %add3A_277 : i32 to index
        %get3A_362 = arith.constant 48 : index
        %get3A_363 = tpu.vector_load %arg7[%get3A_360, %get3A_361, %get3A_362] {strides = array<i32>} : memref<2x128x64xi32, #tpu.memory_space<vmem>>, vector<1x1x16xi32>,
        %get3A_364 = vector.shape_cast %get3A_363 : vector<1x1x16xi32> to vector<16xi32>
        %shift_left3A_365 = arith.constant 16 : i32
        %shift_left3A_366 = vector.broadcast %shift_left3A_365 : i32 to vector<16xi32>
        %shift_left3A_367 = arith.shli %get3A_364, %shift_left3A_366 : vector<16xi32>
        %shift_right_arithmetic3A_368 = arith.constant 16 : i32
        %shift_right_arithmetic3A_369 = vector.broadcast %shift_right_arithmetic3A_368 : i32 to vector<16xi32>
        %shift_right_arithmetic3A_370 = arith.shrsi %shift_left3A_367, %shift_right_arithmetic3A_369 : vector<16xi32>
        %convert_element_type3A_371 = arith.sitofp %shift_right_arithmetic3A_370 : vector<16xi32> to vector<16xf32>
        %shift_right_arithmetic3A_372 = arith.constant 16 : i32
        %shift_right_arithmetic3A_373 = vector.broadcast %shift_right_arithmetic3A_372 : i32 to vector<16xi32>
        %shift_right_arithmetic3A_374 = arith.shrsi %get3A_364, %shift_right_arithmetic3A_373 : vector<16xi32>
        %convert_element_type3A_375 = arith.sitofp %shift_right_arithmetic3A_374 : vector<16xi32> to vector<16xf32>
        %swap3A_376 = arith.index_cast %add3A_277 : i32 to index
        %swap3A_377 = arith.constant 48 : index
        %swap3A_378 = tpu.vector_load %arg8[%swap3A_376, %swap3A_377] {strides = array<i32>} : memref<128x128xf32, #tpu.memory_space<vmem>>, vector<1x16xf32>,
        %swap3A_379 = vector.shape_cast %swap3A_378 : vector<1x16xf32> to vector<16xf32>
        %swap3A_380 = vector.shape_cast %convert_element_type3A_371 : vector<16xf32> to vector<1x16xf32>
        tpu.vector_store %arg8[%swap3A_376, %swap3A_377], %swap3A_380 {strides = array<i32>} : memref<128x128xf32, #tpu.memory_space<vmem>>, vector<1x16xf32>,
        %swap3A_381 = arith.index_cast %add3A_277 : i32 to index
        %swap3A_382 = arith.constant 112 : index
        %swap3A_383 = tpu.vector_load %arg8[%swap3A_381, %swap3A_382] {strides = array<i32>} : memref<128x128xf32, #tpu.memory_space<vmem>>, vector<1x16xf32>,
        %swap3A_384 = vector.shape_cast %swap3A_383 : vector<1x16xf32> to vector<16xf32>
        %swap3A_385 = vector.shape_cast %convert_element_type3A_375 : vector<16xf32> to vector<1x16xf32>
        tpu.vector_store %arg8[%swap3A_381, %swap3A_382], %swap3A_385 {strides = array<i32>} : memref<128x128xf32, #tpu.memory_space<vmem>>, vector<1x16xf32>,
        %scan3A_386 = arith.constant 0 : i32
        scf.yield %scan3A_386 : i32
      }
      %scan3A_156 = arith.constant 64 : i32
      %dma_start3A_157 = arith.constant 0 : i32
      %dma_start3A_158 = tpu.memref_slice %arg6[%add3A_126, %dma_start3A_157] : memref<40x128xi32, #tpu.memory_space<vmem>> -> memref<1x128xi32, #tpu.memory_space<vmem>>
      %dma_start3A_159 = tpu.memref_squeeze %dma_start3A_158 : memref<1x128xi32, #tpu.memory_space<vmem>> -> memref<128xi32, #tpu.memory_space<vmem>>
      %dma_start3A_160 = arith.constant 0 : i32
      %dma_start3A_161 = arith.constant 0 : i32
      %dma_start3A_162 = tpu.memref_slice %arg10[%dma_start3A_160, %dma_start3A_161] : memref<10112x128xf32, #tpu.memory_space<vmem_shared>> -> memref<10112x128xf32, #tpu.memory_space<vmem_shared>>
      tpu.enqueue_indirect_dma source(%arg8 : memref<128x128xf32, #tpu.memory_space<vmem>>) target(%dma_start3A_162 : memref<10112x128xf32, #tpu.memory_space<vmem_shared>>) offsets(%dma_start3A_159 : memref<128xi32, #tpu.memory_space<vmem>>) semaphore(%arg12 : memref<!tpu.dma_semaphore, #tpu.memory_space<semaphore_mem>>) {add = true}
      %scan3A_163 = arith.constant 0 : i32
      scf.yield %scan3A_163 : i32
    }
    %scan3A_72 = arith.constant 20 : i32
    %dma_wait3A_73 = arith.constant 39 : i32
    %dma_wait3A_74 = arith.constant 0 : i32
    %dma_wait3A_75 = tpu.memref_slice %arg6[%dma_wait3A_73, %dma_wait3A_74] : memref<40x128xi32, #tpu.memory_space<vmem>> -> memref<1x128xi32, #tpu.memory_space<vmem>>
    %dma_wait3A_76 = tpu.memref_squeeze %dma_wait3A_75 : memref<1x128xi32, #tpu.memory_space<vmem>> -> memref<128xi32, #tpu.memory_space<vmem>>
    %dma_wait3A_77 = arith.constant 0 : i32
    %dma_wait3A_78 = arith.constant 0 : i32
    %dma_wait3A_79 = tpu.memref_slice %arg10[%dma_wait3A_77, %dma_wait3A_78] : memref<10112x128xf32, #tpu.memory_space<vmem_shared>> -> memref<10112x128xf32, #tpu.memory_space<vmem_shared>>
    tpu.wait_indirect_dma semaphore(%arg12 : memref<!tpu.dma_semaphore, #tpu.memory_space<semaphore_mem>>) src(%arg8 : memref<128x128xf32, #tpu.memory_space<vmem>>) dst(%dma_wait3A_79 : memref<10112x128xf32, #tpu.memory_space<vmem_shared>>)
    %barrier3A_80 = arith.constant 0 : index
    tpu.barrier barrier_id(%barrier3A_80)
    %mul3A_81 = arith.constant 632 : i32
    %mul3A_82 = arith.muli %arg1, %mul3A_81 : i32
    %mul3A_83 = arith.constant 632 : i32
    %mul3A_84 = arith.muli %arg1, %mul3A_83 : i32
    "tpu.region"() ({
      %run_scoped3A_85 = tpu.sem_alloc : memref<!tpu.dma_semaphore, #tpu.memory_space<semaphore_mem>>
      %dma_start3A_86 = arith.constant 0 : i32
      %dma_start3A_87 = tpu.memref_slice %arg4[%arg0, %mul3A_84, %dma_start3A_86] : memref<2x10112x128xf32, #tpu.memory_space<hbm>> -> memref<1x632x128xf32, #tpu.memory_space<hbm>>
      %dma_start3A_88 = tpu.memref_squeeze %dma_start3A_87 : memref<1x632x128xf32, #tpu.memory_space<hbm>> -> memref<632x128xf32, #tpu.memory_space<hbm>>
      %dma_start3A_89 = arith.constant 0 : i32
      %dma_start3A_90 = tpu.memref_slice %arg10[%mul3A_82, %dma_start3A_89] : memref<10112x128xf32, #tpu.memory_space<vmem_shared>> -> memref<632x128xf32, #tpu.memory_space<vmem_shared>>
      tpu.enqueue_dma source(%dma_start3A_90 : memref<632x128xf32, #tpu.memory_space<vmem_shared>>) target(%dma_start3A_88 : memref<632x128xf32, #tpu.memory_space<hbm>>) target_semaphore(%run_scoped3A_85 : memref<!tpu.dma_semaphore, #tpu.memory_space<semaphore_mem>>)
      %dma_wait3A_91 = arith.constant 0 : i32
      %dma_wait3A_92 = tpu.memref_slice %arg4[%arg0, %mul3A_84, %dma_wait3A_91] : memref<2x10112x128xf32, #tpu.memory_space<hbm>> -> memref<1x632x128xf32, #tpu.memory_space<hbm>>
      %dma_wait3A_93 = tpu.memref_squeeze %dma_wait3A_92 : memref<1x632x128xf32, #tpu.memory_space<hbm>> -> memref<632x128xf32, #tpu.memory_space<hbm>>
      %dma_wait3A_94 = arith.constant 0 : i32
      %dma_wait3A_95 = tpu.memref_slice %arg10[%mul3A_82, %dma_wait3A_94] : memref<10112x128xf32, #tpu.memory_space<vmem_shared>> -> memref<632x128xf32, #tpu.memory_space<vmem_shared>>
      tpu.wait_dma2 semaphore(%run_scoped3A_85 : memref<!tpu.dma_semaphore, #tpu.memory_space<semaphore_mem>>) src(%dma_wait3A_95 : memref<632x128xf32, #tpu.memory_space<vmem_shared>>) dst(%dma_wait3A_93 : memref<632x128xf32, #tpu.memory_space<hbm>>)
      tpu.yield
    }) : () -> ()
    return
  }
}

module attributes {stable_mosaic.version = 14 : i64} {
  func.func @body(%arg0: i32, %arg1: memref<1000x128xf32, #tpu.memory_space<vmem>>, %arg2: memref<128x128xf32, #tpu.memory_space<vmem>>, %arg3: memref<1x128xf32, #tpu.memory_space<vmem>>, %arg4: memref<1000x128xf32, #tpu.memory_space<vmem>>, %arg5: memref<1000x64xi32, #tpu.memory_space<vmem>>) attributes {dimension_semantics = [#tpu.dimension_semantics<arbitrary>], iteration_bounds = array<i64: 10>, scalar_prefetch = 0 : i64, scratch_operands = 0 : i64, tpu.core_type = #tpu.core_type<tc>, window_params = [{transform_indices = @transform_0, window_bounds = array<i64: 1000, 128>}, {pipeline_mode = #tpu.pipeline_mode<synchronous>, transform_indices = @transform_1, window_bounds = array<i64: 128, 128>}, {pipeline_mode = #tpu.pipeline_mode<synchronous>, transform_indices = @transform_2, window_bounds = array<i64: 1, 128>}, {transform_indices = @transform_3, window_bounds = array<i64: 1000, 128>}, {transform_indices = @transform_4, window_bounds = array<i64: 1000, 64>}]} {
    %get3A = arith.constant 0 : index
    %get3A_0 = arith.constant 0 : index
    %get3A_1 = vector.load %arg1[%get3A, %get3A_0] : memref<1000x128xf32, #tpu.memory_space<vmem>>, vector<1000x128xf32>
    %get3A_2 = arith.constant 0 : index
    %get3A_3 = arith.constant 0 : index
    %get3A_4 = vector.load %arg2[%get3A_2, %get3A_3] : memref<128x128xf32, #tpu.memory_space<vmem>>, vector<128x128xf32>
    %dot_general3A = arith.constant dense<0.000000e+00> : vector<1000x128xf32>
    %dot_general3A_5 = tpu.matmul %get3A_1, %get3A_4, %dot_general3A {dimension_numbers = #tpu.dot_dimension_numbers<[1], [0], [0], [1], [0, 0, 1, 1], [], []>, transpose_lhs_hint = false} : vector<1000x128xf32>, vector<128x128xf32>, vector<1000x128xf32> -> vector<1000x128xf32>
    %get3A_6 = arith.constant 0 : index
    %get3A_7 = arith.constant 0 : index
    %get3A_8 = vector.load %arg3[%get3A_6, %get3A_7] : memref<1x128xf32, #tpu.memory_space<vmem>>, vector<1x128xf32>
    %add3A = vector.broadcast %get3A_8 : vector<1x128xf32> to vector<1000x128xf32>
    %add3A_9 = arith.addf %dot_general3A_5, %add3A : vector<1000x128xf32>
    %max3A = arith.constant 0.000000e+00 : f32
    %max3A_10 = vector.broadcast %max3A : f32 to vector<1000x128xf32>
    %max3A_11 = arith.maximumf %add3A_9, %max3A_10 : vector<1000x128xf32>
    %swap3A = arith.constant 0 : index
    %swap3A_12 = arith.constant 0 : index
    %swap3A_13 = vector.load %arg4[%swap3A, %swap3A_12] : memref<1000x128xf32, #tpu.memory_space<vmem>>, vector<1000x128xf32>
    tpu.vector_store %arg4[%swap3A, %swap3A_12], %max3A_11 {strides = array<i32>} : memref<1000x128xf32, #tpu.memory_space<vmem>>, vector<1000x128xf32>,
    %mul3A = arith.constant 1.024000e+03 : f32
    %mul3A_14 = vector.broadcast %mul3A : f32 to vector<1000x128xf32>
    %mul3A_15 = arith.mulf %max3A_11, %mul3A_14 : vector<1000x128xf32>
    %round3A = math.roundeven %mul3A_15 : vector<1000x128xf32>
    %jit3A = arith.constant -3.276700e+04 : f32
    %jit3A_16 = arith.constant 3.276700e+04 : f32
    %max3A_17 = vector.broadcast %jit3A : f32 to vector<1000x128xf32>
    %max3A_18 = arith.maximumf %max3A_17, %round3A : vector<1000x128xf32>
    %min3A = vector.broadcast %jit3A_16 : f32 to vector<1000x128xf32>
    %min3A_19 = arith.minimumf %min3A, %max3A_18 : vector<1000x128xf32>
    %convert_element_type3A = arith.fptosi %min3A_19 : vector<1000x128xf32> to vector<1000x128xi32>
    %slice3A = vector.extract_strided_slice %convert_element_type3A {offsets = [0, 0], sizes = [1000, 64], strides = [1, 1]} : vector<1000x128xi32> to vector<1000x64xi32>
    %and3A = arith.constant 65535 : i32
    %and3A_20 = vector.broadcast %and3A : i32 to vector<1000x64xi32>
    %and3A_21 = arith.andi %slice3A, %and3A_20 : vector<1000x64xi32>
    %slice3A_22 = vector.extract_strided_slice %convert_element_type3A {offsets = [0, 64], sizes = [1000, 64], strides = [1, 1]} : vector<1000x128xi32> to vector<1000x64xi32>
    %shift_left3A = arith.constant 16 : i32
    %shift_left3A_23 = vector.broadcast %shift_left3A : i32 to vector<1000x64xi32>
    %shift_left3A_24 = arith.shli %slice3A_22, %shift_left3A_23 : vector<1000x64xi32>
    %or3A = arith.ori %shift_left3A_24, %and3A_21 : vector<1000x64xi32>
    %swap3A_25 = arith.constant 0 : index
    %swap3A_26 = arith.constant 0 : index
    %swap3A_27 = vector.load %arg5[%swap3A_25, %swap3A_26] : memref<1000x64xi32, #tpu.memory_space<vmem>>, vector<1000x64xi32>
    tpu.vector_store %arg5[%swap3A_25, %swap3A_26], %or3A {strides = array<i32>} : memref<1000x64xi32, #tpu.memory_space<vmem>>, vector<1000x64xi32>,
    return
  }
  func.func @transform_0(%arg0: i32) -> (i32, i32) {
    %c0_i32 = arith.constant 0 : i32
    %c0_i32_0 = arith.constant 0 : i32
    return %arg0, %c0_i32 : i32, i32
  }
  func.func @transform_1(%arg0: i32) -> (i32, i32) {
    %c0_i32 = arith.constant 0 : i32
    %c0_i32_0 = arith.constant 0 : i32
    %c0_i32_1 = arith.constant 0 : i32
    return %c0_i32, %c0_i32_0 : i32, i32
  }
  func.func @transform_2(%arg0: i32) -> (i32, i32) {
    %c0_i32 = arith.constant 0 : i32
    %c0_i32_0 = arith.constant 0 : i32
    %c0_i32_1 = arith.constant 0 : i32
    return %c0_i32, %c0_i32_0 : i32, i32
  }
  func.func @transform_3(%arg0: i32) -> (i32, i32) {
    %c0_i32 = arith.constant 0 : i32
    %c0_i32_0 = arith.constant 0 : i32
    return %arg0, %c0_i32 : i32, i32
  }
  func.func @transform_4(%arg0: i32) -> (i32, i32) {
    %c0_i32 = arith.constant 0 : i32
    %c0_i32_0 = arith.constant 0 : i32
    return %arg0, %c0_i32 : i32, i32
  }
}

module attributes {stable_mosaic.version = 14 : i64} {
  func.func @body(%arg0: i32, %arg1: memref<1000x128xf32, #tpu.memory_space<vmem>>, %arg2: memref<2x1000x128xf32, #tpu.memory_space<vmem>>, %arg3: memref<1000x2xf32, #tpu.memory_space<vmem>>, %arg4: memref<128x128xf32, #tpu.memory_space<vmem>>, %arg5: memref<1x128xf32, #tpu.memory_space<vmem>>, %arg6: memref<128x128xf32, #tpu.memory_space<vmem>>, %arg7: memref<1x128xf32, #tpu.memory_space<vmem>>, %arg8: memref<128x128xf32, #tpu.memory_space<vmem>>, %arg9: memref<1x128xf32, #tpu.memory_space<vmem>>, %arg10: memref<128x128xf32, #tpu.memory_space<vmem>>, %arg11: memref<1x128xf32, #tpu.memory_space<vmem>>, %arg12: memref<1000x128xf32, #tpu.memory_space<vmem>>) attributes {dimension_semantics = [#tpu.dimension_semantics<arbitrary>], iteration_bounds = array<i64: 10>, scalar_prefetch = 0 : i64, scratch_operands = 0 : i64, tpu.core_type = #tpu.core_type<tc>, window_params = [{transform_indices = @transform_0, window_bounds = array<i64: 1000, 128>}, {transform_indices = @transform_1, window_bounds = array<i64: 2, 1000, 128>}, {transform_indices = @transform_2, window_bounds = array<i64: 1000, 2>}, {pipeline_mode = #tpu.pipeline_mode<synchronous>, transform_indices = @transform_3, window_bounds = array<i64: 128, 128>}, {pipeline_mode = #tpu.pipeline_mode<synchronous>, transform_indices = @transform_4, window_bounds = array<i64: 1, 128>}, {pipeline_mode = #tpu.pipeline_mode<synchronous>, transform_indices = @transform_5, window_bounds = array<i64: 128, 128>}, {pipeline_mode = #tpu.pipeline_mode<synchronous>, transform_indices = @transform_6, window_bounds = array<i64: 1, 128>}, {pipeline_mode = #tpu.pipeline_mode<synchronous>, transform_indices = @transform_7, window_bounds = array<i64: 128, 128>}, {pipeline_mode = #tpu.pipeline_mode<synchronous>, transform_indices = @transform_8, window_bounds = array<i64: 1, 128>}, {pipeline_mode = #tpu.pipeline_mode<synchronous>, transform_indices = @transform_9, window_bounds = array<i64: 128, 128>}, {pipeline_mode = #tpu.pipeline_mode<synchronous>, transform_indices = @transform_10, window_bounds = array<i64: 1, 128>}, {transform_indices = @transform_11, window_bounds = array<i64: 1000, 128>}]} {
    %get3A = arith.constant 0 : index
    %get3A_0 = arith.constant 0 : index
    %get3A_1 = vector.load %arg1[%get3A, %get3A_0] : memref<1000x128xf32, #tpu.memory_space<vmem>>, vector<1000x128xf32>
    %get3A_2 = arith.constant 0 : index
    %get3A_3 = arith.constant 0 : index
    %get3A_4 = arith.constant 0 : index
    %get3A_5 = vector.load %arg2[%get3A_2, %get3A_3, %get3A_4] : memref<2x1000x128xf32, #tpu.memory_space<vmem>>, vector<1x1000x128xf32>
    %get3A_6 = vector.shape_cast %get3A_5 : vector<1x1000x128xf32> to vector<1000x128xf32>
    %get3A_7 = arith.constant 1 : index
    %get3A_8 = arith.constant 0 : index
    %get3A_9 = arith.constant 0 : index
    %get3A_10 = vector.load %arg2[%get3A_7, %get3A_8, %get3A_9] : memref<2x1000x128xf32, #tpu.memory_space<vmem>>, vector<1x1000x128xf32>
    %get3A_11 = vector.shape_cast %get3A_10 : vector<1x1000x128xf32> to vector<1000x128xf32>
    %add3A = arith.addf %get3A_6, %get3A_11 : vector<1000x128xf32>
    %get3A_12 = arith.constant 0 : index
    %get3A_13 = arith.constant 0 : index
    %get3A_14 = vector.load %arg3[%get3A_12, %get3A_13] : memref<1000x2xf32, #tpu.memory_space<vmem>>, vector<1000x2xf32>
    %reduce_sum3A = arith.constant dense<0.000000e+00> : vector<1000xf32>
    %reduce_sum3A_15 = vector.multi_reduction <add>, %get3A_14, %reduce_sum3A [1] : vector<1000x2xf32> to vector<1000xf32>
    %broadcast_in_dim3A = vector.shape_cast %reduce_sum3A_15 : vector<1000xf32> to vector<1000x1xf32>
    %max3A = arith.constant 1.000000e+00 : f32
    %max3A_16 = vector.broadcast %max3A : f32 to vector<1000x1xf32>
    %max3A_17 = arith.maximumf %broadcast_in_dim3A, %max3A_16 : vector<1000x1xf32>
    %div3A = arith.constant 1.000000e+00 : f32
    %div3A_18 = vector.broadcast %div3A : f32 to vector<1000x1xf32>
    %div3A_19 = arith.divf %div3A_18, %max3A_17 : vector<1000x1xf32>
    %mul3A = vector.broadcast %div3A_19 : vector<1000x1xf32> to vector<1000x128xf32>
    %mul3A_20 = arith.mulf %add3A, %mul3A : vector<1000x128xf32>
    %get3A_21 = arith.constant 0 : index
    %get3A_22 = arith.constant 0 : index
    %get3A_23 = vector.load %arg4[%get3A_21, %get3A_22] : memref<128x128xf32, #tpu.memory_space<vmem>>, vector<128x128xf32>
    %dot_general3A = arith.constant dense<0.000000e+00> : vector<1000x128xf32>
    %dot_general3A_24 = tpu.matmul %get3A_1, %get3A_23, %dot_general3A {dimension_numbers = #tpu.dot_dimension_numbers<[1], [0], [0], [1], [0, 0, 1, 1], [], []>, transpose_lhs_hint = false} : vector<1000x128xf32>, vector<128x128xf32>, vector<1000x128xf32> -> vector<1000x128xf32>
    %get3A_25 = arith.constant 0 : index
    %get3A_26 = arith.constant 0 : index
    %get3A_27 = vector.load %arg5[%get3A_25, %get3A_26] : memref<1x128xf32, #tpu.memory_space<vmem>>, vector<1x128xf32>
    %add3A_28 = vector.broadcast %get3A_27 : vector<1x128xf32> to vector<1000x128xf32>
    %add3A_29 = arith.addf %dot_general3A_24, %add3A_28 : vector<1000x128xf32>
    %get3A_30 = arith.constant 0 : index
    %get3A_31 = arith.constant 0 : index
    %get3A_32 = vector.load %arg6[%get3A_30, %get3A_31] : memref<128x128xf32, #tpu.memory_space<vmem>>, vector<128x128xf32>
    %dot_general3A_33 = arith.constant dense<0.000000e+00> : vector<1000x128xf32>
    %dot_general3A_34 = tpu.matmul %mul3A_20, %get3A_32, %dot_general3A_33 {dimension_numbers = #tpu.dot_dimension_numbers<[1], [0], [0], [1], [0, 0, 1, 1], [], []>, transpose_lhs_hint = false} : vector<1000x128xf32>, vector<128x128xf32>, vector<1000x128xf32> -> vector<1000x128xf32>
    %add3A_35 = arith.addf %add3A_29, %dot_general3A_34 : vector<1000x128xf32>
    %get3A_36 = arith.constant 0 : index
    %get3A_37 = arith.constant 0 : index
    %get3A_38 = vector.load %arg7[%get3A_36, %get3A_37] : memref<1x128xf32, #tpu.memory_space<vmem>>, vector<1x128xf32>
    %add3A_39 = vector.broadcast %get3A_38 : vector<1x128xf32> to vector<1000x128xf32>
    %add3A_40 = arith.addf %add3A_35, %add3A_39 : vector<1000x128xf32>
    %get3A_41 = arith.constant 0 : index
    %get3A_42 = arith.constant 0 : index
    %get3A_43 = vector.load %arg8[%get3A_41, %get3A_42] : memref<128x128xf32, #tpu.memory_space<vmem>>, vector<128x128xf32>
    %dot_general3A_44 = arith.constant dense<0.000000e+00> : vector<1000x128xf32>
    %dot_general3A_45 = tpu.matmul %add3A_40, %get3A_43, %dot_general3A_44 {dimension_numbers = #tpu.dot_dimension_numbers<[1], [0], [0], [1], [0, 0, 1, 1], [], []>, transpose_lhs_hint = false} : vector<1000x128xf32>, vector<128x128xf32>, vector<1000x128xf32> -> vector<1000x128xf32>
    %get3A_46 = arith.constant 0 : index
    %get3A_47 = arith.constant 0 : index
    %get3A_48 = vector.load %arg9[%get3A_46, %get3A_47] : memref<1x128xf32, #tpu.memory_space<vmem>>, vector<1x128xf32>
    %add3A_49 = vector.broadcast %get3A_48 : vector<1x128xf32> to vector<1000x128xf32>
    %add3A_50 = arith.addf %dot_general3A_45, %add3A_49 : vector<1000x128xf32>
    %logistic3A = arith.negf %add3A_50 : vector<1000x128xf32>
    %logistic3A_51 = math.exp %logistic3A : vector<1000x128xf32>
    %logistic3A_52 = arith.constant 1.000000e+00 : f32
    %logistic3A_53 = vector.broadcast %logistic3A_52 : f32 to vector<1000x128xf32>
    %logistic3A_54 = arith.addf %logistic3A_53, %logistic3A_51 : vector<1000x128xf32>
    %logistic3A_55 = arith.divf %logistic3A_53, %logistic3A_54 : vector<1000x128xf32>
    %get3A_56 = arith.constant 0 : index
    %get3A_57 = arith.constant 0 : index
    %get3A_58 = vector.load %arg10[%get3A_56, %get3A_57] : memref<128x128xf32, #tpu.memory_space<vmem>>, vector<128x128xf32>
    %dot_general3A_59 = arith.constant dense<0.000000e+00> : vector<1000x128xf32>
    %dot_general3A_60 = tpu.matmul %get3A_1, %get3A_58, %dot_general3A_59 {dimension_numbers = #tpu.dot_dimension_numbers<[1], [0], [0], [1], [0, 0, 1, 1], [], []>, transpose_lhs_hint = false} : vector<1000x128xf32>, vector<128x128xf32>, vector<1000x128xf32> -> vector<1000x128xf32>
    %get3A_61 = arith.constant 0 : index
    %get3A_62 = arith.constant 0 : index
    %get3A_63 = vector.load %arg11[%get3A_61, %get3A_62] : memref<1x128xf32, #tpu.memory_space<vmem>>, vector<1x128xf32>
    %add3A_64 = vector.broadcast %get3A_63 : vector<1x128xf32> to vector<1000x128xf32>
    %add3A_65 = arith.addf %dot_general3A_60, %add3A_64 : vector<1000x128xf32>
    %logistic3A_66 = arith.negf %add3A_65 : vector<1000x128xf32>
    %logistic3A_67 = math.exp %logistic3A_66 : vector<1000x128xf32>
    %logistic3A_68 = arith.constant 1.000000e+00 : f32
    %logistic3A_69 = vector.broadcast %logistic3A_68 : f32 to vector<1000x128xf32>
    %logistic3A_70 = arith.addf %logistic3A_69, %logistic3A_67 : vector<1000x128xf32>
    %logistic3A_71 = arith.divf %logistic3A_69, %logistic3A_70 : vector<1000x128xf32>
    %mul3A_72 = arith.mulf %logistic3A_55, %get3A_1 : vector<1000x128xf32>
    %mul3A_73 = arith.mulf %logistic3A_71, %add3A_40 : vector<1000x128xf32>
    %add3A_74 = arith.addf %mul3A_72, %mul3A_73 : vector<1000x128xf32>
    %swap3A = arith.constant 0 : index
    %swap3A_75 = arith.constant 0 : index
    %swap3A_76 = vector.load %arg12[%swap3A, %swap3A_75] : memref<1000x128xf32, #tpu.memory_space<vmem>>, vector<1000x128xf32>
    tpu.vector_store %arg12[%swap3A, %swap3A_75], %add3A_74 {strides = array<i32>} : memref<1000x128xf32, #tpu.memory_space<vmem>>, vector<1000x128xf32>,
    return
  }
  func.func @transform_0(%arg0: i32) -> (i32, i32) {
    %c0_i32 = arith.constant 0 : i32
    %c0_i32_0 = arith.constant 0 : i32
    return %arg0, %c0_i32 : i32, i32
  }
  func.func @transform_1(%arg0: i32) -> (i32, i32, i32) {
    %c0_i32 = arith.constant 0 : i32
    %c0_i32_0 = arith.constant 0 : i32
    %c0_i32_1 = arith.constant 0 : i32
    return %c0_i32, %arg0, %c0_i32_0 : i32, i32, i32
  }
  func.func @transform_2(%arg0: i32) -> (i32, i32) {
    %c0_i32 = arith.constant 0 : i32
    %c0_i32_0 = arith.constant 0 : i32
    return %arg0, %c0_i32 : i32, i32
  }
  func.func @transform_3(%arg0: i32) -> (i32, i32) {
    %c0_i32 = arith.constant 0 : i32
    %c0_i32_0 = arith.constant 0 : i32
    %c0_i32_1 = arith.constant 0 : i32
    return %c0_i32, %c0_i32_0 : i32, i32
  }
  func.func @transform_4(%arg0: i32) -> (i32, i32) {
    %c0_i32 = arith.constant 0 : i32
    %c0_i32_0 = arith.constant 0 : i32
    %c0_i32_1 = arith.constant 0 : i32
    return %c0_i32, %c0_i32_0 : i32, i32
  }
  func.func @transform_5(%arg0: i32) -> (i32, i32) {
    %c0_i32 = arith.constant 0 : i32
    %c0_i32_0 = arith.constant 0 : i32
    %c0_i32_1 = arith.constant 0 : i32
    return %c0_i32, %c0_i32_0 : i32, i32
  }
  func.func @transform_6(%arg0: i32) -> (i32, i32) {
    %c0_i32 = arith.constant 0 : i32
    %c0_i32_0 = arith.constant 0 : i32
    %c0_i32_1 = arith.constant 0 : i32
    return %c0_i32, %c0_i32_0 : i32, i32
  }
  func.func @transform_7(%arg0: i32) -> (i32, i32) {
    %c0_i32 = arith.constant 0 : i32
    %c0_i32_0 = arith.constant 0 : i32
    %c0_i32_1 = arith.constant 0 : i32
    return %c0_i32, %c0_i32_0 : i32, i32
  }
  func.func @transform_8(%arg0: i32) -> (i32, i32) {
    %c0_i32 = arith.constant 0 : i32
    %c0_i32_0 = arith.constant 0 : i32
    %c0_i32_1 = arith.constant 0 : i32
    return %c0_i32, %c0_i32_0 : i32, i32
  }
  func.func @transform_9(%arg0: i32) -> (i32, i32) {
    %c0_i32 = arith.constant 0 : i32
    %c0_i32_0 = arith.constant 0 : i32
    %c0_i32_1 = arith.constant 0 : i32
    return %c0_i32, %c0_i32_0 : i32, i32
  }
  func.func @transform_10(%arg0: i32) -> (i32, i32) {
    %c0_i32 = arith.constant 0 : i32
    %c0_i32_0 = arith.constant 0 : i32
    %c0_i32_1 = arith.constant 0 : i32
    return %c0_i32, %c0_i32_0 : i32, i32
  }
  func.func @transform_11(%arg0: i32) -> (i32, i32) {
    %c0_i32 = arith.constant 0 : i32
    %c0_i32_0 = arith.constant 0 : i32
    return %arg0, %c0_i32 : i32, i32
  }
}

module attributes {stable_mosaic.version = 14 : i64} {
  func.func @body(%arg0: i32, %arg1: memref<1000x128xf32, #tpu.memory_space<vmem>>, %arg2: memref<2x1000x128xf32, #tpu.memory_space<vmem>>, %arg3: memref<1000x2xf32, #tpu.memory_space<vmem>>, %arg4: memref<128x128xf32, #tpu.memory_space<vmem>>, %arg5: memref<1x128xf32, #tpu.memory_space<vmem>>, %arg6: memref<128x128xf32, #tpu.memory_space<vmem>>, %arg7: memref<1x128xf32, #tpu.memory_space<vmem>>, %arg8: memref<128x128xf32, #tpu.memory_space<vmem>>, %arg9: memref<1x128xf32, #tpu.memory_space<vmem>>, %arg10: memref<128x128xf32, #tpu.memory_space<vmem>>, %arg11: memref<1x128xf32, #tpu.memory_space<vmem>>, %arg12: memref<1000x128xf32, #tpu.memory_space<vmem>>, %arg13: memref<1000x64xi32, #tpu.memory_space<vmem>>) attributes {dimension_semantics = [#tpu.dimension_semantics<arbitrary>], iteration_bounds = array<i64: 10>, scalar_prefetch = 0 : i64, scratch_operands = 0 : i64, tpu.core_type = #tpu.core_type<tc>, window_params = [{transform_indices = @transform_0, window_bounds = array<i64: 1000, 128>}, {transform_indices = @transform_1, window_bounds = array<i64: 2, 1000, 128>}, {transform_indices = @transform_2, window_bounds = array<i64: 1000, 2>}, {pipeline_mode = #tpu.pipeline_mode<synchronous>, transform_indices = @transform_3, window_bounds = array<i64: 128, 128>}, {pipeline_mode = #tpu.pipeline_mode<synchronous>, transform_indices = @transform_4, window_bounds = array<i64: 1, 128>}, {pipeline_mode = #tpu.pipeline_mode<synchronous>, transform_indices = @transform_5, window_bounds = array<i64: 128, 128>}, {pipeline_mode = #tpu.pipeline_mode<synchronous>, transform_indices = @transform_6, window_bounds = array<i64: 1, 128>}, {pipeline_mode = #tpu.pipeline_mode<synchronous>, transform_indices = @transform_7, window_bounds = array<i64: 128, 128>}, {pipeline_mode = #tpu.pipeline_mode<synchronous>, transform_indices = @transform_8, window_bounds = array<i64: 1, 128>}, {pipeline_mode = #tpu.pipeline_mode<synchronous>, transform_indices = @transform_9, window_bounds = array<i64: 128, 128>}, {pipeline_mode = #tpu.pipeline_mode<synchronous>, transform_indices = @transform_10, window_bounds = array<i64: 1, 128>}, {transform_indices = @transform_11, window_bounds = array<i64: 1000, 128>}, {transform_indices = @transform_12, window_bounds = array<i64: 1000, 64>}]} {
    %get3A = arith.constant 0 : index
    %get3A_0 = arith.constant 0 : index
    %get3A_1 = vector.load %arg1[%get3A, %get3A_0] : memref<1000x128xf32, #tpu.memory_space<vmem>>, vector<1000x128xf32>
    %get3A_2 = arith.constant 0 : index
    %get3A_3 = arith.constant 0 : index
    %get3A_4 = arith.constant 0 : index
    %get3A_5 = vector.load %arg2[%get3A_2, %get3A_3, %get3A_4] : memref<2x1000x128xf32, #tpu.memory_space<vmem>>, vector<1x1000x128xf32>
    %get3A_6 = vector.shape_cast %get3A_5 : vector<1x1000x128xf32> to vector<1000x128xf32>
    %get3A_7 = arith.constant 1 : index
    %get3A_8 = arith.constant 0 : index
    %get3A_9 = arith.constant 0 : index
    %get3A_10 = vector.load %arg2[%get3A_7, %get3A_8, %get3A_9] : memref<2x1000x128xf32, #tpu.memory_space<vmem>>, vector<1x1000x128xf32>
    %get3A_11 = vector.shape_cast %get3A_10 : vector<1x1000x128xf32> to vector<1000x128xf32>
    %add3A = arith.addf %get3A_6, %get3A_11 : vector<1000x128xf32>
    %get3A_12 = arith.constant 0 : index
    %get3A_13 = arith.constant 0 : index
    %get3A_14 = vector.load %arg3[%get3A_12, %get3A_13] : memref<1000x2xf32, #tpu.memory_space<vmem>>, vector<1000x2xf32>
    %reduce_sum3A = arith.constant dense<0.000000e+00> : vector<1000xf32>
    %reduce_sum3A_15 = vector.multi_reduction <add>, %get3A_14, %reduce_sum3A [1] : vector<1000x2xf32> to vector<1000xf32>
    %broadcast_in_dim3A = vector.shape_cast %reduce_sum3A_15 : vector<1000xf32> to vector<1000x1xf32>
    %max3A = arith.constant 1.000000e+00 : f32
    %max3A_16 = vector.broadcast %max3A : f32 to vector<1000x1xf32>
    %max3A_17 = arith.maximumf %broadcast_in_dim3A, %max3A_16 : vector<1000x1xf32>
    %div3A = arith.constant 1.000000e+00 : f32
    %div3A_18 = vector.broadcast %div3A : f32 to vector<1000x1xf32>
    %div3A_19 = arith.divf %div3A_18, %max3A_17 : vector<1000x1xf32>
    %mul3A = vector.broadcast %div3A_19 : vector<1000x1xf32> to vector<1000x128xf32>
    %mul3A_20 = arith.mulf %add3A, %mul3A : vector<1000x128xf32>
    %get3A_21 = arith.constant 0 : index
    %get3A_22 = arith.constant 0 : index
    %get3A_23 = vector.load %arg4[%get3A_21, %get3A_22] : memref<128x128xf32, #tpu.memory_space<vmem>>, vector<128x128xf32>
    %dot_general3A = arith.constant dense<0.000000e+00> : vector<1000x128xf32>
    %dot_general3A_24 = tpu.matmul %get3A_1, %get3A_23, %dot_general3A {dimension_numbers = #tpu.dot_dimension_numbers<[1], [0], [0], [1], [0, 0, 1, 1], [], []>, transpose_lhs_hint = false} : vector<1000x128xf32>, vector<128x128xf32>, vector<1000x128xf32> -> vector<1000x128xf32>
    %get3A_25 = arith.constant 0 : index
    %get3A_26 = arith.constant 0 : index
    %get3A_27 = vector.load %arg5[%get3A_25, %get3A_26] : memref<1x128xf32, #tpu.memory_space<vmem>>, vector<1x128xf32>
    %add3A_28 = vector.broadcast %get3A_27 : vector<1x128xf32> to vector<1000x128xf32>
    %add3A_29 = arith.addf %dot_general3A_24, %add3A_28 : vector<1000x128xf32>
    %get3A_30 = arith.constant 0 : index
    %get3A_31 = arith.constant 0 : index
    %get3A_32 = vector.load %arg6[%get3A_30, %get3A_31] : memref<128x128xf32, #tpu.memory_space<vmem>>, vector<128x128xf32>
    %dot_general3A_33 = arith.constant dense<0.000000e+00> : vector<1000x128xf32>
    %dot_general3A_34 = tpu.matmul %mul3A_20, %get3A_32, %dot_general3A_33 {dimension_numbers = #tpu.dot_dimension_numbers<[1], [0], [0], [1], [0, 0, 1, 1], [], []>, transpose_lhs_hint = false} : vector<1000x128xf32>, vector<128x128xf32>, vector<1000x128xf32> -> vector<1000x128xf32>
    %add3A_35 = arith.addf %add3A_29, %dot_general3A_34 : vector<1000x128xf32>
    %get3A_36 = arith.constant 0 : index
    %get3A_37 = arith.constant 0 : index
    %get3A_38 = vector.load %arg7[%get3A_36, %get3A_37] : memref<1x128xf32, #tpu.memory_space<vmem>>, vector<1x128xf32>
    %add3A_39 = vector.broadcast %get3A_38 : vector<1x128xf32> to vector<1000x128xf32>
    %add3A_40 = arith.addf %add3A_35, %add3A_39 : vector<1000x128xf32>
    %get3A_41 = arith.constant 0 : index
    %get3A_42 = arith.constant 0 : index
    %get3A_43 = vector.load %arg8[%get3A_41, %get3A_42] : memref<128x128xf32, #tpu.memory_space<vmem>>, vector<128x128xf32>
    %dot_general3A_44 = arith.constant dense<0.000000e+00> : vector<1000x128xf32>
    %dot_general3A_45 = tpu.matmul %add3A_40, %get3A_43, %dot_general3A_44 {dimension_numbers = #tpu.dot_dimension_numbers<[1], [0], [0], [1], [0, 0, 1, 1], [], []>, transpose_lhs_hint = false} : vector<1000x128xf32>, vector<128x128xf32>, vector<1000x128xf32> -> vector<1000x128xf32>
    %get3A_46 = arith.constant 0 : index
    %get3A_47 = arith.constant 0 : index
    %get3A_48 = vector.load %arg9[%get3A_46, %get3A_47] : memref<1x128xf32, #tpu.memory_space<vmem>>, vector<1x128xf32>
    %add3A_49 = vector.broadcast %get3A_48 : vector<1x128xf32> to vector<1000x128xf32>
    %add3A_50 = arith.addf %dot_general3A_45, %add3A_49 : vector<1000x128xf32>
    %logistic3A = arith.negf %add3A_50 : vector<1000x128xf32>
    %logistic3A_51 = math.exp %logistic3A : vector<1000x128xf32>
    %logistic3A_52 = arith.constant 1.000000e+00 : f32
    %logistic3A_53 = vector.broadcast %logistic3A_52 : f32 to vector<1000x128xf32>
    %logistic3A_54 = arith.addf %logistic3A_53, %logistic3A_51 : vector<1000x128xf32>
    %logistic3A_55 = arith.divf %logistic3A_53, %logistic3A_54 : vector<1000x128xf32>
    %get3A_56 = arith.constant 0 : index
    %get3A_57 = arith.constant 0 : index
    %get3A_58 = vector.load %arg10[%get3A_56, %get3A_57] : memref<128x128xf32, #tpu.memory_space<vmem>>, vector<128x128xf32>
    %dot_general3A_59 = arith.constant dense<0.000000e+00> : vector<1000x128xf32>
    %dot_general3A_60 = tpu.matmul %get3A_1, %get3A_58, %dot_general3A_59 {dimension_numbers = #tpu.dot_dimension_numbers<[1], [0], [0], [1], [0, 0, 1, 1], [], []>, transpose_lhs_hint = false} : vector<1000x128xf32>, vector<128x128xf32>, vector<1000x128xf32> -> vector<1000x128xf32>
    %get3A_61 = arith.constant 0 : index
    %get3A_62 = arith.constant 0 : index
    %get3A_63 = vector.load %arg11[%get3A_61, %get3A_62] : memref<1x128xf32, #tpu.memory_space<vmem>>, vector<1x128xf32>
    %add3A_64 = vector.broadcast %get3A_63 : vector<1x128xf32> to vector<1000x128xf32>
    %add3A_65 = arith.addf %dot_general3A_60, %add3A_64 : vector<1000x128xf32>
    %logistic3A_66 = arith.negf %add3A_65 : vector<1000x128xf32>
    %logistic3A_67 = math.exp %logistic3A_66 : vector<1000x128xf32>
    %logistic3A_68 = arith.constant 1.000000e+00 : f32
    %logistic3A_69 = vector.broadcast %logistic3A_68 : f32 to vector<1000x128xf32>
    %logistic3A_70 = arith.addf %logistic3A_69, %logistic3A_67 : vector<1000x128xf32>
    %logistic3A_71 = arith.divf %logistic3A_69, %logistic3A_70 : vector<1000x128xf32>
    %mul3A_72 = arith.mulf %logistic3A_55, %get3A_1 : vector<1000x128xf32>
    %mul3A_73 = arith.mulf %logistic3A_71, %add3A_40 : vector<1000x128xf32>
    %add3A_74 = arith.addf %mul3A_72, %mul3A_73 : vector<1000x128xf32>
    %swap3A = arith.constant 0 : index
    %swap3A_75 = arith.constant 0 : index
    %swap3A_76 = vector.load %arg12[%swap3A, %swap3A_75] : memref<1000x128xf32, #tpu.memory_space<vmem>>, vector<1000x128xf32>
    tpu.vector_store %arg12[%swap3A, %swap3A_75], %add3A_74 {strides = array<i32>} : memref<1000x128xf32, #tpu.memory_space<vmem>>, vector<1000x128xf32>,
    %mul3A_77 = arith.constant 1.024000e+03 : f32
    %mul3A_78 = vector.broadcast %mul3A_77 : f32 to vector<1000x128xf32>
    %mul3A_79 = arith.mulf %add3A_74, %mul3A_78 : vector<1000x128xf32>
    %round3A = math.roundeven %mul3A_79 : vector<1000x128xf32>
    %jit3A = arith.constant -3.276700e+04 : f32
    %jit3A_80 = arith.constant 3.276700e+04 : f32
    %max3A_81 = vector.broadcast %jit3A : f32 to vector<1000x128xf32>
    %max3A_82 = arith.maximumf %max3A_81, %round3A : vector<1000x128xf32>
    %min3A = vector.broadcast %jit3A_80 : f32 to vector<1000x128xf32>
    %min3A_83 = arith.minimumf %min3A, %max3A_82 : vector<1000x128xf32>
    %convert_element_type3A = arith.fptosi %min3A_83 : vector<1000x128xf32> to vector<1000x128xi32>
    %slice3A = vector.extract_strided_slice %convert_element_type3A {offsets = [0, 0], sizes = [1000, 64], strides = [1, 1]} : vector<1000x128xi32> to vector<1000x64xi32>
    %and3A = arith.constant 65535 : i32
    %and3A_84 = vector.broadcast %and3A : i32 to vector<1000x64xi32>
    %and3A_85 = arith.andi %slice3A, %and3A_84 : vector<1000x64xi32>
    %slice3A_86 = vector.extract_strided_slice %convert_element_type3A {offsets = [0, 64], sizes = [1000, 64], strides = [1, 1]} : vector<1000x128xi32> to vector<1000x64xi32>
    %shift_left3A = arith.constant 16 : i32
    %shift_left3A_87 = vector.broadcast %shift_left3A : i32 to vector<1000x64xi32>
    %shift_left3A_88 = arith.shli %slice3A_86, %shift_left3A_87 : vector<1000x64xi32>
    %or3A = arith.ori %shift_left3A_88, %and3A_85 : vector<1000x64xi32>
    %swap3A_89 = arith.constant 0 : index
    %swap3A_90 = arith.constant 0 : index
    %swap3A_91 = vector.load %arg13[%swap3A_89, %swap3A_90] : memref<1000x64xi32, #tpu.memory_space<vmem>>, vector<1000x64xi32>
    tpu.vector_store %arg13[%swap3A_89, %swap3A_90], %or3A {strides = array<i32>} : memref<1000x64xi32, #tpu.memory_space<vmem>>, vector<1000x64xi32>,
    return
  }
  func.func @transform_0(%arg0: i32) -> (i32, i32) {
    %c0_i32 = arith.constant 0 : i32
    %c0_i32_0 = arith.constant 0 : i32
    return %arg0, %c0_i32 : i32, i32
  }
  func.func @transform_1(%arg0: i32) -> (i32, i32, i32) {
    %c0_i32 = arith.constant 0 : i32
    %c0_i32_0 = arith.constant 0 : i32
    %c0_i32_1 = arith.constant 0 : i32
    return %c0_i32, %arg0, %c0_i32_0 : i32, i32, i32
  }
  func.func @transform_2(%arg0: i32) -> (i32, i32) {
    %c0_i32 = arith.constant 0 : i32
    %c0_i32_0 = arith.constant 0 : i32
    return %arg0, %c0_i32 : i32, i32
  }
  func.func @transform_3(%arg0: i32) -> (i32, i32) {
    %c0_i32 = arith.constant 0 : i32
    %c0_i32_0 = arith.constant 0 : i32
    %c0_i32_1 = arith.constant 0 : i32
    return %c0_i32, %c0_i32_0 : i32, i32
  }
  func.func @transform_4(%arg0: i32) -> (i32, i32) {
    %c0_i32 = arith.constant 0 : i32
    %c0_i32_0 = arith.constant 0 : i32
    %c0_i32_1 = arith.constant 0 : i32
    return %c0_i32, %c0_i32_0 : i32, i32
  }
  func.func @transform_5(%arg0: i32) -> (i32, i32) {
    %c0_i32 = arith.constant 0 : i32
    %c0_i32_0 = arith.constant 0 : i32
    %c0_i32_1 = arith.constant 0 : i32
    return %c0_i32, %c0_i32_0 : i32, i32
  }
  func.func @transform_6(%arg0: i32) -> (i32, i32) {
    %c0_i32 = arith.constant 0 : i32
    %c0_i32_0 = arith.constant 0 : i32
    %c0_i32_1 = arith.constant 0 : i32
    return %c0_i32, %c0_i32_0 : i32, i32
  }
  func.func @transform_7(%arg0: i32) -> (i32, i32) {
    %c0_i32 = arith.constant 0 : i32
    %c0_i32_0 = arith.constant 0 : i32
    %c0_i32_1 = arith.constant 0 : i32
    return %c0_i32, %c0_i32_0 : i32, i32
  }
  func.func @transform_8(%arg0: i32) -> (i32, i32) {
    %c0_i32 = arith.constant 0 : i32
    %c0_i32_0 = arith.constant 0 : i32
    %c0_i32_1 = arith.constant 0 : i32
    return %c0_i32, %c0_i32_0 : i32, i32
  }
  func.func @transform_9(%arg0: i32) -> (i32, i32) {
    %c0_i32 = arith.constant 0 : i32
    %c0_i32_0 = arith.constant 0 : i32
    %c0_i32_1 = arith.constant 0 : i32
    return %c0_i32, %c0_i32_0 : i32, i32
  }
  func.func @transform_10(%arg0: i32) -> (i32, i32) {
    %c0_i32 = arith.constant 0 : i32
    %c0_i32_0 = arith.constant 0 : i32
    %c0_i32_1 = arith.constant 0 : i32
    return %c0_i32, %c0_i32_0 : i32, i32
  }
  func.func @transform_11(%arg0: i32) -> (i32, i32) {
    %c0_i32 = arith.constant 0 : i32
    %c0_i32_0 = arith.constant 0 : i32
    return %arg0, %c0_i32 : i32, i32
  }
  func.func @transform_12(%arg0: i32) -> (i32, i32) {
    %c0_i32 = arith.constant 0 : i32
    %c0_i32_0 = arith.constant 0 : i32
    return %arg0, %c0_i32 : i32, i32
  }
}

module attributes {stable_mosaic.version = 14 : i64} {
  func.func @body(%arg0: i32, %arg1: memref<1000x128xf32, #tpu.memory_space<vmem>>, %arg2: memref<128x128xf32, #tpu.memory_space<vmem>>, %arg3: memref<1x128xf32, #tpu.memory_space<vmem>>, %arg4: memref<1000x128xf32, #tpu.memory_space<vmem>>) attributes {dimension_semantics = [#tpu.dimension_semantics<arbitrary>], iteration_bounds = array<i64: 10>, scalar_prefetch = 0 : i64, scratch_operands = 0 : i64, tpu.core_type = #tpu.core_type<tc>, window_params = [{transform_indices = @transform_0, window_bounds = array<i64: 1000, 128>}, {pipeline_mode = #tpu.pipeline_mode<synchronous>, transform_indices = @transform_1, window_bounds = array<i64: 128, 128>}, {pipeline_mode = #tpu.pipeline_mode<synchronous>, transform_indices = @transform_2, window_bounds = array<i64: 1, 128>}, {transform_indices = @transform_3, window_bounds = array<i64: 1000, 128>}]} {
    %get3A = arith.constant 0 : index
    %get3A_0 = arith.constant 0 : index
    %get3A_1 = vector.load %arg1[%get3A, %get3A_0] : memref<1000x128xf32, #tpu.memory_space<vmem>>, vector<1000x128xf32>
    %get3A_2 = arith.constant 0 : index
    %get3A_3 = arith.constant 0 : index
    %get3A_4 = vector.load %arg2[%get3A_2, %get3A_3] : memref<128x128xf32, #tpu.memory_space<vmem>>, vector<128x128xf32>
    %dot_general3A = arith.constant dense<0.000000e+00> : vector<1000x128xf32>
    %dot_general3A_5 = tpu.matmul %get3A_1, %get3A_4, %dot_general3A {dimension_numbers = #tpu.dot_dimension_numbers<[1], [0], [0], [1], [0, 0, 1, 1], [], []>, transpose_lhs_hint = false} : vector<1000x128xf32>, vector<128x128xf32>, vector<1000x128xf32> -> vector<1000x128xf32>
    %get3A_6 = arith.constant 0 : index
    %get3A_7 = arith.constant 0 : index
    %get3A_8 = vector.load %arg3[%get3A_6, %get3A_7] : memref<1x128xf32, #tpu.memory_space<vmem>>, vector<1x128xf32>
    %add3A = vector.broadcast %get3A_8 : vector<1x128xf32> to vector<1000x128xf32>
    %add3A_9 = arith.addf %dot_general3A_5, %add3A : vector<1000x128xf32>
    %swap3A = arith.constant 0 : index
    %swap3A_10 = arith.constant 0 : index
    %swap3A_11 = vector.load %arg4[%swap3A, %swap3A_10] : memref<1000x128xf32, #tpu.memory_space<vmem>>, vector<1000x128xf32>
    tpu.vector_store %arg4[%swap3A, %swap3A_10], %add3A_9 {strides = array<i32>} : memref<1000x128xf32, #tpu.memory_space<vmem>>, vector<1000x128xf32>,
    return
  }
  func.func @transform_0(%arg0: i32) -> (i32, i32) {
    %c0_i32 = arith.constant 0 : i32
    %c0_i32_0 = arith.constant 0 : i32
    return %arg0, %c0_i32 : i32, i32
  }
  func.func @transform_1(%arg0: i32) -> (i32, i32) {
    %c0_i32 = arith.constant 0 : i32
    %c0_i32_0 = arith.constant 0 : i32
    %c0_i32_1 = arith.constant 0 : i32
    return %c0_i32, %c0_i32_0 : i32, i32
  }
  func.func @transform_2(%arg0: i32) -> (i32, i32) {
    %c0_i32 = arith.constant 0 : i32
    %c0_i32_0 = arith.constant 0 : i32
    %c0_i32_1 = arith.constant 0 : i32
    return %c0_i32, %c0_i32_0 : i32, i32
  }
  func.func @transform_3(%arg0: i32) -> (i32, i32) {
    %c0_i32 = arith.constant 0 : i32
    %c0_i32_0 = arith.constant 0 : i32
    return %arg0, %c0_i32 : i32, i32
  }
}

</mosaic_0001>

<sc_bundles>
// kernel: kernel.11.cloned.1.call-start
scs
__scs_entry_jumppad:
0x0: {  	(pc) =	sbr.rel $0x88, $3  }
0x1: {  	(tag) =	ssettag $0x0;
	lr =	simm.s32 $0x1  }
0x2: {  	[smem:$0x3F8F] =	sst lr;
	_ =	strace $0xD0000000  }
0x3: {  	_ = 	snop  }
0x4: {  	_ = 	snop  }
0x5: {  	_ = 	snop  }
0x6: {  	_ = 	snop  }
0x7: {  	_ = 	snop  }
__scs_overlays_trampoline_lowered:
0x8: {  	[smem:$0x3F9E] =	sst s0  }
0x9: {  	[smem:$0x3F9F] =	sst s1  }
0xa: {  	[smem:$0x3FA0] =	sst s2  }
0xb: {  	[smem:$0x3FA1] =	sst s3  }
0xc: {  	[smem:$0x3FA2] =	sst s4  }
0xd: {  	[smem:$0x3FA3] =	sst s5  }
0xe: {  	[smem:$0x3FA4] =	sst s6  }
0xf: {  	[smem:$0x3FA5] =	sst s7  }
0x10: {  	[smem:$0x3FA6] =	sst s8  }
0x11: {  	[smem:$0x3FA7] =	sst s9;
	s0 =	simm.s32 @!p0 $0x0  }
0x12: {  	s1 =	sld [smem:$0x3F8D];
	s0 =	simm.s32 @p0 $0x1  }
0x13: {  	[smem:$0x3FA8] =	sst s0;
	s0 =	simm.s32 @!p1 $0x0  }
0x14: {  	s2 =	sld [smem:$0x3F8C];
	s0 =	simm.s32 @p1 $0x1  }
0x15: {  	[smem:$0x3FA9] =	sst s0;
	s0 =	simm.s32 @!p2 $0x0  }
0x16: {  	s3 =	sld [smem:$0x3FDB];
	s0 =	simm.s32 @p2 $0x1  }
0x17: {  	s4 =	simm.s32 $0x1BF5;
	[smem:$0x3FAB] =	sst s0  }
0x18: {  	s0 =	sld [smem:$0x3F8E];
	_ =	swait.ge [sflag:s4], $0x0  }
0x19: {  	s7 =	sld [smem:$0x3F8F]  }
0x1a: {  	s8 =	sadd.s32 $0xFFFFE003, lr  }
0x1b: {  	s9 =	sadd.s32 $0xFFFFFEF7, lr;
	s5 =	simm.s32 $0xFFFFFFFF;
	p2 =	slt.u32 s8, $0xFFFFF086  }
0x1c: {  	p1 =	slt.u32 s9, $0xF7A;
	s5 =	simm.s32 @!p2 $0x0  }
0x1d: {  	s5 =	simm.s32 @p1 $0x1;
	p0 =	seq.s32 s7, s2  }
0x1e: {  	s7 =	smul.u32 @!p0 $0xF7A, s2;
	p2 =	seq.s32 @!p0 s5, $0x0  }
0x1f: {  	s9 =	smul.u32 $0xF7A, s1;
	s8 =	simm.s32 @!p0 $0x1BF5;
	p2 =	por !p2, p0  }
0x20: {  	[sflag:s8] =	ssyncset.s32 @!p0 $0xFFFFF086;
	s6 =	sadd.s32 @!p0 s3, s7;
	s7 =	simm.s32 @!p0 $0x108  }
0x21: {  	s3 =	sadd.s32 s3, s9;
	s6 =	sadd.s32 @!p0 $0x88, s6;
	s7 =	simm.s32 @p2 $0x1082  }
0x22: {  	[simem:s7], [sflag:s8] =	dma.local @!p0 [hbm:s6], $0xF7A  }
0x23: {  	s9 =	sor.u32 $0xD0000000, s2;
	s6 =	simm.s32 $0x108;
	_ =	swait.ge @!p0 [sflag:s8], $0x0  }
0x24: {  	s3 =	sadd.s32 $0x88, s3;
	s6 =	simm.s32 @!p1 $0x1082;
	[sflag:s4] =	ssyncset.s32 $0xFFFFF086  }
0x25: {  	[simem:s6], [sflag:s4] =	dma.local [hbm:s3], $0xF7A  }
0x26: {  	[smem:$0x3F8F] =	sst s1;
	(tag) =	ssettag s2;
	_ =	strace s9  }
0x27: {  	s1 =	sld [smem:$0x3F9F]  }
0x28: {  	s2 =	sld [smem:$0x3FA0]  }
0x29: {  	s4 =	sld [smem:$0x3FA2]  }
0x2a: {  	p0 =	seq.s32 s5, $0x0;
	s5 =	sld [smem:$0x3FA3]  }
0x2b: {  	s6 =	sld [smem:$0x3FA4]  }
0x2c: {  	s7 =	sld [smem:$0x3FA5]  }
0x2d: {  	s3 =	simm.s32 $0x108;
	s8 =	sld [smem:$0x3FA6]  }
0x2e: {  	s3 =	simm.s32 @!p0 $0x1082;
	s9 =	sld [smem:$0x3FA7]  }
0x2f: {  	lr =	sadd.s32 s0, s3;
	s0 =	sld [smem:$0x3F9E]  }
0x30: {  	s3 =	sld [smem:$0x3FA1]  }
0x31: {  	[smem:$0x3FAA] =	sst s10  }
0x32: {  	s10 =	sld [smem:$0x3FA8];
	_ =	sdelay $0x3  }
0x33: {  	p0 =	seq.s32 s10, $0x1;
	s10 =	sld [smem:$0x3FAA];
	_ =	sdelay $0x3  }
0x34: {  	[smem:$0x3FAA] =	sst s10  }
0x35: {  	s10 =	sld [smem:$0x3FA9];
	_ =	sdelay $0x3  }
0x36: {  	p1 =	seq.s32 s10, $0x1;
	s10 =	sld [smem:$0x3FAA];
	_ =	sdelay $0x3  }
0x37: {  	[smem:$0x3FAA] =	sst s10  }
0x38: {  	s10 =	sld [smem:$0x3FAB]  }
0x39: {  	_ = 	snop;
	(pc) =	sbr.ind lr, $3  }
0x3a: {  	_ = 	snop  }
0x3b: {  	_ = 	snop  }
0x3c: {  	p2 =	seq.s32 s10, $0x1;
	s10 =	sld [smem:$0x3FAA]  }
0x3d: {  	_ =	shalt  }
0x3e: {  	_ =	shalt  }
0x3f: {  	_ =	shalt  }
0x40: {  	_ =	shalt  }
0x41: {  	_ =	shalt  }
0x42: {  	_ =	shalt  }
0x43: {  	_ =	shalt  }
0x44: {  	_ =	shalt  }
0x45: {  	_ =	shalt  }
0x46: {  	_ =	shalt  }
0x47: {  	_ =	shalt  }
0x48: {  	_ =	shalt  }
0x49: {  	_ =	shalt  }
0x4a: {  	_ =	shalt  }
0x4b: {  	_ =	shalt  }
0x4c: {  	_ =	shalt  }
0x4d: {  	_ =	shalt  }
0x4e: {  	_ =	shalt  }
0x4f: {  	_ =	shalt  }
0x50: {  	_ =	shalt  }
0x51: {  	_ =	shalt  }
0x52: {  	_ =	shalt  }
0x53: {  	_ =	shalt  }
0x54: {  	_ =	shalt  }
0x55: {  	_ =	shalt  }
0x56: {  	_ =	shalt  }
0x57: {  	_ =	shalt  }
0x58: {  	_ =	shalt  }
0x59: {  	_ =	shalt  }
0x5a: {  	_ =	shalt  }
0x5b: {  	_ =	shalt  }
0x5c: {  	_ =	shalt  }
0x5d: {  	_ =	shalt  }
0x5e: {  	_ =	shalt  }
0x5f: {  	_ =	shalt  }
0x60: {  	_ =	shalt  }
0x61: {  	_ =	shalt  }
0x62: {  	_ =	shalt  }
0x63: {  	_ =	shalt  }
0x64: {  	_ =	shalt  }
0x65: {  	_ =	shalt  }
0x66: {  	_ =	shalt  }
0x67: {  	_ =	shalt  }
0x68: {  	_ =	shalt  }
0x69: {  	_ =	shalt  }
0x6a: {  	_ =	shalt  }
0x6b: {  	_ =	shalt  }
0x6c: {  	_ =	shalt  }
0x6d: {  	_ =	shalt  }
0x6e: {  	_ =	shalt  }
0x6f: {  	_ =	shalt  }
0x70: {  	_ =	shalt  }
0x71: {  	_ =	shalt  }
0x72: {  	_ =	shalt  }
0x73: {  	_ =	shalt  }
0x74: {  	_ =	shalt  }
0x75: {  	_ =	shalt  }
0x76: {  	_ =	shalt  }
0x77: {  	_ =	shalt  }
0x78: {  	_ =	shalt  }
0x79: {  	_ =	shalt  }
0x7a: {  	_ =	shalt  }
0x7b: {  	_ =	shalt  }
0x7c: {  	_ =	shalt  }
0x7d: {  	_ =	shalt  }
0x7e: {  	_ =	shalt  }
0x7f: {  	_ =	shalt  }
0x80: {  	_ =	shalt  }
0x81: {  	_ =	shalt  }
0x82: {  	_ =	shalt  }
0x83: {  	_ =	shalt  }
0x84: {  	_ =	shalt  }
0x85: {  	_ =	shalt  }
0x86: {  	_ =	shalt  }
0x87: {  	_ =	shalt  }
.Lfunc_end0:
.L_simem_size_0:
called_computation.1_lowered:
.L_overlay_start_0:
0x88: {  	s2 =	sld [smem:$0x3FD9]  }
0x89: {  	s3 =	sld [smem:$0x3FFE];
	_ =	sdelay $0x1  }
0x8a: {  	s1 =	srdreg.scid  }
0x8b: {  	s0 =	sand.u32 $0x1, s1  }
0x8c: {  	s17 =	sshll.u32 s0, $0xA;
	s2 =	sadd.s32 s3, s2  }
0x8d: {  	s2 =	sadd.s32 s2, s17  }
0x8e: {  	[smem:$0x3FB6] =	sst s2  }
0x8f: {  	_ = 	snop  }
0x90: {  	s2 =	sld [smem:$0x3FD0];
	(tm) =	ssettm $0x1  }
0x91: {  	s18 =	sld [smem:$0x3FFB];
	_ =	sdelay $0x3  }
0x92: {  	_ =	strace s18  }
0x93: {  	s3 =	sld [smem:$0x3FFC];
	_ =	sdelay $0x3  }
0x94: {  	_ =	strace s3  }
0x95: {  	s3 =	sld [smem:$0x3FFD];
	_ =	sdelay $0x3  }
0x96: {  	_ =	strace s3  }
0x97: {  	_ =	strace $0x8FFFFFFF  }
0x98: {  	s19 =	sld [smem:$0x3FDB];
	_ =	sdelay $0x1  }
0x99: {  	s4 =	simm.s32 $_scs_section_size  }
0x9a: {  	s5 =	simm.s32 $_size__tile_overlayer_lowered;
	s6 =	simm.s32 $_tile_overlayer_lowered  }
0x9b: {  	s22 =	simm.s32 $0x1BFF;
	s21 =	sshll.u32 s6, $0x1;
	s3 =	sadd.s32 s4, s19  }
0x9c: {  	s7 =	simm.s32 $0x0;
	s20 =	sshll.u32 s5, $0x1;
	s5 =	sadd.s32 s21, s3  }
0x9d: {  	[timem:s7], [sflag:s22] =	dma.local [hbm:s5], s20  }
0x9e: {  	_ =	swait.ge [sflag:s22], s20  }
0x9f: {  	s4 =	ssub.s32 $0x0, s20;
	[sflag:s22] =	ssyncset.done $0x0  }
0xa0: {  	[sflag:s22] =	ssyncadd.s32 s4;
	_ =	sdelay $0x1  }
0xa1: {  	s23 =	simm.s32 $0x1B8B  }
0xa2: {  	_ =	swait.ge [sflag:s23], $0x1  }
0xa3: {  	[sflag:s23] =	ssyncset.done $0x0  }
0xa4: {  	s25 =	simm.s32 $0x1B8E;
	s24 =	sld [smem:$0x3FFE];
	[sflag:s23] =	ssyncadd.s32 $0xFFFFFFFF  }
0xa5: {  	s26 =	simm.s32 $execute0_lowered;
	[smem:$0x3FD2] =	sst s25  }
0xa6: {  	s5 =	sshll.u32 s26, $0x1;
	_ =	strace $0x80000049;
	[dreg:$0x1] =	wrdreg $0xFFFFFFFF  }
0xa7: {  	s28 =	simm.s32 $_size_execute0_lowered;
	s3 =	sadd.s32 s3, s5;
	[dreg:$0x0] =	wrdreg $0x0  }
0xa8: {  	s5 =	sshll.u32 s28, $0x1;
	[dreg:$0x2] =	wrdreg s3  }
0xa9: {  	[dreg:$0x3] =	wrdreg s5  }
0xaa: {  	[dreg:$0x4] =	wrdreg $0xC0  }
0xab: {  	_ =	task [dreg:s7], $0x5FFFF  }
0xac: {  	[dreg:$0x1] =	wrdreg $0xFFFFFFFF  }
0xad: {  	[dreg:$0x0] =	wrdreg $0x60  }
0xae: {  	[dreg:$0x2] =	wrdreg s24  }
0xaf: {  	[dreg:$0x3] =	wrdreg s2  }
0xb0: {  	[dreg:$0x4] =	wrdreg $0xBC000  }
0xb1: {  	[dreg:$0x5] =	wrdreg $0x9  }
0xb2: {  	_ =	task.clear_ibuf [dreg:s7], $0x6FFFF;
	_ =	strace $0x90000049  }
0xb3: {  	s29 =	simm.s32 $0x9;
	_ =	strace $0x8000004B  }
0xb4: {  	_ =	swait.ge [sflag:s29], $0x1  }
0xb5: {  	[sflag:s29] =	ssyncadd.s32 $0xFFFFFFFF  }
0xb6: {  	_ =	strace $0x9000004B  }
0xb7: {  	_ =	sfence  }
0xb8: {  	s30 =	sld [smem:$0x0];
	_ =	sdelay $0x2  }
0xb9: {  	s31 =	sshll.u32 s1, $0xD;
	s1 =	sshrl.u32 s1, $0x2  }
0xba: {  	s3 =	sand.u32 $0x4000, s31;
	s1 =	sadd.s32 s1, s30  }
0xbb: {  	s0 =	sor.u32 s3, s0;
	s1 =	sshll.u32 s1, $0x11  }
0xbc: {  	s0 =	sor.u32 s1, s0  }
0xbd: {  	s0 =	sadd.s32 $0x8F2B, s0  }
0xbe: {  	[sflag:s0] =	ssyncadd.remote.s32 $0x1  }
0xbf: {  	_ =	sfence.sel $0xFFFF  }
0xc0: {  	[dreg:$0x0] =	wrdreg $0xFFFFFFFF;
	(pc) =	sbr.abs _section_cstart, $3  }
0xc1: {  	[dreg:$0x1] =	wrdreg $0xFFFFFFFF  }
0xc2: {  	_ =	task.clear_ibuf [dreg:s7], $0x2FFFF;
	_ =	strace $0x9FFFFFFF  }
0xc3: {  	(tm) =	ssettm $0x7FFFFFFF  }
tec
execute0_lowered:
.L_overlay_start_1:
0x0: {  	(tag) =	ssettag $0x1  }
0x1: {  	s0 =	rddreg [dreg:$0x0]  }
0x2: {  	s2 =	rddreg [dreg:$0x1]  }
0x3: {  	s1 =	rddreg [dreg:$0x2]  }
0x4: {  	s3 =	srdreg.scid;
	s9 =	stileid.u32  }
0x5: {  	s29 =	simm.s32 $0xA800;
	s30 =	simm.s32 $0x3;
	s31 =	simm.s32 $0x2  }
0x6: {  	s5 =	sand.u32 $0x1, s3;
	s3 =	simm.s32 $0x0;
	s6 =	smul.u32 $0x13C00, s9  }
0x7: {  	s4 =	smul.u32 $0x13C000, s5;
	[smem:$0x7FF] =	sst s3;
	s7 =	sshll.u32 s5, $0x4  }
0x8: {  	s10 =	ssub.s32 $0x2, s5;
	_ =	strace $0x8000004A;
	s7 =	sor.u32 s9, s7  }
0x9: {  	s9 =	smul.u32 $0x4F000, s9;
	s12 =	sshrl.u32 s10, $0x1;
	s16 =	sadd.s32 s6, s1  }
0xa: {  	s8 =	sadd.s32 s6, s4;
	s4 =	sadd.s32 $0x3600, s0;
	s7 =	smul.u32 $0x2800, s7  }
0xb: {  	s6 =	simm.s32 $0x1;
	s8 =	sshrl.u32 s8, $0x3;
	s11 =	sshrl.u32 s9, $0x2  }
0xc: {  	s9 =	simm.s32 $0x6800;
	s0 =	sadd.s32 s8, s0;
	s5 =	sadd.s32 s11, s1  }
0xd: {  	s7 =	sshrl.u32 s7, $0x3;
	s8 =	ssub.s32 s10, s12;
	s13 =	sadd.s32 $0x12C00, s5  }
0xe: {  	s7 =	sadd.s32 s2, s7;
	s0 =	sadd.s32 $0x17000, s0;
	s22 =	smax.u32 s8, $0x1  }
0xf: {  	s23 =	sadd.s32 $0x1400, s5;
	s24 =	sadd.s32 $0x2800, s5;
	[dreg:$0x4] =	wrdreg s13  }
0x10: {  	s25 =	sadd.s32 $0x3C00, s5;
	s26 =	sadd.s32 $0x5000, s5;
	[dreg:$0x8] =	wrdreg s0  }
0x11: {  	s17 =	sadd.s32 $0x6400, s5;
	s18 =	sadd.s32 $0x7800, s5;
	[dreg:$0x9] =	wrdreg s22  }
0x12: {  	s19 =	sadd.s32 $0x8C00, s5;
	s20 =	sadd.s32 $0xA000, s5;
	[dreg:$0xa] =	wrdreg s23  }
0x13: {  	s21 =	sadd.s32 $0xB400, s5;
	s28 =	sadd.s32 $0x11800, s5;
	[dreg:$0xb] =	wrdreg s24  }
0x14: {  	s8 =	simm.s32 $0x4800;
	s2 =	sadd.s32 $0xA000, s7;
	[dreg:$0xc] =	wrdreg s25  }
0x15: {  	s14 =	sadd.s32 $0x280, s7;
	s15 =	sadd.s32 $0xA280, s7;
	[dreg:$0xd] =	wrdreg s26  }
0x16: {  	s22 =	sadd.s32 $0xC800, s5;
	s23 =	sadd.s32 $0xDC00, s5;
	[dreg:$0x5] =	wrdreg s2  }
0x17: {  	s24 =	sadd.s32 $0xF000, s5;
	s25 =	sshrl.u32 s16, $0x3;
	[dreg:$0x6] =	wrdreg s14  }
0x18: {  	v0 =	vimm.f32 $0.0e+00;
	s26 =	sadd.s32 $0x10400, s5;
	s0 =	simm.s32 $0x80;
	[dreg:$0x7] =	wrdreg s15  }
.LBB2_1:
0x19: {  	s2 =	simm.s32 $0x0;
	s10 =	simm.s32 $0x200  }
.LBB2_2:
0x1a: {  	p0 =	sne.s32 s10, $0x4E00;
	[tilespmem:s2+$0xA870] =	vst v0  }
0x1b: {  	[tilespmem:s2+$0xA800] =	vst v0  }
0x1c: {  	[tilespmem:s2+$0xA810] =	vst v0  }
.Ltmp0:
0x1d: {  	[tilespmem:s2+$0xA820] =	vst v0;
	(pc) =	sbr.rel @p0 .LBB2_2-.Ltmp0, $4  }
0x1e: {  	[tilespmem:s2+$0xA830] =	vst v0  }
0x1f: {  	[tilespmem:s2+$0xA840] =	vst v0  }
0x20: {  	[tilespmem:s2+$0xA850] =	vst v0  }
0x21: {  	[tilespmem:s2+$0xA860] =	vst v0;
	s2 =	sshra.s32 s10, $0x2;
	s10 =	sadd.s32 $0x200, s10  }
0x22: {  	[tilespmem:s2+$0xA870] =	vst v0  }
0x23: {  	[tilespmem:s2+$0xA800] =	vst v0  }
0x24: {  	[tilespmem:s2+$0xA810] =	vst v0  }
0x25: {  	[tilespmem:s2+$0xA820] =	vst v0  }
0x26: {  	[tilespmem:s2+$0xA830] =	vst v0  }
0x27: {  	[tilespmem:s2+$0xA840] =	vst v0  }
0x28: {  	[tilespmem:s2+$0xA850] =	vst v0  }
0x29: {  	[tilespmem:s2+$0xA860] =	vst v0  }
0x2a: {  	[spmem:s5] =	stream.linear.scatter [tilespmem:s29], [sflag:$0x3], $0x1400, $0x38;
	[tilespmem:$0x1F800] =	vst v63  }
0x2b: {  	_ =	swait.ge [sflag:s30], $0x1400  }
0x2c: {  	[sflag:s30] =	ssyncset.done $0x0  }
0x2d: {  	s10 =	rddreg [dreg:$0xa];
	[sflag:s30] =	ssyncadd.s32 $0xFFFFEC00  }
0x2e: {  	[spmem:s10] =	stream.linear.scatter [tilespmem:s29], [sflag:$0x3], $0x1400, $0x38;
	[tilespmem:$0x1F800] =	vst v63  }
0x2f: {  	_ =	swait.ge [sflag:s30], $0x1400  }
0x30: {  	[sflag:s30] =	ssyncset.done $0x0  }
0x31: {  	s11 =	rddreg [dreg:$0xb];
	[sflag:s30] =	ssyncadd.s32 $0xFFFFEC00  }
0x32: {  	[spmem:s11] =	stream.linear.scatter [tilespmem:s29], [sflag:$0x3], $0x1400, $0x38;
	[tilespmem:$0x1F800] =	vst v63  }
0x33: {  	_ =	swait.ge [sflag:s30], $0x1400  }
0x34: {  	[sflag:s30] =	ssyncset.done $0x0  }
0x35: {  	s12 =	rddreg [dreg:$0xc];
	[sflag:s30] =	ssyncadd.s32 $0xFFFFEC00  }
0x36: {  	[spmem:s12] =	stream.linear.scatter [tilespmem:s29], [sflag:$0x3], $0x1400, $0x38;
	[tilespmem:$0x1F800] =	vst v63  }
0x37: {  	_ =	swait.ge [sflag:s30], $0x1400  }
0x38: {  	[sflag:s30] =	ssyncset.done $0x0  }
0x39: {  	s13 =	rddreg [dreg:$0xd];
	[sflag:s30] =	ssyncadd.s32 $0xFFFFEC00  }
0x3a: {  	[spmem:s13] =	stream.linear.scatter [tilespmem:s29], [sflag:$0x3], $0x1400, $0x38;
	[tilespmem:$0x1F800] =	vst v63  }
0x3b: {  	_ =	swait.ge [sflag:s30], $0x1400  }
0x3c: {  	[sflag:s30] =	ssyncset.done $0x0  }
0x3d: {  	[sflag:s30] =	ssyncadd.s32 $0xFFFFEC00  }
0x3e: {  	[spmem:s17] =	stream.linear.scatter [tilespmem:s29], [sflag:$0x3], $0x1400, $0x38;
	[tilespmem:$0x1F800] =	vst v63  }
0x3f: {  	_ =	swait.ge [sflag:s30], $0x1400  }
0x40: {  	[sflag:s30] =	ssyncset.done $0x0  }
0x41: {  	[sflag:s30] =	ssyncadd.s32 $0xFFFFEC00  }
0x42: {  	[spmem:s18] =	stream.linear.scatter [tilespmem:s29], [sflag:$0x3], $0x1400, $0x38;
	[tilespmem:$0x1F800] =	vst v63  }
0x43: {  	_ =	swait.ge [sflag:s30], $0x1400  }
0x44: {  	[sflag:s30] =	ssyncset.done $0x0  }
0x45: {  	[sflag:s30] =	ssyncadd.s32 $0xFFFFEC00  }
0x46: {  	[spmem:s19] =	stream.linear.scatter [tilespmem:s29], [sflag:$0x3], $0x1400, $0x38;
	[tilespmem:$0x1F800] =	vst v63  }
0x47: {  	_ =	swait.ge [sflag:s30], $0x1400  }
0x48: {  	[sflag:s30] =	ssyncset.done $0x0  }
0x49: {  	[sflag:s30] =	ssyncadd.s32 $0xFFFFEC00  }
0x4a: {  	[spmem:s20] =	stream.linear.scatter [tilespmem:s29], [sflag:$0x3], $0x1400, $0x38;
	[tilespmem:$0x1F800] =	vst v63  }
0x4b: {  	_ =	swait.ge [sflag:s30], $0x1400  }
0x4c: {  	[sflag:s30] =	ssyncset.done $0x0  }
0x4d: {  	[sflag:s30] =	ssyncadd.s32 $0xFFFFEC00  }
0x4e: {  	[spmem:s21] =	stream.linear.scatter [tilespmem:s29], [sflag:$0x3], $0x1400, $0x38;
	[tilespmem:$0x1F800] =	vst v63  }
0x4f: {  	_ =	swait.ge [sflag:s30], $0x1400  }
0x50: {  	[sflag:s30] =	ssyncset.done $0x0  }
0x51: {  	[sflag:s30] =	ssyncadd.s32 $0xFFFFEC00  }
0x52: {  	[spmem:s22] =	stream.linear.scatter [tilespmem:s29], [sflag:$0x3], $0x1400, $0x38;
	[tilespmem:$0x1F800] =	vst v63  }
0x53: {  	_ =	swait.ge [sflag:s30], $0x1400  }
0x54: {  	[sflag:s30] =	ssyncset.done $0x0  }
0x55: {  	[sflag:s30] =	ssyncadd.s32 $0xFFFFEC00  }
0x56: {  	[spmem:s23] =	stream.linear.scatter [tilespmem:s29], [sflag:$0x3], $0x1400, $0x38;
	[tilespmem:$0x1F800] =	vst v63  }
0x57: {  	_ =	swait.ge [sflag:s30], $0x1400  }
0x58: {  	[sflag:s30] =	ssyncset.done $0x0  }
0x59: {  	[sflag:s30] =	ssyncadd.s32 $0xFFFFEC00  }
0x5a: {  	[spmem:s24] =	stream.linear.scatter [tilespmem:s29], [sflag:$0x3], $0x1400, $0x38;
	[tilespmem:$0x1F800] =	vst v63  }
0x5b: {  	_ =	swait.ge [sflag:s30], $0x1400  }
0x5c: {  	[sflag:s30] =	ssyncset.done $0x0  }
0x5d: {  	[sflag:s30] =	ssyncadd.s32 $0xFFFFEC00  }
0x5e: {  	[spmem:s26] =	stream.linear.scatter [tilespmem:s29], [sflag:$0x3], $0x1400, $0x38;
	[tilespmem:$0x1F800] =	vst v63  }
0x5f: {  	_ =	swait.ge [sflag:s30], $0x1400  }
0x60: {  	[sflag:s30] =	ssyncset.done $0x0  }
0x61: {  	[sflag:s30] =	ssyncadd.s32 $0xFFFFEC00  }
0x62: {  	[spmem:s28] =	stream.linear.scatter [tilespmem:s29], [sflag:$0x3], $0x1400, $0x38;
	[tilespmem:$0x1F800] =	vst v63  }
0x63: {  	_ =	swait.ge [sflag:s30], $0x1400  }
0x64: {  	[sflag:s30] =	ssyncset.done $0x0  }
0x65: {  	s14 =	rddreg [dreg:$0x4];
	[sflag:s30] =	ssyncadd.s32 $0xFFFFEC00  }
0x66: {  	[spmem:s14] =	stream.linear.scatter [tilespmem:s29], [sflag:$0x3], $0x1000, $0x38;
	[tilespmem:$0x1F800] =	vst v63  }
0x67: {  	_ =	swait.ge [sflag:s30], $0x1000  }
0x68: {  	[sflag:s30] =	ssyncset.done $0x0  }
0x69: {  	[sflag:s30] =	ssyncadd.s32 $0xFFFFF000  }
0x6a: {  	s10 =	simm.s32 $0x0;
	[bflag:$0x0] =	sbarrier.arrive $0xFFFF  }
0x6b: {  	[tilespmem:s10], [sflag:$0x3] =	stream.linear.gather [hbm4b:s7+s10], $0x1400, $0x38;
	[tilespmem:$0x1F800] =	vst v63  }
0x6c: {  	_ =	swait.ge [sflag:s30], $0x1400  }
0x6d: {  	[sflag:s30] =	ssyncset.done $0x0  }
0x6e: {  	s11 =	simm.s32 $0x1400;
	s15 =	rddreg [dreg:$0x5];
	[sflag:s30] =	ssyncadd.s32 $0xFFFFEC00  }
0x6f: {  	[tilespmem:s11], [sflag:$0x3] =	stream.linear.gather [hbm4b:s15+s10], $0x1400, $0x38;
	[tilespmem:$0x1F800] =	vst v63  }
0x70: {  	_ =	swait.ge [sflag:s30], $0x1400  }
0x71: {  	[sflag:s30] =	ssyncset.done $0x0  }
0x72: {  	s16 =	simm.s32 $0x2800;
	[sflag:s30] =	ssyncadd.s32 $0xFFFFEC00  }
0x73: {  	[tilespmem:s16], [sflag:$0x1] =	stream.indirect.gather [hbm4b:s4+s0], $0x40, s10, s0, $0xb8;
	[tilespmem:$0x1F800] =	vst v63  }
.LBB2_4:
0x74: {  	s2 =	sshll.u32 s10, $0xA;
	_ =	swait.ge [sflag:s6], $0x2000  }
0x75: {  	p0 =	seq.s32 s10, $0x0;
	[sflag:s6] =	ssyncset.done $0x0;
	s11 =	sor.u32 $0x200, s2  }
0x76: {  	s12 =	simm.s32 @!p0 $0x2;
	[sflag:s6] =	ssyncadd.s32 $0xFFFFE000;
	s11 =	sshrl.u32 s11, $0x2  }
0x77: {  	[tilespmem:s8], [sflag:$0x1] =	stream.indirect.gather [hbm4b:s4+s0], $0x40, s11, s0, $0xb8;
	[tilespmem:$0x1F800] =	vst v63  }
0x78: {  	_ =	swait.ge @!p0 [sflag:s12], $0x4000  }
0x79: {  	[sflag:s12] =	ssyncset.done @!p0 $0x0  }
0x7a: {  	s13 =	simm.s32 $0x0;
	[sflag:s12] =	ssyncadd.s32 @!p0 $0xFFFFC000  }
0x7b: {  	v1 =	vld [tilespmem:s13+$0x2800];
	_ =	sdelay $0x4  }
0x7c: {  	v2 =	vshll.u32 v1, $0x10;
	v1 =	vshra.s32 v1, $0x10  }
0x7d: {  	v2 =	vshra.s32 v2, $0x10;
	v1 =	vcvt.s32.f32 v1  }
0x7e: {  	s12 =	simm.s32 $0x6880;
	v2 =	vcvt.s32.f32 v2  }
0x7f: {  	[tilespmem:s12+$0xFFFFFFC0] =	vst v1  }
0x80: {  	[tilespmem:s12+$0xFFFFFF80] =	vst v2  }
0x81: {  	v1 =	vld [tilespmem:s13+$0x2810];
	_ =	sdelay $0x4  }
0x82: {  	v2 =	vshll.u32 v1, $0x10;
	v1 =	vshra.s32 v1, $0x10  }
0x83: {  	v2 =	vshra.s32 v2, $0x10;
	v1 =	vcvt.s32.f32 v1  }
0x84: {  	v2 =	vcvt.s32.f32 v2  }
0x85: {  	[tilespmem:s12+$0xFFFFFFD0] =	vst v1  }
0x86: {  	[tilespmem:s12+$0xFFFFFF90] =	vst v2  }
0x87: {  	v1 =	vld [tilespmem:s13+$0x2820];
	_ =	sdelay $0x4  }
0x88: {  	v2 =	vshll.u32 v1, $0x10;
	v1 =	vshra.s32 v1, $0x10  }
0x89: {  	v2 =	vshra.s32 v2, $0x10;
	v1 =	vcvt.s32.f32 v1  }
0x8a: {  	v2 =	vcvt.s32.f32 v2  }
0x8b: {  	[tilespmem:s12+$0xFFFFFFE0] =	vst v1  }
0x8c: {  	[tilespmem:s12+$0xFFFFFFA0] =	vst v2  }
0x8d: {  	v1 =	vld [tilespmem:s13+$0x2830];
	_ =	sdelay $0x4  }
0x8e: {  	v2 =	vshll.u32 v1, $0x10;
	v1 =	vshra.s32 v1, $0x10  }
0x8f: {  	v2 =	vshra.s32 v2, $0x10;
	v1 =	vcvt.s32.f32 v1  }
0x90: {  	v2 =	vcvt.s32.f32 v2  }
0x91: {  	[tilespmem:s12+$0xFFFFFFF0] =	vst v1  }
0x92: {  	[tilespmem:s12+$0xFFFFFFB0] =	vst v2  }
0x93: {  	v1 =	vld [tilespmem:s13+$0x2840];
	_ =	sdelay $0x4  }
0x94: {  	v2 =	vshll.u32 v1, $0x10;
	v1 =	vshra.s32 v1, $0x10  }
0x95: {  	v2 =	vshra.s32 v2, $0x10;
	v1 =	vcvt.s32.f32 v1  }
0x96: {  	v2 =	vcvt.s32.f32 v2  }
0x97: {  	[tilespmem:s12+$0x40] =	vst v1  }
0x98: {  	[tilespmem:s12+$0x0] =	vst v2  }
0x99: {  	v1 =	vld [tilespmem:s13+$0x2850];
	_ =	sdelay $0x4  }
0x9a: {  	v2 =	vshll.u32 v1, $0x10;
	v1 =	vshra.s32 v1, $0x10  }
0x9b: {  	v2 =	vshra.s32 v2, $0x10;
	v1 =	vcvt.s32.f32 v1  }
0x9c: {  	v2 =	vcvt.s32.f32 v2  }
0x9d: {  	[tilespmem:s12+$0x50] =	vst v1  }
0x9e: {  	[tilespmem:s12+$0x10] =	vst v2  }
0x9f: {  	v1 =	vld [tilespmem:s13+$0x2860];
	_ =	sdelay $0x4  }
0xa0: {  	v2 =	vshll.u32 v1, $0x10;
	v1 =	vshra.s32 v1, $0x10  }
0xa1: {  	v2 =	vshra.s32 v2, $0x10;
	v1 =	vcvt.s32.f32 v1  }
0xa2: {  	v2 =	vcvt.s32.f32 v2  }
0xa3: {  	[tilespmem:s12+$0x60] =	vst v1  }
0xa4: {  	[tilespmem:s12+$0x20] =	vst v2  }
0xa5: {  	v1 =	vld [tilespmem:s13+$0x2870];
	_ =	sdelay $0x4  }
0xa6: {  	v2 =	vshra.s32 v1, $0x10  }
0xa7: {  	v1 =	vshll.u32 v1, $0x10;
	v2 =	vcvt.s32.f32 v2  }
0xa8: {  	v1 =	vshra.s32 v1, $0x10  }
0xa9: {  	s14 =	simm.s32 $0x400;
	s13 =	simm.s32 $0x200;
	v1 =	vcvt.s32.f32 v1;
	[tilespmem:s12+$0x70] =	vst v2  }
.LBB2_5:
0xaa: {  	s15 =	sshra.s32 s13, $0x2  }
0xab: {  	[tilespmem:s12+$0x30] =	vst v1;
	s12 =	sadd.s32 $0x100, s12;
	s13 =	smov.u32 s14;
	s16 =	sadd.s32 $0x200, s14  }
0xac: {  	p0 =	sne.s32 s14, $0x7E00;
	v1 =	vld [tilespmem:s15+$0x2800];
	_ =	sdelay $0x4  }
0xad: {  	v2 =	vshll.u32 v1, $0x10;
	v1 =	vshra.s32 v1, $0x10  }
0xae: {  	v2 =	vshra.s32 v2, $0x10;
	v1 =	vcvt.s32.f32 v1  }
0xaf: {  	v2 =	vcvt.s32.f32 v2  }
0xb0: {  	[tilespmem:s12+$0xFFFFFFC0] =	vst v1  }
0xb1: {  	[tilespmem:s12+$0xFFFFFF80] =	vst v2  }
0xb2: {  	v1 =	vld [tilespmem:s15+$0x2810];
	_ =	sdelay $0x4  }
0xb3: {  	v2 =	vshll.u32 v1, $0x10;
	v1 =	vshra.s32 v1, $0x10  }
0xb4: {  	v2 =	vshra.s32 v2, $0x10;
	v1 =	vcvt.s32.f32 v1  }
0xb5: {  	v2 =	vcvt.s32.f32 v2  }
0xb6: {  	[tilespmem:s12+$0xFFFFFFD0] =	vst v1  }
0xb7: {  	[tilespmem:s12+$0xFFFFFF90] =	vst v2  }
0xb8: {  	v1 =	vld [tilespmem:s15+$0x2820];
	_ =	sdelay $0x4  }
0xb9: {  	v2 =	vshll.u32 v1, $0x10;
	v1 =	vshra.s32 v1, $0x10  }
0xba: {  	v2 =	vshra.s32 v2, $0x10;
	v1 =	vcvt.s32.f32 v1  }
0xbb: {  	v2 =	vcvt.s32.f32 v2  }
0xbc: {  	[tilespmem:s12+$0xFFFFFFE0] =	vst v1  }
0xbd: {  	[tilespmem:s12+$0xFFFFFFA0] =	vst v2  }
0xbe: {  	v1 =	vld [tilespmem:s15+$0x2830];
	_ =	sdelay $0x4  }
0xbf: {  	v2 =	vshll.u32 v1, $0x10;
	v1 =	vshra.s32 v1, $0x10  }
0xc0: {  	v2 =	vshra.s32 v2, $0x10;
	v1 =	vcvt.s32.f32 v1  }
0xc1: {  	v2 =	vcvt.s32.f32 v2  }
0xc2: {  	[tilespmem:s12+$0xFFFFFFF0] =	vst v1  }
0xc3: {  	[tilespmem:s12+$0xFFFFFFB0] =	vst v2  }
0xc4: {  	v1 =	vld [tilespmem:s15+$0x2840];
	_ =	sdelay $0x4  }
0xc5: {  	v2 =	vshll.u32 v1, $0x10;
	v1 =	vshra.s32 v1, $0x10  }
0xc6: {  	v2 =	vshra.s32 v2, $0x10;
	v1 =	vcvt.s32.f32 v1  }
0xc7: {  	v2 =	vcvt.s32.f32 v2  }
0xc8: {  	[tilespmem:s12+$0x40] =	vst v1  }
0xc9: {  	[tilespmem:s12+$0x0] =	vst v2  }
0xca: {  	v1 =	vld [tilespmem:s15+$0x2850];
	_ =	sdelay $0x4  }
0xcb: {  	v2 =	vshll.u32 v1, $0x10;
	v1 =	vshra.s32 v1, $0x10  }
0xcc: {  	v2 =	vshra.s32 v2, $0x10;
	v1 =	vcvt.s32.f32 v1  }
0xcd: {  	v2 =	vcvt.s32.f32 v2  }
0xce: {  	[tilespmem:s12+$0x50] =	vst v1  }
0xcf: {  	[tilespmem:s12+$0x10] =	vst v2  }
0xd0: {  	v1 =	vld [tilespmem:s15+$0x2860];
	_ =	sdelay $0x4  }
0xd1: {  	v2 =	vshll.u32 v1, $0x10;
	v1 =	vshra.s32 v1, $0x10  }
0xd2: {  	v2 =	vshra.s32 v2, $0x10;
	v1 =	vcvt.s32.f32 v1  }
0xd3: {  	v2 =	vcvt.s32.f32 v2  }
0xd4: {  	[tilespmem:s12+$0x60] =	vst v1  }
0xd5: {  	[tilespmem:s12+$0x20] =	vst v2  }
0xd6: {  	v1 =	vld [tilespmem:s15+$0x2870];
	_ =	sdelay $0x3  }
.Ltmp1:
0xd7: {  	(pc) =	sbr.rel @p0 .LBB2_5-.Ltmp1, $4  }
0xd8: {  	v2 =	vshll.u32 v1, $0x10;
	v1 =	vshra.s32 v1, $0x10  }
0xd9: {  	v2 =	vshra.s32 v2, $0x10;
	v3 =	vcvt.s32.f32 v1  }
0xda: {  	v1 =	vcvt.s32.f32 v2  }
0xdb: {  	s14 =	smov.u32 s16;
	[tilespmem:s12+$0x70] =	vst v3  }
0xdc: {  	s13 =	sshra.s32 s13, $0x2;
	[tilespmem:s12+$0x30] =	vst v1  }
0xdd: {  	v1 =	vld [tilespmem:s13+$0x2800];
	_ =	sdelay $0x4  }
0xde: {  	v2 =	vshll.u32 v1, $0x10;
	v1 =	vshra.s32 v1, $0x10  }
0xdf: {  	v2 =	vshra.s32 v2, $0x10;
	v1 =	vcvt.s32.f32 v1  }
0xe0: {  	s16 =	sadd.s32 $0x100, s12;
	v2 =	vcvt.s32.f32 v2  }
0xe1: {  	[tilespmem:s16+$0xFFFFFFC0] =	vst v1  }
0xe2: {  	[tilespmem:s16+$0xFFFFFF80] =	vst v2  }
0xe3: {  	v1 =	vld [tilespmem:s13+$0x2810];
	_ =	sdelay $0x4  }
0xe4: {  	v2 =	vshll.u32 v1, $0x10;
	v1 =	vshra.s32 v1, $0x10  }
0xe5: {  	v2 =	vshra.s32 v2, $0x10;
	v1 =	vcvt.s32.f32 v1  }
0xe6: {  	v2 =	vcvt.s32.f32 v2  }
0xe7: {  	[tilespmem:s16+$0xFFFFFFD0] =	vst v1  }
0xe8: {  	[tilespmem:s16+$0xFFFFFF90] =	vst v2  }
0xe9: {  	v1 =	vld [tilespmem:s13+$0x2820];
	_ =	sdelay $0x4  }
0xea: {  	v2 =	vshll.u32 v1, $0x10;
	v1 =	vshra.s32 v1, $0x10  }
0xeb: {  	v2 =	vshra.s32 v2, $0x10;
	v1 =	vcvt.s32.f32 v1  }
0xec: {  	v2 =	vcvt.s32.f32 v2  }
0xed: {  	[tilespmem:s16+$0xFFFFFFE0] =	vst v1  }
0xee: {  	[tilespmem:s16+$0xFFFFFFA0] =	vst v2  }
0xef: {  	v1 =	vld [tilespmem:s13+$0x2830];
	_ =	sdelay $0x4  }
0xf0: {  	v2 =	vshll.u32 v1, $0x10;
	v1 =	vshra.s32 v1, $0x10  }
0xf1: {  	v2 =	vshra.s32 v2, $0x10;
	v1 =	vcvt.s32.f32 v1  }
0xf2: {  	v2 =	vcvt.s32.f32 v2  }
0xf3: {  	[tilespmem:s16+$0xFFFFFFF0] =	vst v1  }
0xf4: {  	[tilespmem:s16+$0xFFFFFFB0] =	vst v2  }
0xf5: {  	v1 =	vld [tilespmem:s13+$0x2840];
	_ =	sdelay $0x4  }
0xf6: {  	v2 =	vshll.u32 v1, $0x10;
	v1 =	vshra.s32 v1, $0x10  }
0xf7: {  	v2 =	vshra.s32 v2, $0x10;
	v1 =	vcvt.s32.f32 v1  }
0xf8: {  	v2 =	vcvt.s32.f32 v2  }
0xf9: {  	[tilespmem:s16+$0x40] =	vst v1  }
0xfa: {  	[tilespmem:s16+$0x0] =	vst v2  }
0xfb: {  	v1 =	vld [tilespmem:s13+$0x2850];
	_ =	sdelay $0x4  }
0xfc: {  	v2 =	vshll.u32 v1, $0x10;
	v1 =	vshra.s32 v1, $0x10  }
0xfd: {  	v2 =	vshra.s32 v2, $0x10;
	v1 =	vcvt.s32.f32 v1  }
0xfe: {  	v2 =	vcvt.s32.f32 v2  }
0xff: {  	[tilespmem:s16+$0x50] =	vst v1  }
0x100: {  	[tilespmem:s16+$0x10] =	vst v2  }
0x101: {  	v1 =	vld [tilespmem:s13+$0x2860];
	_ =	sdelay $0x4  }
0x102: {  	v2 =	vshll.u32 v1, $0x10;
	v1 =	vshra.s32 v1, $0x10  }
0x103: {  	v2 =	vshra.s32 v2, $0x10;
	v1 =	vcvt.s32.f32 v1  }
0x104: {  	v2 =	vcvt.s32.f32 v2  }
0x105: {  	[tilespmem:s16+$0x60] =	vst v1  }
0x106: {  	[tilespmem:s16+$0x20] =	vst v2  }
0x107: {  	v1 =	vld [tilespmem:s13+$0x2870];
	_ =	sdelay $0x4  }
0x108: {  	v2 =	vshll.u32 v1, $0x10;
	v1 =	vshra.s32 v1, $0x10  }
0x109: {  	v2 =	vshra.s32 v2, $0x10;
	v1 =	vcvt.s32.f32 v1  }
0x10a: {  	v2 =	vcvt.s32.f32 v2  }
0x10b: {  	s14 =	sshrl.u32 s2, $0x2;
	[tilespmem:s16+$0x70] =	vst v1  }
0x10c: {  	s15 =	sadd.s32 $0x1400, s14;
	[tilespmem:s16+$0x30] =	vst v2  }
0x10d: {  	[spmem:s1] =	stream.indirect.scatter.add.f32 [tilespmem:s9], [sflag:$0x2], $0x80, s15, s0, $0xb8;
	[tilespmem:$0x1F800] =	vst v63  }
0x10e: {  	p0 =	seq.s32 s10, $0x13;
	_ =	swait.ge [sflag:s6], $0x2000  }
0x10f: {  	s2 =	sshrl.u32 @!p0 s2, $0x2;
	s12 =	simm.s32 @!p0 $0x80;
	[sflag:s6] =	ssyncset.done $0x0  }
0x110: {  	s2 =	sadd.s32 @!p0 $0x100, s2;
	s13 =	simm.s32 @!p0 $0x2800;
	[sflag:s6] =	ssyncadd.s32 $0xFFFFE000  }
0x111: {  	[tilespmem:s13], [sflag:$0x1] =	stream.indirect.gather @!p0 [hbm4b:s4+s12], $0x40, s2, s12, $0xb8;
	[tilespmem:$0x1F800] =	vst v63  }
0x112: {  	_ =	swait.ge [sflag:s31], $0x4000  }
0x113: {  	[sflag:s31] =	ssyncset.done $0x0  }
0x114: {  	s16 =	simm.s32 $0x0;
	[sflag:s31] =	ssyncadd.s32 $0xFFFFC000  }
0x115: {  	v1 =	vld [tilespmem:s16+$0x4800];
	_ =	sdelay $0x4  }
0x116: {  	v2 =	vshll.u32 v1, $0x10;
	v1 =	vshra.s32 v1, $0x10  }
0x117: {  	v2 =	vshra.s32 v2, $0x10;
	v1 =	vcvt.s32.f32 v1  }
0x118: {  	s2 =	simm.s32 $0x6880;
	v2 =	vcvt.s32.f32 v2  }
0x119: {  	[tilespmem:s2+$0xFFFFFFC0] =	vst v1  }
0x11a: {  	[tilespmem:s2+$0xFFFFFF80] =	vst v2  }
0x11b: {  	v1 =	vld [tilespmem:s16+$0x4810];
	_ =	sdelay $0x4  }
0x11c: {  	v2 =	vshll.u32 v1, $0x10;
	v1 =	vshra.s32 v1, $0x10  }
0x11d: {  	v2 =	vshra.s32 v2, $0x10;
	v1 =	vcvt.s32.f32 v1  }
0x11e: {  	v2 =	vcvt.s32.f32 v2  }
0x11f: {  	[tilespmem:s2+$0xFFFFFFD0] =	vst v1  }
0x120: {  	[tilespmem:s2+$0xFFFFFF90] =	vst v2  }
0x121: {  	v1 =	vld [tilespmem:s16+$0x4820];
	_ =	sdelay $0x4  }
0x122: {  	v2 =	vshll.u32 v1, $0x10;
	v1 =	vshra.s32 v1, $0x10  }
0x123: {  	v2 =	vshra.s32 v2, $0x10;
	v1 =	vcvt.s32.f32 v1  }
0x124: {  	v2 =	vcvt.s32.f32 v2  }
0x125: {  	[tilespmem:s2+$0xFFFFFFE0] =	vst v1  }
0x126: {  	[tilespmem:s2+$0xFFFFFFA0] =	vst v2  }
0x127: {  	v1 =	vld [tilespmem:s16+$0x4830];
	_ =	sdelay $0x4  }
0x128: {  	v2 =	vshll.u32 v1, $0x10;
	v1 =	vshra.s32 v1, $0x10  }
0x129: {  	v2 =	vshra.s32 v2, $0x10;
	v1 =	vcvt.s32.f32 v1  }
0x12a: {  	v2 =	vcvt.s32.f32 v2  }
0x12b: {  	[tilespmem:s2+$0xFFFFFFF0] =	vst v1  }
0x12c: {  	[tilespmem:s2+$0xFFFFFFB0] =	vst v2  }
0x12d: {  	v1 =	vld [tilespmem:s16+$0x4840];
	_ =	sdelay $0x4  }
0x12e: {  	v2 =	vshll.u32 v1, $0x10;
	v1 =	vshra.s32 v1, $0x10  }
0x12f: {  	v2 =	vshra.s32 v2, $0x10;
	v1 =	vcvt.s32.f32 v1  }
0x130: {  	v2 =	vcvt.s32.f32 v2  }
0x131: {  	[tilespmem:s2+$0x40] =	vst v1  }
0x132: {  	[tilespmem:s2+$0x0] =	vst v2  }
0x133: {  	v1 =	vld [tilespmem:s16+$0x4850];
	_ =	sdelay $0x4  }
0x134: {  	v2 =	vshll.u32 v1, $0x10;
	v1 =	vshra.s32 v1, $0x10  }
0x135: {  	v2 =	vshra.s32 v2, $0x10;
	v1 =	vcvt.s32.f32 v1  }
0x136: {  	v2 =	vcvt.s32.f32 v2  }
0x137: {  	[tilespmem:s2+$0x50] =	vst v1  }
0x138: {  	[tilespmem:s2+$0x10] =	vst v2  }
0x139: {  	v1 =	vld [tilespmem:s16+$0x4860];
	_ =	sdelay $0x4  }
0x13a: {  	v2 =	vshll.u32 v1, $0x10;
	v1 =	vshra.s32 v1, $0x10  }
0x13b: {  	v2 =	vshra.s32 v2, $0x10;
	v1 =	vcvt.s32.f32 v1  }
0x13c: {  	v2 =	vcvt.s32.f32 v2  }
0x13d: {  	[tilespmem:s2+$0x60] =	vst v1  }
0x13e: {  	[tilespmem:s2+$0x20] =	vst v2  }
0x13f: {  	v1 =	vld [tilespmem:s16+$0x4870];
	_ =	sdelay $0x4  }
0x140: {  	v2 =	vshra.s32 v1, $0x10  }
0x141: {  	v1 =	vshll.u32 v1, $0x10;
	v2 =	vcvt.s32.f32 v2  }
0x142: {  	v1 =	vshra.s32 v1, $0x10  }
0x143: {  	s15 =	simm.s32 $0x400;
	s12 =	simm.s32 $0x200;
	v1 =	vcvt.s32.f32 v1;
	[tilespmem:s2+$0x70] =	vst v2  }
.LBB2_7:
0x144: {  	s14 =	sshra.s32 s12, $0x2  }
0x145: {  	[tilespmem:s2+$0x30] =	vst v1;
	s2 =	sadd.s32 $0x100, s2;
	s12 =	smov.u32 s15;
	s13 =	sadd.s32 $0x200, s15  }
0x146: {  	p0 =	sne.s32 s15, $0x7E00;
	v1 =	vld [tilespmem:s14+$0x4800];
	_ =	sdelay $0x4  }
0x147: {  	v2 =	vshll.u32 v1, $0x10;
	v1 =	vshra.s32 v1, $0x10  }
0x148: {  	v2 =	vshra.s32 v2, $0x10;
	v1 =	vcvt.s32.f32 v1  }
0x149: {  	v2 =	vcvt.s32.f32 v2  }
0x14a: {  	[tilespmem:s2+$0xFFFFFFC0] =	vst v1  }
0x14b: {  	[tilespmem:s2+$0xFFFFFF80] =	vst v2  }
0x14c: {  	v1 =	vld [tilespmem:s14+$0x4810];
	_ =	sdelay $0x4  }
0x14d: {  	v2 =	vshll.u32 v1, $0x10;
	v1 =	vshra.s32 v1, $0x10  }
0x14e: {  	v2 =	vshra.s32 v2, $0x10;
	v1 =	vcvt.s32.f32 v1  }
0x14f: {  	v2 =	vcvt.s32.f32 v2  }
0x150: {  	[tilespmem:s2+$0xFFFFFFD0] =	vst v1  }
0x151: {  	[tilespmem:s2+$0xFFFFFF90] =	vst v2  }
0x152: {  	v1 =	vld [tilespmem:s14+$0x4820];
	_ =	sdelay $0x4  }
0x153: {  	v2 =	vshll.u32 v1, $0x10;
	v1 =	vshra.s32 v1, $0x10  }
0x154: {  	v2 =	vshra.s32 v2, $0x10;
	v1 =	vcvt.s32.f32 v1  }
0x155: {  	v2 =	vcvt.s32.f32 v2  }
0x156: {  	[tilespmem:s2+$0xFFFFFFE0] =	vst v1  }
0x157: {  	[tilespmem:s2+$0xFFFFFFA0] =	vst v2  }
0x158: {  	v1 =	vld [tilespmem:s14+$0x4830];
	_ =	sdelay $0x4  }
0x159: {  	v2 =	vshll.u32 v1, $0x10;
	v1 =	vshra.s32 v1, $0x10  }
0x15a: {  	v2 =	vshra.s32 v2, $0x10;
	v1 =	vcvt.s32.f32 v1  }
0x15b: {  	v2 =	vcvt.s32.f32 v2  }
0x15c: {  	[tilespmem:s2+$0xFFFFFFF0] =	vst v1  }
0x15d: {  	[tilespmem:s2+$0xFFFFFFB0] =	vst v2  }
0x15e: {  	v1 =	vld [tilespmem:s14+$0x4840];
	_ =	sdelay $0x4  }
0x15f: {  	v2 =	vshll.u32 v1, $0x10;
	v1 =	vshra.s32 v1, $0x10  }
0x160: {  	v2 =	vshra.s32 v2, $0x10;
	v1 =	vcvt.s32.f32 v1  }
0x161: {  	v2 =	vcvt.s32.f32 v2  }
0x162: {  	[tilespmem:s2+$0x40] =	vst v1  }
0x163: {  	[tilespmem:s2+$0x0] =	vst v2  }
0x164: {  	v1 =	vld [tilespmem:s14+$0x4850];
	_ =	sdelay $0x4  }
0x165: {  	v2 =	vshll.u32 v1, $0x10;
	v1 =	vshra.s32 v1, $0x10  }
0x166: {  	v2 =	vshra.s32 v2, $0x10;
	v1 =	vcvt.s32.f32 v1  }
0x167: {  	v2 =	vcvt.s32.f32 v2  }
0x168: {  	[tilespmem:s2+$0x50] =	vst v1  }
0x169: {  	[tilespmem:s2+$0x10] =	vst v2  }
0x16a: {  	v1 =	vld [tilespmem:s14+$0x4860];
	_ =	sdelay $0x4  }
0x16b: {  	v2 =	vshll.u32 v1, $0x10;
	v1 =	vshra.s32 v1, $0x10  }
0x16c: {  	v2 =	vshra.s32 v2, $0x10;
	v1 =	vcvt.s32.f32 v1  }
0x16d: {  	v2 =	vcvt.s32.f32 v2  }
0x16e: {  	[tilespmem:s2+$0x60] =	vst v1  }
0x16f: {  	[tilespmem:s2+$0x20] =	vst v2  }
0x170: {  	v1 =	vld [tilespmem:s14+$0x4870];
	_ =	sdelay $0x3  }
.Ltmp2:
0x171: {  	(pc) =	sbr.rel @p0 .LBB2_7-.Ltmp2, $4  }
0x172: {  	v2 =	vshll.u32 v1, $0x10;
	v1 =	vshra.s32 v1, $0x10  }
0x173: {  	v2 =	vshra.s32 v2, $0x10;
	v3 =	vcvt.s32.f32 v1  }
0x174: {  	v1 =	vcvt.s32.f32 v2  }
0x175: {  	s15 =	smov.u32 s13;
	[tilespmem:s2+$0x70] =	vst v3  }
0x176: {  	s12 =	sshra.s32 s12, $0x2;
	[tilespmem:s2+$0x30] =	vst v1  }
0x177: {  	v1 =	vld [tilespmem:s12+$0x4800];
	_ =	sdelay $0x4  }
0x178: {  	v2 =	vshll.u32 v1, $0x10;
	v1 =	vshra.s32 v1, $0x10  }
0x179: {  	v2 =	vshra.s32 v2, $0x10;
	v1 =	vcvt.s32.f32 v1  }
0x17a: {  	s15 =	sadd.s32 $0x100, s2;
	v2 =	vcvt.s32.f32 v2  }
0x17b: {  	[tilespmem:s15+$0xFFFFFFC0] =	vst v1  }
0x17c: {  	[tilespmem:s15+$0xFFFFFF80] =	vst v2  }
0x17d: {  	v1 =	vld [tilespmem:s12+$0x4810];
	_ =	sdelay $0x4  }
0x17e: {  	v2 =	vshll.u32 v1, $0x10;
	v1 =	vshra.s32 v1, $0x10  }
0x17f: {  	v2 =	vshra.s32 v2, $0x10;
	v1 =	vcvt.s32.f32 v1  }
0x180: {  	v2 =	vcvt.s32.f32 v2  }
0x181: {  	[tilespmem:s15+$0xFFFFFFD0] =	vst v1  }
0x182: {  	[tilespmem:s15+$0xFFFFFF90] =	vst v2  }
0x183: {  	v1 =	vld [tilespmem:s12+$0x4820];
	_ =	sdelay $0x4  }
0x184: {  	v2 =	vshll.u32 v1, $0x10;
	v1 =	vshra.s32 v1, $0x10  }
0x185: {  	v2 =	vshra.s32 v2, $0x10;
	v1 =	vcvt.s32.f32 v1  }
0x186: {  	v2 =	vcvt.s32.f32 v2  }
0x187: {  	[tilespmem:s15+$0xFFFFFFE0] =	vst v1  }
0x188: {  	[tilespmem:s15+$0xFFFFFFA0] =	vst v2  }
0x189: {  	v1 =	vld [tilespmem:s12+$0x4830];
	_ =	sdelay $0x4  }
0x18a: {  	v2 =	vshll.u32 v1, $0x10;
	v1 =	vshra.s32 v1, $0x10  }
0x18b: {  	v2 =	vshra.s32 v2, $0x10;
	v1 =	vcvt.s32.f32 v1  }
0x18c: {  	v2 =	vcvt.s32.f32 v2  }
0x18d: {  	[tilespmem:s15+$0xFFFFFFF0] =	vst v1  }
0x18e: {  	[tilespmem:s15+$0xFFFFFFB0] =	vst v2  }
0x18f: {  	v1 =	vld [tilespmem:s12+$0x4840];
	_ =	sdelay $0x4  }
0x190: {  	v2 =	vshll.u32 v1, $0x10;
	v1 =	vshra.s32 v1, $0x10  }
0x191: {  	v2 =	vshra.s32 v2, $0x10;
	v1 =	vcvt.s32.f32 v1  }
0x192: {  	v2 =	vcvt.s32.f32 v2  }
0x193: {  	[tilespmem:s15+$0x40] =	vst v1  }
0x194: {  	[tilespmem:s15+$0x0] =	vst v2  }
0x195: {  	v1 =	vld [tilespmem:s12+$0x4850];
	_ =	sdelay $0x4  }
0x196: {  	v2 =	vshll.u32 v1, $0x10;
	v1 =	vshra.s32 v1, $0x10  }
0x197: {  	v2 =	vshra.s32 v2, $0x10;
	v1 =	vcvt.s32.f32 v1  }
0x198: {  	v2 =	vcvt.s32.f32 v2  }
0x199: {  	[tilespmem:s15+$0x50] =	vst v1  }
0x19a: {  	[tilespmem:s15+$0x10] =	vst v2  }
0x19b: {  	v1 =	vld [tilespmem:s12+$0x4860];
	_ =	sdelay $0x4  }
0x19c: {  	v2 =	vshll.u32 v1, $0x10;
	v1 =	vshra.s32 v1, $0x10  }
0x19d: {  	v2 =	vshra.s32 v2, $0x10;
	v1 =	vcvt.s32.f32 v1  }
0x19e: {  	v2 =	vcvt.s32.f32 v2  }
0x19f: {  	[tilespmem:s15+$0x60] =	vst v1  }
0x1a0: {  	[tilespmem:s15+$0x20] =	vst v2  }
0x1a1: {  	v1 =	vld [tilespmem:s12+$0x4870];
	_ =	sdelay $0x3  }
0x1a2: {  	s10 =	sadd.s32 $0x1, s10  }
0x1a3: {  	p0 =	sne.s32 s10, $0x14;
	v2 =	vshll.u32 v1, $0x10;
	v1 =	vshra.s32 v1, $0x10  }
.Ltmp3:
0x1a4: {  	v2 =	vshra.s32 v2, $0x10;
	v1 =	vcvt.s32.f32 v1;
	(pc) =	sbr.rel @p0 .LBB2_4-.Ltmp3, $4  }
0x1a5: {  	v2 =	vcvt.s32.f32 v2  }
0x1a6: {  	[tilespmem:s15+$0x70] =	vst v1  }
0x1a7: {  	s16 =	sadd.s32 $0x1400, s11;
	[tilespmem:s15+$0x30] =	vst v2  }
0x1a8: {  	[spmem:s1] =	stream.indirect.scatter.add.f32 [tilespmem:s9], [sflag:$0x2], $0x80, s16, s0, $0xb8;
	[tilespmem:$0x1F800] =	vst v63  }
0x1a9: {  	_ =	swait.ge [sflag:s31], $0x4000  }
0x1aa: {  	[sflag:s31] =	ssyncset.done $0x0  }
0x1ab: {  	s10 =	simm.s32 $0x0;
	s2 =	rddreg [dreg:$0x6];
	[sflag:s31] =	ssyncadd.s32 $0xFFFFC000  }
0x1ac: {  	[tilespmem:s10], [sflag:$0x3] =	stream.linear.gather [hbm4b:s2+s10], $0x1400, $0x38;
	[tilespmem:$0x1F800] =	vst v63  }
0x1ad: {  	_ =	swait.ge [sflag:s30], $0x1400  }
0x1ae: {  	[sflag:s30] =	ssyncset.done $0x0  }
0x1af: {  	s11 =	simm.s32 $0x1400;
	s15 =	rddreg [dreg:$0x7];
	[sflag:s30] =	ssyncadd.s32 $0xFFFFEC00  }
0x1b0: {  	[tilespmem:s11], [sflag:$0x3] =	stream.linear.gather [hbm4b:s15+s10], $0x1400, $0x38;
	[tilespmem:$0x1F800] =	vst v63  }
0x1b1: {  	_ =	swait.ge [sflag:s30], $0x1400  }
0x1b2: {  	[sflag:s30] =	ssyncset.done $0x0  }
0x1b3: {  	s16 =	simm.s32 $0x2800;
	[sflag:s30] =	ssyncadd.s32 $0xFFFFEC00  }
0x1b4: {  	[tilespmem:s16], [sflag:$0x1] =	stream.indirect.gather [hbm4b:s4+s0], $0x40, s10, s0, $0xb8;
	[tilespmem:$0x1F800] =	vst v63  }
.LBB2_10:
0x1b5: {  	s2 =	sshll.u32 s10, $0xA;
	_ =	swait.ge [sflag:s6], $0x2000  }
0x1b6: {  	p0 =	seq.s32 s10, $0x0;
	[sflag:s6] =	ssyncset.done $0x0;
	s11 =	sor.u32 $0x200, s2  }
0x1b7: {  	s12 =	simm.s32 @!p0 $0x2;
	[sflag:s6] =	ssyncadd.s32 $0xFFFFE000;
	s11 =	sshrl.u32 s11, $0x2  }
0x1b8: {  	[tilespmem:s8], [sflag:$0x1] =	stream.indirect.gather [hbm4b:s4+s0], $0x40, s11, s0, $0xb8;
	[tilespmem:$0x1F800] =	vst v63  }
0x1b9: {  	_ =	swait.ge @!p0 [sflag:s12], $0x4000  }
0x1ba: {  	[sflag:s12] =	ssyncset.done @!p0 $0x0  }
0x1bb: {  	s13 =	simm.s32 $0x0;
	[sflag:s12] =	ssyncadd.s32 @!p0 $0xFFFFC000  }
0x1bc: {  	v1 =	vld [tilespmem:s13+$0x2800];
	_ =	sdelay $0x4  }
0x1bd: {  	v2 =	vshll.u32 v1, $0x10;
	v1 =	vshra.s32 v1, $0x10  }
0x1be: {  	v2 =	vshra.s32 v2, $0x10;
	v1 =	vcvt.s32.f32 v1  }
0x1bf: {  	s12 =	simm.s32 $0x6880;
	v2 =	vcvt.s32.f32 v2  }
0x1c0: {  	[tilespmem:s12+$0xFFFFFFC0] =	vst v1  }
0x1c1: {  	[tilespmem:s12+$0xFFFFFF80] =	vst v2  }
0x1c2: {  	v1 =	vld [tilespmem:s13+$0x2810];
	_ =	sdelay $0x4  }
0x1c3: {  	v2 =	vshll.u32 v1, $0x10;
	v1 =	vshra.s32 v1, $0x10  }
0x1c4: {  	v2 =	vshra.s32 v2, $0x10;
	v1 =	vcvt.s32.f32 v1  }
0x1c5: {  	v2 =	vcvt.s32.f32 v2  }
0x1c6: {  	[tilespmem:s12+$0xFFFFFFD0] =	vst v1  }
0x1c7: {  	[tilespmem:s12+$0xFFFFFF90] =	vst v2  }
0x1c8: {  	v1 =	vld [tilespmem:s13+$0x2820];
	_ =	sdelay $0x4  }
0x1c9: {  	v2 =	vshll.u32 v1, $0x10;
	v1 =	vshra.s32 v1, $0x10  }
0x1ca: {  	v2 =	vshra.s32 v2, $0x10;
	v1 =	vcvt.s32.f32 v1  }
0x1cb: {  	v2 =	vcvt.s32.f32 v2  }
0x1cc: {  	[tilespmem:s12+$0xFFFFFFE0] =	vst v1  }
0x1cd: {  	[tilespmem:s12+$0xFFFFFFA0] =	vst v2  }
0x1ce: {  	v1 =	vld [tilespmem:s13+$0x2830];
	_ =	sdelay $0x4  }
0x1cf: {  	v2 =	vshll.u32 v1, $0x10;
	v1 =	vshra.s32 v1, $0x10  }
0x1d0: {  	v2 =	vshra.s32 v2, $0x10;
	v1 =	vcvt.s32.f32 v1  }
0x1d1: {  	v2 =	vcvt.s32.f32 v2  }
0x1d2: {  	[tilespmem:s12+$0xFFFFFFF0] =	vst v1  }
0x1d3: {  	[tilespmem:s12+$0xFFFFFFB0] =	vst v2  }
0x1d4: {  	v1 =	vld [tilespmem:s13+$0x2840];
	_ =	sdelay $0x4  }
0x1d5: {  	v2 =	vshll.u32 v1, $0x10;
	v1 =	vshra.s32 v1, $0x10  }
0x1d6: {  	v2 =	vshra.s32 v2, $0x10;
	v1 =	vcvt.s32.f32 v1  }
0x1d7: {  	v2 =	vcvt.s32.f32 v2  }
0x1d8: {  	[tilespmem:s12+$0x40] =	vst v1  }
0x1d9: {  	[tilespmem:s12+$0x0] =	vst v2  }
0x1da: {  	v1 =	vld [tilespmem:s13+$0x2850];
	_ =	sdelay $0x4  }
0x1db: {  	v2 =	vshll.u32 v1, $0x10;
	v1 =	vshra.s32 v1, $0x10  }
0x1dc: {  	v2 =	vshra.s32 v2, $0x10;
	v1 =	vcvt.s32.f32 v1  }
0x1dd: {  	v2 =	vcvt.s32.f32 v2  }
0x1de: {  	[tilespmem:s12+$0x50] =	vst v1  }
0x1df: {  	[tilespmem:s12+$0x10] =	vst v2  }
0x1e0: {  	v1 =	vld [tilespmem:s13+$0x2860];
	_ =	sdelay $0x4  }
0x1e1: {  	v2 =	vshll.u32 v1, $0x10;
	v1 =	vshra.s32 v1, $0x10  }
0x1e2: {  	v2 =	vshra.s32 v2, $0x10;
	v1 =	vcvt.s32.f32 v1  }
0x1e3: {  	v2 =	vcvt.s32.f32 v2  }
0x1e4: {  	[tilespmem:s12+$0x60] =	vst v1  }
0x1e5: {  	[tilespmem:s12+$0x20] =	vst v2  }
0x1e6: {  	v1 =	vld [tilespmem:s13+$0x2870];
	_ =	sdelay $0x4  }
0x1e7: {  	v2 =	vshra.s32 v1, $0x10  }
0x1e8: {  	v1 =	vshll.u32 v1, $0x10;
	v2 =	vcvt.s32.f32 v2  }
0x1e9: {  	v1 =	vshra.s32 v1, $0x10  }
0x1ea: {  	s16 =	simm.s32 $0x400;
	s13 =	simm.s32 $0x200;
	v1 =	vcvt.s32.f32 v1;
	[tilespmem:s12+$0x70] =	vst v2  }
.LBB2_11:
0x1eb: {  	s15 =	sshra.s32 s13, $0x2  }
0x1ec: {  	[tilespmem:s12+$0x30] =	vst v1;
	s12 =	sadd.s32 $0x100, s12;
	s13 =	smov.u32 s16;
	s14 =	sadd.s32 $0x200, s16  }
0x1ed: {  	p0 =	sne.s32 s16, $0x7E00;
	v1 =	vld [tilespmem:s15+$0x2800];
	_ =	sdelay $0x4  }
0x1ee: {  	v2 =	vshll.u32 v1, $0x10;
	v1 =	vshra.s32 v1, $0x10  }
0x1ef: {  	v2 =	vshra.s32 v2, $0x10;
	v1 =	vcvt.s32.f32 v1  }
0x1f0: {  	v2 =	vcvt.s32.f32 v2  }
0x1f1: {  	[tilespmem:s12+$0xFFFFFFC0] =	vst v1  }
0x1f2: {  	[tilespmem:s12+$0xFFFFFF80] =	vst v2  }
0x1f3: {  	v1 =	vld [tilespmem:s15+$0x2810];
	_ =	sdelay $0x4  }
0x1f4: {  	v2 =	vshll.u32 v1, $0x10;
	v1 =	vshra.s32 v1, $0x10  }
0x1f5: {  	v2 =	vshra.s32 v2, $0x10;
	v1 =	vcvt.s32.f32 v1  }
0x1f6: {  	v2 =	vcvt.s32.f32 v2  }
0x1f7: {  	[tilespmem:s12+$0xFFFFFFD0] =	vst v1  }
0x1f8: {  	[tilespmem:s12+$0xFFFFFF90] =	vst v2  }
0x1f9: {  	v1 =	vld [tilespmem:s15+$0x2820];
	_ =	sdelay $0x4  }
0x1fa: {  	v2 =	vshll.u32 v1, $0x10;
	v1 =	vshra.s32 v1, $0x10  }
0x1fb: {  	v2 =	vshra.s32 v2, $0x10;
	v1 =	vcvt.s32.f32 v1  }
0x1fc: {  	v2 =	vcvt.s32.f32 v2  }
0x1fd: {  	[tilespmem:s12+$0xFFFFFFE0] =	vst v1  }
0x1fe: {  	[tilespmem:s12+$0xFFFFFFA0] =	vst v2  }
0x1ff: {  	v1 =	vld [tilespmem:s15+$0x2830];
	_ =	sdelay $0x4  }
0x200: {  	v2 =	vshll.u32 v1, $0x10;
	v1 =	vshra.s32 v1, $0x10  }
0x201: {  	v2 =	vshra.s32 v2, $0x10;
	v1 =	vcvt.s32.f32 v1  }
0x202: {  	v2 =	vcvt.s32.f32 v2  }
0x203: {  	[tilespmem:s12+$0xFFFFFFF0] =	vst v1  }
0x204: {  	[tilespmem:s12+$0xFFFFFFB0] =	vst v2  }
0x205: {  	v1 =	vld [tilespmem:s15+$0x2840];
	_ =	sdelay $0x4  }
0x206: {  	v2 =	vshll.u32 v1, $0x10;
	v1 =	vshra.s32 v1, $0x10  }
0x207: {  	v2 =	vshra.s32 v2, $0x10;
	v1 =	vcvt.s32.f32 v1  }
0x208: {  	v2 =	vcvt.s32.f32 v2  }
0x209: {  	[tilespmem:s12+$0x40] =	vst v1  }
0x20a: {  	[tilespmem:s12+$0x0] =	vst v2  }
0x20b: {  	v1 =	vld [tilespmem:s15+$0x2850];
	_ =	sdelay $0x4  }
0x20c: {  	v2 =	vshll.u32 v1, $0x10;
	v1 =	vshra.s32 v1, $0x10  }
0x20d: {  	v2 =	vshra.s32 v2, $0x10;
	v1 =	vcvt.s32.f32 v1  }
0x20e: {  	v2 =	vcvt.s32.f32 v2  }
0x20f: {  	[tilespmem:s12+$0x50] =	vst v1  }
0x210: {  	[tilespmem:s12+$0x10] =	vst v2  }
0x211: {  	v1 =	vld [tilespmem:s15+$0x2860];
	_ =	sdelay $0x4  }
0x212: {  	v2 =	vshll.u32 v1, $0x10;
	v1 =	vshra.s32 v1, $0x10  }
0x213: {  	v2 =	vshra.s32 v2, $0x10;
	v1 =	vcvt.s32.f32 v1  }
0x214: {  	v2 =	vcvt.s32.f32 v2  }
0x215: {  	[tilespmem:s12+$0x60] =	vst v1  }
0x216: {  	[tilespmem:s12+$0x20] =	vst v2  }
0x217: {  	v1 =	vld [tilespmem:s15+$0x2870];
	_ =	sdelay $0x3  }
.Ltmp4:
0x218: {  	(pc) =	sbr.rel @p0 .LBB2_11-.Ltmp4, $4  }
0x219: {  	v2 =	vshll.u32 v1, $0x10;
	v1 =	vshra.s32 v1, $0x10  }
0x21a: {  	v2 =	vshra.s32 v2, $0x10;
	v3 =	vcvt.s32.f32 v1  }
0x21b: {  	v1 =	vcvt.s32.f32 v2  }
0x21c: {  	s16 =	smov.u32 s14;
	[tilespmem:s12+$0x70] =	vst v3  }
0x21d: {  	s13 =	sshra.s32 s13, $0x2;
	[tilespmem:s12+$0x30] =	vst v1  }
0x21e: {  	v1 =	vld [tilespmem:s13+$0x2800];
	_ =	sdelay $0x4  }
0x21f: {  	v2 =	vshll.u32 v1, $0x10;
	v1 =	vshra.s32 v1, $0x10  }
0x220: {  	v2 =	vshra.s32 v2, $0x10;
	v1 =	vcvt.s32.f32 v1  }
0x221: {  	s16 =	sadd.s32 $0x100, s12;
	v2 =	vcvt.s32.f32 v2  }
0x222: {  	[tilespmem:s16+$0xFFFFFFC0] =	vst v1  }
0x223: {  	[tilespmem:s16+$0xFFFFFF80] =	vst v2  }
0x224: {  	v1 =	vld [tilespmem:s13+$0x2810];
	_ =	sdelay $0x4  }
0x225: {  	v2 =	vshll.u32 v1, $0x10;
	v1 =	vshra.s32 v1, $0x10  }
0x226: {  	v2 =	vshra.s32 v2, $0x10;
	v1 =	vcvt.s32.f32 v1  }
0x227: {  	v2 =	vcvt.s32.f32 v2  }
0x228: {  	[tilespmem:s16+$0xFFFFFFD0] =	vst v1  }
0x229: {  	[tilespmem:s16+$0xFFFFFF90] =	vst v2  }
0x22a: {  	v1 =	vld [tilespmem:s13+$0x2820];
	_ =	sdelay $0x4  }
0x22b: {  	v2 =	vshll.u32 v1, $0x10;
	v1 =	vshra.s32 v1, $0x10  }
0x22c: {  	v2 =	vshra.s32 v2, $0x10;
	v1 =	vcvt.s32.f32 v1  }
0x22d: {  	v2 =	vcvt.s32.f32 v2  }
0x22e: {  	[tilespmem:s16+$0xFFFFFFE0] =	vst v1  }
0x22f: {  	[tilespmem:s16+$0xFFFFFFA0] =	vst v2  }
0x230: {  	v1 =	vld [tilespmem:s13+$0x2830];
	_ =	sdelay $0x4  }
0x231: {  	v2 =	vshll.u32 v1, $0x10;
	v1 =	vshra.s32 v1, $0x10  }
0x232: {  	v2 =	vshra.s32 v2, $0x10;
	v1 =	vcvt.s32.f32 v1  }
0x233: {  	v2 =	vcvt.s32.f32 v2  }
0x234: {  	[tilespmem:s16+$0xFFFFFFF0] =	vst v1  }
0x235: {  	[tilespmem:s16+$0xFFFFFFB0] =	vst v2  }
0x236: {  	v1 =	vld [tilespmem:s13+$0x2840];
	_ =	sdelay $0x4  }
0x237: {  	v2 =	vshll.u32 v1, $0x10;
	v1 =	vshra.s32 v1, $0x10  }
0x238: {  	v2 =	vshra.s32 v2, $0x10;
	v1 =	vcvt.s32.f32 v1  }
0x239: {  	v2 =	vcvt.s32.f32 v2  }
0x23a: {  	[tilespmem:s16+$0x40] =	vst v1  }
0x23b: {  	[tilespmem:s16+$0x0] =	vst v2  }
0x23c: {  	v1 =	vld [tilespmem:s13+$0x2850];
	_ =	sdelay $0x4  }
0x23d: {  	v2 =	vshll.u32 v1, $0x10;
	v1 =	vshra.s32 v1, $0x10  }
0x23e: {  	v2 =	vshra.s32 v2, $0x10;
	v1 =	vcvt.s32.f32 v1  }
0x23f: {  	v2 =	vcvt.s32.f32 v2  }
0x240: {  	[tilespmem:s16+$0x50] =	vst v1  }
0x241: {  	[tilespmem:s16+$0x10] =	vst v2  }
0x242: {  	v1 =	vld [tilespmem:s13+$0x2860];
	_ =	sdelay $0x4  }
0x243: {  	v2 =	vshll.u32 v1, $0x10;
	v1 =	vshra.s32 v1, $0x10  }
0x244: {  	v2 =	vshra.s32 v2, $0x10;
	v1 =	vcvt.s32.f32 v1  }
0x245: {  	v2 =	vcvt.s32.f32 v2  }
0x246: {  	[tilespmem:s16+$0x60] =	vst v1  }
0x247: {  	[tilespmem:s16+$0x20] =	vst v2  }
0x248: {  	v1 =	vld [tilespmem:s13+$0x2870];
	_ =	sdelay $0x4  }
0x249: {  	v2 =	vshll.u32 v1, $0x10;
	v1 =	vshra.s32 v1, $0x10  }
0x24a: {  	v2 =	vshra.s32 v2, $0x10;
	v1 =	vcvt.s32.f32 v1  }
0x24b: {  	v2 =	vcvt.s32.f32 v2  }
0x24c: {  	s14 =	sshrl.u32 s2, $0x2;
	[tilespmem:s16+$0x70] =	vst v1  }
0x24d: {  	s15 =	sadd.s32 $0x1400, s14;
	[tilespmem:s16+$0x30] =	vst v2  }
0x24e: {  	[spmem:s1] =	stream.indirect.scatter.add.f32 [tilespmem:s9], [sflag:$0x2], $0x80, s15, s0, $0xb8;
	[tilespmem:$0x1F800] =	vst v63  }
0x24f: {  	p0 =	seq.s32 s10, $0x13;
	_ =	swait.ge [sflag:s6], $0x2000  }
0x250: {  	s2 =	sshrl.u32 @!p0 s2, $0x2;
	s12 =	simm.s32 @!p0 $0x80;
	[sflag:s6] =	ssyncset.done $0x0  }
0x251: {  	s2 =	sadd.s32 @!p0 $0x100, s2;
	s13 =	simm.s32 @!p0 $0x2800;
	[sflag:s6] =	ssyncadd.s32 $0xFFFFE000  }
0x252: {  	[tilespmem:s13], [sflag:$0x1] =	stream.indirect.gather @!p0 [hbm4b:s4+s12], $0x40, s2, s12, $0xb8;
	[tilespmem:$0x1F800] =	vst v63  }
0x253: {  	_ =	swait.ge [sflag:s31], $0x4000  }
0x254: {  	[sflag:s31] =	ssyncset.done $0x0  }
0x255: {  	s16 =	simm.s32 $0x0;
	[sflag:s31] =	ssyncadd.s32 $0xFFFFC000  }
0x256: {  	v1 =	vld [tilespmem:s16+$0x4800];
	_ =	sdelay $0x4  }
0x257: {  	v2 =	vshll.u32 v1, $0x10;
	v1 =	vshra.s32 v1, $0x10  }
0x258: {  	v2 =	vshra.s32 v2, $0x10;
	v1 =	vcvt.s32.f32 v1  }
0x259: {  	s2 =	simm.s32 $0x6880;
	v2 =	vcvt.s32.f32 v2  }
0x25a: {  	[tilespmem:s2+$0xFFFFFFC0] =	vst v1  }
0x25b: {  	[tilespmem:s2+$0xFFFFFF80] =	vst v2  }
0x25c: {  	v1 =	vld [tilespmem:s16+$0x4810];
	_ =	sdelay $0x4  }
0x25d: {  	v2 =	vshll.u32 v1, $0x10;
	v1 =	vshra.s32 v1, $0x10  }
0x25e: {  	v2 =	vshra.s32 v2, $0x10;
	v1 =	vcvt.s32.f32 v1  }
0x25f: {  	v2 =	vcvt.s32.f32 v2  }
0x260: {  	[tilespmem:s2+$0xFFFFFFD0] =	vst v1  }
0x261: {  	[tilespmem:s2+$0xFFFFFF90] =	vst v2  }
0x262: {  	v1 =	vld [tilespmem:s16+$0x4820];
	_ =	sdelay $0x4  }
0x263: {  	v2 =	vshll.u32 v1, $0x10;
	v1 =	vshra.s32 v1, $0x10  }
0x264: {  	v2 =	vshra.s32 v2, $0x10;
	v1 =	vcvt.s32.f32 v1  }
0x265: {  	v2 =	vcvt.s32.f32 v2  }
0x266: {  	[tilespmem:s2+$0xFFFFFFE0] =	vst v1  }
0x267: {  	[tilespmem:s2+$0xFFFFFFA0] =	vst v2  }
0x268: {  	v1 =	vld [tilespmem:s16+$0x4830];
	_ =	sdelay $0x4  }
0x269: {  	v2 =	vshll.u32 v1, $0x10;
	v1 =	vshra.s32 v1, $0x10  }
0x26a: {  	v2 =	vshra.s32 v2, $0x10;
	v1 =	vcvt.s32.f32 v1  }
0x26b: {  	v2 =	vcvt.s32.f32 v2  }
0x26c: {  	[tilespmem:s2+$0xFFFFFFF0] =	vst v1  }
0x26d: {  	[tilespmem:s2+$0xFFFFFFB0] =	vst v2  }
0x26e: {  	v1 =	vld [tilespmem:s16+$0x4840];
	_ =	sdelay $0x4  }
0x26f: {  	v2 =	vshll.u32 v1, $0x10;
	v1 =	vshra.s32 v1, $0x10  }
0x270: {  	v2 =	vshra.s32 v2, $0x10;
	v1 =	vcvt.s32.f32 v1  }
0x271: {  	v2 =	vcvt.s32.f32 v2  }
0x272: {  	[tilespmem:s2+$0x40] =	vst v1  }
0x273: {  	[tilespmem:s2+$0x0] =	vst v2  }
0x274: {  	v1 =	vld [tilespmem:s16+$0x4850];
	_ =	sdelay $0x4  }
0x275: {  	v2 =	vshll.u32 v1, $0x10;
	v1 =	vshra.s32 v1, $0x10  }
0x276: {  	v2 =	vshra.s32 v2, $0x10;
	v1 =	vcvt.s32.f32 v1  }
0x277: {  	v2 =	vcvt.s32.f32 v2  }
0x278: {  	[tilespmem:s2+$0x50] =	vst v1  }
0x279: {  	[tilespmem:s2+$0x10] =	vst v2  }
0x27a: {  	v1 =	vld [tilespmem:s16+$0x4860];
	_ =	sdelay $0x4  }
0x27b: {  	v2 =	vshll.u32 v1, $0x10;
	v1 =	vshra.s32 v1, $0x10  }
0x27c: {  	v2 =	vshra.s32 v2, $0x10;
	v1 =	vcvt.s32.f32 v1  }
0x27d: {  	v2 =	vcvt.s32.f32 v2  }
0x27e: {  	[tilespmem:s2+$0x60] =	vst v1  }
0x27f: {  	[tilespmem:s2+$0x20] =	vst v2  }
0x280: {  	v1 =	vld [tilespmem:s16+$0x4870];
	_ =	sdelay $0x4  }
0x281: {  	v2 =	vshra.s32 v1, $0x10  }
0x282: {  	v1 =	vshll.u32 v1, $0x10;
	v2 =	vcvt.s32.f32 v2  }
0x283: {  	v1 =	vshra.s32 v1, $0x10  }
0x284: {  	s15 =	simm.s32 $0x400;
	s12 =	simm.s32 $0x200;
	v1 =	vcvt.s32.f32 v1;
	[tilespmem:s2+$0x70] =	vst v2  }
.LBB2_13:
0x285: {  	s14 =	sshra.s32 s12, $0x2  }
0x286: {  	[tilespmem:s2+$0x30] =	vst v1;
	s2 =	sadd.s32 $0x100, s2;
	s12 =	smov.u32 s15;
	s13 =	sadd.s32 $0x200, s15  }
0x287: {  	p0 =	sne.s32 s15, $0x7E00;
	v1 =	vld [tilespmem:s14+$0x4800];
	_ =	sdelay $0x4  }
0x288: {  	v2 =	vshll.u32 v1, $0x10;
	v1 =	vshra.s32 v1, $0x10  }
0x289: {  	v2 =	vshra.s32 v2, $0x10;
	v1 =	vcvt.s32.f32 v1  }
0x28a: {  	v2 =	vcvt.s32.f32 v2  }
0x28b: {  	[tilespmem:s2+$0xFFFFFFC0] =	vst v1  }
0x28c: {  	[tilespmem:s2+$0xFFFFFF80] =	vst v2  }
0x28d: {  	v1 =	vld [tilespmem:s14+$0x4810];
	_ =	sdelay $0x4  }
0x28e: {  	v2 =	vshll.u32 v1, $0x10;
	v1 =	vshra.s32 v1, $0x10  }
0x28f: {  	v2 =	vshra.s32 v2, $0x10;
	v1 =	vcvt.s32.f32 v1  }
0x290: {  	v2 =	vcvt.s32.f32 v2  }
0x291: {  	[tilespmem:s2+$0xFFFFFFD0] =	vst v1  }
0x292: {  	[tilespmem:s2+$0xFFFFFF90] =	vst v2  }
0x293: {  	v1 =	vld [tilespmem:s14+$0x4820];
	_ =	sdelay $0x4  }
0x294: {  	v2 =	vshll.u32 v1, $0x10;
	v1 =	vshra.s32 v1, $0x10  }
0x295: {  	v2 =	vshra.s32 v2, $0x10;
	v1 =	vcvt.s32.f32 v1  }
0x296: {  	v2 =	vcvt.s32.f32 v2  }
0x297: {  	[tilespmem:s2+$0xFFFFFFE0] =	vst v1  }
0x298: {  	[tilespmem:s2+$0xFFFFFFA0] =	vst v2  }
0x299: {  	v1 =	vld [tilespmem:s14+$0x4830];
	_ =	sdelay $0x4  }
0x29a: {  	v2 =	vshll.u32 v1, $0x10;
	v1 =	vshra.s32 v1, $0x10  }
0x29b: {  	v2 =	vshra.s32 v2, $0x10;
	v1 =	vcvt.s32.f32 v1  }
0x29c: {  	v2 =	vcvt.s32.f32 v2  }
0x29d: {  	[tilespmem:s2+$0xFFFFFFF0] =	vst v1  }
0x29e: {  	[tilespmem:s2+$0xFFFFFFB0] =	vst v2  }
0x29f: {  	v1 =	vld [tilespmem:s14+$0x4840];
	_ =	sdelay $0x4  }
0x2a0: {  	v2 =	vshll.u32 v1, $0x10;
	v1 =	vshra.s32 v1, $0x10  }
0x2a1: {  	v2 =	vshra.s32 v2, $0x10;
	v1 =	vcvt.s32.f32 v1  }
0x2a2: {  	v2 =	vcvt.s32.f32 v2  }
0x2a3: {  	[tilespmem:s2+$0x40] =	vst v1  }
0x2a4: {  	[tilespmem:s2+$0x0] =	vst v2  }
0x2a5: {  	v1 =	vld [tilespmem:s14+$0x4850];
	_ =	sdelay $0x4  }
0x2a6: {  	v2 =	vshll.u32 v1, $0x10;
	v1 =	vshra.s32 v1, $0x10  }
0x2a7: {  	v2 =	vshra.s32 v2, $0x10;
	v1 =	vcvt.s32.f32 v1  }
0x2a8: {  	v2 =	vcvt.s32.f32 v2  }
0x2a9: {  	[tilespmem:s2+$0x50] =	vst v1  }
0x2aa: {  	[tilespmem:s2+$0x10] =	vst v2  }
0x2ab: {  	v1 =	vld [tilespmem:s14+$0x4860];
	_ =	sdelay $0x4  }
0x2ac: {  	v2 =	vshll.u32 v1, $0x10;
	v1 =	vshra.s32 v1, $0x10  }
0x2ad: {  	v2 =	vshra.s32 v2, $0x10;
	v1 =	vcvt.s32.f32 v1  }
0x2ae: {  	v2 =	vcvt.s32.f32 v2  }
0x2af: {  	[tilespmem:s2+$0x60] =	vst v1  }
0x2b0: {  	[tilespmem:s2+$0x20] =	vst v2  }
0x2b1: {  	v1 =	vld [tilespmem:s14+$0x4870];
	_ =	sdelay $0x3  }
.Ltmp5:
0x2b2: {  	(pc) =	sbr.rel @p0 .LBB2_13-.Ltmp5, $4  }
0x2b3: {  	v2 =	vshll.u32 v1, $0x10;
	v1 =	vshra.s32 v1, $0x10  }
0x2b4: {  	v2 =	vshra.s32 v2, $0x10;
	v3 =	vcvt.s32.f32 v1  }
0x2b5: {  	v1 =	vcvt.s32.f32 v2  }
0x2b6: {  	s15 =	smov.u32 s13;
	[tilespmem:s2+$0x70] =	vst v3  }
0x2b7: {  	s12 =	sshra.s32 s12, $0x2;
	[tilespmem:s2+$0x30] =	vst v1  }
0x2b8: {  	v1 =	vld [tilespmem:s12+$0x4800];
	_ =	sdelay $0x4  }
0x2b9: {  	v2 =	vshll.u32 v1, $0x10;
	v1 =	vshra.s32 v1, $0x10  }
0x2ba: {  	v2 =	vshra.s32 v2, $0x10;
	v1 =	vcvt.s32.f32 v1  }
0x2bb: {  	s15 =	sadd.s32 $0x100, s2;
	v2 =	vcvt.s32.f32 v2  }
0x2bc: {  	[tilespmem:s15+$0xFFFFFFC0] =	vst v1  }
0x2bd: {  	[tilespmem:s15+$0xFFFFFF80] =	vst v2  }
0x2be: {  	v1 =	vld [tilespmem:s12+$0x4810];
	_ =	sdelay $0x4  }
0x2bf: {  	v2 =	vshll.u32 v1, $0x10;
	v1 =	vshra.s32 v1, $0x10  }
0x2c0: {  	v2 =	vshra.s32 v2, $0x10;
	v1 =	vcvt.s32.f32 v1  }
0x2c1: {  	v2 =	vcvt.s32.f32 v2  }
0x2c2: {  	[tilespmem:s15+$0xFFFFFFD0] =	vst v1  }
0x2c3: {  	[tilespmem:s15+$0xFFFFFF90] =	vst v2  }
0x2c4: {  	v1 =	vld [tilespmem:s12+$0x4820];
	_ =	sdelay $0x4  }
0x2c5: {  	v2 =	vshll.u32 v1, $0x10;
	v1 =	vshra.s32 v1, $0x10  }
0x2c6: {  	v2 =	vshra.s32 v2, $0x10;
	v1 =	vcvt.s32.f32 v1  }
0x2c7: {  	v2 =	vcvt.s32.f32 v2  }
0x2c8: {  	[tilespmem:s15+$0xFFFFFFE0] =	vst v1  }
0x2c9: {  	[tilespmem:s15+$0xFFFFFFA0] =	vst v2  }
0x2ca: {  	v1 =	vld [tilespmem:s12+$0x4830];
	_ =	sdelay $0x4  }
0x2cb: {  	v2 =	vshll.u32 v1, $0x10;
	v1 =	vshra.s32 v1, $0x10  }
0x2cc: {  	v2 =	vshra.s32 v2, $0x10;
	v1 =	vcvt.s32.f32 v1  }
0x2cd: {  	v2 =	vcvt.s32.f32 v2  }
0x2ce: {  	[tilespmem:s15+$0xFFFFFFF0] =	vst v1  }
0x2cf: {  	[tilespmem:s15+$0xFFFFFFB0] =	vst v2  }
0x2d0: {  	v1 =	vld [tilespmem:s12+$0x4840];
	_ =	sdelay $0x4  }
0x2d1: {  	v2 =	vshll.u32 v1, $0x10;
	v1 =	vshra.s32 v1, $0x10  }
0x2d2: {  	v2 =	vshra.s32 v2, $0x10;
	v1 =	vcvt.s32.f32 v1  }
0x2d3: {  	v2 =	vcvt.s32.f32 v2  }
0x2d4: {  	[tilespmem:s15+$0x40] =	vst v1  }
0x2d5: {  	[tilespmem:s15+$0x0] =	vst v2  }
0x2d6: {  	v1 =	vld [tilespmem:s12+$0x4850];
	_ =	sdelay $0x4  }
0x2d7: {  	v2 =	vshll.u32 v1, $0x10;
	v1 =	vshra.s32 v1, $0x10  }
0x2d8: {  	v2 =	vshra.s32 v2, $0x10;
	v1 =	vcvt.s32.f32 v1  }
0x2d9: {  	v2 =	vcvt.s32.f32 v2  }
0x2da: {  	[tilespmem:s15+$0x50] =	vst v1  }
0x2db: {  	[tilespmem:s15+$0x10] =	vst v2  }
0x2dc: {  	v1 =	vld [tilespmem:s12+$0x4860];
	_ =	sdelay $0x4  }
0x2dd: {  	v2 =	vshll.u32 v1, $0x10;
	v1 =	vshra.s32 v1, $0x10  }
0x2de: {  	v2 =	vshra.s32 v2, $0x10;
	v1 =	vcvt.s32.f32 v1  }
0x2df: {  	v2 =	vcvt.s32.f32 v2  }
0x2e0: {  	[tilespmem:s15+$0x60] =	vst v1  }
0x2e1: {  	[tilespmem:s15+$0x20] =	vst v2  }
0x2e2: {  	v1 =	vld [tilespmem:s12+$0x4870];
	_ =	sdelay $0x3  }
0x2e3: {  	s10 =	sadd.s32 $0x1, s10  }
0x2e4: {  	p0 =	sne.s32 s10, $0x14;
	v2 =	vshll.u32 v1, $0x10;
	v1 =	vshra.s32 v1, $0x10  }
.Ltmp6:
0x2e5: {  	v2 =	vshra.s32 v2, $0x10;
	v1 =	vcvt.s32.f32 v1;
	(pc) =	sbr.rel @p0 .LBB2_10-.Ltmp6, $4  }
0x2e6: {  	v2 =	vcvt.s32.f32 v2  }
0x2e7: {  	[tilespmem:s15+$0x70] =	vst v1  }
0x2e8: {  	s16 =	sadd.s32 $0x1400, s11;
	[tilespmem:s15+$0x30] =	vst v2  }
0x2e9: {  	[spmem:s1] =	stream.indirect.scatter.add.f32 [tilespmem:s9], [sflag:$0x2], $0x80, s16, s0, $0xb8;
	[tilespmem:$0x1F800] =	vst v63  }
0x2ea: {  	_ =	swait.ge [sflag:s31], $0x4000  }
0x2eb: {  	[sflag:s31] =	ssyncset.done $0x0  }
0x2ec: {  	s2 =	stileid.u32;
	[sflag:s31] =	ssyncadd.s32 $0xFFFFC000  }
0x2ed: {  	s2 =	sshll.u32 s2, $0x6;
	[bflag:$0x0] =	sbarrier.arrive $0xFFFF  }
0x2ee: {  	s2 =	sor.u32 $0x1C03, s2;
	s10 =	rddreg [dreg:$0x8]  }
0x2ef: {  	[hbm:s10], [sflag:s2] =	dma.local [spmem:s25], $0x2780  }
0x2f0: {  	_ =	swait.ge [sflag:s30], $0x2780  }
0x2f1: {  	s3 =	sadd.s32 $0x1, s3;
	s16 =	rddreg [dreg:$0x9]  }
0x2f2: {  	p0 =	sne.s32 s3, s16  }
.Ltmp7:
0x2f3: {  	_ = 	snop;
	(pc) =	sbr.rel @p0 .LBB2_1-.Ltmp7, $3  }
0x2f4: {  	_ =	sdelay $0x1  }
0x2f5: {  	[sflag:s30] =	ssyncset.done $0x0  }
0x2f6: {  	[sflag:s30] =	ssyncadd.s32 $0xFFFFD880  }
0x2f7: {  	_ =	sfence.sel $0x180000  }
0x2f8: {  	[bflag:$0x0] =	sbarrier.arrive $0xFFFF  }
0x2f9: {  	_ =	strace $0x9000004A  }
0x2fa: {  	s0 =	stileid.u32;
	[bflag:$0x2] =	sbarrier.arrive $0xFFFF  }
0x2fb: {  	p0 =	sne.s32 s0, $0x0;
	s0 =	rddreg [dreg:$0x3]  }
0x2fc: {  	s0 =	sadd.s32 @!p0 $0x100000, s0  }
0x2fd: {  	[sflag:s0] =	ssyncadd.tile.s32 @!p0 $0x1;
	_ =	shalt  }
.Lfunc_end2:
_tile_overlayer_lowered:
.L_overlay_start_2:
0x2fe: {  	(tag) =	ssettag $0x2  }
0x2ff: {  	s0 =	rddreg [dreg:$0x0];
	s2 =	stileid.u32  }
0x300: {  	s1 =	rddreg [dreg:$0x1];
	p0 =	sne.s32 s2, $0x0  }
0x301: {  	s3 =	rddreg [dreg:$0x2];
	[bflag:$0x3] =	sbarrier.arrive $0xFFFF;
	s2 =	simm.s32 @!p0 $0x1C03  }
0x302: {  	[timem:s3], [sflag:s2] =	dma.local @!p0 [hbm:s0], s1  }
0x303: {  	s0 =	simm.s32 @!p0 $0x3  }
0x304: {  	_ =	swait.ge @!p0 [sflag:s0], s1  }
0x305: {  	s1 =	ssub.s32 @!p0 $0x0, s1;
	[sflag:s0] =	ssyncset.done @!p0 $0x0  }
0x306: {  	[sflag:s0] =	ssyncadd.s32 @!p0 s1  }
0x307: {  	[bflag:$0x3] =	sbarrier.arrive $0xFFFF  }
0x308: {  	_ =	shalt  }

// kernel: kernel.8.cloned.1.call-start
scs
__scs_entry_jumppad:
0x0: {  	(pc) =	sbr.rel $0x88, $3  }
0x1: {  	(tag) =	ssettag $0x0;
	lr =	simm.s32 $0x1  }
0x2: {  	[smem:$0x3F8F] =	sst lr;
	_ =	strace $0xD0000000  }
0x3: {  	_ = 	snop  }
0x4: {  	_ = 	snop  }
0x5: {  	_ = 	snop  }
0x6: {  	_ = 	snop  }
0x7: {  	_ = 	snop  }
__scs_overlays_trampoline_lowered:
0x8: {  	[smem:$0x3F9E] =	sst s0  }
0x9: {  	[smem:$0x3F9F] =	sst s1  }
0xa: {  	[smem:$0x3FA0] =	sst s2  }
0xb: {  	[smem:$0x3FA1] =	sst s3  }
0xc: {  	[smem:$0x3FA2] =	sst s4  }
0xd: {  	[smem:$0x3FA3] =	sst s5  }
0xe: {  	[smem:$0x3FA4] =	sst s6  }
0xf: {  	[smem:$0x3FA5] =	sst s7  }
0x10: {  	[smem:$0x3FA6] =	sst s8  }
0x11: {  	[smem:$0x3FA7] =	sst s9;
	s0 =	simm.s32 @!p0 $0x0  }
0x12: {  	s1 =	sld [smem:$0x3F8D];
	s0 =	simm.s32 @p0 $0x1  }
0x13: {  	[smem:$0x3FA8] =	sst s0;
	s0 =	simm.s32 @!p1 $0x0  }
0x14: {  	s2 =	sld [smem:$0x3F8C];
	s0 =	simm.s32 @p1 $0x1  }
0x15: {  	[smem:$0x3FA9] =	sst s0;
	s0 =	simm.s32 @!p2 $0x0  }
0x16: {  	s3 =	sld [smem:$0x3FDB];
	s0 =	simm.s32 @p2 $0x1  }
0x17: {  	s4 =	simm.s32 $0x1BF5;
	[smem:$0x3FAB] =	sst s0  }
0x18: {  	s0 =	sld [smem:$0x3F8E];
	_ =	swait.ge [sflag:s4], $0x0  }
0x19: {  	s7 =	sld [smem:$0x3F8F]  }
0x1a: {  	s8 =	sadd.s32 $0xFFFFE003, lr  }
0x1b: {  	s9 =	sadd.s32 $0xFFFFFEF7, lr;
	s5 =	simm.s32 $0xFFFFFFFF;
	p2 =	slt.u32 s8, $0xFFFFF086  }
0x1c: {  	p1 =	slt.u32 s9, $0xF7A;
	s5 =	simm.s32 @!p2 $0x0  }
0x1d: {  	s5 =	simm.s32 @p1 $0x1;
	p0 =	seq.s32 s7, s2  }
0x1e: {  	s7 =	smul.u32 @!p0 $0xF7A, s2;
	p2 =	seq.s32 @!p0 s5, $0x0  }
0x1f: {  	s9 =	smul.u32 $0xF7A, s1;
	s8 =	simm.s32 @!p0 $0x1BF5;
	p2 =	por !p2, p0  }
0x20: {  	[sflag:s8] =	ssyncset.s32 @!p0 $0xFFFFF086;
	s6 =	sadd.s32 @!p0 s3, s7;
	s7 =	simm.s32 @!p0 $0x108  }
0x21: {  	s3 =	sadd.s32 s3, s9;
	s6 =	sadd.s32 @!p0 $0x88, s6;
	s7 =	simm.s32 @p2 $0x1082  }
0x22: {  	[simem:s7], [sflag:s8] =	dma.local @!p0 [hbm:s6], $0xF7A  }
0x23: {  	s9 =	sor.u32 $0xD0000000, s2;
	s6 =	simm.s32 $0x108;
	_ =	swait.ge @!p0 [sflag:s8], $0x0  }
0x24: {  	s3 =	sadd.s32 $0x88, s3;
	s6 =	simm.s32 @!p1 $0x1082;
	[sflag:s4] =	ssyncset.s32 $0xFFFFF086  }
0x25: {  	[simem:s6], [sflag:s4] =	dma.local [hbm:s3], $0xF7A  }
0x26: {  	[smem:$0x3F8F] =	sst s1;
	(tag) =	ssettag s2;
	_ =	strace s9  }
0x27: {  	s1 =	sld [smem:$0x3F9F]  }
0x28: {  	s2 =	sld [smem:$0x3FA0]  }
0x29: {  	s4 =	sld [smem:$0x3FA2]  }
0x2a: {  	p0 =	seq.s32 s5, $0x0;
	s5 =	sld [smem:$0x3FA3]  }
0x2b: {  	s6 =	sld [smem:$0x3FA4]  }
0x2c: {  	s7 =	sld [smem:$0x3FA5]  }
0x2d: {  	s3 =	simm.s32 $0x108;
	s8 =	sld [smem:$0x3FA6]  }
0x2e: {  	s3 =	simm.s32 @!p0 $0x1082;
	s9 =	sld [smem:$0x3FA7]  }
0x2f: {  	lr =	sadd.s32 s0, s3;
	s0 =	sld [smem:$0x3F9E]  }
0x30: {  	s3 =	sld [smem:$0x3FA1]  }
0x31: {  	[smem:$0x3FAA] =	sst s10  }
0x32: {  	s10 =	sld [smem:$0x3FA8];
	_ =	sdelay $0x3  }
0x33: {  	p0 =	seq.s32 s10, $0x1;
	s10 =	sld [smem:$0x3FAA];
	_ =	sdelay $0x3  }
0x34: {  	[smem:$0x3FAA] =	sst s10  }
0x35: {  	s10 =	sld [smem:$0x3FA9];
	_ =	sdelay $0x3  }
0x36: {  	p1 =	seq.s32 s10, $0x1;
	s10 =	sld [smem:$0x3FAA];
	_ =	sdelay $0x3  }
0x37: {  	[smem:$0x3FAA] =	sst s10  }
0x38: {  	s10 =	sld [smem:$0x3FAB]  }
0x39: {  	_ = 	snop;
	(pc) =	sbr.ind lr, $3  }
0x3a: {  	_ = 	snop  }
0x3b: {  	_ = 	snop  }
0x3c: {  	p2 =	seq.s32 s10, $0x1;
	s10 =	sld [smem:$0x3FAA]  }
0x3d: {  	_ =	shalt  }
0x3e: {  	_ =	shalt  }
0x3f: {  	_ =	shalt  }
0x40: {  	_ =	shalt  }
0x41: {  	_ =	shalt  }
0x42: {  	_ =	shalt  }
0x43: {  	_ =	shalt  }
0x44: {  	_ =	shalt  }
0x45: {  	_ =	shalt  }
0x46: {  	_ =	shalt  }
0x47: {  	_ =	shalt  }
0x48: {  	_ =	shalt  }
0x49: {  	_ =	shalt  }
0x4a: {  	_ =	shalt  }
0x4b: {  	_ =	shalt  }
0x4c: {  	_ =	shalt  }
0x4d: {  	_ =	shalt  }
0x4e: {  	_ =	shalt  }
0x4f: {  	_ =	shalt  }
0x50: {  	_ =	shalt  }
0x51: {  	_ =	shalt  }
0x52: {  	_ =	shalt  }
0x53: {  	_ =	shalt  }
0x54: {  	_ =	shalt  }
0x55: {  	_ =	shalt  }
0x56: {  	_ =	shalt  }
0x57: {  	_ =	shalt  }
0x58: {  	_ =	shalt  }
0x59: {  	_ =	shalt  }
0x5a: {  	_ =	shalt  }
0x5b: {  	_ =	shalt  }
0x5c: {  	_ =	shalt  }
0x5d: {  	_ =	shalt  }
0x5e: {  	_ =	shalt  }
0x5f: {  	_ =	shalt  }
0x60: {  	_ =	shalt  }
0x61: {  	_ =	shalt  }
0x62: {  	_ =	shalt  }
0x63: {  	_ =	shalt  }
0x64: {  	_ =	shalt  }
0x65: {  	_ =	shalt  }
0x66: {  	_ =	shalt  }
0x67: {  	_ =	shalt  }
0x68: {  	_ =	shalt  }
0x69: {  	_ =	shalt  }
0x6a: {  	_ =	shalt  }
0x6b: {  	_ =	shalt  }
0x6c: {  	_ =	shalt  }
0x6d: {  	_ =	shalt  }
0x6e: {  	_ =	shalt  }
0x6f: {  	_ =	shalt  }
0x70: {  	_ =	shalt  }
0x71: {  	_ =	shalt  }
0x72: {  	_ =	shalt  }
0x73: {  	_ =	shalt  }
0x74: {  	_ =	shalt  }
0x75: {  	_ =	shalt  }
0x76: {  	_ =	shalt  }
0x77: {  	_ =	shalt  }
0x78: {  	_ =	shalt  }
0x79: {  	_ =	shalt  }
0x7a: {  	_ =	shalt  }
0x7b: {  	_ =	shalt  }
0x7c: {  	_ =	shalt  }
0x7d: {  	_ =	shalt  }
0x7e: {  	_ =	shalt  }
0x7f: {  	_ =	shalt  }
0x80: {  	_ =	shalt  }
0x81: {  	_ =	shalt  }
0x82: {  	_ =	shalt  }
0x83: {  	_ =	shalt  }
0x84: {  	_ =	shalt  }
0x85: {  	_ =	shalt  }
0x86: {  	_ =	shalt  }
0x87: {  	_ =	shalt  }
.Lfunc_end0:
.L_simem_size_0:
called_computation_lowered:
.L_overlay_start_0:
0x88: {  	s2 =	sld [smem:$0x3FD9]  }
0x89: {  	s3 =	sld [smem:$0x3FFE];
	_ =	sdelay $0x1  }
0x8a: {  	s1 =	srdreg.scid  }
0x8b: {  	s0 =	sand.u32 $0x1, s1  }
0x8c: {  	s17 =	sshll.u32 s0, $0xA;
	s2 =	sadd.s32 s3, s2  }
0x8d: {  	s2 =	sadd.s32 s2, s17  }
0x8e: {  	[smem:$0x3FB6] =	sst s2  }
0x8f: {  	_ = 	snop  }
0x90: {  	s2 =	sld [smem:$0x3FD0];
	(tm) =	ssettm $0x1  }
0x91: {  	s18 =	sld [smem:$0x3FFB];
	_ =	sdelay $0x3  }
0x92: {  	_ =	strace s18  }
0x93: {  	s3 =	sld [smem:$0x3FFC];
	_ =	sdelay $0x3  }
0x94: {  	_ =	strace s3  }
0x95: {  	s3 =	sld [smem:$0x3FFD];
	_ =	sdelay $0x3  }
0x96: {  	_ =	strace s3  }
0x97: {  	_ =	strace $0x8FFFFFFF  }
0x98: {  	s19 =	sld [smem:$0x3FDB];
	_ =	sdelay $0x1  }
0x99: {  	s4 =	simm.s32 $_scs_section_size  }
0x9a: {  	s5 =	simm.s32 $_size__tile_overlayer_lowered;
	s6 =	simm.s32 $_tile_overlayer_lowered  }
0x9b: {  	s22 =	simm.s32 $0x1BFF;
	s21 =	sshll.u32 s6, $0x1;
	s3 =	sadd.s32 s4, s19  }
0x9c: {  	s7 =	simm.s32 $0x0;
	s20 =	sshll.u32 s5, $0x1;
	s5 =	sadd.s32 s21, s3  }
0x9d: {  	[timem:s7], [sflag:s22] =	dma.local [hbm:s5], s20  }
0x9e: {  	_ =	swait.ge [sflag:s22], s20  }
0x9f: {  	s4 =	ssub.s32 $0x0, s20;
	[sflag:s22] =	ssyncset.done $0x0  }
0xa0: {  	[sflag:s22] =	ssyncadd.s32 s4;
	_ =	sdelay $0x1  }
0xa1: {  	s23 =	simm.s32 $0x1B8B  }
0xa2: {  	_ =	swait.ge [sflag:s23], $0x1  }
0xa3: {  	[sflag:s23] =	ssyncset.done $0x0  }
0xa4: {  	s25 =	simm.s32 $0x1B8E;
	s24 =	sld [smem:$0x3FFE];
	[sflag:s23] =	ssyncadd.s32 $0xFFFFFFFF  }
0xa5: {  	s26 =	simm.s32 $execute0_lowered;
	[smem:$0x3FD2] =	sst s25  }
0xa6: {  	s5 =	sshll.u32 s26, $0x1;
	_ =	strace $0x80000046;
	[dreg:$0x1] =	wrdreg $0xFFFFFFFF  }
0xa7: {  	s28 =	simm.s32 $_size_execute0_lowered;
	s3 =	sadd.s32 s3, s5;
	[dreg:$0x0] =	wrdreg $0x0  }
0xa8: {  	s5 =	sshll.u32 s28, $0x1;
	[dreg:$0x2] =	wrdreg s3  }
0xa9: {  	[dreg:$0x3] =	wrdreg s5  }
0xaa: {  	[dreg:$0x4] =	wrdreg $0xC0  }
0xab: {  	_ =	task [dreg:s7], $0x5FFFF  }
0xac: {  	[dreg:$0x1] =	wrdreg $0xFFFFFFFF  }
0xad: {  	[dreg:$0x0] =	wrdreg $0x60  }
0xae: {  	[dreg:$0x2] =	wrdreg s24  }
0xaf: {  	[dreg:$0x3] =	wrdreg s2  }
0xb0: {  	[dreg:$0x4] =	wrdreg $0xBC000  }
0xb1: {  	[dreg:$0x5] =	wrdreg $0x1FB000  }
0xb2: {  	[dreg:$0x6] =	wrdreg $0x9  }
0xb3: {  	_ =	task.clear_ibuf [dreg:s7], $0x7FFFF;
	_ =	strace $0x90000046  }
0xb4: {  	s29 =	simm.s32 $0x9;
	_ =	strace $0x80000048  }
0xb5: {  	_ =	swait.ge [sflag:s29], $0x1  }
0xb6: {  	[sflag:s29] =	ssyncadd.s32 $0xFFFFFFFF  }
0xb7: {  	_ =	strace $0x90000048  }
0xb8: {  	_ =	sfence  }
0xb9: {  	s30 =	sld [smem:$0x0];
	_ =	sdelay $0x2  }
0xba: {  	s31 =	sshll.u32 s1, $0xD;
	s1 =	sshrl.u32 s1, $0x2  }
0xbb: {  	s3 =	sand.u32 $0x4000, s31;
	s1 =	sadd.s32 s1, s30  }
0xbc: {  	s0 =	sor.u32 s3, s0;
	s1 =	sshll.u32 s1, $0x11  }
0xbd: {  	s0 =	sor.u32 s1, s0  }
0xbe: {  	s0 =	sadd.s32 $0x8F2B, s0  }
0xbf: {  	[sflag:s0] =	ssyncadd.remote.s32 $0x1  }
0xc0: {  	_ =	sfence.sel $0xFFFF  }
0xc1: {  	[dreg:$0x0] =	wrdreg $0xFFFFFFFF;
	(pc) =	sbr.abs _section_cstart, $3  }
0xc2: {  	[dreg:$0x1] =	wrdreg $0xFFFFFFFF  }
0xc3: {  	_ =	task.clear_ibuf [dreg:s7], $0x2FFFF;
	_ =	strace $0x9FFFFFFF  }
0xc4: {  	(tm) =	ssettm $0x7FFFFFFF  }
0xc5: {  	_ =	shalt  }
tec
execute0_lowered:
.L_overlay_start_1:
0x0: {  	(tag) =	ssettag $0x1  }
0x1: {  	s1 =	rddreg [dreg:$0x0]  }
0x2: {  	s3 =	rddreg [dreg:$0x1]  }
0x3: {  	s0 =	rddreg [dreg:$0x2];
	s13 =	stileid.u32  }
0x4: {  	s4 =	srdreg.scid;
	s9 =	smul.u32 $0x13C00, s13  }
0x5: {  	s2 =	rddreg [dreg:$0x3];
	s11 =	smul.u32 $0x4F000, s13  }
0x6: {  	s6 =	sand.u32 $0x1, s4;
	s4 =	simm.s32 $0x0;
	s12 =	smul.u32 $0x9E0, s13  }
0x7: {  	s5 =	sadd.s32 $0x3600, s1;
	p0 =	sne.s32 s13, $0x0;
	s7 =	smul.u32 $0x13C000, s6  }
0x8: {  	[smem:$0x7FF] =	sst s4;
	s8 =	smul.u32 $0x4F0, s6;
	s10 =	sshll.u32 s6, $0x4  }
0x9: {  	s6 =	ssub.s32 $0x2, s6;
	_ =	strace $0x80000047;
	s10 =	sor.u32 s13, s10  }
0xa: {  	s25 =	sshrl.u32 s6, $0x1;
	s11 =	sshrl.u32 s11, $0x2;
	s26 =	sshrl.u32 s12, $0x2  }
0xb: {  	s18 =	sadd.s32 s9, s0;
	s13 =	simm.s32 $0x6800;
	s7 =	sadd.s32 s9, s7  }
0xc: {  	s24 =	smul.u32 $0x2800, s10;
	s10 =	ssub.s32 s6, s25;
	s6 =	sadd.s32 s11, s0  }
0xd: {  	s12 =	sadd.s32 s26, s2;
	s9 =	simm.s32 $0x80;
	s7 =	sshrl.u32 s7, $0x3  }
0xe: {  	s11 =	sadd.s32 $0x12C00, s6;
	[dreg:$0x6] =	wrdreg s12;
	s19 =	smax.u32 s10, $0x1  }
0xf: {  	s20 =	sadd.s32 $0x1400, s6;
	s21 =	sadd.s32 $0x2800, s6;
	[dreg:$0x5] =	wrdreg s11  }
0x10: {  	s22 =	sadd.s32 $0x3C00, s6;
	s23 =	sadd.s32 $0x5000, s6;
	[dreg:$0xc] =	wrdreg s19  }
0x11: {  	s25 =	sadd.s32 $0x7800, s6;
	s26 =	sadd.s32 $0x8C00, s6;
	[dreg:$0xd] =	wrdreg s20  }
0x12: {  	s28 =	sadd.s32 $0xDC00, s6;
	s29 =	sadd.s32 $0xF000, s6;
	[dreg:$0xe] =	wrdreg s21  }
0x13: {  	s30 =	sadd.s32 $0x10400, s6;
	s31 =	sadd.s32 $0x11800, s6;
	[dreg:$0xf] =	wrdreg s22  }
0x14: {  	s12 =	simm.s32 $0x4800;
	s10 =	simm.s32 $0x3;
	[dreg:$0x10] =	wrdreg s23  }
0x15: {  	s7 =	sadd.s32 s7, s1;
	s1 =	sadd.s32 s8, s1;
	[dreg:$0x12] =	wrdreg s25  }
0x16: {  	s8 =	sshrl.u32 s24, $0x3;
	s24 =	sadd.s32 $0x6400, s6;
	[dreg:$0x13] =	wrdreg s26  }
0x17: {  	s23 =	sadd.s32 $0xA000, s6;
	s25 =	sshrl.u32 s18, $0x3;
	s26 =	sadd.s32 $0xC800, s6  }
0x18: {  	s11 =	simm.s32 $0x1;
	s17 =	sadd.s32 $0x17A00, s7;
	[dreg:$0x11] =	wrdreg s24  }
0x19: {  	s8 =	sadd.s32 s3, s8;
	s1 =	sadd.s32 $0x17000, s1;
	[dreg:$0xa] =	wrdreg s17  }
0x1a: {  	s24 =	sadd.s32 $0xB400, s6;
	s14 =	sadd.s32 $0xA000, s8;
	[dreg:$0xb] =	wrdreg s1  }
0x1b: {  	s3 =	simm.s32 $0x4;
	s15 =	sadd.s32 $0x280, s8;
	[dreg:$0x7] =	wrdreg s14  }
0x1c: {  	s7 =	simm.s32 $0x1F800;
	s16 =	sadd.s32 $0xA280, s8;
	[dreg:$0x8] =	wrdreg s15  }
0x1d: {  	v0 =	vimm.f32 $0.0e+00;
	v1 =	vimm.f32 $1.000000000e+00;
	s1 =	simm.s32 $0xA800;
	[dreg:$0x9] =	wrdreg s16;
	s14 =	simm.s32 $0x2  }
.LBB2_1:
0x1e: {  	s15 =	simm.s32 $0x0;
	s16 =	simm.s32 $0x200  }
.LBB2_2:
0x1f: {  	p1 =	sne.s32 s16, $0x4E00;
	[tilespmem:s15+$0xA870] =	vst v0  }
0x20: {  	[tilespmem:s15+$0xA800] =	vst v0  }
0x21: {  	[tilespmem:s15+$0xA810] =	vst v0  }
.Ltmp0:
0x22: {  	[tilespmem:s15+$0xA820] =	vst v0;
	(pc) =	sbr.rel @p1 .LBB2_2-.Ltmp0, $4  }
0x23: {  	[tilespmem:s15+$0xA830] =	vst v0  }
0x24: {  	[tilespmem:s15+$0xA840] =	vst v0  }
0x25: {  	[tilespmem:s15+$0xA850] =	vst v0  }
0x26: {  	[tilespmem:s15+$0xA860] =	vst v0;
	s15 =	sshra.s32 s16, $0x2;
	s16 =	sadd.s32 $0x200, s16  }
0x27: {  	[tilespmem:s15+$0xA870] =	vst v0  }
0x28: {  	[tilespmem:s15+$0xA800] =	vst v0  }
0x29: {  	[tilespmem:s15+$0xA810] =	vst v0  }
0x2a: {  	[tilespmem:s15+$0xA820] =	vst v0  }
0x2b: {  	[tilespmem:s15+$0xA830] =	vst v0  }
0x2c: {  	[tilespmem:s15+$0xA840] =	vst v0  }
0x2d: {  	[tilespmem:s15+$0xA850] =	vst v0  }
0x2e: {  	[tilespmem:s15+$0xA860] =	vst v0  }
0x2f: {  	[spmem:s6] =	stream.linear.scatter [tilespmem:s1], [sflag:$0x4], $0x1400, $0x38;
	[tilespmem:$0x1FD78] =	vst v63  }
0x30: {  	_ =	swait.ge [sflag:s3], $0x1400  }
0x31: {  	[sflag:s3] =	ssyncset.done $0x0  }
0x32: {  	s19 =	rddreg [dreg:$0xd];
	[sflag:s3] =	ssyncadd.s32 $0xFFFFEC00  }
0x33: {  	[spmem:s19] =	stream.linear.scatter [tilespmem:s1], [sflag:$0x4], $0x1400, $0x38;
	[tilespmem:$0x1FD78] =	vst v63  }
0x34: {  	_ =	swait.ge [sflag:s3], $0x1400  }
0x35: {  	[sflag:s3] =	ssyncset.done $0x0  }
0x36: {  	s20 =	rddreg [dreg:$0xe];
	[sflag:s3] =	ssyncadd.s32 $0xFFFFEC00  }
0x37: {  	[spmem:s20] =	stream.linear.scatter [tilespmem:s1], [sflag:$0x4], $0x1400, $0x38;
	[tilespmem:$0x1FD78] =	vst v63  }
0x38: {  	_ =	swait.ge [sflag:s3], $0x1400  }
0x39: {  	[sflag:s3] =	ssyncset.done $0x0  }
0x3a: {  	s21 =	rddreg [dreg:$0xf];
	[sflag:s3] =	ssyncadd.s32 $0xFFFFEC00  }
0x3b: {  	[spmem:s21] =	stream.linear.scatter [tilespmem:s1], [sflag:$0x4], $0x1400, $0x38;
	[tilespmem:$0x1FD78] =	vst v63  }
0x3c: {  	_ =	swait.ge [sflag:s3], $0x1400  }
0x3d: {  	[sflag:s3] =	ssyncset.done $0x0  }
0x3e: {  	s22 =	rddreg [dreg:$0x10];
	[sflag:s3] =	ssyncadd.s32 $0xFFFFEC00  }
0x3f: {  	[spmem:s22] =	stream.linear.scatter [tilespmem:s1], [sflag:$0x4], $0x1400, $0x38;
	[tilespmem:$0x1FD78] =	vst v63  }
0x40: {  	_ =	swait.ge [sflag:s3], $0x1400  }
0x41: {  	[sflag:s3] =	ssyncset.done $0x0  }
0x42: {  	s16 =	rddreg [dreg:$0x11];
	[sflag:s3] =	ssyncadd.s32 $0xFFFFEC00  }
0x43: {  	[spmem:s16] =	stream.linear.scatter [tilespmem:s1], [sflag:$0x4], $0x1400, $0x38;
	[tilespmem:$0x1FD78] =	vst v63  }
0x44: {  	_ =	swait.ge [sflag:s3], $0x1400  }
0x45: {  	[sflag:s3] =	ssyncset.done $0x0  }
0x46: {  	s17 =	rddreg [dreg:$0x12];
	[sflag:s3] =	ssyncadd.s32 $0xFFFFEC00  }
0x47: {  	[spmem:s17] =	stream.linear.scatter [tilespmem:s1], [sflag:$0x4], $0x1400, $0x38;
	[tilespmem:$0x1FD78] =	vst v63  }
0x48: {  	_ =	swait.ge [sflag:s3], $0x1400  }
0x49: {  	[sflag:s3] =	ssyncset.done $0x0  }
0x4a: {  	s18 =	rddreg [dreg:$0x13];
	[sflag:s3] =	ssyncadd.s32 $0xFFFFEC00  }
0x4b: {  	[spmem:s18] =	stream.linear.scatter [tilespmem:s1], [sflag:$0x4], $0x1400, $0x38;
	[tilespmem:$0x1FD78] =	vst v63  }
0x4c: {  	_ =	swait.ge [sflag:s3], $0x1400  }
0x4d: {  	[sflag:s3] =	ssyncset.done $0x0  }
0x4e: {  	[sflag:s3] =	ssyncadd.s32 $0xFFFFEC00  }
0x4f: {  	[spmem:s23] =	stream.linear.scatter [tilespmem:s1], [sflag:$0x4], $0x1400, $0x38;
	[tilespmem:$0x1FD78] =	vst v63  }
0x50: {  	_ =	swait.ge [sflag:s3], $0x1400  }
0x51: {  	[sflag:s3] =	ssyncset.done $0x0  }
0x52: {  	[sflag:s3] =	ssyncadd.s32 $0xFFFFEC00  }
0x53: {  	[spmem:s24] =	stream.linear.scatter [tilespmem:s1], [sflag:$0x4], $0x1400, $0x38;
	[tilespmem:$0x1FD78] =	vst v63  }
0x54: {  	_ =	swait.ge [sflag:s3], $0x1400  }
0x55: {  	[sflag:s3] =	ssyncset.done $0x0  }
0x56: {  	[sflag:s3] =	ssyncadd.s32 $0xFFFFEC00  }
0x57: {  	[spmem:s26] =	stream.linear.scatter [tilespmem:s1], [sflag:$0x4], $0x1400, $0x38;
	[tilespmem:$0x1FD78] =	vst v63  }
0x58: {  	_ =	swait.ge [sflag:s3], $0x1400  }
0x59: {  	[sflag:s3] =	ssyncset.done $0x0  }
0x5a: {  	[sflag:s3] =	ssyncadd.s32 $0xFFFFEC00  }
0x5b: {  	[spmem:s28] =	stream.linear.scatter [tilespmem:s1], [sflag:$0x4], $0x1400, $0x38;
	[tilespmem:$0x1FD78] =	vst v63  }
0x5c: {  	_ =	swait.ge [sflag:s3], $0x1400  }
0x5d: {  	[sflag:s3] =	ssyncset.done $0x0  }
0x5e: {  	[sflag:s3] =	ssyncadd.s32 $0xFFFFEC00  }
0x5f: {  	[spmem:s29] =	stream.linear.scatter [tilespmem:s1], [sflag:$0x4], $0x1400, $0x38;
	[tilespmem:$0x1FD78] =	vst v63  }
0x60: {  	_ =	swait.ge [sflag:s3], $0x1400  }
0x61: {  	[sflag:s3] =	ssyncset.done $0x0  }
0x62: {  	[sflag:s3] =	ssyncadd.s32 $0xFFFFEC00  }
0x63: {  	[spmem:s30] =	stream.linear.scatter [tilespmem:s1], [sflag:$0x4], $0x1400, $0x38;
	[tilespmem:$0x1FD78] =	vst v63  }
0x64: {  	_ =	swait.ge [sflag:s3], $0x1400  }
0x65: {  	[sflag:s3] =	ssyncset.done $0x0  }
0x66: {  	[sflag:s3] =	ssyncadd.s32 $0xFFFFEC00  }
0x67: {  	[spmem:s31] =	stream.linear.scatter [tilespmem:s1], [sflag:$0x4], $0x1400, $0x38;
	[tilespmem:$0x1FD78] =	vst v63  }
0x68: {  	_ =	swait.ge [sflag:s3], $0x1400  }
0x69: {  	[sflag:s3] =	ssyncset.done $0x0  }
0x6a: {  	s19 =	rddreg [dreg:$0x5];
	[sflag:s3] =	ssyncadd.s32 $0xFFFFEC00  }
0x6b: {  	[spmem:s19] =	stream.linear.scatter [tilespmem:s1], [sflag:$0x4], $0x1000, $0x38;
	[tilespmem:$0x1FD78] =	vst v63  }
0x6c: {  	_ =	swait.ge [sflag:s3], $0x1000  }
0x6d: {  	[sflag:s3] =	ssyncset.done $0x0  }
0x6e: {  	[sflag:s3] =	ssyncadd.s32 $0xFFFFF000  }
0x6f: {  	[tilespmem:$0x1F800] =	vst v1  }
0x70: {  	[tilespmem:$0x1F810] =	vst v1  }
0x71: {  	[tilespmem:$0x1F820] =	vst v1  }
0x72: {  	[tilespmem:$0x1F830] =	vst v1  }
0x73: {  	[tilespmem:$0x1F840] =	vst v1  }
0x74: {  	[tilespmem:$0x1F850] =	vst v1  }
0x75: {  	[tilespmem:$0x1F860] =	vst v1  }
0x76: {  	[tilespmem:$0x1F870] =	vst v1  }
0x77: {  	[tilespmem:$0x1F880] =	vst v0  }
0x78: {  	[tilespmem:$0x1F890] =	vst v0  }
0x79: {  	[tilespmem:$0x1F8A0] =	vst v0  }
0x7a: {  	[tilespmem:$0x1F8B0] =	vst v0  }
0x7b: {  	[tilespmem:$0x1F8C0] =	vst v0  }
0x7c: {  	[tilespmem:$0x1F8D0] =	vst v0  }
0x7d: {  	[tilespmem:$0x1F8E0] =	vst v0  }
0x7e: {  	[tilespmem:$0x1F8F0] =	vst v0  }
0x7f: {  	[tilespmem:$0x1F900] =	vst v0  }
0x80: {  	[tilespmem:$0x1F910] =	vst v0  }
0x81: {  	[tilespmem:$0x1F920] =	vst v0  }
0x82: {  	[tilespmem:$0x1F930] =	vst v0  }
0x83: {  	[tilespmem:$0x1F940] =	vst v0  }
0x84: {  	[tilespmem:$0x1F950] =	vst v0  }
0x85: {  	[tilespmem:$0x1F960] =	vst v0  }
0x86: {  	[tilespmem:$0x1F970] =	vst v0  }
0x87: {  	[tilespmem:$0x1F980] =	vst v0  }
0x88: {  	[tilespmem:$0x1F990] =	vst v0  }
0x89: {  	[tilespmem:$0x1F9A0] =	vst v0  }
0x8a: {  	[tilespmem:$0x1F9B0] =	vst v0  }
0x8b: {  	[tilespmem:$0x1F9C0] =	vst v0  }
0x8c: {  	[tilespmem:$0x1F9D0] =	vst v0  }
0x8d: {  	[tilespmem:$0x1F9E0] =	vst v0  }
0x8e: {  	[tilespmem:$0x1F9F0] =	vst v0  }
0x8f: {  	[tilespmem:$0x1FA00] =	vst v0  }
0x90: {  	[tilespmem:$0x1FA10] =	vst v0  }
0x91: {  	[tilespmem:$0x1FA20] =	vst v0  }
0x92: {  	[tilespmem:$0x1FA30] =	vst v0  }
0x93: {  	[tilespmem:$0x1FA40] =	vst v0  }
0x94: {  	[tilespmem:$0x1FA50] =	vst v0  }
0x95: {  	[tilespmem:$0x1FA60] =	vst v0  }
0x96: {  	[tilespmem:$0x1FA70] =	vst v0  }
0x97: {  	[tilespmem:$0x1FA80] =	vst v0  }
0x98: {  	[tilespmem:$0x1FA90] =	vst v0  }
0x99: {  	[tilespmem:$0x1FAA0] =	vst v0  }
0x9a: {  	[tilespmem:$0x1FAB0] =	vst v0  }
0x9b: {  	[tilespmem:$0x1FAC0] =	vst v0  }
0x9c: {  	[tilespmem:$0x1FAD0] =	vst v0  }
0x9d: {  	[tilespmem:$0x1FAE0] =	vst v0  }
0x9e: {  	s16 =	simm.s32 $0x1F880;
	s20 =	rddreg [dreg:$0x6];
	[tilespmem:$0x1FAF0] =	vst v0  }
0x9f: {  	[spmem:s20] =	stream.linear.scatter [tilespmem:s16], [sflag:$0x4], $0x278, $0x38;
	[tilespmem:$0x1FD78] =	vst v63  }
0xa0: {  	_ =	swait.ge [sflag:s3], $0x278  }
0xa1: {  	[sflag:s3] =	ssyncset.done $0x0  }
0xa2: {  	[sflag:s3] =	ssyncadd.s32 $0xFFFFFD88  }
0xa3: {  	s15 =	simm.s32 $0x0;
	[bflag:$0x0] =	sbarrier.arrive $0xFFFF  }
0xa4: {  	[tilespmem:s15], [sflag:$0x4] =	stream.linear.gather [hbm4b:s8+s15], $0x1400, $0x38;
	[tilespmem:$0x1FD78] =	vst v63  }
0xa5: {  	_ =	swait.ge [sflag:s3], $0x1400  }
0xa6: {  	[sflag:s3] =	ssyncset.done $0x0  }
0xa7: {  	s17 =	simm.s32 $0x1400;
	s21 =	rddreg [dreg:$0x7];
	[sflag:s3] =	ssyncadd.s32 $0xFFFFEC00  }
0xa8: {  	[tilespmem:s17], [sflag:$0x4] =	stream.linear.gather [hbm4b:s21+s15], $0x1400, $0x38;
	[tilespmem:$0x1FD78] =	vst v63  }
0xa9: {  	_ =	swait.ge [sflag:s3], $0x1400  }
0xaa: {  	[sflag:s3] =	ssyncset.done $0x0  }
0xab: {  	s22 =	simm.s32 $0x2800;
	[sflag:s3] =	ssyncadd.s32 $0xFFFFEC00  }
0xac: {  	[tilespmem:s22], [sflag:$0x1] =	stream.indirect.gather [hbm4b:s5+s9], $0x40, s15, s9, $0xb8;
	[tilespmem:$0x1FD78] =	vst v63  }
.LBB2_4:
0xad: {  	s17 =	sshll.u32 s15, $0xA;
	_ =	swait.ge [sflag:s11], $0x2000  }
0xae: {  	p1 =	seq.s32 s15, $0x0;
	[sflag:s11] =	ssyncset.done $0x0;
	s16 =	sor.u32 $0x200, s17  }
0xaf: {  	s18 =	simm.s32 @!p1 $0x2;
	[sflag:s11] =	ssyncadd.s32 $0xFFFFE000;
	s16 =	sshrl.u32 s16, $0x2  }
0xb0: {  	[tilespmem:s12], [sflag:$0x1] =	stream.indirect.gather [hbm4b:s5+s9], $0x40, s16, s9, $0xb8;
	[tilespmem:$0x1FD78] =	vst v63  }
0xb1: {  	_ =	swait.ge @!p1 [sflag:s18], $0x4000  }
0xb2: {  	[sflag:s18] =	ssyncset.done @!p1 $0x0  }
0xb3: {  	[sflag:s18] =	ssyncadd.s32 @!p1 $0xFFFFC000;
	s18 =	simm.s32 @!p1 $0x3  }
0xb4: {  	_ =	swait.ge @!p1 [sflag:s18], $0x80  }
0xb5: {  	[sflag:s18] =	ssyncset.done @!p1 $0x0  }
0xb6: {  	s19 =	simm.s32 $0x0;
	[sflag:s18] =	ssyncadd.s32 @!p1 $0xFFFFFF80  }
0xb7: {  	v2 =	vld [tilespmem:s19+$0x2800];
	_ =	sdelay $0x4  }
0xb8: {  	v3 =	vshll.u32 v2, $0x10;
	v2 =	vshra.s32 v2, $0x10  }
0xb9: {  	v3 =	vshra.s32 v3, $0x10;
	v2 =	vcvt.s32.f32 v2  }
0xba: {  	s18 =	simm.s32 $0x6880;
	v3 =	vcvt.s32.f32 v3  }
0xbb: {  	[tilespmem:s18+$0xFFFFFFC0] =	vst v2  }
0xbc: {  	[tilespmem:s18+$0xFFFFFF80] =	vst v3  }
0xbd: {  	v2 =	vld [tilespmem:s19+$0x2810];
	_ =	sdelay $0x4  }
0xbe: {  	v3 =	vshll.u32 v2, $0x10;
	v2 =	vshra.s32 v2, $0x10  }
0xbf: {  	v3 =	vshra.s32 v3, $0x10;
	v2 =	vcvt.s32.f32 v2  }
0xc0: {  	v3 =	vcvt.s32.f32 v3  }
0xc1: {  	[tilespmem:s18+$0xFFFFFFD0] =	vst v2  }
0xc2: {  	[tilespmem:s18+$0xFFFFFF90] =	vst v3  }
0xc3: {  	v2 =	vld [tilespmem:s19+$0x2820];
	_ =	sdelay $0x4  }
0xc4: {  	v3 =	vshll.u32 v2, $0x10;
	v2 =	vshra.s32 v2, $0x10  }
0xc5: {  	v3 =	vshra.s32 v3, $0x10;
	v2 =	vcvt.s32.f32 v2  }
0xc6: {  	v3 =	vcvt.s32.f32 v3  }
0xc7: {  	[tilespmem:s18+$0xFFFFFFE0] =	vst v2  }
0xc8: {  	[tilespmem:s18+$0xFFFFFFA0] =	vst v3  }
0xc9: {  	v2 =	vld [tilespmem:s19+$0x2830];
	_ =	sdelay $0x4  }
0xca: {  	v3 =	vshll.u32 v2, $0x10;
	v2 =	vshra.s32 v2, $0x10  }
0xcb: {  	v3 =	vshra.s32 v3, $0x10;
	v2 =	vcvt.s32.f32 v2  }
0xcc: {  	v3 =	vcvt.s32.f32 v3  }
0xcd: {  	[tilespmem:s18+$0xFFFFFFF0] =	vst v2  }
0xce: {  	[tilespmem:s18+$0xFFFFFFB0] =	vst v3  }
0xcf: {  	v2 =	vld [tilespmem:s19+$0x2840];
	_ =	sdelay $0x4  }
0xd0: {  	v3 =	vshll.u32 v2, $0x10;
	v2 =	vshra.s32 v2, $0x10  }
0xd1: {  	v3 =	vshra.s32 v3, $0x10;
	v2 =	vcvt.s32.f32 v2  }
0xd2: {  	v3 =	vcvt.s32.f32 v3  }
0xd3: {  	[tilespmem:s18+$0x40] =	vst v2  }
0xd4: {  	[tilespmem:s18+$0x0] =	vst v3  }
0xd5: {  	v2 =	vld [tilespmem:s19+$0x2850];
	_ =	sdelay $0x4  }
0xd6: {  	v3 =	vshll.u32 v2, $0x10;
	v2 =	vshra.s32 v2, $0x10  }
0xd7: {  	v3 =	vshra.s32 v3, $0x10;
	v2 =	vcvt.s32.f32 v2  }
0xd8: {  	v3 =	vcvt.s32.f32 v3  }
0xd9: {  	[tilespmem:s18+$0x50] =	vst v2  }
0xda: {  	[tilespmem:s18+$0x10] =	vst v3  }
0xdb: {  	v2 =	vld [tilespmem:s19+$0x2860];
	_ =	sdelay $0x4  }
0xdc: {  	v3 =	vshll.u32 v2, $0x10;
	v2 =	vshra.s32 v2, $0x10  }
0xdd: {  	v3 =	vshra.s32 v3, $0x10;
	v2 =	vcvt.s32.f32 v2  }
0xde: {  	v3 =	vcvt.s32.f32 v3  }
0xdf: {  	[tilespmem:s18+$0x60] =	vst v2  }
0xe0: {  	[tilespmem:s18+$0x20] =	vst v3  }
0xe1: {  	v2 =	vld [tilespmem:s19+$0x2870];
	_ =	sdelay $0x4  }
0xe2: {  	v3 =	vshra.s32 v2, $0x10  }
0xe3: {  	v2 =	vshll.u32 v2, $0x10;
	v3 =	vcvt.s32.f32 v3  }
0xe4: {  	v2 =	vshra.s32 v2, $0x10  }
0xe5: {  	s20 =	simm.s32 $0x400;
	s19 =	simm.s32 $0x200;
	v2 =	vcvt.s32.f32 v2;
	[tilespmem:s18+$0x70] =	vst v3  }
.LBB2_5:
0xe6: {  	s21 =	sshra.s32 s19, $0x2  }
0xe7: {  	[tilespmem:s18+$0x30] =	vst v2;
	s18 =	sadd.s32 $0x100, s18;
	s19 =	smov.u32 s20;
	s22 =	sadd.s32 $0x200, s20  }
0xe8: {  	p1 =	sne.s32 s20, $0x7E00;
	v2 =	vld [tilespmem:s21+$0x2800];
	_ =	sdelay $0x4  }
0xe9: {  	v3 =	vshll.u32 v2, $0x10;
	v2 =	vshra.s32 v2, $0x10  }
0xea: {  	v3 =	vshra.s32 v3, $0x10;
	v2 =	vcvt.s32.f32 v2  }
0xeb: {  	v3 =	vcvt.s32.f32 v3  }
0xec: {  	[tilespmem:s18+$0xFFFFFFC0] =	vst v2  }
0xed: {  	[tilespmem:s18+$0xFFFFFF80] =	vst v3  }
0xee: {  	v2 =	vld [tilespmem:s21+$0x2810];
	_ =	sdelay $0x4  }
0xef: {  	v3 =	vshll.u32 v2, $0x10;
	v2 =	vshra.s32 v2, $0x10  }
0xf0: {  	v3 =	vshra.s32 v3, $0x10;
	v2 =	vcvt.s32.f32 v2  }
0xf1: {  	v3 =	vcvt.s32.f32 v3  }
0xf2: {  	[tilespmem:s18+$0xFFFFFFD0] =	vst v2  }
0xf3: {  	[tilespmem:s18+$0xFFFFFF90] =	vst v3  }
0xf4: {  	v2 =	vld [tilespmem:s21+$0x2820];
	_ =	sdelay $0x4  }
0xf5: {  	v3 =	vshll.u32 v2, $0x10;
	v2 =	vshra.s32 v2, $0x10  }
0xf6: {  	v3 =	vshra.s32 v3, $0x10;
	v2 =	vcvt.s32.f32 v2  }
0xf7: {  	v3 =	vcvt.s32.f32 v3  }
0xf8: {  	[tilespmem:s18+$0xFFFFFFE0] =	vst v2  }
0xf9: {  	[tilespmem:s18+$0xFFFFFFA0] =	vst v3  }
0xfa: {  	v2 =	vld [tilespmem:s21+$0x2830];
	_ =	sdelay $0x4  }
0xfb: {  	v3 =	vshll.u32 v2, $0x10;
	v2 =	vshra.s32 v2, $0x10  }
0xfc: {  	v3 =	vshra.s32 v3, $0x10;
	v2 =	vcvt.s32.f32 v2  }
0xfd: {  	v3 =	vcvt.s32.f32 v3  }
0xfe: {  	[tilespmem:s18+$0xFFFFFFF0] =	vst v2  }
0xff: {  	[tilespmem:s18+$0xFFFFFFB0] =	vst v3  }
0x100: {  	v2 =	vld [tilespmem:s21+$0x2840];
	_ =	sdelay $0x4  }
0x101: {  	v3 =	vshll.u32 v2, $0x10;
	v2 =	vshra.s32 v2, $0x10  }
0x102: {  	v3 =	vshra.s32 v3, $0x10;
	v2 =	vcvt.s32.f32 v2  }
0x103: {  	v3 =	vcvt.s32.f32 v3  }
0x104: {  	[tilespmem:s18+$0x40] =	vst v2  }
0x105: {  	[tilespmem:s18+$0x0] =	vst v3  }
0x106: {  	v2 =	vld [tilespmem:s21+$0x2850];
	_ =	sdelay $0x4  }
0x107: {  	v3 =	vshll.u32 v2, $0x10;
	v2 =	vshra.s32 v2, $0x10  }
0x108: {  	v3 =	vshra.s32 v3, $0x10;
	v2 =	vcvt.s32.f32 v2  }
0x109: {  	v3 =	vcvt.s32.f32 v3  }
0x10a: {  	[tilespmem:s18+$0x50] =	vst v2  }
0x10b: {  	[tilespmem:s18+$0x10] =	vst v3  }
0x10c: {  	v2 =	vld [tilespmem:s21+$0x2860];
	_ =	sdelay $0x4  }
0x10d: {  	v3 =	vshll.u32 v2, $0x10;
	v2 =	vshra.s32 v2, $0x10  }
0x10e: {  	v3 =	vshra.s32 v3, $0x10;
	v2 =	vcvt.s32.f32 v2  }
0x10f: {  	v3 =	vcvt.s32.f32 v3  }
0x110: {  	[tilespmem:s18+$0x60] =	vst v2  }
0x111: {  	[tilespmem:s18+$0x20] =	vst v3  }
0x112: {  	v2 =	vld [tilespmem:s21+$0x2870];
	_ =	sdelay $0x3  }
.Ltmp1:
0x113: {  	(pc) =	sbr.rel @p1 .LBB2_5-.Ltmp1, $4  }
0x114: {  	v3 =	vshll.u32 v2, $0x10;
	v2 =	vshra.s32 v2, $0x10  }
0x115: {  	v3 =	vshra.s32 v3, $0x10;
	v4 =	vcvt.s32.f32 v2  }
0x116: {  	v2 =	vcvt.s32.f32 v3  }
0x117: {  	s20 =	smov.u32 s22;
	[tilespmem:s18+$0x70] =	vst v4  }
0x118: {  	s19 =	sshra.s32 s19, $0x2;
	[tilespmem:s18+$0x30] =	vst v2  }
0x119: {  	v2 =	vld [tilespmem:s19+$0x2800];
	_ =	sdelay $0x4  }
0x11a: {  	v3 =	vshll.u32 v2, $0x10;
	v2 =	vshra.s32 v2, $0x10  }
0x11b: {  	v3 =	vshra.s32 v3, $0x10;
	v2 =	vcvt.s32.f32 v2  }
0x11c: {  	s22 =	sadd.s32 $0x100, s18;
	v3 =	vcvt.s32.f32 v3  }
0x11d: {  	[tilespmem:s22+$0xFFFFFFC0] =	vst v2  }
0x11e: {  	[tilespmem:s22+$0xFFFFFF80] =	vst v3  }
0x11f: {  	v2 =	vld [tilespmem:s19+$0x2810];
	_ =	sdelay $0x4  }
0x120: {  	v3 =	vshll.u32 v2, $0x10;
	v2 =	vshra.s32 v2, $0x10  }
0x121: {  	v3 =	vshra.s32 v3, $0x10;
	v2 =	vcvt.s32.f32 v2  }
0x122: {  	v3 =	vcvt.s32.f32 v3  }
0x123: {  	[tilespmem:s22+$0xFFFFFFD0] =	vst v2  }
0x124: {  	[tilespmem:s22+$0xFFFFFF90] =	vst v3  }
0x125: {  	v2 =	vld [tilespmem:s19+$0x2820];
	_ =	sdelay $0x4  }
0x126: {  	v3 =	vshll.u32 v2, $0x10;
	v2 =	vshra.s32 v2, $0x10  }
0x127: {  	v3 =	vshra.s32 v3, $0x10;
	v2 =	vcvt.s32.f32 v2  }
0x128: {  	v3 =	vcvt.s32.f32 v3  }
0x129: {  	[tilespmem:s22+$0xFFFFFFE0] =	vst v2  }
0x12a: {  	[tilespmem:s22+$0xFFFFFFA0] =	vst v3  }
0x12b: {  	v2 =	vld [tilespmem:s19+$0x2830];
	_ =	sdelay $0x4  }
0x12c: {  	v3 =	vshll.u32 v2, $0x10;
	v2 =	vshra.s32 v2, $0x10  }
0x12d: {  	v3 =	vshra.s32 v3, $0x10;
	v2 =	vcvt.s32.f32 v2  }
0x12e: {  	v3 =	vcvt.s32.f32 v3  }
0x12f: {  	[tilespmem:s22+$0xFFFFFFF0] =	vst v2  }
0x130: {  	[tilespmem:s22+$0xFFFFFFB0] =	vst v3  }
0x131: {  	v2 =	vld [tilespmem:s19+$0x2840];
	_ =	sdelay $0x4  }
0x132: {  	v3 =	vshll.u32 v2, $0x10;
	v2 =	vshra.s32 v2, $0x10  }
0x133: {  	v3 =	vshra.s32 v3, $0x10;
	v2 =	vcvt.s32.f32 v2  }
0x134: {  	v3 =	vcvt.s32.f32 v3  }
0x135: {  	[tilespmem:s22+$0x40] =	vst v2  }
0x136: {  	[tilespmem:s22+$0x0] =	vst v3  }
0x137: {  	v2 =	vld [tilespmem:s19+$0x2850];
	_ =	sdelay $0x4  }
0x138: {  	v3 =	vshll.u32 v2, $0x10;
	v2 =	vshra.s32 v2, $0x10  }
0x139: {  	v3 =	vshra.s32 v3, $0x10;
	v2 =	vcvt.s32.f32 v2  }
0x13a: {  	v3 =	vcvt.s32.f32 v3  }
0x13b: {  	[tilespmem:s22+$0x50] =	vst v2  }
0x13c: {  	[tilespmem:s22+$0x10] =	vst v3  }
0x13d: {  	v2 =	vld [tilespmem:s19+$0x2860];
	_ =	sdelay $0x4  }
0x13e: {  	v3 =	vshll.u32 v2, $0x10;
	v2 =	vshra.s32 v2, $0x10  }
0x13f: {  	v3 =	vshra.s32 v3, $0x10;
	v2 =	vcvt.s32.f32 v2  }
0x140: {  	v3 =	vcvt.s32.f32 v3  }
0x141: {  	[tilespmem:s22+$0x60] =	vst v2  }
0x142: {  	[tilespmem:s22+$0x20] =	vst v3  }
0x143: {  	v2 =	vld [tilespmem:s19+$0x2870];
	_ =	sdelay $0x4  }
0x144: {  	v3 =	vshll.u32 v2, $0x10;
	v2 =	vshra.s32 v2, $0x10  }
0x145: {  	v3 =	vshra.s32 v3, $0x10;
	v2 =	vcvt.s32.f32 v2  }
0x146: {  	v3 =	vcvt.s32.f32 v3  }
0x147: {  	s20 =	sshrl.u32 s17, $0x2;
	[tilespmem:s22+$0x70] =	vst v2  }
0x148: {  	s21 =	sadd.s32 $0x1400, s20;
	[tilespmem:s22+$0x30] =	vst v3  }
0x149: {  	[spmem:s0] =	stream.indirect.scatter.add.f32 [tilespmem:s13], [sflag:$0x2], $0x80, s21, s9, $0xb8;
	[tilespmem:$0x1FD78] =	vst v63  }
0x14a: {  	_ = 	snop  }
0x14b: {  	[spmem:s2] =	stream.indirect.scatter.add.f32 [tilespmem:s7], [sflag:$0x3], $0x1, s21, s9, $0xb8;
	[tilespmem:$0x1FD78] =	vst v63  }
0x14c: {  	p1 =	seq.s32 s15, $0x13;
	_ =	swait.ge [sflag:s11], $0x2000  }
0x14d: {  	s17 =	sshrl.u32 @!p1 s17, $0x2;
	s18 =	simm.s32 @!p1 $0x80;
	[sflag:s11] =	ssyncset.done $0x0  }
0x14e: {  	s17 =	sadd.s32 @!p1 $0x100, s17;
	s19 =	simm.s32 @!p1 $0x2800;
	[sflag:s11] =	ssyncadd.s32 $0xFFFFE000  }
0x14f: {  	[tilespmem:s19], [sflag:$0x1] =	stream.indirect.gather @!p1 [hbm4b:s5+s18], $0x40, s17, s18, $0xb8;
	[tilespmem:$0x1FD78] =	vst v63  }
0x150: {  	_ =	swait.ge [sflag:s14], $0x4000  }
0x151: {  	[sflag:s14] =	ssyncset.done $0x0  }
0x152: {  	[sflag:s14] =	ssyncadd.s32 $0xFFFFC000  }
0x153: {  	_ =	swait.ge [sflag:s10], $0x80  }
0x154: {  	[sflag:s10] =	ssyncset.done $0x0  }
0x155: {  	s22 =	simm.s32 $0x0;
	[sflag:s10] =	ssyncadd.s32 $0xFFFFFF80  }
0x156: {  	v2 =	vld [tilespmem:s22+$0x4800];
	_ =	sdelay $0x4  }
0x157: {  	v3 =	vshll.u32 v2, $0x10;
	v2 =	vshra.s32 v2, $0x10  }
0x158: {  	v3 =	vshra.s32 v3, $0x10;
	v2 =	vcvt.s32.f32 v2  }
0x159: {  	s17 =	simm.s32 $0x6880;
	v3 =	vcvt.s32.f32 v3  }
0x15a: {  	[tilespmem:s17+$0xFFFFFFC0] =	vst v2  }
0x15b: {  	[tilespmem:s17+$0xFFFFFF80] =	vst v3  }
0x15c: {  	v2 =	vld [tilespmem:s22+$0x4810];
	_ =	sdelay $0x4  }
0x15d: {  	v3 =	vshll.u32 v2, $0x10;
	v2 =	vshra.s32 v2, $0x10  }
0x15e: {  	v3 =	vshra.s32 v3, $0x10;
	v2 =	vcvt.s32.f32 v2  }
0x15f: {  	v3 =	vcvt.s32.f32 v3  }
0x160: {  	[tilespmem:s17+$0xFFFFFFD0] =	vst v2  }
0x161: {  	[tilespmem:s17+$0xFFFFFF90] =	vst v3  }
0x162: {  	v2 =	vld [tilespmem:s22+$0x4820];
	_ =	sdelay $0x4  }
0x163: {  	v3 =	vshll.u32 v2, $0x10;
	v2 =	vshra.s32 v2, $0x10  }
0x164: {  	v3 =	vshra.s32 v3, $0x10;
	v2 =	vcvt.s32.f32 v2  }
0x165: {  	v3 =	vcvt.s32.f32 v3  }
0x166: {  	[tilespmem:s17+$0xFFFFFFE0] =	vst v2  }
0x167: {  	[tilespmem:s17+$0xFFFFFFA0] =	vst v3  }
0x168: {  	v2 =	vld [tilespmem:s22+$0x4830];
	_ =	sdelay $0x4  }
0x169: {  	v3 =	vshll.u32 v2, $0x10;
	v2 =	vshra.s32 v2, $0x10  }
0x16a: {  	v3 =	vshra.s32 v3, $0x10;
	v2 =	vcvt.s32.f32 v2  }
0x16b: {  	v3 =	vcvt.s32.f32 v3  }
0x16c: {  	[tilespmem:s17+$0xFFFFFFF0] =	vst v2  }
0x16d: {  	[tilespmem:s17+$0xFFFFFFB0] =	vst v3  }
0x16e: {  	v2 =	vld [tilespmem:s22+$0x4840];
	_ =	sdelay $0x4  }
0x16f: {  	v3 =	vshll.u32 v2, $0x10;
	v2 =	vshra.s32 v2, $0x10  }
0x170: {  	v3 =	vshra.s32 v3, $0x10;
	v2 =	vcvt.s32.f32 v2  }
0x171: {  	v3 =	vcvt.s32.f32 v3  }
0x172: {  	[tilespmem:s17+$0x40] =	vst v2  }
0x173: {  	[tilespmem:s17+$0x0] =	vst v3  }
0x174: {  	v2 =	vld [tilespmem:s22+$0x4850];
	_ =	sdelay $0x4  }
0x175: {  	v3 =	vshll.u32 v2, $0x10;
	v2 =	vshra.s32 v2, $0x10  }
0x176: {  	v3 =	vshra.s32 v3, $0x10;
	v2 =	vcvt.s32.f32 v2  }
0x177: {  	v3 =	vcvt.s32.f32 v3  }
0x178: {  	[tilespmem:s17+$0x50] =	vst v2  }
0x179: {  	[tilespmem:s17+$0x10] =	vst v3  }
0x17a: {  	v2 =	vld [tilespmem:s22+$0x4860];
	_ =	sdelay $0x4  }
0x17b: {  	v3 =	vshll.u32 v2, $0x10;
	v2 =	vshra.s32 v2, $0x10  }
0x17c: {  	v3 =	vshra.s32 v3, $0x10;
	v2 =	vcvt.s32.f32 v2  }
0x17d: {  	v3 =	vcvt.s32.f32 v3  }
0x17e: {  	[tilespmem:s17+$0x60] =	vst v2  }
0x17f: {  	[tilespmem:s17+$0x20] =	vst v3  }
0x180: {  	v2 =	vld [tilespmem:s22+$0x4870];
	_ =	sdelay $0x4  }
0x181: {  	v3 =	vshra.s32 v2, $0x10  }
0x182: {  	v2 =	vshll.u32 v2, $0x10;
	v3 =	vcvt.s32.f32 v3  }
0x183: {  	v2 =	vshra.s32 v2, $0x10  }
0x184: {  	s21 =	simm.s32 $0x400;
	s18 =	simm.s32 $0x200;
	v2 =	vcvt.s32.f32 v2;
	[tilespmem:s17+$0x70] =	vst v3  }
.LBB2_7:
0x185: {  	s20 =	sshra.s32 s18, $0x2  }
0x186: {  	[tilespmem:s17+$0x30] =	vst v2;
	s17 =	sadd.s32 $0x100, s17;
	s18 =	smov.u32 s21;
	s19 =	sadd.s32 $0x200, s21  }
0x187: {  	p1 =	sne.s32 s21, $0x7E00;
	v2 =	vld [tilespmem:s20+$0x4800];
	_ =	sdelay $0x4  }
0x188: {  	v3 =	vshll.u32 v2, $0x10;
	v2 =	vshra.s32 v2, $0x10  }
0x189: {  	v3 =	vshra.s32 v3, $0x10;
	v2 =	vcvt.s32.f32 v2  }
0x18a: {  	v3 =	vcvt.s32.f32 v3  }
0x18b: {  	[tilespmem:s17+$0xFFFFFFC0] =	vst v2  }
0x18c: {  	[tilespmem:s17+$0xFFFFFF80] =	vst v3  }
0x18d: {  	v2 =	vld [tilespmem:s20+$0x4810];
	_ =	sdelay $0x4  }
0x18e: {  	v3 =	vshll.u32 v2, $0x10;
	v2 =	vshra.s32 v2, $0x10  }
0x18f: {  	v3 =	vshra.s32 v3, $0x10;
	v2 =	vcvt.s32.f32 v2  }
0x190: {  	v3 =	vcvt.s32.f32 v3  }
0x191: {  	[tilespmem:s17+$0xFFFFFFD0] =	vst v2  }
0x192: {  	[tilespmem:s17+$0xFFFFFF90] =	vst v3  }
0x193: {  	v2 =	vld [tilespmem:s20+$0x4820];
	_ =	sdelay $0x4  }
0x194: {  	v3 =	vshll.u32 v2, $0x10;
	v2 =	vshra.s32 v2, $0x10  }
0x195: {  	v3 =	vshra.s32 v3, $0x10;
	v2 =	vcvt.s32.f32 v2  }
0x196: {  	v3 =	vcvt.s32.f32 v3  }
0x197: {  	[tilespmem:s17+$0xFFFFFFE0] =	vst v2  }
0x198: {  	[tilespmem:s17+$0xFFFFFFA0] =	vst v3  }
0x199: {  	v2 =	vld [tilespmem:s20+$0x4830];
	_ =	sdelay $0x4  }
0x19a: {  	v3 =	vshll.u32 v2, $0x10;
	v2 =	vshra.s32 v2, $0x10  }
0x19b: {  	v3 =	vshra.s32 v3, $0x10;
	v2 =	vcvt.s32.f32 v2  }
0x19c: {  	v3 =	vcvt.s32.f32 v3  }
0x19d: {  	[tilespmem:s17+$0xFFFFFFF0] =	vst v2  }
0x19e: {  	[tilespmem:s17+$0xFFFFFFB0] =	vst v3  }
0x19f: {  	v2 =	vld [tilespmem:s20+$0x4840];
	_ =	sdelay $0x4  }
0x1a0: {  	v3 =	vshll.u32 v2, $0x10;
	v2 =	vshra.s32 v2, $0x10  }
0x1a1: {  	v3 =	vshra.s32 v3, $0x10;
	v2 =	vcvt.s32.f32 v2  }
0x1a2: {  	v3 =	vcvt.s32.f32 v3  }
0x1a3: {  	[tilespmem:s17+$0x40] =	vst v2  }
0x1a4: {  	[tilespmem:s17+$0x0] =	vst v3  }
0x1a5: {  	v2 =	vld [tilespmem:s20+$0x4850];
	_ =	sdelay $0x4  }
0x1a6: {  	v3 =	vshll.u32 v2, $0x10;
	v2 =	vshra.s32 v2, $0x10  }
0x1a7: {  	v3 =	vshra.s32 v3, $0x10;
	v2 =	vcvt.s32.f32 v2  }
0x1a8: {  	v3 =	vcvt.s32.f32 v3  }
0x1a9: {  	[tilespmem:s17+$0x50] =	vst v2  }
0x1aa: {  	[tilespmem:s17+$0x10] =	vst v3  }
0x1ab: {  	v2 =	vld [tilespmem:s20+$0x4860];
	_ =	sdelay $0x4  }
0x1ac: {  	v3 =	vshll.u32 v2, $0x10;
	v2 =	vshra.s32 v2, $0x10  }
0x1ad: {  	v3 =	vshra.s32 v3, $0x10;
	v2 =	vcvt.s32.f32 v2  }
0x1ae: {  	v3 =	vcvt.s32.f32 v3  }
0x1af: {  	[tilespmem:s17+$0x60] =	vst v2  }
0x1b0: {  	[tilespmem:s17+$0x20] =	vst v3  }
0x1b1: {  	v2 =	vld [tilespmem:s20+$0x4870];
	_ =	sdelay $0x3  }
.Ltmp2:
0x1b2: {  	(pc) =	sbr.rel @p1 .LBB2_7-.Ltmp2, $4  }
0x1b3: {  	v3 =	vshll.u32 v2, $0x10;
	v2 =	vshra.s32 v2, $0x10  }
0x1b4: {  	v3 =	vshra.s32 v3, $0x10;
	v4 =	vcvt.s32.f32 v2  }
0x1b5: {  	v2 =	vcvt.s32.f32 v3  }
0x1b6: {  	s21 =	smov.u32 s19;
	[tilespmem:s17+$0x70] =	vst v4  }
0x1b7: {  	s18 =	sshra.s32 s18, $0x2;
	[tilespmem:s17+$0x30] =	vst v2  }
0x1b8: {  	v2 =	vld [tilespmem:s18+$0x4800];
	_ =	sdelay $0x4  }
0x1b9: {  	v3 =	vshll.u32 v2, $0x10;
	v2 =	vshra.s32 v2, $0x10  }
0x1ba: {  	v3 =	vshra.s32 v3, $0x10;
	v2 =	vcvt.s32.f32 v2  }
0x1bb: {  	s22 =	sadd.s32 $0x100, s17;
	v3 =	vcvt.s32.f32 v3  }
0x1bc: {  	[tilespmem:s22+$0xFFFFFFC0] =	vst v2  }
0x1bd: {  	[tilespmem:s22+$0xFFFFFF80] =	vst v3  }
0x1be: {  	v2 =	vld [tilespmem:s18+$0x4810];
	_ =	sdelay $0x4  }
0x1bf: {  	v3 =	vshll.u32 v2, $0x10;
	v2 =	vshra.s32 v2, $0x10  }
0x1c0: {  	v3 =	vshra.s32 v3, $0x10;
	v2 =	vcvt.s32.f32 v2  }
0x1c1: {  	v3 =	vcvt.s32.f32 v3  }
0x1c2: {  	[tilespmem:s22+$0xFFFFFFD0] =	vst v2  }
0x1c3: {  	[tilespmem:s22+$0xFFFFFF90] =	vst v3  }
0x1c4: {  	v2 =	vld [tilespmem:s18+$0x4820];
	_ =	sdelay $0x4  }
0x1c5: {  	v3 =	vshll.u32 v2, $0x10;
	v2 =	vshra.s32 v2, $0x10  }
0x1c6: {  	v3 =	vshra.s32 v3, $0x10;
	v2 =	vcvt.s32.f32 v2  }
0x1c7: {  	v3 =	vcvt.s32.f32 v3  }
0x1c8: {  	[tilespmem:s22+$0xFFFFFFE0] =	vst v2  }
0x1c9: {  	[tilespmem:s22+$0xFFFFFFA0] =	vst v3  }
0x1ca: {  	v2 =	vld [tilespmem:s18+$0x4830];
	_ =	sdelay $0x4  }
0x1cb: {  	v3 =	vshll.u32 v2, $0x10;
	v2 =	vshra.s32 v2, $0x10  }
0x1cc: {  	v3 =	vshra.s32 v3, $0x10;
	v2 =	vcvt.s32.f32 v2  }
0x1cd: {  	v3 =	vcvt.s32.f32 v3  }
0x1ce: {  	[tilespmem:s22+$0xFFFFFFF0] =	vst v2  }
0x1cf: {  	[tilespmem:s22+$0xFFFFFFB0] =	vst v3  }
0x1d0: {  	v2 =	vld [tilespmem:s18+$0x4840];
	_ =	sdelay $0x4  }
0x1d1: {  	v3 =	vshll.u32 v2, $0x10;
	v2 =	vshra.s32 v2, $0x10  }
0x1d2: {  	v3 =	vshra.s32 v3, $0x10;
	v2 =	vcvt.s32.f32 v2  }
0x1d3: {  	v3 =	vcvt.s32.f32 v3  }
0x1d4: {  	[tilespmem:s22+$0x40] =	vst v2  }
0x1d5: {  	[tilespmem:s22+$0x0] =	vst v3  }
0x1d6: {  	v2 =	vld [tilespmem:s18+$0x4850];
	_ =	sdelay $0x4  }
0x1d7: {  	v3 =	vshll.u32 v2, $0x10;
	v2 =	vshra.s32 v2, $0x10  }
0x1d8: {  	v3 =	vshra.s32 v3, $0x10;
	v2 =	vcvt.s32.f32 v2  }
0x1d9: {  	v3 =	vcvt.s32.f32 v3  }
0x1da: {  	[tilespmem:s22+$0x50] =	vst v2  }
0x1db: {  	[tilespmem:s22+$0x10] =	vst v3  }
0x1dc: {  	v2 =	vld [tilespmem:s18+$0x4860];
	_ =	sdelay $0x4  }
0x1dd: {  	v3 =	vshll.u32 v2, $0x10;
	v2 =	vshra.s32 v2, $0x10  }
0x1de: {  	v3 =	vshra.s32 v3, $0x10;
	v2 =	vcvt.s32.f32 v2  }
0x1df: {  	v3 =	vcvt.s32.f32 v3  }
0x1e0: {  	[tilespmem:s22+$0x60] =	vst v2  }
0x1e1: {  	[tilespmem:s22+$0x20] =	vst v3  }
0x1e2: {  	v2 =	vld [tilespmem:s18+$0x4870];
	_ =	sdelay $0x4  }
0x1e3: {  	v3 =	vshll.u32 v2, $0x10;
	v2 =	vshra.s32 v2, $0x10  }
0x1e4: {  	s15 =	sadd.s32 $0x1, s15;
	v3 =	vshra.s32 v3, $0x10;
	v2 =	vcvt.s32.f32 v2  }
0x1e5: {  	p1 =	sne.s32 s15, $0x14;
	v3 =	vcvt.s32.f32 v3  }
.Ltmp3:
0x1e6: {  	[tilespmem:s22+$0x70] =	vst v2;
	(pc) =	sbr.rel @p1 .LBB2_4-.Ltmp3, $4  }
0x1e7: {  	s16 =	sadd.s32 $0x1400, s16;
	[tilespmem:s22+$0x30] =	vst v3  }
0x1e8: {  	[spmem:s0] =	stream.indirect.scatter.add.f32 [tilespmem:s13], [sflag:$0x2], $0x80, s16, s9, $0xb8;
	[tilespmem:$0x1FD78] =	vst v63  }
0x1e9: {  	_ = 	snop  }
0x1ea: {  	[spmem:s2] =	stream.indirect.scatter.add.f32 [tilespmem:s7], [sflag:$0x3], $0x1, s16, s9, $0xb8;
	[tilespmem:$0x1FD78] =	vst v63  }
0x1eb: {  	_ =	swait.ge [sflag:s14], $0x4000  }
0x1ec: {  	[sflag:s14] =	ssyncset.done $0x0  }
0x1ed: {  	[sflag:s14] =	ssyncadd.s32 $0xFFFFC000  }
0x1ee: {  	_ =	swait.ge [sflag:s10], $0x80  }
0x1ef: {  	[sflag:s10] =	ssyncset.done $0x0  }
0x1f0: {  	s15 =	simm.s32 $0x0;
	s16 =	rddreg [dreg:$0x8];
	[sflag:s10] =	ssyncadd.s32 $0xFFFFFF80  }
0x1f1: {  	[tilespmem:s15], [sflag:$0x4] =	stream.linear.gather [hbm4b:s16+s15], $0x1400, $0x38;
	[tilespmem:$0x1FD78] =	vst v63  }
0x1f2: {  	_ =	swait.ge [sflag:s3], $0x1400  }
0x1f3: {  	[sflag:s3] =	ssyncset.done $0x0  }
0x1f4: {  	s17 =	simm.s32 $0x1400;
	s21 =	rddreg [dreg:$0x9];
	[sflag:s3] =	ssyncadd.s32 $0xFFFFEC00  }
0x1f5: {  	[tilespmem:s17], [sflag:$0x4] =	stream.linear.gather [hbm4b:s21+s15], $0x1400, $0x38;
	[tilespmem:$0x1FD78] =	vst v63  }
0x1f6: {  	_ =	swait.ge [sflag:s3], $0x1400  }
0x1f7: {  	[sflag:s3] =	ssyncset.done $0x0  }
0x1f8: {  	s22 =	simm.s32 $0x2800;
	[sflag:s3] =	ssyncadd.s32 $0xFFFFEC00  }
0x1f9: {  	[tilespmem:s22], [sflag:$0x1] =	stream.indirect.gather [hbm4b:s5+s9], $0x40, s15, s9, $0xb8;
	[tilespmem:$0x1FD78] =	vst v63  }
.LBB2_10:
0x1fa: {  	s17 =	sshll.u32 s15, $0xA;
	_ =	swait.ge [sflag:s11], $0x2000  }
0x1fb: {  	p1 =	seq.s32 s15, $0x0;
	[sflag:s11] =	ssyncset.done $0x0;
	s16 =	sor.u32 $0x200, s17  }
0x1fc: {  	s18 =	simm.s32 @!p1 $0x2;
	[sflag:s11] =	ssyncadd.s32 $0xFFFFE000;
	s16 =	sshrl.u32 s16, $0x2  }
0x1fd: {  	[tilespmem:s12], [sflag:$0x1] =	stream.indirect.gather [hbm4b:s5+s9], $0x40, s16, s9, $0xb8;
	[tilespmem:$0x1FD78] =	vst v63  }
0x1fe: {  	_ =	swait.ge @!p1 [sflag:s18], $0x4000  }
0x1ff: {  	[sflag:s18] =	ssyncset.done @!p1 $0x0  }
0x200: {  	[sflag:s18] =	ssyncadd.s32 @!p1 $0xFFFFC000;
	s18 =	simm.s32 @!p1 $0x3  }
0x201: {  	_ =	swait.ge @!p1 [sflag:s18], $0x80  }
0x202: {  	[sflag:s18] =	ssyncset.done @!p1 $0x0  }
0x203: {  	s19 =	simm.s32 $0x0;
	[sflag:s18] =	ssyncadd.s32 @!p1 $0xFFFFFF80  }
0x204: {  	v2 =	vld [tilespmem:s19+$0x2800];
	_ =	sdelay $0x4  }
0x205: {  	v3 =	vshll.u32 v2, $0x10;
	v2 =	vshra.s32 v2, $0x10  }
0x206: {  	v3 =	vshra.s32 v3, $0x10;
	v2 =	vcvt.s32.f32 v2  }
0x207: {  	s18 =	simm.s32 $0x6880;
	v3 =	vcvt.s32.f32 v3  }
0x208: {  	[tilespmem:s18+$0xFFFFFFC0] =	vst v2  }
0x209: {  	[tilespmem:s18+$0xFFFFFF80] =	vst v3  }
0x20a: {  	v2 =	vld [tilespmem:s19+$0x2810];
	_ =	sdelay $0x4  }
0x20b: {  	v3 =	vshll.u32 v2, $0x10;
	v2 =	vshra.s32 v2, $0x10  }
0x20c: {  	v3 =	vshra.s32 v3, $0x10;
	v2 =	vcvt.s32.f32 v2  }
0x20d: {  	v3 =	vcvt.s32.f32 v3  }
0x20e: {  	[tilespmem:s18+$0xFFFFFFD0] =	vst v2  }
0x20f: {  	[tilespmem:s18+$0xFFFFFF90] =	vst v3  }
0x210: {  	v2 =	vld [tilespmem:s19+$0x2820];
	_ =	sdelay $0x4  }
0x211: {  	v3 =	vshll.u32 v2, $0x10;
	v2 =	vshra.s32 v2, $0x10  }
0x212: {  	v3 =	vshra.s32 v3, $0x10;
	v2 =	vcvt.s32.f32 v2  }
0x213: {  	v3 =	vcvt.s32.f32 v3  }
0x214: {  	[tilespmem:s18+$0xFFFFFFE0] =	vst v2  }
0x215: {  	[tilespmem:s18+$0xFFFFFFA0] =	vst v3  }
0x216: {  	v2 =	vld [tilespmem:s19+$0x2830];
	_ =	sdelay $0x4  }
0x217: {  	v3 =	vshll.u32 v2, $0x10;
	v2 =	vshra.s32 v2, $0x10  }
0x218: {  	v3 =	vshra.s32 v3, $0x10;
	v2 =	vcvt.s32.f32 v2  }
0x219: {  	v3 =	vcvt.s32.f32 v3  }
0x21a: {  	[tilespmem:s18+$0xFFFFFFF0] =	vst v2  }
0x21b: {  	[tilespmem:s18+$0xFFFFFFB0] =	vst v3  }
0x21c: {  	v2 =	vld [tilespmem:s19+$0x2840];
	_ =	sdelay $0x4  }
0x21d: {  	v3 =	vshll.u32 v2, $0x10;
	v2 =	vshra.s32 v2, $0x10  }
0x21e: {  	v3 =	vshra.s32 v3, $0x10;
	v2 =	vcvt.s32.f32 v2  }
0x21f: {  	v3 =	vcvt.s32.f32 v3  }
0x220: {  	[tilespmem:s18+$0x40] =	vst v2  }
0x221: {  	[tilespmem:s18+$0x0] =	vst v3  }
0x222: {  	v2 =	vld [tilespmem:s19+$0x2850];
	_ =	sdelay $0x4  }
0x223: {  	v3 =	vshll.u32 v2, $0x10;
	v2 =	vshra.s32 v2, $0x10  }
0x224: {  	v3 =	vshra.s32 v3, $0x10;
	v2 =	vcvt.s32.f32 v2  }
0x225: {  	v3 =	vcvt.s32.f32 v3  }
0x226: {  	[tilespmem:s18+$0x50] =	vst v2  }
0x227: {  	[tilespmem:s18+$0x10] =	vst v3  }
0x228: {  	v2 =	vld [tilespmem:s19+$0x2860];
	_ =	sdelay $0x4  }
0x229: {  	v3 =	vshll.u32 v2, $0x10;
	v2 =	vshra.s32 v2, $0x10  }
0x22a: {  	v3 =	vshra.s32 v3, $0x10;
	v2 =	vcvt.s32.f32 v2  }
0x22b: {  	v3 =	vcvt.s32.f32 v3  }
0x22c: {  	[tilespmem:s18+$0x60] =	vst v2  }
0x22d: {  	[tilespmem:s18+$0x20] =	vst v3  }
0x22e: {  	v2 =	vld [tilespmem:s19+$0x2870];
	_ =	sdelay $0x4  }
0x22f: {  	v3 =	vshra.s32 v2, $0x10  }
0x230: {  	v2 =	vshll.u32 v2, $0x10;
	v3 =	vcvt.s32.f32 v3  }
0x231: {  	v2 =	vshra.s32 v2, $0x10  }
0x232: {  	s22 =	simm.s32 $0x400;
	s19 =	simm.s32 $0x200;
	v2 =	vcvt.s32.f32 v2;
	[tilespmem:s18+$0x70] =	vst v3  }
.LBB2_11:
0x233: {  	s21 =	sshra.s32 s19, $0x2  }
0x234: {  	[tilespmem:s18+$0x30] =	vst v2;
	s18 =	sadd.s32 $0x100, s18;
	s19 =	smov.u32 s22;
	s20 =	sadd.s32 $0x200, s22  }
0x235: {  	p1 =	sne.s32 s22, $0x7E00;
	v2 =	vld [tilespmem:s21+$0x2800];
	_ =	sdelay $0x4  }
0x236: {  	v3 =	vshll.u32 v2, $0x10;
	v2 =	vshra.s32 v2, $0x10  }
0x237: {  	v3 =	vshra.s32 v3, $0x10;
	v2 =	vcvt.s32.f32 v2  }
0x238: {  	v3 =	vcvt.s32.f32 v3  }
0x239: {  	[tilespmem:s18+$0xFFFFFFC0] =	vst v2  }
0x23a: {  	[tilespmem:s18+$0xFFFFFF80] =	vst v3  }
0x23b: {  	v2 =	vld [tilespmem:s21+$0x2810];
	_ =	sdelay $0x4  }
0x23c: {  	v3 =	vshll.u32 v2, $0x10;
	v2 =	vshra.s32 v2, $0x10  }
0x23d: {  	v3 =	vshra.s32 v3, $0x10;
	v2 =	vcvt.s32.f32 v2  }
0x23e: {  	v3 =	vcvt.s32.f32 v3  }
0x23f: {  	[tilespmem:s18+$0xFFFFFFD0] =	vst v2  }
0x240: {  	[tilespmem:s18+$0xFFFFFF90] =	vst v3  }
0x241: {  	v2 =	vld [tilespmem:s21+$0x2820];
	_ =	sdelay $0x4  }
0x242: {  	v3 =	vshll.u32 v2, $0x10;
	v2 =	vshra.s32 v2, $0x10  }
0x243: {  	v3 =	vshra.s32 v3, $0x10;
	v2 =	vcvt.s32.f32 v2  }
0x244: {  	v3 =	vcvt.s32.f32 v3  }
0x245: {  	[tilespmem:s18+$0xFFFFFFE0] =	vst v2  }
0x246: {  	[tilespmem:s18+$0xFFFFFFA0] =	vst v3  }
0x247: {  	v2 =	vld [tilespmem:s21+$0x2830];
	_ =	sdelay $0x4  }
0x248: {  	v3 =	vshll.u32 v2, $0x10;
	v2 =	vshra.s32 v2, $0x10  }
0x249: {  	v3 =	vshra.s32 v3, $0x10;
	v2 =	vcvt.s32.f32 v2  }
0x24a: {  	v3 =	vcvt.s32.f32 v3  }
0x24b: {  	[tilespmem:s18+$0xFFFFFFF0] =	vst v2  }
0x24c: {  	[tilespmem:s18+$0xFFFFFFB0] =	vst v3  }
0x24d: {  	v2 =	vld [tilespmem:s21+$0x2840];
	_ =	sdelay $0x4  }
0x24e: {  	v3 =	vshll.u32 v2, $0x10;
	v2 =	vshra.s32 v2, $0x10  }
0x24f: {  	v3 =	vshra.s32 v3, $0x10;
	v2 =	vcvt.s32.f32 v2  }
0x250: {  	v3 =	vcvt.s32.f32 v3  }
0x251: {  	[tilespmem:s18+$0x40] =	vst v2  }
0x252: {  	[tilespmem:s18+$0x0] =	vst v3  }
0x253: {  	v2 =	vld [tilespmem:s21+$0x2850];
	_ =	sdelay $0x4  }
0x254: {  	v3 =	vshll.u32 v2, $0x10;
	v2 =	vshra.s32 v2, $0x10  }
0x255: {  	v3 =	vshra.s32 v3, $0x10;
	v2 =	vcvt.s32.f32 v2  }
0x256: {  	v3 =	vcvt.s32.f32 v3  }
0x257: {  	[tilespmem:s18+$0x50] =	vst v2  }
0x258: {  	[tilespmem:s18+$0x10] =	vst v3  }
0x259: {  	v2 =	vld [tilespmem:s21+$0x2860];
	_ =	sdelay $0x4  }
0x25a: {  	v3 =	vshll.u32 v2, $0x10;
	v2 =	vshra.s32 v2, $0x10  }
0x25b: {  	v3 =	vshra.s32 v3, $0x10;
	v2 =	vcvt.s32.f32 v2  }
0x25c: {  	v3 =	vcvt.s32.f32 v3  }
0x25d: {  	[tilespmem:s18+$0x60] =	vst v2  }
0x25e: {  	[tilespmem:s18+$0x20] =	vst v3  }
0x25f: {  	v2 =	vld [tilespmem:s21+$0x2870];
	_ =	sdelay $0x3  }
.Ltmp4:
0x260: {  	(pc) =	sbr.rel @p1 .LBB2_11-.Ltmp4, $4  }
0x261: {  	v3 =	vshll.u32 v2, $0x10;
	v2 =	vshra.s32 v2, $0x10  }
0x262: {  	v3 =	vshra.s32 v3, $0x10;
	v4 =	vcvt.s32.f32 v2  }
0x263: {  	v2 =	vcvt.s32.f32 v3  }
0x264: {  	s22 =	smov.u32 s20;
	[tilespmem:s18+$0x70] =	vst v4  }
0x265: {  	s19 =	sshra.s32 s19, $0x2;
	[tilespmem:s18+$0x30] =	vst v2  }
0x266: {  	v2 =	vld [tilespmem:s19+$0x2800];
	_ =	sdelay $0x4  }
0x267: {  	v3 =	vshll.u32 v2, $0x10;
	v2 =	vshra.s32 v2, $0x10  }
0x268: {  	v3 =	vshra.s32 v3, $0x10;
	v2 =	vcvt.s32.f32 v2  }
0x269: {  	s22 =	sadd.s32 $0x100, s18;
	v3 =	vcvt.s32.f32 v3  }
0x26a: {  	[tilespmem:s22+$0xFFFFFFC0] =	vst v2  }
0x26b: {  	[tilespmem:s22+$0xFFFFFF80] =	vst v3  }
0x26c: {  	v2 =	vld [tilespmem:s19+$0x2810];
	_ =	sdelay $0x4  }
0x26d: {  	v3 =	vshll.u32 v2, $0x10;
	v2 =	vshra.s32 v2, $0x10  }
0x26e: {  	v3 =	vshra.s32 v3, $0x10;
	v2 =	vcvt.s32.f32 v2  }
0x26f: {  	v3 =	vcvt.s32.f32 v3  }
0x270: {  	[tilespmem:s22+$0xFFFFFFD0] =	vst v2  }
0x271: {  	[tilespmem:s22+$0xFFFFFF90] =	vst v3  }
0x272: {  	v2 =	vld [tilespmem:s19+$0x2820];
	_ =	sdelay $0x4  }
0x273: {  	v3 =	vshll.u32 v2, $0x10;
	v2 =	vshra.s32 v2, $0x10  }
0x274: {  	v3 =	vshra.s32 v3, $0x10;
	v2 =	vcvt.s32.f32 v2  }
0x275: {  	v3 =	vcvt.s32.f32 v3  }
0x276: {  	[tilespmem:s22+$0xFFFFFFE0] =	vst v2  }
0x277: {  	[tilespmem:s22+$0xFFFFFFA0] =	vst v3  }
0x278: {  	v2 =	vld [tilespmem:s19+$0x2830];
	_ =	sdelay $0x4  }
0x279: {  	v3 =	vshll.u32 v2, $0x10;
	v2 =	vshra.s32 v2, $0x10  }
0x27a: {  	v3 =	vshra.s32 v3, $0x10;
	v2 =	vcvt.s32.f32 v2  }
0x27b: {  	v3 =	vcvt.s32.f32 v3  }
0x27c: {  	[tilespmem:s22+$0xFFFFFFF0] =	vst v2  }
0x27d: {  	[tilespmem:s22+$0xFFFFFFB0] =	vst v3  }
0x27e: {  	v2 =	vld [tilespmem:s19+$0x2840];
	_ =	sdelay $0x4  }
0x27f: {  	v3 =	vshll.u32 v2, $0x10;
	v2 =	vshra.s32 v2, $0x10  }
0x280: {  	v3 =	vshra.s32 v3, $0x10;
	v2 =	vcvt.s32.f32 v2  }
0x281: {  	v3 =	vcvt.s32.f32 v3  }
0x282: {  	[tilespmem:s22+$0x40] =	vst v2  }
0x283: {  	[tilespmem:s22+$0x0] =	vst v3  }
0x284: {  	v2 =	vld [tilespmem:s19+$0x2850];
	_ =	sdelay $0x4  }
0x285: {  	v3 =	vshll.u32 v2, $0x10;
	v2 =	vshra.s32 v2, $0x10  }
0x286: {  	v3 =	vshra.s32 v3, $0x10;
	v2 =	vcvt.s32.f32 v2  }
0x287: {  	v3 =	vcvt.s32.f32 v3  }
0x288: {  	[tilespmem:s22+$0x50] =	vst v2  }
0x289: {  	[tilespmem:s22+$0x10] =	vst v3  }
0x28a: {  	v2 =	vld [tilespmem:s19+$0x2860];
	_ =	sdelay $0x4  }
0x28b: {  	v3 =	vshll.u32 v2, $0x10;
	v2 =	vshra.s32 v2, $0x10  }
0x28c: {  	v3 =	vshra.s32 v3, $0x10;
	v2 =	vcvt.s32.f32 v2  }
0x28d: {  	v3 =	vcvt.s32.f32 v3  }
0x28e: {  	[tilespmem:s22+$0x60] =	vst v2  }
0x28f: {  	[tilespmem:s22+$0x20] =	vst v3  }
0x290: {  	v2 =	vld [tilespmem:s19+$0x2870];
	_ =	sdelay $0x4  }
0x291: {  	v3 =	vshll.u32 v2, $0x10;
	v2 =	vshra.s32 v2, $0x10  }
0x292: {  	v3 =	vshra.s32 v3, $0x10;
	v2 =	vcvt.s32.f32 v2  }
0x293: {  	v3 =	vcvt.s32.f32 v3  }
0x294: {  	s20 =	sshrl.u32 s17, $0x2;
	[tilespmem:s22+$0x70] =	vst v2  }
0x295: {  	s21 =	sadd.s32 $0x1400, s20;
	[tilespmem:s22+$0x30] =	vst v3  }
0x296: {  	[spmem:s0] =	stream.indirect.scatter.add.f32 [tilespmem:s13], [sflag:$0x2], $0x80, s21, s9, $0xb8;
	[tilespmem:$0x1FD78] =	vst v63  }
0x297: {  	_ = 	snop  }
0x298: {  	[spmem:s2] =	stream.indirect.scatter.add.f32 [tilespmem:s7], [sflag:$0x3], $0x1, s21, s9, $0xb8;
	[tilespmem:$0x1FD78] =	vst v63  }
0x299: {  	p1 =	seq.s32 s15, $0x13;
	_ =	swait.ge [sflag:s11], $0x2000  }
0x29a: {  	s17 =	sshrl.u32 @!p1 s17, $0x2;
	s18 =	simm.s32 @!p1 $0x80;
	[sflag:s11] =	ssyncset.done $0x0  }
0x29b: {  	s17 =	sadd.s32 @!p1 $0x100, s17;
	s19 =	simm.s32 @!p1 $0x2800;
	[sflag:s11] =	ssyncadd.s32 $0xFFFFE000  }
0x29c: {  	[tilespmem:s19], [sflag:$0x1] =	stream.indirect.gather @!p1 [hbm4b:s5+s18], $0x40, s17, s18, $0xb8;
	[tilespmem:$0x1FD78] =	vst v63  }
0x29d: {  	_ =	swait.ge [sflag:s14], $0x4000  }
0x29e: {  	[sflag:s14] =	ssyncset.done $0x0  }
0x29f: {  	[sflag:s14] =	ssyncadd.s32 $0xFFFFC000  }
0x2a0: {  	_ =	swait.ge [sflag:s10], $0x80  }
0x2a1: {  	[sflag:s10] =	ssyncset.done $0x0  }
0x2a2: {  	s22 =	simm.s32 $0x0;
	[sflag:s10] =	ssyncadd.s32 $0xFFFFFF80  }
0x2a3: {  	v2 =	vld [tilespmem:s22+$0x4800];
	_ =	sdelay $0x4  }
0x2a4: {  	v3 =	vshll.u32 v2, $0x10;
	v2 =	vshra.s32 v2, $0x10  }
0x2a5: {  	v3 =	vshra.s32 v3, $0x10;
	v2 =	vcvt.s32.f32 v2  }
0x2a6: {  	s17 =	simm.s32 $0x6880;
	v3 =	vcvt.s32.f32 v3  }
0x2a7: {  	[tilespmem:s17+$0xFFFFFFC0] =	vst v2  }
0x2a8: {  	[tilespmem:s17+$0xFFFFFF80] =	vst v3  }
0x2a9: {  	v2 =	vld [tilespmem:s22+$0x4810];
	_ =	sdelay $0x4  }
0x2aa: {  	v3 =	vshll.u32 v2, $0x10;
	v2 =	vshra.s32 v2, $0x10  }
0x2ab: {  	v3 =	vshra.s32 v3, $0x10;
	v2 =	vcvt.s32.f32 v2  }
0x2ac: {  	v3 =	vcvt.s32.f32 v3  }
0x2ad: {  	[tilespmem:s17+$0xFFFFFFD0] =	vst v2  }
0x2ae: {  	[tilespmem:s17+$0xFFFFFF90] =	vst v3  }
0x2af: {  	v2 =	vld [tilespmem:s22+$0x4820];
	_ =	sdelay $0x4  }
0x2b0: {  	v3 =	vshll.u32 v2, $0x10;
	v2 =	vshra.s32 v2, $0x10  }
0x2b1: {  	v3 =	vshra.s32 v3, $0x10;
	v2 =	vcvt.s32.f32 v2  }
0x2b2: {  	v3 =	vcvt.s32.f32 v3  }
0x2b3: {  	[tilespmem:s17+$0xFFFFFFE0] =	vst v2  }
0x2b4: {  	[tilespmem:s17+$0xFFFFFFA0] =	vst v3  }
0x2b5: {  	v2 =	vld [tilespmem:s22+$0x4830];
	_ =	sdelay $0x4  }
0x2b6: {  	v3 =	vshll.u32 v2, $0x10;
	v2 =	vshra.s32 v2, $0x10  }
0x2b7: {  	v3 =	vshra.s32 v3, $0x10;
	v2 =	vcvt.s32.f32 v2  }
0x2b8: {  	v3 =	vcvt.s32.f32 v3  }
0x2b9: {  	[tilespmem:s17+$0xFFFFFFF0] =	vst v2  }
0x2ba: {  	[tilespmem:s17+$0xFFFFFFB0] =	vst v3  }
0x2bb: {  	v2 =	vld [tilespmem:s22+$0x4840];
	_ =	sdelay $0x4  }
0x2bc: {  	v3 =	vshll.u32 v2, $0x10;
	v2 =	vshra.s32 v2, $0x10  }
0x2bd: {  	v3 =	vshra.s32 v3, $0x10;
	v2 =	vcvt.s32.f32 v2  }
0x2be: {  	v3 =	vcvt.s32.f32 v3  }
0x2bf: {  	[tilespmem:s17+$0x40] =	vst v2  }
0x2c0: {  	[tilespmem:s17+$0x0] =	vst v3  }
0x2c1: {  	v2 =	vld [tilespmem:s22+$0x4850];
	_ =	sdelay $0x4  }
0x2c2: {  	v3 =	vshll.u32 v2, $0x10;
	v2 =	vshra.s32 v2, $0x10  }
0x2c3: {  	v3 =	vshra.s32 v3, $0x10;
	v2 =	vcvt.s32.f32 v2  }
0x2c4: {  	v3 =	vcvt.s32.f32 v3  }
0x2c5: {  	[tilespmem:s17+$0x50] =	vst v2  }
0x2c6: {  	[tilespmem:s17+$0x10] =	vst v3  }
0x2c7: {  	v2 =	vld [tilespmem:s22+$0x4860];
	_ =	sdelay $0x4  }
0x2c8: {  	v3 =	vshll.u32 v2, $0x10;
	v2 =	vshra.s32 v2, $0x10  }
0x2c9: {  	v3 =	vshra.s32 v3, $0x10;
	v2 =	vcvt.s32.f32 v2  }
0x2ca: {  	v3 =	vcvt.s32.f32 v3  }
0x2cb: {  	[tilespmem:s17+$0x60] =	vst v2  }
0x2cc: {  	[tilespmem:s17+$0x20] =	vst v3  }
0x2cd: {  	v2 =	vld [tilespmem:s22+$0x4870];
	_ =	sdelay $0x4  }
0x2ce: {  	v3 =	vshra.s32 v2, $0x10  }
0x2cf: {  	v2 =	vshll.u32 v2, $0x10;
	v3 =	vcvt.s32.f32 v3  }
0x2d0: {  	v2 =	vshra.s32 v2, $0x10  }
0x2d1: {  	s21 =	simm.s32 $0x400;
	s18 =	simm.s32 $0x200;
	v2 =	vcvt.s32.f32 v2;
	[tilespmem:s17+$0x70] =	vst v3  }
.LBB2_13:
0x2d2: {  	s20 =	sshra.s32 s18, $0x2  }
0x2d3: {  	[tilespmem:s17+$0x30] =	vst v2;
	s17 =	sadd.s32 $0x100, s17;
	s18 =	smov.u32 s21;
	s19 =	sadd.s32 $0x200, s21  }
0x2d4: {  	p1 =	sne.s32 s21, $0x7E00;
	v2 =	vld [tilespmem:s20+$0x4800];
	_ =	sdelay $0x4  }
0x2d5: {  	v3 =	vshll.u32 v2, $0x10;
	v2 =	vshra.s32 v2, $0x10  }
0x2d6: {  	v3 =	vshra.s32 v3, $0x10;
	v2 =	vcvt.s32.f32 v2  }
0x2d7: {  	v3 =	vcvt.s32.f32 v3  }
0x2d8: {  	[tilespmem:s17+$0xFFFFFFC0] =	vst v2  }
0x2d9: {  	[tilespmem:s17+$0xFFFFFF80] =	vst v3  }
0x2da: {  	v2 =	vld [tilespmem:s20+$0x4810];
	_ =	sdelay $0x4  }
0x2db: {  	v3 =	vshll.u32 v2, $0x10;
	v2 =	vshra.s32 v2, $0x10  }
0x2dc: {  	v3 =	vshra.s32 v3, $0x10;
	v2 =	vcvt.s32.f32 v2  }
0x2dd: {  	v3 =	vcvt.s32.f32 v3  }
0x2de: {  	[tilespmem:s17+$0xFFFFFFD0] =	vst v2  }
0x2df: {  	[tilespmem:s17+$0xFFFFFF90] =	vst v3  }
0x2e0: {  	v2 =	vld [tilespmem:s20+$0x4820];
	_ =	sdelay $0x4  }
0x2e1: {  	v3 =	vshll.u32 v2, $0x10;
	v2 =	vshra.s32 v2, $0x10  }
0x2e2: {  	v3 =	vshra.s32 v3, $0x10;
	v2 =	vcvt.s32.f32 v2  }
0x2e3: {  	v3 =	vcvt.s32.f32 v3  }
0x2e4: {  	[tilespmem:s17+$0xFFFFFFE0] =	vst v2  }
0x2e5: {  	[tilespmem:s17+$0xFFFFFFA0] =	vst v3  }
0x2e6: {  	v2 =	vld [tilespmem:s20+$0x4830];
	_ =	sdelay $0x4  }
0x2e7: {  	v3 =	vshll.u32 v2, $0x10;
	v2 =	vshra.s32 v2, $0x10  }
0x2e8: {  	v3 =	vshra.s32 v3, $0x10;
	v2 =	vcvt.s32.f32 v2  }
0x2e9: {  	v3 =	vcvt.s32.f32 v3  }
0x2ea: {  	[tilespmem:s17+$0xFFFFFFF0] =	vst v2  }
0x2eb: {  	[tilespmem:s17+$0xFFFFFFB0] =	vst v3  }
0x2ec: {  	v2 =	vld [tilespmem:s20+$0x4840];
	_ =	sdelay $0x4  }
0x2ed: {  	v3 =	vshll.u32 v2, $0x10;
	v2 =	vshra.s32 v2, $0x10  }
0x2ee: {  	v3 =	vshra.s32 v3, $0x10;
	v2 =	vcvt.s32.f32 v2  }
0x2ef: {  	v3 =	vcvt.s32.f32 v3  }
0x2f0: {  	[tilespmem:s17+$0x40] =	vst v2  }
0x2f1: {  	[tilespmem:s17+$0x0] =	vst v3  }
0x2f2: {  	v2 =	vld [tilespmem:s20+$0x4850];
	_ =	sdelay $0x4  }
0x2f3: {  	v3 =	vshll.u32 v2, $0x10;
	v2 =	vshra.s32 v2, $0x10  }
0x2f4: {  	v3 =	vshra.s32 v3, $0x10;
	v2 =	vcvt.s32.f32 v2  }
0x2f5: {  	v3 =	vcvt.s32.f32 v3  }
0x2f6: {  	[tilespmem:s17+$0x50] =	vst v2  }
0x2f7: {  	[tilespmem:s17+$0x10] =	vst v3  }
0x2f8: {  	v2 =	vld [tilespmem:s20+$0x4860];
	_ =	sdelay $0x4  }
0x2f9: {  	v3 =	vshll.u32 v2, $0x10;
	v2 =	vshra.s32 v2, $0x10  }
0x2fa: {  	v3 =	vshra.s32 v3, $0x10;
	v2 =	vcvt.s32.f32 v2  }
0x2fb: {  	v3 =	vcvt.s32.f32 v3  }
0x2fc: {  	[tilespmem:s17+$0x60] =	vst v2  }
0x2fd: {  	[tilespmem:s17+$0x20] =	vst v3  }
0x2fe: {  	v2 =	vld [tilespmem:s20+$0x4870];
	_ =	sdelay $0x3  }
.Ltmp5:
0x2ff: {  	(pc) =	sbr.rel @p1 .LBB2_13-.Ltmp5, $4  }
0x300: {  	v3 =	vshll.u32 v2, $0x10;
	v2 =	vshra.s32 v2, $0x10  }
0x301: {  	v3 =	vshra.s32 v3, $0x10;
	v4 =	vcvt.s32.f32 v2  }
0x302: {  	v2 =	vcvt.s32.f32 v3  }
0x303: {  	s21 =	smov.u32 s19;
	[tilespmem:s17+$0x70] =	vst v4  }
0x304: {  	s18 =	sshra.s32 s18, $0x2;
	[tilespmem:s17+$0x30] =	vst v2  }
0x305: {  	v2 =	vld [tilespmem:s18+$0x4800];
	_ =	sdelay $0x4  }
0x306: {  	v3 =	vshll.u32 v2, $0x10;
	v2 =	vshra.s32 v2, $0x10  }
0x307: {  	v3 =	vshra.s32 v3, $0x10;
	v2 =	vcvt.s32.f32 v2  }
0x308: {  	s22 =	sadd.s32 $0x100, s17;
	v3 =	vcvt.s32.f32 v3  }
0x309: {  	[tilespmem:s22+$0xFFFFFFC0] =	vst v2  }
0x30a: {  	[tilespmem:s22+$0xFFFFFF80] =	vst v3  }
0x30b: {  	v2 =	vld [tilespmem:s18+$0x4810];
	_ =	sdelay $0x4  }
0x30c: {  	v3 =	vshll.u32 v2, $0x10;
	v2 =	vshra.s32 v2, $0x10  }
0x30d: {  	v3 =	vshra.s32 v3, $0x10;
	v2 =	vcvt.s32.f32 v2  }
0x30e: {  	v3 =	vcvt.s32.f32 v3  }
0x30f: {  	[tilespmem:s22+$0xFFFFFFD0] =	vst v2  }
0x310: {  	[tilespmem:s22+$0xFFFFFF90] =	vst v3  }
0x311: {  	v2 =	vld [tilespmem:s18+$0x4820];
	_ =	sdelay $0x4  }
0x312: {  	v3 =	vshll.u32 v2, $0x10;
	v2 =	vshra.s32 v2, $0x10  }
0x313: {  	v3 =	vshra.s32 v3, $0x10;
	v2 =	vcvt.s32.f32 v2  }
0x314: {  	v3 =	vcvt.s32.f32 v3  }
0x315: {  	[tilespmem:s22+$0xFFFFFFE0] =	vst v2  }
0x316: {  	[tilespmem:s22+$0xFFFFFFA0] =	vst v3  }
0x317: {  	v2 =	vld [tilespmem:s18+$0x4830];
	_ =	sdelay $0x4  }
0x318: {  	v3 =	vshll.u32 v2, $0x10;
	v2 =	vshra.s32 v2, $0x10  }
0x319: {  	v3 =	vshra.s32 v3, $0x10;
	v2 =	vcvt.s32.f32 v2  }
0x31a: {  	v3 =	vcvt.s32.f32 v3  }
0x31b: {  	[tilespmem:s22+$0xFFFFFFF0] =	vst v2  }
0x31c: {  	[tilespmem:s22+$0xFFFFFFB0] =	vst v3  }
0x31d: {  	v2 =	vld [tilespmem:s18+$0x4840];
	_ =	sdelay $0x4  }
0x31e: {  	v3 =	vshll.u32 v2, $0x10;
	v2 =	vshra.s32 v2, $0x10  }
0x31f: {  	v3 =	vshra.s32 v3, $0x10;
	v2 =	vcvt.s32.f32 v2  }
0x320: {  	v3 =	vcvt.s32.f32 v3  }
0x321: {  	[tilespmem:s22+$0x40] =	vst v2  }
0x322: {  	[tilespmem:s22+$0x0] =	vst v3  }
0x323: {  	v2 =	vld [tilespmem:s18+$0x4850];
	_ =	sdelay $0x4  }
0x324: {  	v3 =	vshll.u32 v2, $0x10;
	v2 =	vshra.s32 v2, $0x10  }
0x325: {  	v3 =	vshra.s32 v3, $0x10;
	v2 =	vcvt.s32.f32 v2  }
0x326: {  	v3 =	vcvt.s32.f32 v3  }
0x327: {  	[tilespmem:s22+$0x50] =	vst v2  }
0x328: {  	[tilespmem:s22+$0x10] =	vst v3  }
0x329: {  	v2 =	vld [tilespmem:s18+$0x4860];
	_ =	sdelay $0x4  }
0x32a: {  	v3 =	vshll.u32 v2, $0x10;
	v2 =	vshra.s32 v2, $0x10  }
0x32b: {  	v3 =	vshra.s32 v3, $0x10;
	v2 =	vcvt.s32.f32 v2  }
0x32c: {  	v3 =	vcvt.s32.f32 v3  }
0x32d: {  	[tilespmem:s22+$0x60] =	vst v2  }
0x32e: {  	[tilespmem:s22+$0x20] =	vst v3  }
0x32f: {  	v2 =	vld [tilespmem:s18+$0x4870];
	_ =	sdelay $0x4  }
0x330: {  	v3 =	vshll.u32 v2, $0x10;
	v2 =	vshra.s32 v2, $0x10  }
0x331: {  	s15 =	sadd.s32 $0x1, s15;
	v3 =	vshra.s32 v3, $0x10;
	v2 =	vcvt.s32.f32 v2  }
0x332: {  	p1 =	sne.s32 s15, $0x14;
	v3 =	vcvt.s32.f32 v3  }
.Ltmp6:
0x333: {  	[tilespmem:s22+$0x70] =	vst v2;
	(pc) =	sbr.rel @p1 .LBB2_10-.Ltmp6, $4  }
0x334: {  	s16 =	sadd.s32 $0x1400, s16;
	[tilespmem:s22+$0x30] =	vst v3  }
0x335: {  	[spmem:s0] =	stream.indirect.scatter.add.f32 [tilespmem:s13], [sflag:$0x2], $0x80, s16, s9, $0xb8;
	[tilespmem:$0x1FD78] =	vst v63  }
0x336: {  	_ = 	snop  }
0x337: {  	[spmem:s2] =	stream.indirect.scatter.add.f32 [tilespmem:s7], [sflag:$0x3], $0x1, s16, s9, $0xb8;
	[tilespmem:$0x1FD78] =	vst v63  }
0x338: {  	_ =	swait.ge [sflag:s14], $0x4000  }
0x339: {  	[sflag:s14] =	ssyncset.done $0x0  }
0x33a: {  	[sflag:s14] =	ssyncadd.s32 $0xFFFFC000  }
0x33b: {  	_ =	swait.ge [sflag:s10], $0x80  }
0x33c: {  	[sflag:s10] =	ssyncset.done $0x0  }
0x33d: {  	s15 =	stileid.u32;
	[sflag:s10] =	ssyncadd.s32 $0xFFFFFF80  }
0x33e: {  	s15 =	sshll.u32 s15, $0x6;
	[bflag:$0x0] =	sbarrier.arrive $0xFFFF  }
0x33f: {  	s15 =	sor.u32 $0x1C04, s15;
	s16 =	rddreg [dreg:$0xa]  }
0x340: {  	[hbm:s16], [sflag:s15] =	dma.local [spmem:s25], $0x2780  }
0x341: {  	_ =	swait.ge [sflag:s3], $0x2780  }
0x342: {  	[sflag:s3] =	ssyncset.done $0x0  }
0x343: {  	s16 =	sshrl.u32 @!p0 s2, $0x3;
	s17 =	rddreg [dreg:$0xb];
	[sflag:s3] =	ssyncadd.s32 $0xFFFFD880  }
0x344: {  	[hbm:s17], [sflag:s15] =	dma.local @!p0 [spmem:s16], $0x4F0  }
0x345: {  	s15 =	simm.s32 @!p0 $0x4  }
0x346: {  	_ =	swait.ge @!p0 [sflag:s15], $0x4F0  }
0x347: {  	s4 =	sadd.s32 $0x1, s4;
	s22 =	rddreg [dreg:$0xc]  }
0x348: {  	p1 =	sne.s32 s4, s22  }
.Ltmp7:
0x349: {  	_ = 	snop;
	(pc) =	sbr.rel @p1 .LBB2_1-.Ltmp7, $3  }
0x34a: {  	_ =	sdelay $0x1  }
0x34b: {  	[sflag:s15] =	ssyncset.done @!p0 $0x0  }
0x34c: {  	[sflag:s15] =	ssyncadd.s32 @!p0 $0xFFFFFB10  }
0x34d: {  	_ =	sfence.sel $0x180000  }
0x34e: {  	[bflag:$0x0] =	sbarrier.arrive $0xFFFF  }
0x34f: {  	_ =	strace $0x90000047  }
0x350: {  	[bflag:$0x2] =	sbarrier.arrive $0xFFFF  }
0x351: {  	s0 =	rddreg [dreg:$0x4]  }
0x352: {  	s0 =	sadd.s32 @!p0 $0x100000, s0  }
0x353: {  	[sflag:s0] =	ssyncadd.tile.s32 @!p0 $0x1;
	_ =	shalt  }
.Lfunc_end2:
_tile_overlayer_lowered:
.L_overlay_start_2:
0x354: {  	(tag) =	ssettag $0x2  }
0x355: {  	s0 =	rddreg [dreg:$0x0];
	s2 =	stileid.u32  }
0x356: {  	s1 =	rddreg [dreg:$0x1];
	p0 =	sne.s32 s2, $0x0  }
0x357: {  	s3 =	rddreg [dreg:$0x2];
	[bflag:$0x3] =	sbarrier.arrive $0xFFFF;
	s2 =	simm.s32 @!p0 $0x1C04  }
0x358: {  	[timem:s3], [sflag:s2] =	dma.local @!p0 [hbm:s0], s1  }
0x359: {  	s0 =	simm.s32 @!p0 $0x4  }
0x35a: {  	_ =	swait.ge @!p0 [sflag:s0], s1  }
0x35b: {  	s1 =	ssub.s32 @!p0 $0x0, s1;
	[sflag:s0] =	ssyncset.done @!p0 $0x0  }
0x35c: {  	[sflag:s0] =	ssyncadd.s32 @!p0 s1  }
0x35d: {  	[bflag:$0x3] =	sbarrier.arrive $0xFFFF  }
0x35e: {  	_ =	shalt  }

</sc_bundles>
